<compile_context>
chip_gen: v7x
topology: tpu7x:2x2x1
jax: 0.10.2.dev20260603
libtpu: 0.0.44.dev20260713+nightly
codegen_flags: <defaults>
</compile_context>

<pallas_src>
import functools

import jax
import jax.numpy as jnp
import numpy as np
from jax import lax
from jax.experimental import pallas as pl
from jax.experimental.pallas import tpu as pltpu
from jax.experimental.pallas import tpu_sc as plsc

_N_NEGS = 20
_PAD_COLS = 432
_NCORES = 2
_NSUB = 16
_NW = _NCORES * _NSUB


def _neg_indices(b, n):
    nkey = jax.random.key(42)
    return jax.random.randint(nkey, (b, n), 0, 100000)


def _sc_scores_body(iword_hbm, idx_hbm, wi_hbm, wo_hbm, out_hbm,
                    iwd_v, ivec_v, idx_all_v, rows_v, score_v, sem):
    bpw = ivec_v.shape[0]
    c = lax.axis_index("c")
    s = lax.axis_index("s")
    wid = s * _NCORES + c
    base = wid * bpw

    pltpu.sync_copy(iword_hbm.at[pl.ds(base, bpw)], iwd_v)
    pltpu.sync_copy(idx_hbm.at[pl.ds(base, bpw)], idx_all_v)
    half = bpw // 2
    cp0 = pltpu.async_copy(wi_hbm.at[iwd_v.at[pl.ds(0, half)]],
                           ivec_v.at[pl.ds(0, half)], sem)
    cp1 = pltpu.async_copy(wi_hbm.at[iwd_v.at[pl.ds(half, half)]],
                           ivec_v.at[pl.ds(half, half)], sem)
    cp0.wait()
    cp1.wait()

    lane = lax.iota(jnp.int32, 16)

    def issue(bl, k):
        for j in range(4):
            pltpu.async_copy(
                wo_hbm.at[idx_all_v.at[bl, j]],
                rows_v.at[pl.ds(k * _PAD_COLS + j * 108, 108)], sem)

    def drain(bl, k):
        for j in range(4):
            pltpu.make_async_copy(
                wo_hbm.at[idx_all_v.at[bl, j]],
                rows_v.at[pl.ds(k * _PAD_COLS + j * 108, 108)], sem).wait()

    def pair_sum(p):
        u = plsc.bitcast(p, jnp.int32)
        hi = plsc.bitcast(u & jnp.int32(-65536), jnp.float32)
        lo = plsc.bitcast(u << 16, jnp.float32)
        return hi + lo

    def compute(bl, k):
        iv0 = ivec_v[bl, pl.ds(0, 32)]
        iv1 = ivec_v[bl, pl.ds(32, 32)]
        blm = bl % 32

        @plsc.parallel_loop(0, _PAD_COLS // 16, unroll=3)
        def g_body(g):
            acc = jnp.zeros((16,), jnp.float32)
            for rr in range(16):
                r = k * _PAD_COLS + g * 16 + rr
                p = (rows_v[r, pl.ds(0, 32)] * iv0
                     + rows_v[r, pl.ds(32, 32)] * iv1)
                sc = jnp.sum(pair_sum(p))
                acc = jnp.where(lane == rr, acc + sc, acc)
            score_v[blm, pl.ds(g * 16, 16)] = acc

        @pl.when(blm == 31)
        def _():
            pltpu.sync_copy(score_v,
                            out_hbm.at[pl.ds(base + bl - 31, 32)])

    issue(0, 0)

    def pair_body(bp, carry):
        b0 = 2 * bp
        b1 = b0 + 1
        issue(b1, 1)
        drain(b0, 0)
        compute(b0, 0)

        @pl.when(b0 + 2 < bpw)
        def _():
            issue(b0 + 2, 0)

        drain(b1, 1)
        compute(b1, 1)
        return carry

    lax.fori_loop(0, bpw // 2, pair_body, 0, unroll=False)


def _sc_scores(iword, allidx3, wi, wo):
    b = iword.shape[0]
    bpw = b // _NW
    mesh = plsc.VectorSubcoreMesh(core_axis_name="c", subcore_axis_name="s")
    return pl.kernel(
        _sc_scores_body,
        out_type=jax.ShapeDtypeStruct((b, _PAD_COLS), jnp.float32),
        mesh=mesh,
        compiler_params=pltpu.CompilerParams(
            needs_layout_passes=False, use_tc_tiling_on_sc=False),
        scratch_types=[
            pltpu.VMEM((bpw,), jnp.int32),
            pltpu.VMEM((bpw, 64), jnp.bfloat16),
            pltpu.VMEM((bpw, 4, 108), jnp.int32),
            pltpu.VMEM((2 * _PAD_COLS, 64), jnp.bfloat16),
            pltpu.VMEM((32, _PAD_COLS), jnp.float32),
            pltpu.SemaphoreType.DMA,
        ],
    )(iword, allidx3, wi, wo)


def _tc_loss_body(c, scores_ref, out_ref):
    x = scores_ref[...]
    rows, cols = x.shape
    col = lax.broadcasted_iota(jnp.int32, (rows, cols), 1)
    sign = jnp.where(col < c, 1.0, -1.0).astype(jnp.float32)
    z = x * sign
    ls = jnp.minimum(z, 0.0) - jnp.log1p(jnp.exp(-jnp.abs(z)))
    ls = jnp.where(col < c * (1 + _N_NEGS), ls, 0.0)
    out_ref[0, 0] = -jnp.sum(ls) / (rows * c)


def _tc_loss(scores, c):
    return pl.pallas_call(
        functools.partial(_tc_loss_body, c),
        out_shape=jax.ShapeDtypeStruct((1, 1), jnp.float32),
        out_specs=pl.BlockSpec(memory_space=pltpu.SMEM),
    )(scores)


def kernel(iword, owords, Wi, Wo):
    b = iword.shape[0]
    c = owords.shape[1]
    nwords = _neg_indices(b, c * _N_NEGS).astype(jnp.int32)
    pad = jnp.zeros((b, _PAD_COLS - c * (1 + _N_NEGS)), jnp.int32)
    allidx = jnp.concatenate(
        [owords.astype(jnp.int32), nwords, pad], axis=1)
    allidx3 = allidx.reshape(b, 4, 108)
    scores = _sc_scores(iword.astype(jnp.int32), allidx3,
                        Wi.astype(jnp.bfloat16), Wo.astype(jnp.bfloat16))
    loss = _tc_loss(scores, c)
    return loss.reshape(())

# --- scband reference (transcript-rebuilt; emitter-appended) ---
"""Pipeline reference for scband-sgns-70317204570605 (READ-ONLY COPY).

The authoritative reference and input builder live on the scoring server;
editing this copy changes nothing except your own understanding.
"""

import jax, jax.numpy as jnp
import numpy as np

VOCAB = 100000
DIM = 64
N_NEGS = 20
BATCH = 4096
CONTEXT = 20


def setup_inputs(seed: int = 0) -> dict:
    key = jax.random.key(seed)
    k1, k2, k3, k4 = jax.random.split(key, 4)
    iword = jax.random.randint(k1, (BATCH,), 0, VOCAB)
    owords = jax.random.randint(k2, (BATCH, CONTEXT), 0, VOCAB)
    Wi = jax.random.normal(k3, (VOCAB, DIM), dtype=jnp.float32) * 0.02
    Wo = jax.random.normal(k4, (VOCAB, DIM), dtype=jnp.float32) * 0.02
    return {"iword": iword, "owords": owords, "Wi": Wi, "Wo": Wo}


def reference(iword, owords, Wi, Wo):
    B = iword.shape[0]
    C = owords.shape[1]
    # negative sampling (weights is None -> uniform over vocab), fixed key for determinism
    nkey = jax.random.key(42)
    nwords = jax.random.randint(nkey, (B, C * N_NEGS), 0, VOCAB)
    # ngrams is None branch
    ivec = jnp.take(Wi, iword, axis=0)            # [B, d]  (embedding.forward_i)
    ovectors = jnp.take(Wo, owords, axis=0)        # [B, C, d] (embedding.forward_o)
    nvectors = -jnp.take(Wo, nwords, axis=0)       # [B, C*n_negs, d]
    # bmm(ovectors [B,C,d], ivectors [B,d,1]).squeeze() -> [B,C]
    oscores = jnp.einsum('bcd,bd->bc', ovectors, ivec)
    nscores = jnp.einsum('bcd,bd->bc', nvectors, ivec)
    oloss = jax.nn.log_sigmoid(oscores)
    nloss = jax.nn.log_sigmoid(nscores)
    loss = -(oloss.mean(axis=1) + nloss.reshape(B, C, N_NEGS).sum(axis=2).mean(axis=1)).mean()
    return loss

if __name__ == "__main__":
    import jax
    _d = setup_inputs()
    print(jax.jit(kernel)(*tuple(_d.values())))

</pallas_src>

<mosaic_0001>
#map = affine_map<(d0, d1) -> (0)>
#map1 = affine_map<(d0, d1) -> (0, 0, 0)>
#map2 = affine_map<(d0, d1) -> (0, 0)>
module attributes {stable_mosaic.version = 14 : i64} {
  func.func @_sc_scores_body(%arg0: i32, %arg1: i32, %arg2: memref<4096xi32, #tpu.memory_space<hbm>>, %arg3: memref<4096x4x108xi32, #tpu.memory_space<hbm>>, %arg4: memref<100000x64xbf16, #tpu.memory_space<hbm>>, %arg5: memref<100000x64xbf16, #tpu.memory_space<hbm>>, %arg6: memref<4096x432xf32, #tpu.memory_space<hbm>>, %arg7: memref<128xi32, #tpu.memory_space<vmem>>, %arg8: memref<128x64xbf16, #tpu.memory_space<vmem>>, %arg9: memref<128x4x108xi32, #tpu.memory_space<vmem>>, %arg10: memref<864x64xbf16, #tpu.memory_space<vmem>>, %arg11: memref<32x432xf32, #tpu.memory_space<vmem>>, %arg12: memref<!tpu.dma_semaphore, #tpu.memory_space<semaphore_mem>>) attributes {dimension_semantics = [#tpu.dimension_semantics<core_parallel>, #tpu.dimension_semantics<subcore_parallel>], iteration_bounds = array<i64: 2, 16>, scalar_prefetch = 0 : i64, scratch_operands = 6 : i64, tpu.core_type = #tpu.core_type<sc_vector_subcore>, window_params = [{transform_indices = #map}, {transform_indices = #map1}, {transform_indices = #map2}, {transform_indices = #map2}, {transform_indices = #map2}]} {
    %mul3A = arith.constant 2 : i32
    %mul3A_0 = arith.muli %arg1, %mul3A : i32
    %add3A = arith.addi %mul3A_0, %arg0 : i32
    %mul3A_1 = arith.constant 128 : i32
    %mul3A_2 = arith.muli %add3A, %mul3A_1 : i32
    "tpu.region"() ({
      %run_scoped3A = tpu.sem_alloc : memref<!tpu.dma_semaphore, #tpu.memory_space<semaphore_mem>>
      %dma_start3A_82 = tpu.memref_slice %arg2[%mul3A_2] : memref<4096xi32, #tpu.memory_space<hbm>> -> memref<128xi32, #tpu.memory_space<hbm>>
      %dma_start3A_83 = tpu.memref_slice %arg2[%mul3A_2] : memref<4096xi32, #tpu.memory_space<hbm>> -> memref<128xi32, #tpu.memory_space<hbm>>
      tpu.enqueue_dma source(%dma_start3A_83 : memref<128xi32, #tpu.memory_space<hbm>>) target(%arg7 : memref<128xi32, #tpu.memory_space<vmem>>) target_semaphore(%run_scoped3A : memref<!tpu.dma_semaphore, #tpu.memory_space<semaphore_mem>>)
      %dma_wait3A_84 = tpu.memref_slice %arg2[%mul3A_2] : memref<4096xi32, #tpu.memory_space<hbm>> -> memref<128xi32, #tpu.memory_space<hbm>>
      %dma_wait3A_85 = tpu.memref_slice %arg2[%mul3A_2] : memref<4096xi32, #tpu.memory_space<hbm>> -> memref<128xi32, #tpu.memory_space<hbm>>
      tpu.wait_dma2 semaphore(%run_scoped3A : memref<!tpu.dma_semaphore, #tpu.memory_space<semaphore_mem>>) src(%dma_wait3A_85 : memref<128xi32, #tpu.memory_space<hbm>>) dst(%arg7 : memref<128xi32, #tpu.memory_space<vmem>>)
      tpu.yield
    }) : () -> ()
    "tpu.region"() ({
      %run_scoped3A = tpu.sem_alloc : memref<!tpu.dma_semaphore, #tpu.memory_space<semaphore_mem>>
      %dma_start3A_82 = arith.constant 0 : i32
      %dma_start3A_83 = arith.constant 0 : i32
      %dma_start3A_84 = tpu.memref_slice %arg3[%mul3A_2, %dma_start3A_82, %dma_start3A_83] : memref<4096x4x108xi32, #tpu.memory_space<hbm>> -> memref<128x4x108xi32, #tpu.memory_space<hbm>>
      %dma_start3A_85 = arith.constant 0 : i32
      %dma_start3A_86 = arith.constant 0 : i32
      %dma_start3A_87 = tpu.memref_slice %arg3[%mul3A_2, %dma_start3A_85, %dma_start3A_86] : memref<4096x4x108xi32, #tpu.memory_space<hbm>> -> memref<128x4x108xi32, #tpu.memory_space<hbm>>
      tpu.enqueue_dma source(%dma_start3A_87 : memref<128x4x108xi32, #tpu.memory_space<hbm>>) target(%arg9 : memref<128x4x108xi32, #tpu.memory_space<vmem>>) target_semaphore(%run_scoped3A : memref<!tpu.dma_semaphore, #tpu.memory_space<semaphore_mem>>)
      %dma_wait3A_88 = arith.constant 0 : i32
      %dma_wait3A_89 = arith.constant 0 : i32
      %dma_wait3A_90 = tpu.memref_slice %arg3[%mul3A_2, %dma_wait3A_88, %dma_wait3A_89] : memref<4096x4x108xi32, #tpu.memory_space<hbm>> -> memref<128x4x108xi32, #tpu.memory_space<hbm>>
      %dma_wait3A_91 = arith.constant 0 : i32
      %dma_wait3A_92 = arith.constant 0 : i32
      %dma_wait3A_93 = tpu.memref_slice %arg3[%mul3A_2, %dma_wait3A_91, %dma_wait3A_92] : memref<4096x4x108xi32, #tpu.memory_space<hbm>> -> memref<128x4x108xi32, #tpu.memory_space<hbm>>
      tpu.wait_dma2 semaphore(%run_scoped3A : memref<!tpu.dma_semaphore, #tpu.memory_space<semaphore_mem>>) src(%dma_wait3A_93 : memref<128x4x108xi32, #tpu.memory_space<hbm>>) dst(%arg9 : memref<128x4x108xi32, #tpu.memory_space<vmem>>)
      tpu.yield
    }) : () -> ()
    %dma_start3A = arith.constant 0 : i32
    %dma_start3A_3 = arith.constant 0 : i32
    %dma_start3A_4 = tpu.memref_slice %arg8[%dma_start3A, %dma_start3A_3] : memref<128x64xbf16, #tpu.memory_space<vmem>> -> memref<64x64xbf16, #tpu.memory_space<vmem>>
    %dma_start3A_5 = arith.constant 0 : i32
    %dma_start3A_6 = tpu.memref_slice %arg7[%dma_start3A_5] : memref<128xi32, #tpu.memory_space<vmem>> -> memref<64xi32, #tpu.memory_space<vmem>>
    %dma_start3A_7 = arith.constant 0 : i32
    %dma_start3A_8 = arith.constant 0 : i32
    %dma_start3A_9 = tpu.memref_slice %arg4[%dma_start3A_7, %dma_start3A_8] : memref<100000x64xbf16, #tpu.memory_space<hbm>> -> memref<100000x64xbf16, #tpu.memory_space<hbm>>
    tpu.enqueue_indirect_dma source(%dma_start3A_9 : memref<100000x64xbf16, #tpu.memory_space<hbm>>) target(%dma_start3A_4 : memref<64x64xbf16, #tpu.memory_space<vmem>>) offsets(%dma_start3A_6 : memref<64xi32, #tpu.memory_space<vmem>>) semaphore(%arg12 : memref<!tpu.dma_semaphore, #tpu.memory_space<semaphore_mem>>)
    %dma_start3A_10 = arith.constant 64 : i32
    %dma_start3A_11 = arith.constant 0 : i32
    %dma_start3A_12 = tpu.memref_slice %arg8[%dma_start3A_10, %dma_start3A_11] : memref<128x64xbf16, #tpu.memory_space<vmem>> -> memref<64x64xbf16, #tpu.memory_space<vmem>>
    %dma_start3A_13 = arith.constant 64 : i32
    %dma_start3A_14 = tpu.memref_slice %arg7[%dma_start3A_13] : memref<128xi32, #tpu.memory_space<vmem>> -> memref<64xi32, #tpu.memory_space<vmem>>
    %dma_start3A_15 = arith.constant 0 : i32
    %dma_start3A_16 = arith.constant 0 : i32
    %dma_start3A_17 = tpu.memref_slice %arg4[%dma_start3A_15, %dma_start3A_16] : memref<100000x64xbf16, #tpu.memory_space<hbm>> -> memref<100000x64xbf16, #tpu.memory_space<hbm>>
    tpu.enqueue_indirect_dma source(%dma_start3A_17 : memref<100000x64xbf16, #tpu.memory_space<hbm>>) target(%dma_start3A_12 : memref<64x64xbf16, #tpu.memory_space<vmem>>) offsets(%dma_start3A_14 : memref<64xi32, #tpu.memory_space<vmem>>) semaphore(%arg12 : memref<!tpu.dma_semaphore, #tpu.memory_space<semaphore_mem>>)
    %dma_wait3A = arith.constant 0 : i32
    %dma_wait3A_18 = arith.constant 0 : i32
    %dma_wait3A_19 = tpu.memref_slice %arg8[%dma_wait3A, %dma_wait3A_18] : memref<128x64xbf16, #tpu.memory_space<vmem>> -> memref<64x64xbf16, #tpu.memory_space<vmem>>
    %dma_wait3A_20 = arith.constant 0 : i32
    %dma_wait3A_21 = tpu.memref_slice %arg7[%dma_wait3A_20] : memref<128xi32, #tpu.memory_space<vmem>> -> memref<64xi32, #tpu.memory_space<vmem>>
    %dma_wait3A_22 = arith.constant 0 : i32
    %dma_wait3A_23 = arith.constant 0 : i32
    %dma_wait3A_24 = tpu.memref_slice %arg4[%dma_wait3A_22, %dma_wait3A_23] : memref<100000x64xbf16, #tpu.memory_space<hbm>> -> memref<100000x64xbf16, #tpu.memory_space<hbm>>
    tpu.wait_indirect_dma semaphore(%arg12 : memref<!tpu.dma_semaphore, #tpu.memory_space<semaphore_mem>>) src(%dma_wait3A_24 : memref<100000x64xbf16, #tpu.memory_space<hbm>>) dst(%dma_wait3A_19 : memref<64x64xbf16, #tpu.memory_space<vmem>>)
    %dma_wait3A_25 = arith.constant 64 : i32
    %dma_wait3A_26 = arith.constant 0 : i32
    %dma_wait3A_27 = tpu.memref_slice %arg8[%dma_wait3A_25, %dma_wait3A_26] : memref<128x64xbf16, #tpu.memory_space<vmem>> -> memref<64x64xbf16, #tpu.memory_space<vmem>>
    %dma_wait3A_28 = arith.constant 64 : i32
    %dma_wait3A_29 = tpu.memref_slice %arg7[%dma_wait3A_28] : memref<128xi32, #tpu.memory_space<vmem>> -> memref<64xi32, #tpu.memory_space<vmem>>
    %dma_wait3A_30 = arith.constant 0 : i32
    %dma_wait3A_31 = arith.constant 0 : i32
    %dma_wait3A_32 = tpu.memref_slice %arg4[%dma_wait3A_30, %dma_wait3A_31] : memref<100000x64xbf16, #tpu.memory_space<hbm>> -> memref<100000x64xbf16, #tpu.memory_space<hbm>>
    tpu.wait_indirect_dma semaphore(%arg12 : memref<!tpu.dma_semaphore, #tpu.memory_space<semaphore_mem>>) src(%dma_wait3A_32 : memref<100000x64xbf16, #tpu.memory_space<hbm>>) dst(%dma_wait3A_27 : memref<64x64xbf16, #tpu.memory_space<vmem>>)
    %iota3A = tpu.iota {dimensions = array<i32: 0>} : vector<16xi32>
    %dma_start3A_33 = arith.constant 0 : i32
    %dma_start3A_34 = arith.constant 0 : i32
    %dma_start3A_35 = arith.constant 0 : i32
    %dma_start3A_36 = arith.constant 0 : i32
    %dma_start3A_37 = tpu.memref_slice %arg10[%dma_start3A_35, %dma_start3A_36] : memref<864x64xbf16, #tpu.memory_space<vmem>> -> memref<108x64xbf16, #tpu.memory_space<vmem>>
    %dma_start3A_38 = arith.constant 0 : i32
    %dma_start3A_39 = tpu.memref_slice %arg9[%dma_start3A_33, %dma_start3A_34, %dma_start3A_38] : memref<128x4x108xi32, #tpu.memory_space<vmem>> -> memref<1x1x108xi32, #tpu.memory_space<vmem>>
    %dma_start3A_40 = tpu.memref_squeeze %dma_start3A_39 : memref<1x1x108xi32, #tpu.memory_space<vmem>> -> memref<108xi32, #tpu.memory_space<vmem>>
    %dma_start3A_41 = arith.constant 0 : i32
    %dma_start3A_42 = arith.constant 0 : i32
    %dma_start3A_43 = tpu.memref_slice %arg5[%dma_start3A_41, %dma_start3A_42] : memref<100000x64xbf16, #tpu.memory_space<hbm>> -> memref<100000x64xbf16, #tpu.memory_space<hbm>>
    tpu.enqueue_indirect_dma source(%dma_start3A_43 : memref<100000x64xbf16, #tpu.memory_space<hbm>>) target(%dma_start3A_37 : memref<108x64xbf16, #tpu.memory_space<vmem>>) offsets(%dma_start3A_40 : memref<108xi32, #tpu.memory_space<vmem>>) semaphore(%arg12 : memref<!tpu.dma_semaphore, #tpu.memory_space<semaphore_mem>>)
    %dma_start3A_44 = arith.constant 0 : i32
    %dma_start3A_45 = arith.constant 1 : i32
    %dma_start3A_46 = arith.constant 108 : i32
    %dma_start3A_47 = arith.constant 0 : i32
    %dma_start3A_48 = tpu.memref_slice %arg10[%dma_start3A_46, %dma_start3A_47] : memref<864x64xbf16, #tpu.memory_space<vmem>> -> memref<108x64xbf16, #tpu.memory_space<vmem>>
    %dma_start3A_49 = arith.constant 0 : i32
    %dma_start3A_50 = tpu.memref_slice %arg9[%dma_start3A_44, %dma_start3A_45, %dma_start3A_49] : memref<128x4x108xi32, #tpu.memory_space<vmem>> -> memref<1x1x108xi32, #tpu.memory_space<vmem>>
    %dma_start3A_51 = tpu.memref_squeeze %dma_start3A_50 : memref<1x1x108xi32, #tpu.memory_space<vmem>> -> memref<108xi32, #tpu.memory_space<vmem>>
    %dma_start3A_52 = arith.constant 0 : i32
    %dma_start3A_53 = arith.constant 0 : i32
    %dma_start3A_54 = tpu.memref_slice %arg5[%dma_start3A_52, %dma_start3A_53] : memref<100000x64xbf16, #tpu.memory_space<hbm>> -> memref<100000x64xbf16, #tpu.memory_space<hbm>>
    tpu.enqueue_indirect_dma source(%dma_start3A_54 : memref<100000x64xbf16, #tpu.memory_space<hbm>>) target(%dma_start3A_48 : memref<108x64xbf16, #tpu.memory_space<vmem>>) offsets(%dma_start3A_51 : memref<108xi32, #tpu.memory_space<vmem>>) semaphore(%arg12 : memref<!tpu.dma_semaphore, #tpu.memory_space<semaphore_mem>>)
    %dma_start3A_55 = arith.constant 0 : i32
    %dma_start3A_56 = arith.constant 2 : i32
    %dma_start3A_57 = arith.constant 216 : i32
    %dma_start3A_58 = arith.constant 0 : i32
    %dma_start3A_59 = tpu.memref_slice %arg10[%dma_start3A_57, %dma_start3A_58] : memref<864x64xbf16, #tpu.memory_space<vmem>> -> memref<108x64xbf16, #tpu.memory_space<vmem>>
    %dma_start3A_60 = arith.constant 0 : i32
    %dma_start3A_61 = tpu.memref_slice %arg9[%dma_start3A_55, %dma_start3A_56, %dma_start3A_60] : memref<128x4x108xi32, #tpu.memory_space<vmem>> -> memref<1x1x108xi32, #tpu.memory_space<vmem>>
    %dma_start3A_62 = tpu.memref_squeeze %dma_start3A_61 : memref<1x1x108xi32, #tpu.memory_space<vmem>> -> memref<108xi32, #tpu.memory_space<vmem>>
    %dma_start3A_63 = arith.constant 0 : i32
    %dma_start3A_64 = arith.constant 0 : i32
    %dma_start3A_65 = tpu.memref_slice %arg5[%dma_start3A_63, %dma_start3A_64] : memref<100000x64xbf16, #tpu.memory_space<hbm>> -> memref<100000x64xbf16, #tpu.memory_space<hbm>>
    tpu.enqueue_indirect_dma source(%dma_start3A_65 : memref<100000x64xbf16, #tpu.memory_space<hbm>>) target(%dma_start3A_59 : memref<108x64xbf16, #tpu.memory_space<vmem>>) offsets(%dma_start3A_62 : memref<108xi32, #tpu.memory_space<vmem>>) semaphore(%arg12 : memref<!tpu.dma_semaphore, #tpu.memory_space<semaphore_mem>>)
    %dma_start3A_66 = arith.constant 0 : i32
    %dma_start3A_67 = arith.constant 3 : i32
    %dma_start3A_68 = arith.constant 324 : i32
    %dma_start3A_69 = arith.constant 0 : i32
    %dma_start3A_70 = tpu.memref_slice %arg10[%dma_start3A_68, %dma_start3A_69] : memref<864x64xbf16, #tpu.memory_space<vmem>> -> memref<108x64xbf16, #tpu.memory_space<vmem>>
    %dma_start3A_71 = arith.constant 0 : i32
    %dma_start3A_72 = tpu.memref_slice %arg9[%dma_start3A_66, %dma_start3A_67, %dma_start3A_71] : memref<128x4x108xi32, #tpu.memory_space<vmem>> -> memref<1x1x108xi32, #tpu.memory_space<vmem>>
    %dma_start3A_73 = tpu.memref_squeeze %dma_start3A_72 : memref<1x1x108xi32, #tpu.memory_space<vmem>> -> memref<108xi32, #tpu.memory_space<vmem>>
    %dma_start3A_74 = arith.constant 0 : i32
    %dma_start3A_75 = arith.constant 0 : i32
    %dma_start3A_76 = tpu.memref_slice %arg5[%dma_start3A_74, %dma_start3A_75] : memref<100000x64xbf16, #tpu.memory_space<hbm>> -> memref<100000x64xbf16, #tpu.memory_space<hbm>>
    tpu.enqueue_indirect_dma source(%dma_start3A_76 : memref<100000x64xbf16, #tpu.memory_space<hbm>>) target(%dma_start3A_70 : memref<108x64xbf16, #tpu.memory_space<vmem>>) offsets(%dma_start3A_73 : memref<108xi32, #tpu.memory_space<vmem>>) semaphore(%arg12 : memref<!tpu.dma_semaphore, #tpu.memory_space<semaphore_mem>>)
    %scan3A = arith.constant 0 : i32
    %scan3A_77 = arith.constant 0 : i32
    %scan3A_78 = arith.constant 64 : i32
    %scan3A_79 = arith.addi %scan3A_77, %scan3A_78 : i32
    %scan3A_80 = arith.constant 1 : i32
    scf.for %scan3A_82 = %scan3A_77 to %scan3A_79 step %scan3A_80  : i32 {
      %mul3A_83 = arith.constant 2 : i32
      %mul3A_84 = arith.muli %mul3A_83, %scan3A_82 : i32
      %add3A_85 = arith.constant 1 : i32
      %add3A_86 = arith.addi %mul3A_84, %add3A_85 : i32
      %dma_start3A_87 = arith.constant 0 : i32
      %dma_start3A_88 = arith.constant 432 : i32
      %dma_start3A_89 = arith.constant 0 : i32
      %dma_start3A_90 = tpu.memref_slice %arg10[%dma_start3A_88, %dma_start3A_89] : memref<864x64xbf16, #tpu.memory_space<vmem>> -> memref<108x64xbf16, #tpu.memory_space<vmem>>
      %dma_start3A_91 = arith.constant 0 : i32
      %dma_start3A_92 = tpu.memref_slice %arg9[%add3A_86, %dma_start3A_87, %dma_start3A_91] : memref<128x4x108xi32, #tpu.memory_space<vmem>> -> memref<1x1x108xi32, #tpu.memory_space<vmem>>
      %dma_start3A_93 = tpu.memref_squeeze %dma_start3A_92 : memref<1x1x108xi32, #tpu.memory_space<vmem>> -> memref<108xi32, #tpu.memory_space<vmem>>
      %dma_start3A_94 = arith.constant 0 : i32
      %dma_start3A_95 = arith.constant 0 : i32
      %dma_start3A_96 = tpu.memref_slice %arg5[%dma_start3A_94, %dma_start3A_95] : memref<100000x64xbf16, #tpu.memory_space<hbm>> -> memref<100000x64xbf16, #tpu.memory_space<hbm>>
      tpu.enqueue_indirect_dma source(%dma_start3A_96 : memref<100000x64xbf16, #tpu.memory_space<hbm>>) target(%dma_start3A_90 : memref<108x64xbf16, #tpu.memory_space<vmem>>) offsets(%dma_start3A_93 : memref<108xi32, #tpu.memory_space<vmem>>) semaphore(%arg12 : memref<!tpu.dma_semaphore, #tpu.memory_space<semaphore_mem>>)
      %dma_start3A_97 = arith.constant 1 : i32
      %dma_start3A_98 = arith.constant 540 : i32
      %dma_start3A_99 = arith.constant 0 : i32
      %dma_start3A_100 = tpu.memref_slice %arg10[%dma_start3A_98, %dma_start3A_99] : memref<864x64xbf16, #tpu.memory_space<vmem>> -> memref<108x64xbf16, #tpu.memory_space<vmem>>
      %dma_start3A_101 = arith.constant 0 : i32
      %dma_start3A_102 = tpu.memref_slice %arg9[%add3A_86, %dma_start3A_97, %dma_start3A_101] : memref<128x4x108xi32, #tpu.memory_space<vmem>> -> memref<1x1x108xi32, #tpu.memory_space<vmem>>
      %dma_start3A_103 = tpu.memref_squeeze %dma_start3A_102 : memref<1x1x108xi32, #tpu.memory_space<vmem>> -> memref<108xi32, #tpu.memory_space<vmem>>
      %dma_start3A_104 = arith.constant 0 : i32
      %dma_start3A_105 = arith.constant 0 : i32
      %dma_start3A_106 = tpu.memref_slice %arg5[%dma_start3A_104, %dma_start3A_105] : memref<100000x64xbf16, #tpu.memory_space<hbm>> -> memref<100000x64xbf16, #tpu.memory_space<hbm>>
      tpu.enqueue_indirect_dma source(%dma_start3A_106 : memref<100000x64xbf16, #tpu.memory_space<hbm>>) target(%dma_start3A_100 : memref<108x64xbf16, #tpu.memory_space<vmem>>) offsets(%dma_start3A_103 : memref<108xi32, #tpu.memory_space<vmem>>) semaphore(%arg12 : memref<!tpu.dma_semaphore, #tpu.memory_space<semaphore_mem>>)
      %dma_start3A_107 = arith.constant 2 : i32
      %dma_start3A_108 = arith.constant 648 : i32
      %dma_start3A_109 = arith.constant 0 : i32
      %dma_start3A_110 = tpu.memref_slice %arg10[%dma_start3A_108, %dma_start3A_109] : memref<864x64xbf16, #tpu.memory_space<vmem>> -> memref<108x64xbf16, #tpu.memory_space<vmem>>
      %dma_start3A_111 = arith.constant 0 : i32
      %dma_start3A_112 = tpu.memref_slice %arg9[%add3A_86, %dma_start3A_107, %dma_start3A_111] : memref<128x4x108xi32, #tpu.memory_space<vmem>> -> memref<1x1x108xi32, #tpu.memory_space<vmem>>
      %dma_start3A_113 = tpu.memref_squeeze %dma_start3A_112 : memref<1x1x108xi32, #tpu.memory_space<vmem>> -> memref<108xi32, #tpu.memory_space<vmem>>
      %dma_start3A_114 = arith.constant 0 : i32
      %dma_start3A_115 = arith.constant 0 : i32
      %dma_start3A_116 = tpu.memref_slice %arg5[%dma_start3A_114, %dma_start3A_115] : memref<100000x64xbf16, #tpu.memory_space<hbm>> -> memref<100000x64xbf16, #tpu.memory_space<hbm>>
      tpu.enqueue_indirect_dma source(%dma_start3A_116 : memref<100000x64xbf16, #tpu.memory_space<hbm>>) target(%dma_start3A_110 : memref<108x64xbf16, #tpu.memory_space<vmem>>) offsets(%dma_start3A_113 : memref<108xi32, #tpu.memory_space<vmem>>) semaphore(%arg12 : memref<!tpu.dma_semaphore, #tpu.memory_space<semaphore_mem>>)
      %dma_start3A_117 = arith.constant 3 : i32
      %dma_start3A_118 = arith.constant 756 : i32
      %dma_start3A_119 = arith.constant 0 : i32
      %dma_start3A_120 = tpu.memref_slice %arg10[%dma_start3A_118, %dma_start3A_119] : memref<864x64xbf16, #tpu.memory_space<vmem>> -> memref<108x64xbf16, #tpu.memory_space<vmem>>
      %dma_start3A_121 = arith.constant 0 : i32
      %dma_start3A_122 = tpu.memref_slice %arg9[%add3A_86, %dma_start3A_117, %dma_start3A_121] : memref<128x4x108xi32, #tpu.memory_space<vmem>> -> memref<1x1x108xi32, #tpu.memory_space<vmem>>
      %dma_start3A_123 = tpu.memref_squeeze %dma_start3A_122 : memref<1x1x108xi32, #tpu.memory_space<vmem>> -> memref<108xi32, #tpu.memory_space<vmem>>
      %dma_start3A_124 = arith.constant 0 : i32
      %dma_start3A_125 = arith.constant 0 : i32
      %dma_start3A_126 = tpu.memref_slice %arg5[%dma_start3A_124, %dma_start3A_125] : memref<100000x64xbf16, #tpu.memory_space<hbm>> -> memref<100000x64xbf16, #tpu.memory_space<hbm>>
      tpu.enqueue_indirect_dma source(%dma_start3A_126 : memref<100000x64xbf16, #tpu.memory_space<hbm>>) target(%dma_start3A_120 : memref<108x64xbf16, #tpu.memory_space<vmem>>) offsets(%dma_start3A_123 : memref<108xi32, #tpu.memory_space<vmem>>) semaphore(%arg12 : memref<!tpu.dma_semaphore, #tpu.memory_space<semaphore_mem>>)
      %dma_wait3A_127 = arith.constant 0 : i32
      %dma_wait3A_128 = arith.constant 0 : i32
      %dma_wait3A_129 = arith.constant 0 : i32
      %dma_wait3A_130 = tpu.memref_slice %arg10[%dma_wait3A_128, %dma_wait3A_129] : memref<864x64xbf16, #tpu.memory_space<vmem>> -> memref<108x64xbf16, #tpu.memory_space<vmem>>
      %dma_wait3A_131 = arith.constant 0 : i32
      %dma_wait3A_132 = tpu.memref_slice %arg9[%mul3A_84, %dma_wait3A_127, %dma_wait3A_131] : memref<128x4x108xi32, #tpu.memory_space<vmem>> -> memref<1x1x108xi32, #tpu.memory_space<vmem>>
      %dma_wait3A_133 = tpu.memref_squeeze %dma_wait3A_132 : memref<1x1x108xi32, #tpu.memory_space<vmem>> -> memref<108xi32, #tpu.memory_space<vmem>>
      %dma_wait3A_134 = arith.constant 0 : i32
      %dma_wait3A_135 = arith.constant 0 : i32
      %dma_wait3A_136 = tpu.memref_slice %arg5[%dma_wait3A_134, %dma_wait3A_135] : memref<100000x64xbf16, #tpu.memory_space<hbm>> -> memref<100000x64xbf16, #tpu.memory_space<hbm>>
      tpu.wait_indirect_dma semaphore(%arg12 : memref<!tpu.dma_semaphore, #tpu.memory_space<semaphore_mem>>) src(%dma_wait3A_136 : memref<100000x64xbf16, #tpu.memory_space<hbm>>) dst(%dma_wait3A_130 : memref<108x64xbf16, #tpu.memory_space<vmem>>)
      %dma_wait3A_137 = arith.constant 1 : i32
      %dma_wait3A_138 = arith.constant 108 : i32
      %dma_wait3A_139 = arith.constant 0 : i32
      %dma_wait3A_140 = tpu.memref_slice %arg10[%dma_wait3A_138, %dma_wait3A_139] : memref<864x64xbf16, #tpu.memory_space<vmem>> -> memref<108x64xbf16, #tpu.memory_space<vmem>>
      %dma_wait3A_141 = arith.constant 0 : i32
      %dma_wait3A_142 = tpu.memref_slice %arg9[%mul3A_84, %dma_wait3A_137, %dma_wait3A_141] : memref<128x4x108xi32, #tpu.memory_space<vmem>> -> memref<1x1x108xi32, #tpu.memory_space<vmem>>
      %dma_wait3A_143 = tpu.memref_squeeze %dma_wait3A_142 : memref<1x1x108xi32, #tpu.memory_space<vmem>> -> memref<108xi32, #tpu.memory_space<vmem>>
      %dma_wait3A_144 = arith.constant 0 : i32
      %dma_wait3A_145 = arith.constant 0 : i32
      %dma_wait3A_146 = tpu.memref_slice %arg5[%dma_wait3A_144, %dma_wait3A_145] : memref<100000x64xbf16, #tpu.memory_space<hbm>> -> memref<100000x64xbf16, #tpu.memory_space<hbm>>
      tpu.wait_indirect_dma semaphore(%arg12 : memref<!tpu.dma_semaphore, #tpu.memory_space<semaphore_mem>>) src(%dma_wait3A_146 : memref<100000x64xbf16, #tpu.memory_space<hbm>>) dst(%dma_wait3A_140 : memref<108x64xbf16, #tpu.memory_space<vmem>>)
      %dma_wait3A_147 = arith.constant 2 : i32
      %dma_wait3A_148 = arith.constant 216 : i32
      %dma_wait3A_149 = arith.constant 0 : i32
      %dma_wait3A_150 = tpu.memref_slice %arg10[%dma_wait3A_148, %dma_wait3A_149] : memref<864x64xbf16, #tpu.memory_space<vmem>> -> memref<108x64xbf16, #tpu.memory_space<vmem>>
      %dma_wait3A_151 = arith.constant 0 : i32
      %dma_wait3A_152 = tpu.memref_slice %arg9[%mul3A_84, %dma_wait3A_147, %dma_wait3A_151] : memref<128x4x108xi32, #tpu.memory_space<vmem>> -> memref<1x1x108xi32, #tpu.memory_space<vmem>>
      %dma_wait3A_153 = tpu.memref_squeeze %dma_wait3A_152 : memref<1x1x108xi32, #tpu.memory_space<vmem>> -> memref<108xi32, #tpu.memory_space<vmem>>
      %dma_wait3A_154 = arith.constant 0 : i32
      %dma_wait3A_155 = arith.constant 0 : i32
      %dma_wait3A_156 = tpu.memref_slice %arg5[%dma_wait3A_154, %dma_wait3A_155] : memref<100000x64xbf16, #tpu.memory_space<hbm>> -> memref<100000x64xbf16, #tpu.memory_space<hbm>>
      tpu.wait_indirect_dma semaphore(%arg12 : memref<!tpu.dma_semaphore, #tpu.memory_space<semaphore_mem>>) src(%dma_wait3A_156 : memref<100000x64xbf16, #tpu.memory_space<hbm>>) dst(%dma_wait3A_150 : memref<108x64xbf16, #tpu.memory_space<vmem>>)
      %dma_wait3A_157 = arith.constant 3 : i32
      %dma_wait3A_158 = arith.constant 324 : i32
      %dma_wait3A_159 = arith.constant 0 : i32
      %dma_wait3A_160 = tpu.memref_slice %arg10[%dma_wait3A_158, %dma_wait3A_159] : memref<864x64xbf16, #tpu.memory_space<vmem>> -> memref<108x64xbf16, #tpu.memory_space<vmem>>
      %dma_wait3A_161 = arith.constant 0 : i32
      %dma_wait3A_162 = tpu.memref_slice %arg9[%mul3A_84, %dma_wait3A_157, %dma_wait3A_161] : memref<128x4x108xi32, #tpu.memory_space<vmem>> -> memref<1x1x108xi32, #tpu.memory_space<vmem>>
      %dma_wait3A_163 = tpu.memref_squeeze %dma_wait3A_162 : memref<1x1x108xi32, #tpu.memory_space<vmem>> -> memref<108xi32, #tpu.memory_space<vmem>>
      %dma_wait3A_164 = arith.constant 0 : i32
      %dma_wait3A_165 = arith.constant 0 : i32
      %dma_wait3A_166 = tpu.memref_slice %arg5[%dma_wait3A_164, %dma_wait3A_165] : memref<100000x64xbf16, #tpu.memory_space<hbm>> -> memref<100000x64xbf16, #tpu.memory_space<hbm>>
      tpu.wait_indirect_dma semaphore(%arg12 : memref<!tpu.dma_semaphore, #tpu.memory_space<semaphore_mem>>) src(%dma_wait3A_166 : memref<100000x64xbf16, #tpu.memory_space<hbm>>) dst(%dma_wait3A_160 : memref<108x64xbf16, #tpu.memory_space<vmem>>)
      %get3A = arith.index_cast %mul3A_84 : i32 to index
      %get3A_167 = arith.constant 0 : index
      %get3A_168 = tpu.vector_load %arg8[%get3A, %get3A_167] {strides = array<i32>} : memref<128x64xbf16, #tpu.memory_space<vmem>>, vector<32xbf16>,
      %get3A_169 = arith.index_cast %mul3A_84 : i32 to index
      %get3A_170 = arith.constant 32 : index
      %get3A_171 = tpu.vector_load %arg8[%get3A_169, %get3A_170] {strides = array<i32>} : memref<128x64xbf16, #tpu.memory_space<vmem>>, vector<32xbf16>,
      %jit3A = arith.constant 32 : i32
      %eq3A = arith.constant 0 : i32
      %eq3A_172 = arith.cmpi eq, %jit3A, %eq3A : i32
      %jit3A_173 = arith.constant 1 : i32
      %select_n3A = arith.select %eq3A_172, %jit3A_173, %jit3A : i32
      %rem3A = arith.remsi %mul3A_84, %select_n3A : i32
      %ne3A = arith.constant 0 : i32
      %ne3A_174 = arith.cmpi ne, %rem3A, %ne3A : i32
      %lt3A = arith.constant 0 : i32
      %lt3A_175 = arith.cmpi slt, %rem3A, %lt3A : i32
      %lt3A_176 = arith.constant 0 : i32
      %lt3A_177 = arith.cmpi slt, %select_n3A, %lt3A_176 : i32
      %ne3A_178 = arith.xori %lt3A_175, %lt3A_177 : i1
      %and3A = arith.andi %ne3A_178, %ne3A_174 : i1
      %add3A_179 = arith.addi %rem3A, %select_n3A : i32
      %select_n3A_180 = arith.select %and3A, %add3A_179, %rem3A : i32
      %parallel_loop3A = arith.constant 0 : i32
      %parallel_loop3A_181 = arith.constant 27 : i32
      %parallel_loop3A_182 = arith.constant 1 : i32
      scf.for %parallel_loop3A_263 = %parallel_loop3A to %parallel_loop3A_181 step %parallel_loop3A_182  : i32 {
        %parallel_loop3A_264 = arith.constant 0.000000e+00 : f32
        %parallel_loop3A_265 = vector.broadcast %parallel_loop3A_264 : f32 to vector<16xf32>
        %parallel_loop3A_266 = arith.constant 16 : i32
        %parallel_loop3A_267 = arith.muli %parallel_loop3A_263, %parallel_loop3A_266 : i32
        %parallel_loop3A_268 = arith.constant 0 : i32
        %parallel_loop3A_269 = arith.addi %parallel_loop3A_268, %parallel_loop3A_267 : i32
        %parallel_loop3A_270 = arith.constant 0 : i32
        %parallel_loop3A_271 = arith.addi %parallel_loop3A_269, %parallel_loop3A_270 : i32
        %parallel_loop3A_272 = arith.index_cast %parallel_loop3A_271 : i32 to index
        %parallel_loop3A_273 = arith.constant 0 : index
        %parallel_loop3A_274 = tpu.vector_load %arg10[%parallel_loop3A_272, %parallel_loop3A_273] {strides = array<i32>} : memref<864x64xbf16, #tpu.memory_space<vmem>>, vector<32xbf16>,
        %parallel_loop3A_275 = arith.mulf %parallel_loop3A_274, %get3A_168 : vector<32xbf16>
        %parallel_loop3A_276 = arith.index_cast %parallel_loop3A_271 : i32 to index
        %parallel_loop3A_277 = arith.constant 32 : index
        %parallel_loop3A_278 = tpu.vector_load %arg10[%parallel_loop3A_276, %parallel_loop3A_277] {strides = array<i32>} : memref<864x64xbf16, #tpu.memory_space<vmem>>, vector<32xbf16>,
        %parallel_loop3A_279 = arith.mulf %parallel_loop3A_278, %get3A_171 : vector<32xbf16>
        %parallel_loop3A_280 = arith.addf %parallel_loop3A_275, %parallel_loop3A_279 : vector<32xbf16>
        %parallel_loop3A_281 = vector.bitcast %parallel_loop3A_280 : vector<32xbf16> to vector<16xi32>
        %parallel_loop3A_282 = arith.constant -65536 : i32
        %parallel_loop3A_283 = vector.broadcast %parallel_loop3A_282 : i32 to vector<16xi32>
        %parallel_loop3A_284 = arith.andi %parallel_loop3A_281, %parallel_loop3A_283 : vector<16xi32>
        %parallel_loop3A_285 = vector.bitcast %parallel_loop3A_284 : vector<16xi32> to vector<16xf32>
        %parallel_loop3A_286 = arith.constant 16 : i32
        %parallel_loop3A_287 = vector.broadcast %parallel_loop3A_286 : i32 to vector<16xi32>
        %parallel_loop3A_288 = arith.shli %parallel_loop3A_281, %parallel_loop3A_287 : vector<16xi32>
        %parallel_loop3A_289 = vector.bitcast %parallel_loop3A_288 : vector<16xi32> to vector<16xf32>
        %parallel_loop3A_290 = arith.addf %parallel_loop3A_285, %parallel_loop3A_289 : vector<16xf32>
        %parallel_loop3A_291 = arith.constant true
        %parallel_loop3A_292 = vector.broadcast %parallel_loop3A_291 : i1 to vector<16xi1>
        %parallel_loop3A_293 = tpu.scan <sum>, %parallel_loop3A_290 masked %parallel_loop3A_292 : vector<16xf32>, vector<16xi1> -> vector<16xf32>
        %parallel_loop3A_294 = vector.extract %parallel_loop3A_293[15] : f32 from vector<16xf32>
        %parallel_loop3A_295 = arith.constant 0 : i32
        %parallel_loop3A_296 = vector.broadcast %parallel_loop3A_295 : i32 to vector<16xi32>
        %parallel_loop3A_297 = arith.cmpi eq, %iota3A, %parallel_loop3A_296 : vector<16xi32>
        %parallel_loop3A_298 = vector.broadcast %parallel_loop3A_294 : f32 to vector<16xf32>
        %parallel_loop3A_299 = arith.addf %parallel_loop3A_265, %parallel_loop3A_298 : vector<16xf32>
        %parallel_loop3A_300 = arith.select %parallel_loop3A_297, %parallel_loop3A_299, %parallel_loop3A_265 : vector<16xi1>, vector<16xf32>
        %parallel_loop3A_301 = arith.constant 16 : i32
        %parallel_loop3A_302 = arith.muli %parallel_loop3A_263, %parallel_loop3A_301 : i32
        %parallel_loop3A_303 = arith.constant 0 : i32
        %parallel_loop3A_304 = arith.addi %parallel_loop3A_303, %parallel_loop3A_302 : i32
        %parallel_loop3A_305 = arith.constant 1 : i32
        %parallel_loop3A_306 = arith.addi %parallel_loop3A_304, %parallel_loop3A_305 : i32
        %parallel_loop3A_307 = arith.index_cast %parallel_loop3A_306 : i32 to index
        %parallel_loop3A_308 = arith.constant 0 : index
        %parallel_loop3A_309 = tpu.vector_load %arg10[%parallel_loop3A_307, %parallel_loop3A_308] {strides = array<i32>} : memref<864x64xbf16, #tpu.memory_space<vmem>>, vector<32xbf16>,
        %parallel_loop3A_310 = arith.mulf %parallel_loop3A_309, %get3A_168 : vector<32xbf16>
        %parallel_loop3A_311 = arith.index_cast %parallel_loop3A_306 : i32 to index
        %parallel_loop3A_312 = arith.constant 32 : index
        %parallel_loop3A_313 = tpu.vector_load %arg10[%parallel_loop3A_311, %parallel_loop3A_312] {strides = array<i32>} : memref<864x64xbf16, #tpu.memory_space<vmem>>, vector<32xbf16>,
        %parallel_loop3A_314 = arith.mulf %parallel_loop3A_313, %get3A_171 : vector<32xbf16>
        %parallel_loop3A_315 = arith.addf %parallel_loop3A_310, %parallel_loop3A_314 : vector<32xbf16>
        %parallel_loop3A_316 = vector.bitcast %parallel_loop3A_315 : vector<32xbf16> to vector<16xi32>
        %parallel_loop3A_317 = arith.constant -65536 : i32
        %parallel_loop3A_318 = vector.broadcast %parallel_loop3A_317 : i32 to vector<16xi32>
        %parallel_loop3A_319 = arith.andi %parallel_loop3A_316, %parallel_loop3A_318 : vector<16xi32>
        %parallel_loop3A_320 = vector.bitcast %parallel_loop3A_319 : vector<16xi32> to vector<16xf32>
        %parallel_loop3A_321 = arith.constant 16 : i32
        %parallel_loop3A_322 = vector.broadcast %parallel_loop3A_321 : i32 to vector<16xi32>
        %parallel_loop3A_323 = arith.shli %parallel_loop3A_316, %parallel_loop3A_322 : vector<16xi32>
        %parallel_loop3A_324 = vector.bitcast %parallel_loop3A_323 : vector<16xi32> to vector<16xf32>
        %parallel_loop3A_325 = arith.addf %parallel_loop3A_320, %parallel_loop3A_324 : vector<16xf32>
        %parallel_loop3A_326 = arith.constant true
        %parallel_loop3A_327 = vector.broadcast %parallel_loop3A_326 : i1 to vector<16xi1>
        %parallel_loop3A_328 = tpu.scan <sum>, %parallel_loop3A_325 masked %parallel_loop3A_327 : vector<16xf32>, vector<16xi1> -> vector<16xf32>
        %parallel_loop3A_329 = vector.extract %parallel_loop3A_328[15] : f32 from vector<16xf32>
        %parallel_loop3A_330 = arith.constant 1 : i32
        %parallel_loop3A_331 = vector.broadcast %parallel_loop3A_330 : i32 to vector<16xi32>
        %parallel_loop3A_332 = arith.cmpi eq, %iota3A, %parallel_loop3A_331 : vector<16xi32>
        %parallel_loop3A_333 = vector.broadcast %parallel_loop3A_329 : f32 to vector<16xf32>
        %parallel_loop3A_334 = arith.addf %parallel_loop3A_300, %parallel_loop3A_333 : vector<16xf32>
        %parallel_loop3A_335 = arith.select %parallel_loop3A_332, %parallel_loop3A_334, %parallel_loop3A_300 : vector<16xi1>, vector<16xf32>
        %parallel_loop3A_336 = arith.constant 16 : i32
        %parallel_loop3A_337 = arith.muli %parallel_loop3A_263, %parallel_loop3A_336 : i32
        %parallel_loop3A_338 = arith.constant 0 : i32
        %parallel_loop3A_339 = arith.addi %parallel_loop3A_338, %parallel_loop3A_337 : i32
        %parallel_loop3A_340 = arith.constant 2 : i32
        %parallel_loop3A_341 = arith.addi %parallel_loop3A_339, %parallel_loop3A_340 : i32
        %parallel_loop3A_342 = arith.index_cast %parallel_loop3A_341 : i32 to index
        %parallel_loop3A_343 = arith.constant 0 : index
        %parallel_loop3A_344 = tpu.vector_load %arg10[%parallel_loop3A_342, %parallel_loop3A_343] {strides = array<i32>} : memref<864x64xbf16, #tpu.memory_space<vmem>>, vector<32xbf16>,
        %parallel_loop3A_345 = arith.mulf %parallel_loop3A_344, %get3A_168 : vector<32xbf16>
        %parallel_loop3A_346 = arith.index_cast %parallel_loop3A_341 : i32 to index
        %parallel_loop3A_347 = arith.constant 32 : index
        %parallel_loop3A_348 = tpu.vector_load %arg10[%parallel_loop3A_346, %parallel_loop3A_347] {strides = array<i32>} : memref<864x64xbf16, #tpu.memory_space<vmem>>, vector<32xbf16>,
        %parallel_loop3A_349 = arith.mulf %parallel_loop3A_348, %get3A_171 : vector<32xbf16>
        %parallel_loop3A_350 = arith.addf %parallel_loop3A_345, %parallel_loop3A_349 : vector<32xbf16>
        %parallel_loop3A_351 = vector.bitcast %parallel_loop3A_350 : vector<32xbf16> to vector<16xi32>
        %parallel_loop3A_352 = arith.constant -65536 : i32
        %parallel_loop3A_353 = vector.broadcast %parallel_loop3A_352 : i32 to vector<16xi32>
        %parallel_loop3A_354 = arith.andi %parallel_loop3A_351, %parallel_loop3A_353 : vector<16xi32>
        %parallel_loop3A_355 = vector.bitcast %parallel_loop3A_354 : vector<16xi32> to vector<16xf32>
        %parallel_loop3A_356 = arith.constant 16 : i32
        %parallel_loop3A_357 = vector.broadcast %parallel_loop3A_356 : i32 to vector<16xi32>
        %parallel_loop3A_358 = arith.shli %parallel_loop3A_351, %parallel_loop3A_357 : vector<16xi32>
        %parallel_loop3A_359 = vector.bitcast %parallel_loop3A_358 : vector<16xi32> to vector<16xf32>
        %parallel_loop3A_360 = arith.addf %parallel_loop3A_355, %parallel_loop3A_359 : vector<16xf32>
        %parallel_loop3A_361 = arith.constant true
        %parallel_loop3A_362 = vector.broadcast %parallel_loop3A_361 : i1 to vector<16xi1>
        %parallel_loop3A_363 = tpu.scan <sum>, %parallel_loop3A_360 masked %parallel_loop3A_362 : vector<16xf32>, vector<16xi1> -> vector<16xf32>
        %parallel_loop3A_364 = vector.extract %parallel_loop3A_363[15] : f32 from vector<16xf32>
        %parallel_loop3A_365 = arith.constant 2 : i32
        %parallel_loop3A_366 = vector.broadcast %parallel_loop3A_365 : i32 to vector<16xi32>
        %parallel_loop3A_367 = arith.cmpi eq, %iota3A, %parallel_loop3A_366 : vector<16xi32>
        %parallel_loop3A_368 = vector.broadcast %parallel_loop3A_364 : f32 to vector<16xf32>
        %parallel_loop3A_369 = arith.addf %parallel_loop3A_335, %parallel_loop3A_368 : vector<16xf32>
        %parallel_loop3A_370 = arith.select %parallel_loop3A_367, %parallel_loop3A_369, %parallel_loop3A_335 : vector<16xi1>, vector<16xf32>
        %parallel_loop3A_371 = arith.constant 16 : i32
        %parallel_loop3A_372 = arith.muli %parallel_loop3A_263, %parallel_loop3A_371 : i32
        %parallel_loop3A_373 = arith.constant 0 : i32
        %parallel_loop3A_374 = arith.addi %parallel_loop3A_373, %parallel_loop3A_372 : i32
        %parallel_loop3A_375 = arith.constant 3 : i32
        %parallel_loop3A_376 = arith.addi %parallel_loop3A_374, %parallel_loop3A_375 : i32
        %parallel_loop3A_377 = arith.index_cast %parallel_loop3A_376 : i32 to index
        %parallel_loop3A_378 = arith.constant 0 : index
        %parallel_loop3A_379 = tpu.vector_load %arg10[%parallel_loop3A_377, %parallel_loop3A_378] {strides = array<i32>} : memref<864x64xbf16, #tpu.memory_space<vmem>>, vector<32xbf16>,
        %parallel_loop3A_380 = arith.mulf %parallel_loop3A_379, %get3A_168 : vector<32xbf16>
        %parallel_loop3A_381 = arith.index_cast %parallel_loop3A_376 : i32 to index
        %parallel_loop3A_382 = arith.constant 32 : index
        %parallel_loop3A_383 = tpu.vector_load %arg10[%parallel_loop3A_381, %parallel_loop3A_382] {strides = array<i32>} : memref<864x64xbf16, #tpu.memory_space<vmem>>, vector<32xbf16>,
        %parallel_loop3A_384 = arith.mulf %parallel_loop3A_383, %get3A_171 : vector<32xbf16>
        %parallel_loop3A_385 = arith.addf %parallel_loop3A_380, %parallel_loop3A_384 : vector<32xbf16>
        %parallel_loop3A_386 = vector.bitcast %parallel_loop3A_385 : vector<32xbf16> to vector<16xi32>
        %parallel_loop3A_387 = arith.constant -65536 : i32
        %parallel_loop3A_388 = vector.broadcast %parallel_loop3A_387 : i32 to vector<16xi32>
        %parallel_loop3A_389 = arith.andi %parallel_loop3A_386, %parallel_loop3A_388 : vector<16xi32>
        %parallel_loop3A_390 = vector.bitcast %parallel_loop3A_389 : vector<16xi32> to vector<16xf32>
        %parallel_loop3A_391 = arith.constant 16 : i32
        %parallel_loop3A_392 = vector.broadcast %parallel_loop3A_391 : i32 to vector<16xi32>
        %parallel_loop3A_393 = arith.shli %parallel_loop3A_386, %parallel_loop3A_392 : vector<16xi32>
        %parallel_loop3A_394 = vector.bitcast %parallel_loop3A_393 : vector<16xi32> to vector<16xf32>
        %parallel_loop3A_395 = arith.addf %parallel_loop3A_390, %parallel_loop3A_394 : vector<16xf32>
        %parallel_loop3A_396 = arith.constant true
        %parallel_loop3A_397 = vector.broadcast %parallel_loop3A_396 : i1 to vector<16xi1>
        %parallel_loop3A_398 = tpu.scan <sum>, %parallel_loop3A_395 masked %parallel_loop3A_397 : vector<16xf32>, vector<16xi1> -> vector<16xf32>
        %parallel_loop3A_399 = vector.extract %parallel_loop3A_398[15] : f32 from vector<16xf32>
        %parallel_loop3A_400 = arith.constant 3 : i32
        %parallel_loop3A_401 = vector.broadcast %parallel_loop3A_400 : i32 to vector<16xi32>
        %parallel_loop3A_402 = arith.cmpi eq, %iota3A, %parallel_loop3A_401 : vector<16xi32>
        %parallel_loop3A_403 = vector.broadcast %parallel_loop3A_399 : f32 to vector<16xf32>
        %parallel_loop3A_404 = arith.addf %parallel_loop3A_370, %parallel_loop3A_403 : vector<16xf32>
        %parallel_loop3A_405 = arith.select %parallel_loop3A_402, %parallel_loop3A_404, %parallel_loop3A_370 : vector<16xi1>, vector<16xf32>
        %parallel_loop3A_406 = arith.constant 16 : i32
        %parallel_loop3A_407 = arith.muli %parallel_loop3A_263, %parallel_loop3A_406 : i32
        %parallel_loop3A_408 = arith.constant 0 : i32
        %parallel_loop3A_409 = arith.addi %parallel_loop3A_408, %parallel_loop3A_407 : i32
        %parallel_loop3A_410 = arith.constant 4 : i32
        %parallel_loop3A_411 = arith.addi %parallel_loop3A_409, %parallel_loop3A_410 : i32
        %parallel_loop3A_412 = arith.index_cast %parallel_loop3A_411 : i32 to index
        %parallel_loop3A_413 = arith.constant 0 : index
        %parallel_loop3A_414 = tpu.vector_load %arg10[%parallel_loop3A_412, %parallel_loop3A_413] {strides = array<i32>} : memref<864x64xbf16, #tpu.memory_space<vmem>>, vector<32xbf16>,
        %parallel_loop3A_415 = arith.mulf %parallel_loop3A_414, %get3A_168 : vector<32xbf16>
        %parallel_loop3A_416 = arith.index_cast %parallel_loop3A_411 : i32 to index
        %parallel_loop3A_417 = arith.constant 32 : index
        %parallel_loop3A_418 = tpu.vector_load %arg10[%parallel_loop3A_416, %parallel_loop3A_417] {strides = array<i32>} : memref<864x64xbf16, #tpu.memory_space<vmem>>, vector<32xbf16>,
        %parallel_loop3A_419 = arith.mulf %parallel_loop3A_418, %get3A_171 : vector<32xbf16>
        %parallel_loop3A_420 = arith.addf %parallel_loop3A_415, %parallel_loop3A_419 : vector<32xbf16>
        %parallel_loop3A_421 = vector.bitcast %parallel_loop3A_420 : vector<32xbf16> to vector<16xi32>
        %parallel_loop3A_422 = arith.constant -65536 : i32
        %parallel_loop3A_423 = vector.broadcast %parallel_loop3A_422 : i32 to vector<16xi32>
        %parallel_loop3A_424 = arith.andi %parallel_loop3A_421, %parallel_loop3A_423 : vector<16xi32>
        %parallel_loop3A_425 = vector.bitcast %parallel_loop3A_424 : vector<16xi32> to vector<16xf32>
        %parallel_loop3A_426 = arith.constant 16 : i32
        %parallel_loop3A_427 = vector.broadcast %parallel_loop3A_426 : i32 to vector<16xi32>
        %parallel_loop3A_428 = arith.shli %parallel_loop3A_421, %parallel_loop3A_427 : vector<16xi32>
        %parallel_loop3A_429 = vector.bitcast %parallel_loop3A_428 : vector<16xi32> to vector<16xf32>
        %parallel_loop3A_430 = arith.addf %parallel_loop3A_425, %parallel_loop3A_429 : vector<16xf32>
        %parallel_loop3A_431 = arith.constant true
        %parallel_loop3A_432 = vector.broadcast %parallel_loop3A_431 : i1 to vector<16xi1>
        %parallel_loop3A_433 = tpu.scan <sum>, %parallel_loop3A_430 masked %parallel_loop3A_432 : vector<16xf32>, vector<16xi1> -> vector<16xf32>
        %parallel_loop3A_434 = vector.extract %parallel_loop3A_433[15] : f32 from vector<16xf32>
        %parallel_loop3A_435 = arith.constant 4 : i32
        %parallel_loop3A_436 = vector.broadcast %parallel_loop3A_435 : i32 to vector<16xi32>
        %parallel_loop3A_437 = arith.cmpi eq, %iota3A, %parallel_loop3A_436 : vector<16xi32>
        %parallel_loop3A_438 = vector.broadcast %parallel_loop3A_434 : f32 to vector<16xf32>
        %parallel_loop3A_439 = arith.addf %parallel_loop3A_405, %parallel_loop3A_438 : vector<16xf32>
        %parallel_loop3A_440 = arith.select %parallel_loop3A_437, %parallel_loop3A_439, %parallel_loop3A_405 : vector<16xi1>, vector<16xf32>
        %parallel_loop3A_441 = arith.constant 16 : i32
        %parallel_loop3A_442 = arith.muli %parallel_loop3A_263, %parallel_loop3A_441 : i32
        %parallel_loop3A_443 = arith.constant 0 : i32
        %parallel_loop3A_444 = arith.addi %parallel_loop3A_443, %parallel_loop3A_442 : i32
        %parallel_loop3A_445 = arith.constant 5 : i32
        %parallel_loop3A_446 = arith.addi %parallel_loop3A_444, %parallel_loop3A_445 : i32
        %parallel_loop3A_447 = arith.index_cast %parallel_loop3A_446 : i32 to index
        %parallel_loop3A_448 = arith.constant 0 : index
        %parallel_loop3A_449 = tpu.vector_load %arg10[%parallel_loop3A_447, %parallel_loop3A_448] {strides = array<i32>} : memref<864x64xbf16, #tpu.memory_space<vmem>>, vector<32xbf16>,
        %parallel_loop3A_450 = arith.mulf %parallel_loop3A_449, %get3A_168 : vector<32xbf16>
        %parallel_loop3A_451 = arith.index_cast %parallel_loop3A_446 : i32 to index
        %parallel_loop3A_452 = arith.constant 32 : index
        %parallel_loop3A_453 = tpu.vector_load %arg10[%parallel_loop3A_451, %parallel_loop3A_452] {strides = array<i32>} : memref<864x64xbf16, #tpu.memory_space<vmem>>, vector<32xbf16>,
        %parallel_loop3A_454 = arith.mulf %parallel_loop3A_453, %get3A_171 : vector<32xbf16>
        %parallel_loop3A_455 = arith.addf %parallel_loop3A_450, %parallel_loop3A_454 : vector<32xbf16>
        %parallel_loop3A_456 = vector.bitcast %parallel_loop3A_455 : vector<32xbf16> to vector<16xi32>
        %parallel_loop3A_457 = arith.constant -65536 : i32
        %parallel_loop3A_458 = vector.broadcast %parallel_loop3A_457 : i32 to vector<16xi32>
        %parallel_loop3A_459 = arith.andi %parallel_loop3A_456, %parallel_loop3A_458 : vector<16xi32>
        %parallel_loop3A_460 = vector.bitcast %parallel_loop3A_459 : vector<16xi32> to vector<16xf32>
        %parallel_loop3A_461 = arith.constant 16 : i32
        %parallel_loop3A_462 = vector.broadcast %parallel_loop3A_461 : i32 to vector<16xi32>
        %parallel_loop3A_463 = arith.shli %parallel_loop3A_456, %parallel_loop3A_462 : vector<16xi32>
        %parallel_loop3A_464 = vector.bitcast %parallel_loop3A_463 : vector<16xi32> to vector<16xf32>
        %parallel_loop3A_465 = arith.addf %parallel_loop3A_460, %parallel_loop3A_464 : vector<16xf32>
        %parallel_loop3A_466 = arith.constant true
        %parallel_loop3A_467 = vector.broadcast %parallel_loop3A_466 : i1 to vector<16xi1>
        %parallel_loop3A_468 = tpu.scan <sum>, %parallel_loop3A_465 masked %parallel_loop3A_467 : vector<16xf32>, vector<16xi1> -> vector<16xf32>
        %parallel_loop3A_469 = vector.extract %parallel_loop3A_468[15] : f32 from vector<16xf32>
        %parallel_loop3A_470 = arith.constant 5 : i32
        %parallel_loop3A_471 = vector.broadcast %parallel_loop3A_470 : i32 to vector<16xi32>
        %parallel_loop3A_472 = arith.cmpi eq, %iota3A, %parallel_loop3A_471 : vector<16xi32>
        %parallel_loop3A_473 = vector.broadcast %parallel_loop3A_469 : f32 to vector<16xf32>
        %parallel_loop3A_474 = arith.addf %parallel_loop3A_440, %parallel_loop3A_473 : vector<16xf32>
        %parallel_loop3A_475 = arith.select %parallel_loop3A_472, %parallel_loop3A_474, %parallel_loop3A_440 : vector<16xi1>, vector<16xf32>
        %parallel_loop3A_476 = arith.constant 16 : i32
        %parallel_loop3A_477 = arith.muli %parallel_loop3A_263, %parallel_loop3A_476 : i32
        %parallel_loop3A_478 = arith.constant 0 : i32
        %parallel_loop3A_479 = arith.addi %parallel_loop3A_478, %parallel_loop3A_477 : i32
        %parallel_loop3A_480 = arith.constant 6 : i32
        %parallel_loop3A_481 = arith.addi %parallel_loop3A_479, %parallel_loop3A_480 : i32
        %parallel_loop3A_482 = arith.index_cast %parallel_loop3A_481 : i32 to index
        %parallel_loop3A_483 = arith.constant 0 : index
        %parallel_loop3A_484 = tpu.vector_load %arg10[%parallel_loop3A_482, %parallel_loop3A_483] {strides = array<i32>} : memref<864x64xbf16, #tpu.memory_space<vmem>>, vector<32xbf16>,
        %parallel_loop3A_485 = arith.mulf %parallel_loop3A_484, %get3A_168 : vector<32xbf16>
        %parallel_loop3A_486 = arith.index_cast %parallel_loop3A_481 : i32 to index
        %parallel_loop3A_487 = arith.constant 32 : index
        %parallel_loop3A_488 = tpu.vector_load %arg10[%parallel_loop3A_486, %parallel_loop3A_487] {strides = array<i32>} : memref<864x64xbf16, #tpu.memory_space<vmem>>, vector<32xbf16>,
        %parallel_loop3A_489 = arith.mulf %parallel_loop3A_488, %get3A_171 : vector<32xbf16>
        %parallel_loop3A_490 = arith.addf %parallel_loop3A_485, %parallel_loop3A_489 : vector<32xbf16>
        %parallel_loop3A_491 = vector.bitcast %parallel_loop3A_490 : vector<32xbf16> to vector<16xi32>
        %parallel_loop3A_492 = arith.constant -65536 : i32
        %parallel_loop3A_493 = vector.broadcast %parallel_loop3A_492 : i32 to vector<16xi32>
        %parallel_loop3A_494 = arith.andi %parallel_loop3A_491, %parallel_loop3A_493 : vector<16xi32>
        %parallel_loop3A_495 = vector.bitcast %parallel_loop3A_494 : vector<16xi32> to vector<16xf32>
        %parallel_loop3A_496 = arith.constant 16 : i32
        %parallel_loop3A_497 = vector.broadcast %parallel_loop3A_496 : i32 to vector<16xi32>
        %parallel_loop3A_498 = arith.shli %parallel_loop3A_491, %parallel_loop3A_497 : vector<16xi32>
        %parallel_loop3A_499 = vector.bitcast %parallel_loop3A_498 : vector<16xi32> to vector<16xf32>
        %parallel_loop3A_500 = arith.addf %parallel_loop3A_495, %parallel_loop3A_499 : vector<16xf32>
        %parallel_loop3A_501 = arith.constant true
        %parallel_loop3A_502 = vector.broadcast %parallel_loop3A_501 : i1 to vector<16xi1>
        %parallel_loop3A_503 = tpu.scan <sum>, %parallel_loop3A_500 masked %parallel_loop3A_502 : vector<16xf32>, vector<16xi1> -> vector<16xf32>
        %parallel_loop3A_504 = vector.extract %parallel_loop3A_503[15] : f32 from vector<16xf32>
        %parallel_loop3A_505 = arith.constant 6 : i32
        %parallel_loop3A_506 = vector.broadcast %parallel_loop3A_505 : i32 to vector<16xi32>
        %parallel_loop3A_507 = arith.cmpi eq, %iota3A, %parallel_loop3A_506 : vector<16xi32>
        %parallel_loop3A_508 = vector.broadcast %parallel_loop3A_504 : f32 to vector<16xf32>
        %parallel_loop3A_509 = arith.addf %parallel_loop3A_475, %parallel_loop3A_508 : vector<16xf32>
        %parallel_loop3A_510 = arith.select %parallel_loop3A_507, %parallel_loop3A_509, %parallel_loop3A_475 : vector<16xi1>, vector<16xf32>
        %parallel_loop3A_511 = arith.constant 16 : i32
        %parallel_loop3A_512 = arith.muli %parallel_loop3A_263, %parallel_loop3A_511 : i32
        %parallel_loop3A_513 = arith.constant 0 : i32
        %parallel_loop3A_514 = arith.addi %parallel_loop3A_513, %parallel_loop3A_512 : i32
        %parallel_loop3A_515 = arith.constant 7 : i32
        %parallel_loop3A_516 = arith.addi %parallel_loop3A_514, %parallel_loop3A_515 : i32
        %parallel_loop3A_517 = arith.index_cast %parallel_loop3A_516 : i32 to index
        %parallel_loop3A_518 = arith.constant 0 : index
        %parallel_loop3A_519 = tpu.vector_load %arg10[%parallel_loop3A_517, %parallel_loop3A_518] {strides = array<i32>} : memref<864x64xbf16, #tpu.memory_space<vmem>>, vector<32xbf16>,
        %parallel_loop3A_520 = arith.mulf %parallel_loop3A_519, %get3A_168 : vector<32xbf16>
        %parallel_loop3A_521 = arith.index_cast %parallel_loop3A_516 : i32 to index
        %parallel_loop3A_522 = arith.constant 32 : index
        %parallel_loop3A_523 = tpu.vector_load %arg10[%parallel_loop3A_521, %parallel_loop3A_522] {strides = array<i32>} : memref<864x64xbf16, #tpu.memory_space<vmem>>, vector<32xbf16>,
        %parallel_loop3A_524 = arith.mulf %parallel_loop3A_523, %get3A_171 : vector<32xbf16>
        %parallel_loop3A_525 = arith.addf %parallel_loop3A_520, %parallel_loop3A_524 : vector<32xbf16>
        %parallel_loop3A_526 = vector.bitcast %parallel_loop3A_525 : vector<32xbf16> to vector<16xi32>
        %parallel_loop3A_527 = arith.constant -65536 : i32
        %parallel_loop3A_528 = vector.broadcast %parallel_loop3A_527 : i32 to vector<16xi32>
        %parallel_loop3A_529 = arith.andi %parallel_loop3A_526, %parallel_loop3A_528 : vector<16xi32>
        %parallel_loop3A_530 = vector.bitcast %parallel_loop3A_529 : vector<16xi32> to vector<16xf32>
        %parallel_loop3A_531 = arith.constant 16 : i32
        %parallel_loop3A_532 = vector.broadcast %parallel_loop3A_531 : i32 to vector<16xi32>
        %parallel_loop3A_533 = arith.shli %parallel_loop3A_526, %parallel_loop3A_532 : vector<16xi32>
        %parallel_loop3A_534 = vector.bitcast %parallel_loop3A_533 : vector<16xi32> to vector<16xf32>
        %parallel_loop3A_535 = arith.addf %parallel_loop3A_530, %parallel_loop3A_534 : vector<16xf32>
        %parallel_loop3A_536 = arith.constant true
        %parallel_loop3A_537 = vector.broadcast %parallel_loop3A_536 : i1 to vector<16xi1>
        %parallel_loop3A_538 = tpu.scan <sum>, %parallel_loop3A_535 masked %parallel_loop3A_537 : vector<16xf32>, vector<16xi1> -> vector<16xf32>
        %parallel_loop3A_539 = vector.extract %parallel_loop3A_538[15] : f32 from vector<16xf32>
        %parallel_loop3A_540 = arith.constant 7 : i32
        %parallel_loop3A_541 = vector.broadcast %parallel_loop3A_540 : i32 to vector<16xi32>
        %parallel_loop3A_542 = arith.cmpi eq, %iota3A, %parallel_loop3A_541 : vector<16xi32>
        %parallel_loop3A_543 = vector.broadcast %parallel_loop3A_539 : f32 to vector<16xf32>
        %parallel_loop3A_544 = arith.addf %parallel_loop3A_510, %parallel_loop3A_543 : vector<16xf32>
        %parallel_loop3A_545 = arith.select %parallel_loop3A_542, %parallel_loop3A_544, %parallel_loop3A_510 : vector<16xi1>, vector<16xf32>
        %parallel_loop3A_546 = arith.constant 16 : i32
        %parallel_loop3A_547 = arith.muli %parallel_loop3A_263, %parallel_loop3A_546 : i32
        %parallel_loop3A_548 = arith.constant 0 : i32
        %parallel_loop3A_549 = arith.addi %parallel_loop3A_548, %parallel_loop3A_547 : i32
        %parallel_loop3A_550 = arith.constant 8 : i32
        %parallel_loop3A_551 = arith.addi %parallel_loop3A_549, %parallel_loop3A_550 : i32
        %parallel_loop3A_552 = arith.index_cast %parallel_loop3A_551 : i32 to index
        %parallel_loop3A_553 = arith.constant 0 : index
        %parallel_loop3A_554 = tpu.vector_load %arg10[%parallel_loop3A_552, %parallel_loop3A_553] {strides = array<i32>} : memref<864x64xbf16, #tpu.memory_space<vmem>>, vector<32xbf16>,
        %parallel_loop3A_555 = arith.mulf %parallel_loop3A_554, %get3A_168 : vector<32xbf16>
        %parallel_loop3A_556 = arith.index_cast %parallel_loop3A_551 : i32 to index
        %parallel_loop3A_557 = arith.constant 32 : index
        %parallel_loop3A_558 = tpu.vector_load %arg10[%parallel_loop3A_556, %parallel_loop3A_557] {strides = array<i32>} : memref<864x64xbf16, #tpu.memory_space<vmem>>, vector<32xbf16>,
        %parallel_loop3A_559 = arith.mulf %parallel_loop3A_558, %get3A_171 : vector<32xbf16>
        %parallel_loop3A_560 = arith.addf %parallel_loop3A_555, %parallel_loop3A_559 : vector<32xbf16>
        %parallel_loop3A_561 = vector.bitcast %parallel_loop3A_560 : vector<32xbf16> to vector<16xi32>
        %parallel_loop3A_562 = arith.constant -65536 : i32
        %parallel_loop3A_563 = vector.broadcast %parallel_loop3A_562 : i32 to vector<16xi32>
        %parallel_loop3A_564 = arith.andi %parallel_loop3A_561, %parallel_loop3A_563 : vector<16xi32>
        %parallel_loop3A_565 = vector.bitcast %parallel_loop3A_564 : vector<16xi32> to vector<16xf32>
        %parallel_loop3A_566 = arith.constant 16 : i32
        %parallel_loop3A_567 = vector.broadcast %parallel_loop3A_566 : i32 to vector<16xi32>
        %parallel_loop3A_568 = arith.shli %parallel_loop3A_561, %parallel_loop3A_567 : vector<16xi32>
        %parallel_loop3A_569 = vector.bitcast %parallel_loop3A_568 : vector<16xi32> to vector<16xf32>
        %parallel_loop3A_570 = arith.addf %parallel_loop3A_565, %parallel_loop3A_569 : vector<16xf32>
        %parallel_loop3A_571 = arith.constant true
        %parallel_loop3A_572 = vector.broadcast %parallel_loop3A_571 : i1 to vector<16xi1>
        %parallel_loop3A_573 = tpu.scan <sum>, %parallel_loop3A_570 masked %parallel_loop3A_572 : vector<16xf32>, vector<16xi1> -> vector<16xf32>
        %parallel_loop3A_574 = vector.extract %parallel_loop3A_573[15] : f32 from vector<16xf32>
        %parallel_loop3A_575 = arith.constant 8 : i32
        %parallel_loop3A_576 = vector.broadcast %parallel_loop3A_575 : i32 to vector<16xi32>
        %parallel_loop3A_577 = arith.cmpi eq, %iota3A, %parallel_loop3A_576 : vector<16xi32>
        %parallel_loop3A_578 = vector.broadcast %parallel_loop3A_574 : f32 to vector<16xf32>
        %parallel_loop3A_579 = arith.addf %parallel_loop3A_545, %parallel_loop3A_578 : vector<16xf32>
        %parallel_loop3A_580 = arith.select %parallel_loop3A_577, %parallel_loop3A_579, %parallel_loop3A_545 : vector<16xi1>, vector<16xf32>
        %parallel_loop3A_581 = arith.constant 16 : i32
        %parallel_loop3A_582 = arith.muli %parallel_loop3A_263, %parallel_loop3A_581 : i32
        %parallel_loop3A_583 = arith.constant 0 : i32
        %parallel_loop3A_584 = arith.addi %parallel_loop3A_583, %parallel_loop3A_582 : i32
        %parallel_loop3A_585 = arith.constant 9 : i32
        %parallel_loop3A_586 = arith.addi %parallel_loop3A_584, %parallel_loop3A_585 : i32
        %parallel_loop3A_587 = arith.index_cast %parallel_loop3A_586 : i32 to index
        %parallel_loop3A_588 = arith.constant 0 : index
        %parallel_loop3A_589 = tpu.vector_load %arg10[%parallel_loop3A_587, %parallel_loop3A_588] {strides = array<i32>} : memref<864x64xbf16, #tpu.memory_space<vmem>>, vector<32xbf16>,
        %parallel_loop3A_590 = arith.mulf %parallel_loop3A_589, %get3A_168 : vector<32xbf16>
        %parallel_loop3A_591 = arith.index_cast %parallel_loop3A_586 : i32 to index
        %parallel_loop3A_592 = arith.constant 32 : index
        %parallel_loop3A_593 = tpu.vector_load %arg10[%parallel_loop3A_591, %parallel_loop3A_592] {strides = array<i32>} : memref<864x64xbf16, #tpu.memory_space<vmem>>, vector<32xbf16>,
        %parallel_loop3A_594 = arith.mulf %parallel_loop3A_593, %get3A_171 : vector<32xbf16>
        %parallel_loop3A_595 = arith.addf %parallel_loop3A_590, %parallel_loop3A_594 : vector<32xbf16>
        %parallel_loop3A_596 = vector.bitcast %parallel_loop3A_595 : vector<32xbf16> to vector<16xi32>
        %parallel_loop3A_597 = arith.constant -65536 : i32
        %parallel_loop3A_598 = vector.broadcast %parallel_loop3A_597 : i32 to vector<16xi32>
        %parallel_loop3A_599 = arith.andi %parallel_loop3A_596, %parallel_loop3A_598 : vector<16xi32>
        %parallel_loop3A_600 = vector.bitcast %parallel_loop3A_599 : vector<16xi32> to vector<16xf32>
        %parallel_loop3A_601 = arith.constant 16 : i32
        %parallel_loop3A_602 = vector.broadcast %parallel_loop3A_601 : i32 to vector<16xi32>
        %parallel_loop3A_603 = arith.shli %parallel_loop3A_596, %parallel_loop3A_602 : vector<16xi32>
        %parallel_loop3A_604 = vector.bitcast %parallel_loop3A_603 : vector<16xi32> to vector<16xf32>
        %parallel_loop3A_605 = arith.addf %parallel_loop3A_600, %parallel_loop3A_604 : vector<16xf32>
        %parallel_loop3A_606 = arith.constant true
        %parallel_loop3A_607 = vector.broadcast %parallel_loop3A_606 : i1 to vector<16xi1>
        %parallel_loop3A_608 = tpu.scan <sum>, %parallel_loop3A_605 masked %parallel_loop3A_607 : vector<16xf32>, vector<16xi1> -> vector<16xf32>
        %parallel_loop3A_609 = vector.extract %parallel_loop3A_608[15] : f32 from vector<16xf32>
        %parallel_loop3A_610 = arith.constant 9 : i32
        %parallel_loop3A_611 = vector.broadcast %parallel_loop3A_610 : i32 to vector<16xi32>
        %parallel_loop3A_612 = arith.cmpi eq, %iota3A, %parallel_loop3A_611 : vector<16xi32>
        %parallel_loop3A_613 = vector.broadcast %parallel_loop3A_609 : f32 to vector<16xf32>
        %parallel_loop3A_614 = arith.addf %parallel_loop3A_580, %parallel_loop3A_613 : vector<16xf32>
        %parallel_loop3A_615 = arith.select %parallel_loop3A_612, %parallel_loop3A_614, %parallel_loop3A_580 : vector<16xi1>, vector<16xf32>
        %parallel_loop3A_616 = arith.constant 16 : i32
        %parallel_loop3A_617 = arith.muli %parallel_loop3A_263, %parallel_loop3A_616 : i32
        %parallel_loop3A_618 = arith.constant 0 : i32
        %parallel_loop3A_619 = arith.addi %parallel_loop3A_618, %parallel_loop3A_617 : i32
        %parallel_loop3A_620 = arith.constant 10 : i32
        %parallel_loop3A_621 = arith.addi %parallel_loop3A_619, %parallel_loop3A_620 : i32
        %parallel_loop3A_622 = arith.index_cast %parallel_loop3A_621 : i32 to index
        %parallel_loop3A_623 = arith.constant 0 : index
        %parallel_loop3A_624 = tpu.vector_load %arg10[%parallel_loop3A_622, %parallel_loop3A_623] {strides = array<i32>} : memref<864x64xbf16, #tpu.memory_space<vmem>>, vector<32xbf16>,
        %parallel_loop3A_625 = arith.mulf %parallel_loop3A_624, %get3A_168 : vector<32xbf16>
        %parallel_loop3A_626 = arith.index_cast %parallel_loop3A_621 : i32 to index
        %parallel_loop3A_627 = arith.constant 32 : index
        %parallel_loop3A_628 = tpu.vector_load %arg10[%parallel_loop3A_626, %parallel_loop3A_627] {strides = array<i32>} : memref<864x64xbf16, #tpu.memory_space<vmem>>, vector<32xbf16>,
        %parallel_loop3A_629 = arith.mulf %parallel_loop3A_628, %get3A_171 : vector<32xbf16>
        %parallel_loop3A_630 = arith.addf %parallel_loop3A_625, %parallel_loop3A_629 : vector<32xbf16>
        %parallel_loop3A_631 = vector.bitcast %parallel_loop3A_630 : vector<32xbf16> to vector<16xi32>
        %parallel_loop3A_632 = arith.constant -65536 : i32
        %parallel_loop3A_633 = vector.broadcast %parallel_loop3A_632 : i32 to vector<16xi32>
        %parallel_loop3A_634 = arith.andi %parallel_loop3A_631, %parallel_loop3A_633 : vector<16xi32>
        %parallel_loop3A_635 = vector.bitcast %parallel_loop3A_634 : vector<16xi32> to vector<16xf32>
        %parallel_loop3A_636 = arith.constant 16 : i32
        %parallel_loop3A_637 = vector.broadcast %parallel_loop3A_636 : i32 to vector<16xi32>
        %parallel_loop3A_638 = arith.shli %parallel_loop3A_631, %parallel_loop3A_637 : vector<16xi32>
        %parallel_loop3A_639 = vector.bitcast %parallel_loop3A_638 : vector<16xi32> to vector<16xf32>
        %parallel_loop3A_640 = arith.addf %parallel_loop3A_635, %parallel_loop3A_639 : vector<16xf32>
        %parallel_loop3A_641 = arith.constant true
        %parallel_loop3A_642 = vector.broadcast %parallel_loop3A_641 : i1 to vector<16xi1>
        %parallel_loop3A_643 = tpu.scan <sum>, %parallel_loop3A_640 masked %parallel_loop3A_642 : vector<16xf32>, vector<16xi1> -> vector<16xf32>
        %parallel_loop3A_644 = vector.extract %parallel_loop3A_643[15] : f32 from vector<16xf32>
        %parallel_loop3A_645 = arith.constant 10 : i32
        %parallel_loop3A_646 = vector.broadcast %parallel_loop3A_645 : i32 to vector<16xi32>
        %parallel_loop3A_647 = arith.cmpi eq, %iota3A, %parallel_loop3A_646 : vector<16xi32>
        %parallel_loop3A_648 = vector.broadcast %parallel_loop3A_644 : f32 to vector<16xf32>
        %parallel_loop3A_649 = arith.addf %parallel_loop3A_615, %parallel_loop3A_648 : vector<16xf32>
        %parallel_loop3A_650 = arith.select %parallel_loop3A_647, %parallel_loop3A_649, %parallel_loop3A_615 : vector<16xi1>, vector<16xf32>
        %parallel_loop3A_651 = arith.constant 16 : i32
        %parallel_loop3A_652 = arith.muli %parallel_loop3A_263, %parallel_loop3A_651 : i32
        %parallel_loop3A_653 = arith.constant 0 : i32
        %parallel_loop3A_654 = arith.addi %parallel_loop3A_653, %parallel_loop3A_652 : i32
        %parallel_loop3A_655 = arith.constant 11 : i32
        %parallel_loop3A_656 = arith.addi %parallel_loop3A_654, %parallel_loop3A_655 : i32
        %parallel_loop3A_657 = arith.index_cast %parallel_loop3A_656 : i32 to index
        %parallel_loop3A_658 = arith.constant 0 : index
        %parallel_loop3A_659 = tpu.vector_load %arg10[%parallel_loop3A_657, %parallel_loop3A_658] {strides = array<i32>} : memref<864x64xbf16, #tpu.memory_space<vmem>>, vector<32xbf16>,
        %parallel_loop3A_660 = arith.mulf %parallel_loop3A_659, %get3A_168 : vector<32xbf16>
        %parallel_loop3A_661 = arith.index_cast %parallel_loop3A_656 : i32 to index
        %parallel_loop3A_662 = arith.constant 32 : index
        %parallel_loop3A_663 = tpu.vector_load %arg10[%parallel_loop3A_661, %parallel_loop3A_662] {strides = array<i32>} : memref<864x64xbf16, #tpu.memory_space<vmem>>, vector<32xbf16>,
        %parallel_loop3A_664 = arith.mulf %parallel_loop3A_663, %get3A_171 : vector<32xbf16>
        %parallel_loop3A_665 = arith.addf %parallel_loop3A_660, %parallel_loop3A_664 : vector<32xbf16>
        %parallel_loop3A_666 = vector.bitcast %parallel_loop3A_665 : vector<32xbf16> to vector<16xi32>
        %parallel_loop3A_667 = arith.constant -65536 : i32
        %parallel_loop3A_668 = vector.broadcast %parallel_loop3A_667 : i32 to vector<16xi32>
        %parallel_loop3A_669 = arith.andi %parallel_loop3A_666, %parallel_loop3A_668 : vector<16xi32>
        %parallel_loop3A_670 = vector.bitcast %parallel_loop3A_669 : vector<16xi32> to vector<16xf32>
        %parallel_loop3A_671 = arith.constant 16 : i32
        %parallel_loop3A_672 = vector.broadcast %parallel_loop3A_671 : i32 to vector<16xi32>
        %parallel_loop3A_673 = arith.shli %parallel_loop3A_666, %parallel_loop3A_672 : vector<16xi32>
        %parallel_loop3A_674 = vector.bitcast %parallel_loop3A_673 : vector<16xi32> to vector<16xf32>
        %parallel_loop3A_675 = arith.addf %parallel_loop3A_670, %parallel_loop3A_674 : vector<16xf32>
        %parallel_loop3A_676 = arith.constant true
        %parallel_loop3A_677 = vector.broadcast %parallel_loop3A_676 : i1 to vector<16xi1>
        %parallel_loop3A_678 = tpu.scan <sum>, %parallel_loop3A_675 masked %parallel_loop3A_677 : vector<16xf32>, vector<16xi1> -> vector<16xf32>
        %parallel_loop3A_679 = vector.extract %parallel_loop3A_678[15] : f32 from vector<16xf32>
        %parallel_loop3A_680 = arith.constant 11 : i32
        %parallel_loop3A_681 = vector.broadcast %parallel_loop3A_680 : i32 to vector<16xi32>
        %parallel_loop3A_682 = arith.cmpi eq, %iota3A, %parallel_loop3A_681 : vector<16xi32>
        %parallel_loop3A_683 = vector.broadcast %parallel_loop3A_679 : f32 to vector<16xf32>
        %parallel_loop3A_684 = arith.addf %parallel_loop3A_650, %parallel_loop3A_683 : vector<16xf32>
        %parallel_loop3A_685 = arith.select %parallel_loop3A_682, %parallel_loop3A_684, %parallel_loop3A_650 : vector<16xi1>, vector<16xf32>
        %parallel_loop3A_686 = arith.constant 16 : i32
        %parallel_loop3A_687 = arith.muli %parallel_loop3A_263, %parallel_loop3A_686 : i32
        %parallel_loop3A_688 = arith.constant 0 : i32
        %parallel_loop3A_689 = arith.addi %parallel_loop3A_688, %parallel_loop3A_687 : i32
        %parallel_loop3A_690 = arith.constant 12 : i32
        %parallel_loop3A_691 = arith.addi %parallel_loop3A_689, %parallel_loop3A_690 : i32
        %parallel_loop3A_692 = arith.index_cast %parallel_loop3A_691 : i32 to index
        %parallel_loop3A_693 = arith.constant 0 : index
        %parallel_loop3A_694 = tpu.vector_load %arg10[%parallel_loop3A_692, %parallel_loop3A_693] {strides = array<i32>} : memref<864x64xbf16, #tpu.memory_space<vmem>>, vector<32xbf16>,
        %parallel_loop3A_695 = arith.mulf %parallel_loop3A_694, %get3A_168 : vector<32xbf16>
        %parallel_loop3A_696 = arith.index_cast %parallel_loop3A_691 : i32 to index
        %parallel_loop3A_697 = arith.constant 32 : index
        %parallel_loop3A_698 = tpu.vector_load %arg10[%parallel_loop3A_696, %parallel_loop3A_697] {strides = array<i32>} : memref<864x64xbf16, #tpu.memory_space<vmem>>, vector<32xbf16>,
        %parallel_loop3A_699 = arith.mulf %parallel_loop3A_698, %get3A_171 : vector<32xbf16>
        %parallel_loop3A_700 = arith.addf %parallel_loop3A_695, %parallel_loop3A_699 : vector<32xbf16>
        %parallel_loop3A_701 = vector.bitcast %parallel_loop3A_700 : vector<32xbf16> to vector<16xi32>
        %parallel_loop3A_702 = arith.constant -65536 : i32
        %parallel_loop3A_703 = vector.broadcast %parallel_loop3A_702 : i32 to vector<16xi32>
        %parallel_loop3A_704 = arith.andi %parallel_loop3A_701, %parallel_loop3A_703 : vector<16xi32>
        %parallel_loop3A_705 = vector.bitcast %parallel_loop3A_704 : vector<16xi32> to vector<16xf32>
        %parallel_loop3A_706 = arith.constant 16 : i32
        %parallel_loop3A_707 = vector.broadcast %parallel_loop3A_706 : i32 to vector<16xi32>
        %parallel_loop3A_708 = arith.shli %parallel_loop3A_701, %parallel_loop3A_707 : vector<16xi32>
        %parallel_loop3A_709 = vector.bitcast %parallel_loop3A_708 : vector<16xi32> to vector<16xf32>
        %parallel_loop3A_710 = arith.addf %parallel_loop3A_705, %parallel_loop3A_709 : vector<16xf32>
        %parallel_loop3A_711 = arith.constant true
        %parallel_loop3A_712 = vector.broadcast %parallel_loop3A_711 : i1 to vector<16xi1>
        %parallel_loop3A_713 = tpu.scan <sum>, %parallel_loop3A_710 masked %parallel_loop3A_712 : vector<16xf32>, vector<16xi1> -> vector<16xf32>
        %parallel_loop3A_714 = vector.extract %parallel_loop3A_713[15] : f32 from vector<16xf32>
        %parallel_loop3A_715 = arith.constant 12 : i32
        %parallel_loop3A_716 = vector.broadcast %parallel_loop3A_715 : i32 to vector<16xi32>
        %parallel_loop3A_717 = arith.cmpi eq, %iota3A, %parallel_loop3A_716 : vector<16xi32>
        %parallel_loop3A_718 = vector.broadcast %parallel_loop3A_714 : f32 to vector<16xf32>
        %parallel_loop3A_719 = arith.addf %parallel_loop3A_685, %parallel_loop3A_718 : vector<16xf32>
        %parallel_loop3A_720 = arith.select %parallel_loop3A_717, %parallel_loop3A_719, %parallel_loop3A_685 : vector<16xi1>, vector<16xf32>
        %parallel_loop3A_721 = arith.constant 16 : i32
        %parallel_loop3A_722 = arith.muli %parallel_loop3A_263, %parallel_loop3A_721 : i32
        %parallel_loop3A_723 = arith.constant 0 : i32
        %parallel_loop3A_724 = arith.addi %parallel_loop3A_723, %parallel_loop3A_722 : i32
        %parallel_loop3A_725 = arith.constant 13 : i32
        %parallel_loop3A_726 = arith.addi %parallel_loop3A_724, %parallel_loop3A_725 : i32
        %parallel_loop3A_727 = arith.index_cast %parallel_loop3A_726 : i32 to index
        %parallel_loop3A_728 = arith.constant 0 : index
        %parallel_loop3A_729 = tpu.vector_load %arg10[%parallel_loop3A_727, %parallel_loop3A_728] {strides = array<i32>} : memref<864x64xbf16, #tpu.memory_space<vmem>>, vector<32xbf16>,
        %parallel_loop3A_730 = arith.mulf %parallel_loop3A_729, %get3A_168 : vector<32xbf16>
        %parallel_loop3A_731 = arith.index_cast %parallel_loop3A_726 : i32 to index
        %parallel_loop3A_732 = arith.constant 32 : index
        %parallel_loop3A_733 = tpu.vector_load %arg10[%parallel_loop3A_731, %parallel_loop3A_732] {strides = array<i32>} : memref<864x64xbf16, #tpu.memory_space<vmem>>, vector<32xbf16>,
        %parallel_loop3A_734 = arith.mulf %parallel_loop3A_733, %get3A_171 : vector<32xbf16>
        %parallel_loop3A_735 = arith.addf %parallel_loop3A_730, %parallel_loop3A_734 : vector<32xbf16>
        %parallel_loop3A_736 = vector.bitcast %parallel_loop3A_735 : vector<32xbf16> to vector<16xi32>
        %parallel_loop3A_737 = arith.constant -65536 : i32
        %parallel_loop3A_738 = vector.broadcast %parallel_loop3A_737 : i32 to vector<16xi32>
        %parallel_loop3A_739 = arith.andi %parallel_loop3A_736, %parallel_loop3A_738 : vector<16xi32>
        %parallel_loop3A_740 = vector.bitcast %parallel_loop3A_739 : vector<16xi32> to vector<16xf32>
        %parallel_loop3A_741 = arith.constant 16 : i32
        %parallel_loop3A_742 = vector.broadcast %parallel_loop3A_741 : i32 to vector<16xi32>
        %parallel_loop3A_743 = arith.shli %parallel_loop3A_736, %parallel_loop3A_742 : vector<16xi32>
        %parallel_loop3A_744 = vector.bitcast %parallel_loop3A_743 : vector<16xi32> to vector<16xf32>
        %parallel_loop3A_745 = arith.addf %parallel_loop3A_740, %parallel_loop3A_744 : vector<16xf32>
        %parallel_loop3A_746 = arith.constant true
        %parallel_loop3A_747 = vector.broadcast %parallel_loop3A_746 : i1 to vector<16xi1>
        %parallel_loop3A_748 = tpu.scan <sum>, %parallel_loop3A_745 masked %parallel_loop3A_747 : vector<16xf32>, vector<16xi1> -> vector<16xf32>
        %parallel_loop3A_749 = vector.extract %parallel_loop3A_748[15] : f32 from vector<16xf32>
        %parallel_loop3A_750 = arith.constant 13 : i32
        %parallel_loop3A_751 = vector.broadcast %parallel_loop3A_750 : i32 to vector<16xi32>
        %parallel_loop3A_752 = arith.cmpi eq, %iota3A, %parallel_loop3A_751 : vector<16xi32>
        %parallel_loop3A_753 = vector.broadcast %parallel_loop3A_749 : f32 to vector<16xf32>
        %parallel_loop3A_754 = arith.addf %parallel_loop3A_720, %parallel_loop3A_753 : vector<16xf32>
        %parallel_loop3A_755 = arith.select %parallel_loop3A_752, %parallel_loop3A_754, %parallel_loop3A_720 : vector<16xi1>, vector<16xf32>
        %parallel_loop3A_756 = arith.constant 16 : i32
        %parallel_loop3A_757 = arith.muli %parallel_loop3A_263, %parallel_loop3A_756 : i32
        %parallel_loop3A_758 = arith.constant 0 : i32
        %parallel_loop3A_759 = arith.addi %parallel_loop3A_758, %parallel_loop3A_757 : i32
        %parallel_loop3A_760 = arith.constant 14 : i32
        %parallel_loop3A_761 = arith.addi %parallel_loop3A_759, %parallel_loop3A_760 : i32
        %parallel_loop3A_762 = arith.index_cast %parallel_loop3A_761 : i32 to index
        %parallel_loop3A_763 = arith.constant 0 : index
        %parallel_loop3A_764 = tpu.vector_load %arg10[%parallel_loop3A_762, %parallel_loop3A_763] {strides = array<i32>} : memref<864x64xbf16, #tpu.memory_space<vmem>>, vector<32xbf16>,
        %parallel_loop3A_765 = arith.mulf %parallel_loop3A_764, %get3A_168 : vector<32xbf16>
        %parallel_loop3A_766 = arith.index_cast %parallel_loop3A_761 : i32 to index
        %parallel_loop3A_767 = arith.constant 32 : index
        %parallel_loop3A_768 = tpu.vector_load %arg10[%parallel_loop3A_766, %parallel_loop3A_767] {strides = array<i32>} : memref<864x64xbf16, #tpu.memory_space<vmem>>, vector<32xbf16>,
        %parallel_loop3A_769 = arith.mulf %parallel_loop3A_768, %get3A_171 : vector<32xbf16>
        %parallel_loop3A_770 = arith.addf %parallel_loop3A_765, %parallel_loop3A_769 : vector<32xbf16>
        %parallel_loop3A_771 = vector.bitcast %parallel_loop3A_770 : vector<32xbf16> to vector<16xi32>
        %parallel_loop3A_772 = arith.constant -65536 : i32
        %parallel_loop3A_773 = vector.broadcast %parallel_loop3A_772 : i32 to vector<16xi32>
        %parallel_loop3A_774 = arith.andi %parallel_loop3A_771, %parallel_loop3A_773 : vector<16xi32>
        %parallel_loop3A_775 = vector.bitcast %parallel_loop3A_774 : vector<16xi32> to vector<16xf32>
        %parallel_loop3A_776 = arith.constant 16 : i32
        %parallel_loop3A_777 = vector.broadcast %parallel_loop3A_776 : i32 to vector<16xi32>
        %parallel_loop3A_778 = arith.shli %parallel_loop3A_771, %parallel_loop3A_777 : vector<16xi32>
        %parallel_loop3A_779 = vector.bitcast %parallel_loop3A_778 : vector<16xi32> to vector<16xf32>
        %parallel_loop3A_780 = arith.addf %parallel_loop3A_775, %parallel_loop3A_779 : vector<16xf32>
        %parallel_loop3A_781 = arith.constant true
        %parallel_loop3A_782 = vector.broadcast %parallel_loop3A_781 : i1 to vector<16xi1>
        %parallel_loop3A_783 = tpu.scan <sum>, %parallel_loop3A_780 masked %parallel_loop3A_782 : vector<16xf32>, vector<16xi1> -> vector<16xf32>
        %parallel_loop3A_784 = vector.extract %parallel_loop3A_783[15] : f32 from vector<16xf32>
        %parallel_loop3A_785 = arith.constant 14 : i32
        %parallel_loop3A_786 = vector.broadcast %parallel_loop3A_785 : i32 to vector<16xi32>
        %parallel_loop3A_787 = arith.cmpi eq, %iota3A, %parallel_loop3A_786 : vector<16xi32>
        %parallel_loop3A_788 = vector.broadcast %parallel_loop3A_784 : f32 to vector<16xf32>
        %parallel_loop3A_789 = arith.addf %parallel_loop3A_755, %parallel_loop3A_788 : vector<16xf32>
        %parallel_loop3A_790 = arith.select %parallel_loop3A_787, %parallel_loop3A_789, %parallel_loop3A_755 : vector<16xi1>, vector<16xf32>
        %parallel_loop3A_791 = arith.constant 16 : i32
        %parallel_loop3A_792 = arith.muli %parallel_loop3A_263, %parallel_loop3A_791 : i32
        %parallel_loop3A_793 = arith.constant 0 : i32
        %parallel_loop3A_794 = arith.addi %parallel_loop3A_793, %parallel_loop3A_792 : i32
        %parallel_loop3A_795 = arith.constant 15 : i32
        %parallel_loop3A_796 = arith.addi %parallel_loop3A_794, %parallel_loop3A_795 : i32
        %parallel_loop3A_797 = arith.index_cast %parallel_loop3A_796 : i32 to index
        %parallel_loop3A_798 = arith.constant 0 : index
        %parallel_loop3A_799 = tpu.vector_load %arg10[%parallel_loop3A_797, %parallel_loop3A_798] {strides = array<i32>} : memref<864x64xbf16, #tpu.memory_space<vmem>>, vector<32xbf16>,
        %parallel_loop3A_800 = arith.mulf %parallel_loop3A_799, %get3A_168 : vector<32xbf16>
        %parallel_loop3A_801 = arith.index_cast %parallel_loop3A_796 : i32 to index
        %parallel_loop3A_802 = arith.constant 32 : index
        %parallel_loop3A_803 = tpu.vector_load %arg10[%parallel_loop3A_801, %parallel_loop3A_802] {strides = array<i32>} : memref<864x64xbf16, #tpu.memory_space<vmem>>, vector<32xbf16>,
        %parallel_loop3A_804 = arith.mulf %parallel_loop3A_803, %get3A_171 : vector<32xbf16>
        %parallel_loop3A_805 = arith.addf %parallel_loop3A_800, %parallel_loop3A_804 : vector<32xbf16>
        %parallel_loop3A_806 = vector.bitcast %parallel_loop3A_805 : vector<32xbf16> to vector<16xi32>
        %parallel_loop3A_807 = arith.constant -65536 : i32
        %parallel_loop3A_808 = vector.broadcast %parallel_loop3A_807 : i32 to vector<16xi32>
        %parallel_loop3A_809 = arith.andi %parallel_loop3A_806, %parallel_loop3A_808 : vector<16xi32>
        %parallel_loop3A_810 = vector.bitcast %parallel_loop3A_809 : vector<16xi32> to vector<16xf32>
        %parallel_loop3A_811 = arith.constant 16 : i32
        %parallel_loop3A_812 = vector.broadcast %parallel_loop3A_811 : i32 to vector<16xi32>
        %parallel_loop3A_813 = arith.shli %parallel_loop3A_806, %parallel_loop3A_812 : vector<16xi32>
        %parallel_loop3A_814 = vector.bitcast %parallel_loop3A_813 : vector<16xi32> to vector<16xf32>
        %parallel_loop3A_815 = arith.addf %parallel_loop3A_810, %parallel_loop3A_814 : vector<16xf32>
        %parallel_loop3A_816 = arith.constant true
        %parallel_loop3A_817 = vector.broadcast %parallel_loop3A_816 : i1 to vector<16xi1>
        %parallel_loop3A_818 = tpu.scan <sum>, %parallel_loop3A_815 masked %parallel_loop3A_817 : vector<16xf32>, vector<16xi1> -> vector<16xf32>
        %parallel_loop3A_819 = vector.extract %parallel_loop3A_818[15] : f32 from vector<16xf32>
        %parallel_loop3A_820 = arith.constant 15 : i32
        %parallel_loop3A_821 = vector.broadcast %parallel_loop3A_820 : i32 to vector<16xi32>
        %parallel_loop3A_822 = arith.cmpi eq, %iota3A, %parallel_loop3A_821 : vector<16xi32>
        %parallel_loop3A_823 = vector.broadcast %parallel_loop3A_819 : f32 to vector<16xf32>
        %parallel_loop3A_824 = arith.addf %parallel_loop3A_790, %parallel_loop3A_823 : vector<16xf32>
        %parallel_loop3A_825 = arith.select %parallel_loop3A_822, %parallel_loop3A_824, %parallel_loop3A_790 : vector<16xi1>, vector<16xf32>
        %parallel_loop3A_826 = arith.constant 16 : i32
        %parallel_loop3A_827 = arith.muli %parallel_loop3A_263, %parallel_loop3A_826 : i32
        %parallel_loop3A_828 = arith.index_cast %select_n3A_180 : i32 to index
        %parallel_loop3A_829 = arith.index_cast %parallel_loop3A_827 : i32 to index
        %parallel_loop3A_830 = tpu.vector_load %arg11[%parallel_loop3A_828, %parallel_loop3A_829] {strides = array<i32>} : memref<32x432xf32, #tpu.memory_space<vmem>>, vector<16xf32>,
        tpu.vector_store %arg11[%parallel_loop3A_828, %parallel_loop3A_829], %parallel_loop3A_825 {strides = array<i32>} : memref<32x432xf32, #tpu.memory_space<vmem>>, vector<16xf32>,
      } {sc.loop_unroll_factor = 3 : i64, sc.parallel_access}
      %eq3A_183 = arith.constant 31 : i32
      %eq3A_184 = arith.cmpi eq, %select_n3A_180, %eq3A_183 : i32
      %convert_element_type3A = arith.extui %eq3A_184 : i1 to i32
      %cond3A = arith.constant 0 : i32
      %cond3A_185 = arith.cmpi ne, %convert_element_type3A, %cond3A : i32
      scf.if %cond3A_185 {
        %add3A_263 = arith.addi %mul3A_2, %mul3A_84 : i32
        %sub3A = arith.constant 31 : i32
        %sub3A_264 = arith.subi %add3A_263, %sub3A : i32
        "tpu.region"() ({
          %run_scoped3A = tpu.sem_alloc : memref<!tpu.dma_semaphore, #tpu.memory_space<semaphore_mem>>
          %dma_start3A_265 = arith.constant 0 : i32
          %dma_start3A_266 = tpu.memref_slice %arg6[%sub3A_264, %dma_start3A_265] : memref<4096x432xf32, #tpu.memory_space<hbm>> -> memref<32x432xf32, #tpu.memory_space<hbm>>
          %dma_start3A_267 = arith.constant 0 : i32
          %dma_start3A_268 = tpu.memref_slice %arg6[%sub3A_264, %dma_start3A_267] : memref<4096x432xf32, #tpu.memory_space<hbm>> -> memref<32x432xf32, #tpu.memory_space<hbm>>
          tpu.enqueue_dma source(%arg11 : memref<32x432xf32, #tpu.memory_space<vmem>>) target(%dma_start3A_268 : memref<32x432xf32, #tpu.memory_space<hbm>>) target_semaphore(%run_scoped3A : memref<!tpu.dma_semaphore, #tpu.memory_space<semaphore_mem>>)
          %dma_wait3A_269 = arith.constant 0 : i32
          %dma_wait3A_270 = tpu.memref_slice %arg6[%sub3A_264, %dma_wait3A_269] : memref<4096x432xf32, #tpu.memory_space<hbm>> -> memref<32x432xf32, #tpu.memory_space<hbm>>
          %dma_wait3A_271 = arith.constant 0 : i32
          %dma_wait3A_272 = tpu.memref_slice %arg6[%sub3A_264, %dma_wait3A_271] : memref<4096x432xf32, #tpu.memory_space<hbm>> -> memref<32x432xf32, #tpu.memory_space<hbm>>
          tpu.wait_dma2 semaphore(%run_scoped3A : memref<!tpu.dma_semaphore, #tpu.memory_space<semaphore_mem>>) src(%arg11 : memref<32x432xf32, #tpu.memory_space<vmem>>) dst(%dma_wait3A_272 : memref<32x432xf32, #tpu.memory_space<hbm>>)
          tpu.yield
        }) : () -> ()
      } else {
      }
      %add3A_186 = arith.constant 2 : i32
      %add3A_187 = arith.addi %mul3A_84, %add3A_186 : i32
      %lt3A_188 = arith.constant 128 : i32
      %lt3A_189 = arith.cmpi slt, %add3A_187, %lt3A_188 : i32
      %convert_element_type3A_190 = arith.extui %lt3A_189 : i1 to i32
      %cond3A_191 = arith.constant 0 : i32
      %cond3A_192 = arith.cmpi ne, %convert_element_type3A_190, %cond3A_191 : i32
      scf.if %cond3A_192 {
        %add3A_263 = arith.constant 2 : i32
        %add3A_264 = arith.addi %mul3A_84, %add3A_263 : i32
        %dma_start3A_265 = arith.constant 0 : i32
        %dma_start3A_266 = arith.constant 0 : i32
        %dma_start3A_267 = arith.constant 0 : i32
        %dma_start3A_268 = tpu.memref_slice %arg10[%dma_start3A_266, %dma_start3A_267] : memref<864x64xbf16, #tpu.memory_space<vmem>> -> memref<108x64xbf16, #tpu.memory_space<vmem>>
        %dma_start3A_269 = arith.constant 0 : i32
        %dma_start3A_270 = tpu.memref_slice %arg9[%add3A_264, %dma_start3A_265, %dma_start3A_269] : memref<128x4x108xi32, #tpu.memory_space<vmem>> -> memref<1x1x108xi32, #tpu.memory_space<vmem>>
        %dma_start3A_271 = tpu.memref_squeeze %dma_start3A_270 : memref<1x1x108xi32, #tpu.memory_space<vmem>> -> memref<108xi32, #tpu.memory_space<vmem>>
        %dma_start3A_272 = arith.constant 0 : i32
        %dma_start3A_273 = arith.constant 0 : i32
        %dma_start3A_274 = tpu.memref_slice %arg5[%dma_start3A_272, %dma_start3A_273] : memref<100000x64xbf16, #tpu.memory_space<hbm>> -> memref<100000x64xbf16, #tpu.memory_space<hbm>>
        tpu.enqueue_indirect_dma source(%dma_start3A_274 : memref<100000x64xbf16, #tpu.memory_space<hbm>>) target(%dma_start3A_268 : memref<108x64xbf16, #tpu.memory_space<vmem>>) offsets(%dma_start3A_271 : memref<108xi32, #tpu.memory_space<vmem>>) semaphore(%arg12 : memref<!tpu.dma_semaphore, #tpu.memory_space<semaphore_mem>>)
        %dma_start3A_275 = arith.constant 1 : i32
        %dma_start3A_276 = arith.constant 108 : i32
        %dma_start3A_277 = arith.constant 0 : i32
        %dma_start3A_278 = tpu.memref_slice %arg10[%dma_start3A_276, %dma_start3A_277] : memref<864x64xbf16, #tpu.memory_space<vmem>> -> memref<108x64xbf16, #tpu.memory_space<vmem>>
        %dma_start3A_279 = arith.constant 0 : i32
        %dma_start3A_280 = tpu.memref_slice %arg9[%add3A_264, %dma_start3A_275, %dma_start3A_279] : memref<128x4x108xi32, #tpu.memory_space<vmem>> -> memref<1x1x108xi32, #tpu.memory_space<vmem>>
        %dma_start3A_281 = tpu.memref_squeeze %dma_start3A_280 : memref<1x1x108xi32, #tpu.memory_space<vmem>> -> memref<108xi32, #tpu.memory_space<vmem>>
        %dma_start3A_282 = arith.constant 0 : i32
        %dma_start3A_283 = arith.constant 0 : i32
        %dma_start3A_284 = tpu.memref_slice %arg5[%dma_start3A_282, %dma_start3A_283] : memref<100000x64xbf16, #tpu.memory_space<hbm>> -> memref<100000x64xbf16, #tpu.memory_space<hbm>>
        tpu.enqueue_indirect_dma source(%dma_start3A_284 : memref<100000x64xbf16, #tpu.memory_space<hbm>>) target(%dma_start3A_278 : memref<108x64xbf16, #tpu.memory_space<vmem>>) offsets(%dma_start3A_281 : memref<108xi32, #tpu.memory_space<vmem>>) semaphore(%arg12 : memref<!tpu.dma_semaphore, #tpu.memory_space<semaphore_mem>>)
        %dma_start3A_285 = arith.constant 2 : i32
        %dma_start3A_286 = arith.constant 216 : i32
        %dma_start3A_287 = arith.constant 0 : i32
        %dma_start3A_288 = tpu.memref_slice %arg10[%dma_start3A_286, %dma_start3A_287] : memref<864x64xbf16, #tpu.memory_space<vmem>> -> memref<108x64xbf16, #tpu.memory_space<vmem>>
        %dma_start3A_289 = arith.constant 0 : i32
        %dma_start3A_290 = tpu.memref_slice %arg9[%add3A_264, %dma_start3A_285, %dma_start3A_289] : memref<128x4x108xi32, #tpu.memory_space<vmem>> -> memref<1x1x108xi32, #tpu.memory_space<vmem>>
        %dma_start3A_291 = tpu.memref_squeeze %dma_start3A_290 : memref<1x1x108xi32, #tpu.memory_space<vmem>> -> memref<108xi32, #tpu.memory_space<vmem>>
        %dma_start3A_292 = arith.constant 0 : i32
        %dma_start3A_293 = arith.constant 0 : i32
        %dma_start3A_294 = tpu.memref_slice %arg5[%dma_start3A_292, %dma_start3A_293] : memref<100000x64xbf16, #tpu.memory_space<hbm>> -> memref<100000x64xbf16, #tpu.memory_space<hbm>>
        tpu.enqueue_indirect_dma source(%dma_start3A_294 : memref<100000x64xbf16, #tpu.memory_space<hbm>>) target(%dma_start3A_288 : memref<108x64xbf16, #tpu.memory_space<vmem>>) offsets(%dma_start3A_291 : memref<108xi32, #tpu.memory_space<vmem>>) semaphore(%arg12 : memref<!tpu.dma_semaphore, #tpu.memory_space<semaphore_mem>>)
        %dma_start3A_295 = arith.constant 3 : i32
        %dma_start3A_296 = arith.constant 324 : i32
        %dma_start3A_297 = arith.constant 0 : i32
        %dma_start3A_298 = tpu.memref_slice %arg10[%dma_start3A_296, %dma_start3A_297] : memref<864x64xbf16, #tpu.memory_space<vmem>> -> memref<108x64xbf16, #tpu.memory_space<vmem>>
        %dma_start3A_299 = arith.constant 0 : i32
        %dma_start3A_300 = tpu.memref_slice %arg9[%add3A_264, %dma_start3A_295, %dma_start3A_299] : memref<128x4x108xi32, #tpu.memory_space<vmem>> -> memref<1x1x108xi32, #tpu.memory_space<vmem>>
        %dma_start3A_301 = tpu.memref_squeeze %dma_start3A_300 : memref<1x1x108xi32, #tpu.memory_space<vmem>> -> memref<108xi32, #tpu.memory_space<vmem>>
        %dma_start3A_302 = arith.constant 0 : i32
        %dma_start3A_303 = arith.constant 0 : i32
        %dma_start3A_304 = tpu.memref_slice %arg5[%dma_start3A_302, %dma_start3A_303] : memref<100000x64xbf16, #tpu.memory_space<hbm>> -> memref<100000x64xbf16, #tpu.memory_space<hbm>>
        tpu.enqueue_indirect_dma source(%dma_start3A_304 : memref<100000x64xbf16, #tpu.memory_space<hbm>>) target(%dma_start3A_298 : memref<108x64xbf16, #tpu.memory_space<vmem>>) offsets(%dma_start3A_301 : memref<108xi32, #tpu.memory_space<vmem>>) semaphore(%arg12 : memref<!tpu.dma_semaphore, #tpu.memory_space<semaphore_mem>>)
      } else {
      }
      %dma_wait3A_193 = arith.constant 0 : i32
      %dma_wait3A_194 = arith.constant 432 : i32
      %dma_wait3A_195 = arith.constant 0 : i32
      %dma_wait3A_196 = tpu.memref_slice %arg10[%dma_wait3A_194, %dma_wait3A_195] : memref<864x64xbf16, #tpu.memory_space<vmem>> -> memref<108x64xbf16, #tpu.memory_space<vmem>>
      %dma_wait3A_197 = arith.constant 0 : i32
      %dma_wait3A_198 = tpu.memref_slice %arg9[%add3A_86, %dma_wait3A_193, %dma_wait3A_197] : memref<128x4x108xi32, #tpu.memory_space<vmem>> -> memref<1x1x108xi32, #tpu.memory_space<vmem>>
      %dma_wait3A_199 = tpu.memref_squeeze %dma_wait3A_198 : memref<1x1x108xi32, #tpu.memory_space<vmem>> -> memref<108xi32, #tpu.memory_space<vmem>>
      %dma_wait3A_200 = arith.constant 0 : i32
      %dma_wait3A_201 = arith.constant 0 : i32
      %dma_wait3A_202 = tpu.memref_slice %arg5[%dma_wait3A_200, %dma_wait3A_201] : memref<100000x64xbf16, #tpu.memory_space<hbm>> -> memref<100000x64xbf16, #tpu.memory_space<hbm>>
      tpu.wait_indirect_dma semaphore(%arg12 : memref<!tpu.dma_semaphore, #tpu.memory_space<semaphore_mem>>) src(%dma_wait3A_202 : memref<100000x64xbf16, #tpu.memory_space<hbm>>) dst(%dma_wait3A_196 : memref<108x64xbf16, #tpu.memory_space<vmem>>)
      %dma_wait3A_203 = arith.constant 1 : i32
      %dma_wait3A_204 = arith.constant 540 : i32
      %dma_wait3A_205 = arith.constant 0 : i32
      %dma_wait3A_206 = tpu.memref_slice %arg10[%dma_wait3A_204, %dma_wait3A_205] : memref<864x64xbf16, #tpu.memory_space<vmem>> -> memref<108x64xbf16, #tpu.memory_space<vmem>>
      %dma_wait3A_207 = arith.constant 0 : i32
      %dma_wait3A_208 = tpu.memref_slice %arg9[%add3A_86, %dma_wait3A_203, %dma_wait3A_207] : memref<128x4x108xi32, #tpu.memory_space<vmem>> -> memref<1x1x108xi32, #tpu.memory_space<vmem>>
      %dma_wait3A_209 = tpu.memref_squeeze %dma_wait3A_208 : memref<1x1x108xi32, #tpu.memory_space<vmem>> -> memref<108xi32, #tpu.memory_space<vmem>>
      %dma_wait3A_210 = arith.constant 0 : i32
      %dma_wait3A_211 = arith.constant 0 : i32
      %dma_wait3A_212 = tpu.memref_slice %arg5[%dma_wait3A_210, %dma_wait3A_211] : memref<100000x64xbf16, #tpu.memory_space<hbm>> -> memref<100000x64xbf16, #tpu.memory_space<hbm>>
      tpu.wait_indirect_dma semaphore(%arg12 : memref<!tpu.dma_semaphore, #tpu.memory_space<semaphore_mem>>) src(%dma_wait3A_212 : memref<100000x64xbf16, #tpu.memory_space<hbm>>) dst(%dma_wait3A_206 : memref<108x64xbf16, #tpu.memory_space<vmem>>)
      %dma_wait3A_213 = arith.constant 2 : i32
      %dma_wait3A_214 = arith.constant 648 : i32
      %dma_wait3A_215 = arith.constant 0 : i32
      %dma_wait3A_216 = tpu.memref_slice %arg10[%dma_wait3A_214, %dma_wait3A_215] : memref<864x64xbf16, #tpu.memory_space<vmem>> -> memref<108x64xbf16, #tpu.memory_space<vmem>>
      %dma_wait3A_217 = arith.constant 0 : i32
      %dma_wait3A_218 = tpu.memref_slice %arg9[%add3A_86, %dma_wait3A_213, %dma_wait3A_217] : memref<128x4x108xi32, #tpu.memory_space<vmem>> -> memref<1x1x108xi32, #tpu.memory_space<vmem>>
      %dma_wait3A_219 = tpu.memref_squeeze %dma_wait3A_218 : memref<1x1x108xi32, #tpu.memory_space<vmem>> -> memref<108xi32, #tpu.memory_space<vmem>>
      %dma_wait3A_220 = arith.constant 0 : i32
      %dma_wait3A_221 = arith.constant 0 : i32
      %dma_wait3A_222 = tpu.memref_slice %arg5[%dma_wait3A_220, %dma_wait3A_221] : memref<100000x64xbf16, #tpu.memory_space<hbm>> -> memref<100000x64xbf16, #tpu.memory_space<hbm>>
      tpu.wait_indirect_dma semaphore(%arg12 : memref<!tpu.dma_semaphore, #tpu.memory_space<semaphore_mem>>) src(%dma_wait3A_222 : memref<100000x64xbf16, #tpu.memory_space<hbm>>) dst(%dma_wait3A_216 : memref<108x64xbf16, #tpu.memory_space<vmem>>)
      %dma_wait3A_223 = arith.constant 3 : i32
      %dma_wait3A_224 = arith.constant 756 : i32
      %dma_wait3A_225 = arith.constant 0 : i32
      %dma_wait3A_226 = tpu.memref_slice %arg10[%dma_wait3A_224, %dma_wait3A_225] : memref<864x64xbf16, #tpu.memory_space<vmem>> -> memref<108x64xbf16, #tpu.memory_space<vmem>>
      %dma_wait3A_227 = arith.constant 0 : i32
      %dma_wait3A_228 = tpu.memref_slice %arg9[%add3A_86, %dma_wait3A_223, %dma_wait3A_227] : memref<128x4x108xi32, #tpu.memory_space<vmem>> -> memref<1x1x108xi32, #tpu.memory_space<vmem>>
      %dma_wait3A_229 = tpu.memref_squeeze %dma_wait3A_228 : memref<1x1x108xi32, #tpu.memory_space<vmem>> -> memref<108xi32, #tpu.memory_space<vmem>>
      %dma_wait3A_230 = arith.constant 0 : i32
      %dma_wait3A_231 = arith.constant 0 : i32
      %dma_wait3A_232 = tpu.memref_slice %arg5[%dma_wait3A_230, %dma_wait3A_231] : memref<100000x64xbf16, #tpu.memory_space<hbm>> -> memref<100000x64xbf16, #tpu.memory_space<hbm>>
      tpu.wait_indirect_dma semaphore(%arg12 : memref<!tpu.dma_semaphore, #tpu.memory_space<semaphore_mem>>) src(%dma_wait3A_232 : memref<100000x64xbf16, #tpu.memory_space<hbm>>) dst(%dma_wait3A_226 : memref<108x64xbf16, #tpu.memory_space<vmem>>)
      %get3A_233 = arith.index_cast %add3A_86 : i32 to index
      %get3A_234 = arith.constant 0 : index
      %get3A_235 = tpu.vector_load %arg8[%get3A_233, %get3A_234] {strides = array<i32>} : memref<128x64xbf16, #tpu.memory_space<vmem>>, vector<32xbf16>,
      %get3A_236 = arith.index_cast %add3A_86 : i32 to index
      %get3A_237 = arith.constant 32 : index
      %get3A_238 = tpu.vector_load %arg8[%get3A_236, %get3A_237] {strides = array<i32>} : memref<128x64xbf16, #tpu.memory_space<vmem>>, vector<32xbf16>,
      %jit3A_239 = arith.constant 32 : i32
      %eq3A_240 = arith.constant 0 : i32
      %eq3A_241 = arith.cmpi eq, %jit3A_239, %eq3A_240 : i32
      %jit3A_242 = arith.constant 1 : i32
      %select_n3A_243 = arith.select %eq3A_241, %jit3A_242, %jit3A_239 : i32
      %rem3A_244 = arith.remsi %add3A_86, %select_n3A_243 : i32
      %ne3A_245 = arith.constant 0 : i32
      %ne3A_246 = arith.cmpi ne, %rem3A_244, %ne3A_245 : i32
      %lt3A_247 = arith.constant 0 : i32
      %lt3A_248 = arith.cmpi slt, %rem3A_244, %lt3A_247 : i32
      %lt3A_249 = arith.constant 0 : i32
      %lt3A_250 = arith.cmpi slt, %select_n3A_243, %lt3A_249 : i32
      %ne3A_251 = arith.xori %lt3A_248, %lt3A_250 : i1
      %and3A_252 = arith.andi %ne3A_251, %ne3A_246 : i1
      %add3A_253 = arith.addi %rem3A_244, %select_n3A_243 : i32
      %select_n3A_254 = arith.select %and3A_252, %add3A_253, %rem3A_244 : i32
      %parallel_loop3A_255 = arith.constant 0 : i32
      %parallel_loop3A_256 = arith.constant 27 : i32
      %parallel_loop3A_257 = arith.constant 1 : i32
      scf.for %parallel_loop3A_263 = %parallel_loop3A_255 to %parallel_loop3A_256 step %parallel_loop3A_257  : i32 {
        %parallel_loop3A_264 = arith.constant 0.000000e+00 : f32
        %parallel_loop3A_265 = vector.broadcast %parallel_loop3A_264 : f32 to vector<16xf32>
        %parallel_loop3A_266 = arith.constant 16 : i32
        %parallel_loop3A_267 = arith.muli %parallel_loop3A_263, %parallel_loop3A_266 : i32
        %parallel_loop3A_268 = arith.constant 432 : i32
        %parallel_loop3A_269 = arith.addi %parallel_loop3A_268, %parallel_loop3A_267 : i32
        %parallel_loop3A_270 = arith.constant 0 : i32
        %parallel_loop3A_271 = arith.addi %parallel_loop3A_269, %parallel_loop3A_270 : i32
        %parallel_loop3A_272 = arith.index_cast %parallel_loop3A_271 : i32 to index
        %parallel_loop3A_273 = arith.constant 0 : index
        %parallel_loop3A_274 = tpu.vector_load %arg10[%parallel_loop3A_272, %parallel_loop3A_273] {strides = array<i32>} : memref<864x64xbf16, #tpu.memory_space<vmem>>, vector<32xbf16>,
        %parallel_loop3A_275 = arith.mulf %parallel_loop3A_274, %get3A_235 : vector<32xbf16>
        %parallel_loop3A_276 = arith.index_cast %parallel_loop3A_271 : i32 to index
        %parallel_loop3A_277 = arith.constant 32 : index
        %parallel_loop3A_278 = tpu.vector_load %arg10[%parallel_loop3A_276, %parallel_loop3A_277] {strides = array<i32>} : memref<864x64xbf16, #tpu.memory_space<vmem>>, vector<32xbf16>,
        %parallel_loop3A_279 = arith.mulf %parallel_loop3A_278, %get3A_238 : vector<32xbf16>
        %parallel_loop3A_280 = arith.addf %parallel_loop3A_275, %parallel_loop3A_279 : vector<32xbf16>
        %parallel_loop3A_281 = vector.bitcast %parallel_loop3A_280 : vector<32xbf16> to vector<16xi32>
        %parallel_loop3A_282 = arith.constant -65536 : i32
        %parallel_loop3A_283 = vector.broadcast %parallel_loop3A_282 : i32 to vector<16xi32>
        %parallel_loop3A_284 = arith.andi %parallel_loop3A_281, %parallel_loop3A_283 : vector<16xi32>
        %parallel_loop3A_285 = vector.bitcast %parallel_loop3A_284 : vector<16xi32> to vector<16xf32>
        %parallel_loop3A_286 = arith.constant 16 : i32
        %parallel_loop3A_287 = vector.broadcast %parallel_loop3A_286 : i32 to vector<16xi32>
        %parallel_loop3A_288 = arith.shli %parallel_loop3A_281, %parallel_loop3A_287 : vector<16xi32>
        %parallel_loop3A_289 = vector.bitcast %parallel_loop3A_288 : vector<16xi32> to vector<16xf32>
        %parallel_loop3A_290 = arith.addf %parallel_loop3A_285, %parallel_loop3A_289 : vector<16xf32>
        %parallel_loop3A_291 = arith.constant true
        %parallel_loop3A_292 = vector.broadcast %parallel_loop3A_291 : i1 to vector<16xi1>
        %parallel_loop3A_293 = tpu.scan <sum>, %parallel_loop3A_290 masked %parallel_loop3A_292 : vector<16xf32>, vector<16xi1> -> vector<16xf32>
        %parallel_loop3A_294 = vector.extract %parallel_loop3A_293[15] : f32 from vector<16xf32>
        %parallel_loop3A_295 = arith.constant 0 : i32
        %parallel_loop3A_296 = vector.broadcast %parallel_loop3A_295 : i32 to vector<16xi32>
        %parallel_loop3A_297 = arith.cmpi eq, %iota3A, %parallel_loop3A_296 : vector<16xi32>
        %parallel_loop3A_298 = vector.broadcast %parallel_loop3A_294 : f32 to vector<16xf32>
        %parallel_loop3A_299 = arith.addf %parallel_loop3A_265, %parallel_loop3A_298 : vector<16xf32>
        %parallel_loop3A_300 = arith.select %parallel_loop3A_297, %parallel_loop3A_299, %parallel_loop3A_265 : vector<16xi1>, vector<16xf32>
        %parallel_loop3A_301 = arith.constant 16 : i32
        %parallel_loop3A_302 = arith.muli %parallel_loop3A_263, %parallel_loop3A_301 : i32
        %parallel_loop3A_303 = arith.constant 432 : i32
        %parallel_loop3A_304 = arith.addi %parallel_loop3A_303, %parallel_loop3A_302 : i32
        %parallel_loop3A_305 = arith.constant 1 : i32
        %parallel_loop3A_306 = arith.addi %parallel_loop3A_304, %parallel_loop3A_305 : i32
        %parallel_loop3A_307 = arith.index_cast %parallel_loop3A_306 : i32 to index
        %parallel_loop3A_308 = arith.constant 0 : index
        %parallel_loop3A_309 = tpu.vector_load %arg10[%parallel_loop3A_307, %parallel_loop3A_308] {strides = array<i32>} : memref<864x64xbf16, #tpu.memory_space<vmem>>, vector<32xbf16>,
        %parallel_loop3A_310 = arith.mulf %parallel_loop3A_309, %get3A_235 : vector<32xbf16>
        %parallel_loop3A_311 = arith.index_cast %parallel_loop3A_306 : i32 to index
        %parallel_loop3A_312 = arith.constant 32 : index
        %parallel_loop3A_313 = tpu.vector_load %arg10[%parallel_loop3A_311, %parallel_loop3A_312] {strides = array<i32>} : memref<864x64xbf16, #tpu.memory_space<vmem>>, vector<32xbf16>,
        %parallel_loop3A_314 = arith.mulf %parallel_loop3A_313, %get3A_238 : vector<32xbf16>
        %parallel_loop3A_315 = arith.addf %parallel_loop3A_310, %parallel_loop3A_314 : vector<32xbf16>
        %parallel_loop3A_316 = vector.bitcast %parallel_loop3A_315 : vector<32xbf16> to vector<16xi32>
        %parallel_loop3A_317 = arith.constant -65536 : i32
        %parallel_loop3A_318 = vector.broadcast %parallel_loop3A_317 : i32 to vector<16xi32>
        %parallel_loop3A_319 = arith.andi %parallel_loop3A_316, %parallel_loop3A_318 : vector<16xi32>
        %parallel_loop3A_320 = vector.bitcast %parallel_loop3A_319 : vector<16xi32> to vector<16xf32>
        %parallel_loop3A_321 = arith.constant 16 : i32
        %parallel_loop3A_322 = vector.broadcast %parallel_loop3A_321 : i32 to vector<16xi32>
        %parallel_loop3A_323 = arith.shli %parallel_loop3A_316, %parallel_loop3A_322 : vector<16xi32>
        %parallel_loop3A_324 = vector.bitcast %parallel_loop3A_323 : vector<16xi32> to vector<16xf32>
        %parallel_loop3A_325 = arith.addf %parallel_loop3A_320, %parallel_loop3A_324 : vector<16xf32>
        %parallel_loop3A_326 = arith.constant true
        %parallel_loop3A_327 = vector.broadcast %parallel_loop3A_326 : i1 to vector<16xi1>
        %parallel_loop3A_328 = tpu.scan <sum>, %parallel_loop3A_325 masked %parallel_loop3A_327 : vector<16xf32>, vector<16xi1> -> vector<16xf32>
        %parallel_loop3A_329 = vector.extract %parallel_loop3A_328[15] : f32 from vector<16xf32>
        %parallel_loop3A_330 = arith.constant 1 : i32
        %parallel_loop3A_331 = vector.broadcast %parallel_loop3A_330 : i32 to vector<16xi32>
        %parallel_loop3A_332 = arith.cmpi eq, %iota3A, %parallel_loop3A_331 : vector<16xi32>
        %parallel_loop3A_333 = vector.broadcast %parallel_loop3A_329 : f32 to vector<16xf32>
        %parallel_loop3A_334 = arith.addf %parallel_loop3A_300, %parallel_loop3A_333 : vector<16xf32>
        %parallel_loop3A_335 = arith.select %parallel_loop3A_332, %parallel_loop3A_334, %parallel_loop3A_300 : vector<16xi1>, vector<16xf32>
        %parallel_loop3A_336 = arith.constant 16 : i32
        %parallel_loop3A_337 = arith.muli %parallel_loop3A_263, %parallel_loop3A_336 : i32
        %parallel_loop3A_338 = arith.constant 432 : i32
        %parallel_loop3A_339 = arith.addi %parallel_loop3A_338, %parallel_loop3A_337 : i32
        %parallel_loop3A_340 = arith.constant 2 : i32
        %parallel_loop3A_341 = arith.addi %parallel_loop3A_339, %parallel_loop3A_340 : i32
        %parallel_loop3A_342 = arith.index_cast %parallel_loop3A_341 : i32 to index
        %parallel_loop3A_343 = arith.constant 0 : index
        %parallel_loop3A_344 = tpu.vector_load %arg10[%parallel_loop3A_342, %parallel_loop3A_343] {strides = array<i32>} : memref<864x64xbf16, #tpu.memory_space<vmem>>, vector<32xbf16>,
        %parallel_loop3A_345 = arith.mulf %parallel_loop3A_344, %get3A_235 : vector<32xbf16>
        %parallel_loop3A_346 = arith.index_cast %parallel_loop3A_341 : i32 to index
        %parallel_loop3A_347 = arith.constant 32 : index
        %parallel_loop3A_348 = tpu.vector_load %arg10[%parallel_loop3A_346, %parallel_loop3A_347] {strides = array<i32>} : memref<864x64xbf16, #tpu.memory_space<vmem>>, vector<32xbf16>,
        %parallel_loop3A_349 = arith.mulf %parallel_loop3A_348, %get3A_238 : vector<32xbf16>
        %parallel_loop3A_350 = arith.addf %parallel_loop3A_345, %parallel_loop3A_349 : vector<32xbf16>
        %parallel_loop3A_351 = vector.bitcast %parallel_loop3A_350 : vector<32xbf16> to vector<16xi32>
        %parallel_loop3A_352 = arith.constant -65536 : i32
        %parallel_loop3A_353 = vector.broadcast %parallel_loop3A_352 : i32 to vector<16xi32>
        %parallel_loop3A_354 = arith.andi %parallel_loop3A_351, %parallel_loop3A_353 : vector<16xi32>
        %parallel_loop3A_355 = vector.bitcast %parallel_loop3A_354 : vector<16xi32> to vector<16xf32>
        %parallel_loop3A_356 = arith.constant 16 : i32
        %parallel_loop3A_357 = vector.broadcast %parallel_loop3A_356 : i32 to vector<16xi32>
        %parallel_loop3A_358 = arith.shli %parallel_loop3A_351, %parallel_loop3A_357 : vector<16xi32>
        %parallel_loop3A_359 = vector.bitcast %parallel_loop3A_358 : vector<16xi32> to vector<16xf32>
        %parallel_loop3A_360 = arith.addf %parallel_loop3A_355, %parallel_loop3A_359 : vector<16xf32>
        %parallel_loop3A_361 = arith.constant true
        %parallel_loop3A_362 = vector.broadcast %parallel_loop3A_361 : i1 to vector<16xi1>
        %parallel_loop3A_363 = tpu.scan <sum>, %parallel_loop3A_360 masked %parallel_loop3A_362 : vector<16xf32>, vector<16xi1> -> vector<16xf32>
        %parallel_loop3A_364 = vector.extract %parallel_loop3A_363[15] : f32 from vector<16xf32>
        %parallel_loop3A_365 = arith.constant 2 : i32
        %parallel_loop3A_366 = vector.broadcast %parallel_loop3A_365 : i32 to vector<16xi32>
        %parallel_loop3A_367 = arith.cmpi eq, %iota3A, %parallel_loop3A_366 : vector<16xi32>
        %parallel_loop3A_368 = vector.broadcast %parallel_loop3A_364 : f32 to vector<16xf32>
        %parallel_loop3A_369 = arith.addf %parallel_loop3A_335, %parallel_loop3A_368 : vector<16xf32>
        %parallel_loop3A_370 = arith.select %parallel_loop3A_367, %parallel_loop3A_369, %parallel_loop3A_335 : vector<16xi1>, vector<16xf32>
        %parallel_loop3A_371 = arith.constant 16 : i32
        %parallel_loop3A_372 = arith.muli %parallel_loop3A_263, %parallel_loop3A_371 : i32
        %parallel_loop3A_373 = arith.constant 432 : i32
        %parallel_loop3A_374 = arith.addi %parallel_loop3A_373, %parallel_loop3A_372 : i32
        %parallel_loop3A_375 = arith.constant 3 : i32
        %parallel_loop3A_376 = arith.addi %parallel_loop3A_374, %parallel_loop3A_375 : i32
        %parallel_loop3A_377 = arith.index_cast %parallel_loop3A_376 : i32 to index
        %parallel_loop3A_378 = arith.constant 0 : index
        %parallel_loop3A_379 = tpu.vector_load %arg10[%parallel_loop3A_377, %parallel_loop3A_378] {strides = array<i32>} : memref<864x64xbf16, #tpu.memory_space<vmem>>, vector<32xbf16>,
        %parallel_loop3A_380 = arith.mulf %parallel_loop3A_379, %get3A_235 : vector<32xbf16>
        %parallel_loop3A_381 = arith.index_cast %parallel_loop3A_376 : i32 to index
        %parallel_loop3A_382 = arith.constant 32 : index
        %parallel_loop3A_383 = tpu.vector_load %arg10[%parallel_loop3A_381, %parallel_loop3A_382] {strides = array<i32>} : memref<864x64xbf16, #tpu.memory_space<vmem>>, vector<32xbf16>,
        %parallel_loop3A_384 = arith.mulf %parallel_loop3A_383, %get3A_238 : vector<32xbf16>
        %parallel_loop3A_385 = arith.addf %parallel_loop3A_380, %parallel_loop3A_384 : vector<32xbf16>
        %parallel_loop3A_386 = vector.bitcast %parallel_loop3A_385 : vector<32xbf16> to vector<16xi32>
        %parallel_loop3A_387 = arith.constant -65536 : i32
        %parallel_loop3A_388 = vector.broadcast %parallel_loop3A_387 : i32 to vector<16xi32>
        %parallel_loop3A_389 = arith.andi %parallel_loop3A_386, %parallel_loop3A_388 : vector<16xi32>
        %parallel_loop3A_390 = vector.bitcast %parallel_loop3A_389 : vector<16xi32> to vector<16xf32>
        %parallel_loop3A_391 = arith.constant 16 : i32
        %parallel_loop3A_392 = vector.broadcast %parallel_loop3A_391 : i32 to vector<16xi32>
        %parallel_loop3A_393 = arith.shli %parallel_loop3A_386, %parallel_loop3A_392 : vector<16xi32>
        %parallel_loop3A_394 = vector.bitcast %parallel_loop3A_393 : vector<16xi32> to vector<16xf32>
        %parallel_loop3A_395 = arith.addf %parallel_loop3A_390, %parallel_loop3A_394 : vector<16xf32>
        %parallel_loop3A_396 = arith.constant true
        %parallel_loop3A_397 = vector.broadcast %parallel_loop3A_396 : i1 to vector<16xi1>
        %parallel_loop3A_398 = tpu.scan <sum>, %parallel_loop3A_395 masked %parallel_loop3A_397 : vector<16xf32>, vector<16xi1> -> vector<16xf32>
        %parallel_loop3A_399 = vector.extract %parallel_loop3A_398[15] : f32 from vector<16xf32>
        %parallel_loop3A_400 = arith.constant 3 : i32
        %parallel_loop3A_401 = vector.broadcast %parallel_loop3A_400 : i32 to vector<16xi32>
        %parallel_loop3A_402 = arith.cmpi eq, %iota3A, %parallel_loop3A_401 : vector<16xi32>
        %parallel_loop3A_403 = vector.broadcast %parallel_loop3A_399 : f32 to vector<16xf32>
        %parallel_loop3A_404 = arith.addf %parallel_loop3A_370, %parallel_loop3A_403 : vector<16xf32>
        %parallel_loop3A_405 = arith.select %parallel_loop3A_402, %parallel_loop3A_404, %parallel_loop3A_370 : vector<16xi1>, vector<16xf32>
        %parallel_loop3A_406 = arith.constant 16 : i32
        %parallel_loop3A_407 = arith.muli %parallel_loop3A_263, %parallel_loop3A_406 : i32
        %parallel_loop3A_408 = arith.constant 432 : i32
        %parallel_loop3A_409 = arith.addi %parallel_loop3A_408, %parallel_loop3A_407 : i32
        %parallel_loop3A_410 = arith.constant 4 : i32
        %parallel_loop3A_411 = arith.addi %parallel_loop3A_409, %parallel_loop3A_410 : i32
        %parallel_loop3A_412 = arith.index_cast %parallel_loop3A_411 : i32 to index
        %parallel_loop3A_413 = arith.constant 0 : index
        %parallel_loop3A_414 = tpu.vector_load %arg10[%parallel_loop3A_412, %parallel_loop3A_413] {strides = array<i32>} : memref<864x64xbf16, #tpu.memory_space<vmem>>, vector<32xbf16>,
        %parallel_loop3A_415 = arith.mulf %parallel_loop3A_414, %get3A_235 : vector<32xbf16>
        %parallel_loop3A_416 = arith.index_cast %parallel_loop3A_411 : i32 to index
        %parallel_loop3A_417 = arith.constant 32 : index
        %parallel_loop3A_418 = tpu.vector_load %arg10[%parallel_loop3A_416, %parallel_loop3A_417] {strides = array<i32>} : memref<864x64xbf16, #tpu.memory_space<vmem>>, vector<32xbf16>,
        %parallel_loop3A_419 = arith.mulf %parallel_loop3A_418, %get3A_238 : vector<32xbf16>
        %parallel_loop3A_420 = arith.addf %parallel_loop3A_415, %parallel_loop3A_419 : vector<32xbf16>
        %parallel_loop3A_421 = vector.bitcast %parallel_loop3A_420 : vector<32xbf16> to vector<16xi32>
        %parallel_loop3A_422 = arith.constant -65536 : i32
        %parallel_loop3A_423 = vector.broadcast %parallel_loop3A_422 : i32 to vector<16xi32>
        %parallel_loop3A_424 = arith.andi %parallel_loop3A_421, %parallel_loop3A_423 : vector<16xi32>
        %parallel_loop3A_425 = vector.bitcast %parallel_loop3A_424 : vector<16xi32> to vector<16xf32>
        %parallel_loop3A_426 = arith.constant 16 : i32
        %parallel_loop3A_427 = vector.broadcast %parallel_loop3A_426 : i32 to vector<16xi32>
        %parallel_loop3A_428 = arith.shli %parallel_loop3A_421, %parallel_loop3A_427 : vector<16xi32>
        %parallel_loop3A_429 = vector.bitcast %parallel_loop3A_428 : vector<16xi32> to vector<16xf32>
        %parallel_loop3A_430 = arith.addf %parallel_loop3A_425, %parallel_loop3A_429 : vector<16xf32>
        %parallel_loop3A_431 = arith.constant true
        %parallel_loop3A_432 = vector.broadcast %parallel_loop3A_431 : i1 to vector<16xi1>
        %parallel_loop3A_433 = tpu.scan <sum>, %parallel_loop3A_430 masked %parallel_loop3A_432 : vector<16xf32>, vector<16xi1> -> vector<16xf32>
        %parallel_loop3A_434 = vector.extract %parallel_loop3A_433[15] : f32 from vector<16xf32>
        %parallel_loop3A_435 = arith.constant 4 : i32
        %parallel_loop3A_436 = vector.broadcast %parallel_loop3A_435 : i32 to vector<16xi32>
        %parallel_loop3A_437 = arith.cmpi eq, %iota3A, %parallel_loop3A_436 : vector<16xi32>
        %parallel_loop3A_438 = vector.broadcast %parallel_loop3A_434 : f32 to vector<16xf32>
        %parallel_loop3A_439 = arith.addf %parallel_loop3A_405, %parallel_loop3A_438 : vector<16xf32>
        %parallel_loop3A_440 = arith.select %parallel_loop3A_437, %parallel_loop3A_439, %parallel_loop3A_405 : vector<16xi1>, vector<16xf32>
        %parallel_loop3A_441 = arith.constant 16 : i32
        %parallel_loop3A_442 = arith.muli %parallel_loop3A_263, %parallel_loop3A_441 : i32
        %parallel_loop3A_443 = arith.constant 432 : i32
        %parallel_loop3A_444 = arith.addi %parallel_loop3A_443, %parallel_loop3A_442 : i32
        %parallel_loop3A_445 = arith.constant 5 : i32
        %parallel_loop3A_446 = arith.addi %parallel_loop3A_444, %parallel_loop3A_445 : i32
        %parallel_loop3A_447 = arith.index_cast %parallel_loop3A_446 : i32 to index
        %parallel_loop3A_448 = arith.constant 0 : index
        %parallel_loop3A_449 = tpu.vector_load %arg10[%parallel_loop3A_447, %parallel_loop3A_448] {strides = array<i32>} : memref<864x64xbf16, #tpu.memory_space<vmem>>, vector<32xbf16>,
        %parallel_loop3A_450 = arith.mulf %parallel_loop3A_449, %get3A_235 : vector<32xbf16>
        %parallel_loop3A_451 = arith.index_cast %parallel_loop3A_446 : i32 to index
        %parallel_loop3A_452 = arith.constant 32 : index
        %parallel_loop3A_453 = tpu.vector_load %arg10[%parallel_loop3A_451, %parallel_loop3A_452] {strides = array<i32>} : memref<864x64xbf16, #tpu.memory_space<vmem>>, vector<32xbf16>,
        %parallel_loop3A_454 = arith.mulf %parallel_loop3A_453, %get3A_238 : vector<32xbf16>
        %parallel_loop3A_455 = arith.addf %parallel_loop3A_450, %parallel_loop3A_454 : vector<32xbf16>
        %parallel_loop3A_456 = vector.bitcast %parallel_loop3A_455 : vector<32xbf16> to vector<16xi32>
        %parallel_loop3A_457 = arith.constant -65536 : i32
        %parallel_loop3A_458 = vector.broadcast %parallel_loop3A_457 : i32 to vector<16xi32>
        %parallel_loop3A_459 = arith.andi %parallel_loop3A_456, %parallel_loop3A_458 : vector<16xi32>
        %parallel_loop3A_460 = vector.bitcast %parallel_loop3A_459 : vector<16xi32> to vector<16xf32>
        %parallel_loop3A_461 = arith.constant 16 : i32
        %parallel_loop3A_462 = vector.broadcast %parallel_loop3A_461 : i32 to vector<16xi32>
        %parallel_loop3A_463 = arith.shli %parallel_loop3A_456, %parallel_loop3A_462 : vector<16xi32>
        %parallel_loop3A_464 = vector.bitcast %parallel_loop3A_463 : vector<16xi32> to vector<16xf32>
        %parallel_loop3A_465 = arith.addf %parallel_loop3A_460, %parallel_loop3A_464 : vector<16xf32>
        %parallel_loop3A_466 = arith.constant true
        %parallel_loop3A_467 = vector.broadcast %parallel_loop3A_466 : i1 to vector<16xi1>
        %parallel_loop3A_468 = tpu.scan <sum>, %parallel_loop3A_465 masked %parallel_loop3A_467 : vector<16xf32>, vector<16xi1> -> vector<16xf32>
        %parallel_loop3A_469 = vector.extract %parallel_loop3A_468[15] : f32 from vector<16xf32>
        %parallel_loop3A_470 = arith.constant 5 : i32
        %parallel_loop3A_471 = vector.broadcast %parallel_loop3A_470 : i32 to vector<16xi32>
        %parallel_loop3A_472 = arith.cmpi eq, %iota3A, %parallel_loop3A_471 : vector<16xi32>
        %parallel_loop3A_473 = vector.broadcast %parallel_loop3A_469 : f32 to vector<16xf32>
        %parallel_loop3A_474 = arith.addf %parallel_loop3A_440, %parallel_loop3A_473 : vector<16xf32>
        %parallel_loop3A_475 = arith.select %parallel_loop3A_472, %parallel_loop3A_474, %parallel_loop3A_440 : vector<16xi1>, vector<16xf32>
        %parallel_loop3A_476 = arith.constant 16 : i32
        %parallel_loop3A_477 = arith.muli %parallel_loop3A_263, %parallel_loop3A_476 : i32
        %parallel_loop3A_478 = arith.constant 432 : i32
        %parallel_loop3A_479 = arith.addi %parallel_loop3A_478, %parallel_loop3A_477 : i32
        %parallel_loop3A_480 = arith.constant 6 : i32
        %parallel_loop3A_481 = arith.addi %parallel_loop3A_479, %parallel_loop3A_480 : i32
        %parallel_loop3A_482 = arith.index_cast %parallel_loop3A_481 : i32 to index
        %parallel_loop3A_483 = arith.constant 0 : index
        %parallel_loop3A_484 = tpu.vector_load %arg10[%parallel_loop3A_482, %parallel_loop3A_483] {strides = array<i32>} : memref<864x64xbf16, #tpu.memory_space<vmem>>, vector<32xbf16>,
        %parallel_loop3A_485 = arith.mulf %parallel_loop3A_484, %get3A_235 : vector<32xbf16>
        %parallel_loop3A_486 = arith.index_cast %parallel_loop3A_481 : i32 to index
        %parallel_loop3A_487 = arith.constant 32 : index
        %parallel_loop3A_488 = tpu.vector_load %arg10[%parallel_loop3A_486, %parallel_loop3A_487] {strides = array<i32>} : memref<864x64xbf16, #tpu.memory_space<vmem>>, vector<32xbf16>,
        %parallel_loop3A_489 = arith.mulf %parallel_loop3A_488, %get3A_238 : vector<32xbf16>
        %parallel_loop3A_490 = arith.addf %parallel_loop3A_485, %parallel_loop3A_489 : vector<32xbf16>
        %parallel_loop3A_491 = vector.bitcast %parallel_loop3A_490 : vector<32xbf16> to vector<16xi32>
        %parallel_loop3A_492 = arith.constant -65536 : i32
        %parallel_loop3A_493 = vector.broadcast %parallel_loop3A_492 : i32 to vector<16xi32>
        %parallel_loop3A_494 = arith.andi %parallel_loop3A_491, %parallel_loop3A_493 : vector<16xi32>
        %parallel_loop3A_495 = vector.bitcast %parallel_loop3A_494 : vector<16xi32> to vector<16xf32>
        %parallel_loop3A_496 = arith.constant 16 : i32
        %parallel_loop3A_497 = vector.broadcast %parallel_loop3A_496 : i32 to vector<16xi32>
        %parallel_loop3A_498 = arith.shli %parallel_loop3A_491, %parallel_loop3A_497 : vector<16xi32>
        %parallel_loop3A_499 = vector.bitcast %parallel_loop3A_498 : vector<16xi32> to vector<16xf32>
        %parallel_loop3A_500 = arith.addf %parallel_loop3A_495, %parallel_loop3A_499 : vector<16xf32>
        %parallel_loop3A_501 = arith.constant true
        %parallel_loop3A_502 = vector.broadcast %parallel_loop3A_501 : i1 to vector<16xi1>
        %parallel_loop3A_503 = tpu.scan <sum>, %parallel_loop3A_500 masked %parallel_loop3A_502 : vector<16xf32>, vector<16xi1> -> vector<16xf32>
        %parallel_loop3A_504 = vector.extract %parallel_loop3A_503[15] : f32 from vector<16xf32>
        %parallel_loop3A_505 = arith.constant 6 : i32
        %parallel_loop3A_506 = vector.broadcast %parallel_loop3A_505 : i32 to vector<16xi32>
        %parallel_loop3A_507 = arith.cmpi eq, %iota3A, %parallel_loop3A_506 : vector<16xi32>
        %parallel_loop3A_508 = vector.broadcast %parallel_loop3A_504 : f32 to vector<16xf32>
        %parallel_loop3A_509 = arith.addf %parallel_loop3A_475, %parallel_loop3A_508 : vector<16xf32>
        %parallel_loop3A_510 = arith.select %parallel_loop3A_507, %parallel_loop3A_509, %parallel_loop3A_475 : vector<16xi1>, vector<16xf32>
        %parallel_loop3A_511 = arith.constant 16 : i32
        %parallel_loop3A_512 = arith.muli %parallel_loop3A_263, %parallel_loop3A_511 : i32
        %parallel_loop3A_513 = arith.constant 432 : i32
        %parallel_loop3A_514 = arith.addi %parallel_loop3A_513, %parallel_loop3A_512 : i32
        %parallel_loop3A_515 = arith.constant 7 : i32
        %parallel_loop3A_516 = arith.addi %parallel_loop3A_514, %parallel_loop3A_515 : i32
        %parallel_loop3A_517 = arith.index_cast %parallel_loop3A_516 : i32 to index
        %parallel_loop3A_518 = arith.constant 0 : index
        %parallel_loop3A_519 = tpu.vector_load %arg10[%parallel_loop3A_517, %parallel_loop3A_518] {strides = array<i32>} : memref<864x64xbf16, #tpu.memory_space<vmem>>, vector<32xbf16>,
        %parallel_loop3A_520 = arith.mulf %parallel_loop3A_519, %get3A_235 : vector<32xbf16>
        %parallel_loop3A_521 = arith.index_cast %parallel_loop3A_516 : i32 to index
        %parallel_loop3A_522 = arith.constant 32 : index
        %parallel_loop3A_523 = tpu.vector_load %arg10[%parallel_loop3A_521, %parallel_loop3A_522] {strides = array<i32>} : memref<864x64xbf16, #tpu.memory_space<vmem>>, vector<32xbf16>,
        %parallel_loop3A_524 = arith.mulf %parallel_loop3A_523, %get3A_238 : vector<32xbf16>
        %parallel_loop3A_525 = arith.addf %parallel_loop3A_520, %parallel_loop3A_524 : vector<32xbf16>
        %parallel_loop3A_526 = vector.bitcast %parallel_loop3A_525 : vector<32xbf16> to vector<16xi32>
        %parallel_loop3A_527 = arith.constant -65536 : i32
        %parallel_loop3A_528 = vector.broadcast %parallel_loop3A_527 : i32 to vector<16xi32>
        %parallel_loop3A_529 = arith.andi %parallel_loop3A_526, %parallel_loop3A_528 : vector<16xi32>
        %parallel_loop3A_530 = vector.bitcast %parallel_loop3A_529 : vector<16xi32> to vector<16xf32>
        %parallel_loop3A_531 = arith.constant 16 : i32
        %parallel_loop3A_532 = vector.broadcast %parallel_loop3A_531 : i32 to vector<16xi32>
        %parallel_loop3A_533 = arith.shli %parallel_loop3A_526, %parallel_loop3A_532 : vector<16xi32>
        %parallel_loop3A_534 = vector.bitcast %parallel_loop3A_533 : vector<16xi32> to vector<16xf32>
        %parallel_loop3A_535 = arith.addf %parallel_loop3A_530, %parallel_loop3A_534 : vector<16xf32>
        %parallel_loop3A_536 = arith.constant true
        %parallel_loop3A_537 = vector.broadcast %parallel_loop3A_536 : i1 to vector<16xi1>
        %parallel_loop3A_538 = tpu.scan <sum>, %parallel_loop3A_535 masked %parallel_loop3A_537 : vector<16xf32>, vector<16xi1> -> vector<16xf32>
        %parallel_loop3A_539 = vector.extract %parallel_loop3A_538[15] : f32 from vector<16xf32>
        %parallel_loop3A_540 = arith.constant 7 : i32
        %parallel_loop3A_541 = vector.broadcast %parallel_loop3A_540 : i32 to vector<16xi32>
        %parallel_loop3A_542 = arith.cmpi eq, %iota3A, %parallel_loop3A_541 : vector<16xi32>
        %parallel_loop3A_543 = vector.broadcast %parallel_loop3A_539 : f32 to vector<16xf32>
        %parallel_loop3A_544 = arith.addf %parallel_loop3A_510, %parallel_loop3A_543 : vector<16xf32>
        %parallel_loop3A_545 = arith.select %parallel_loop3A_542, %parallel_loop3A_544, %parallel_loop3A_510 : vector<16xi1>, vector<16xf32>
        %parallel_loop3A_546 = arith.constant 16 : i32
        %parallel_loop3A_547 = arith.muli %parallel_loop3A_263, %parallel_loop3A_546 : i32
        %parallel_loop3A_548 = arith.constant 432 : i32
        %parallel_loop3A_549 = arith.addi %parallel_loop3A_548, %parallel_loop3A_547 : i32
        %parallel_loop3A_550 = arith.constant 8 : i32
        %parallel_loop3A_551 = arith.addi %parallel_loop3A_549, %parallel_loop3A_550 : i32
        %parallel_loop3A_552 = arith.index_cast %parallel_loop3A_551 : i32 to index
        %parallel_loop3A_553 = arith.constant 0 : index
        %parallel_loop3A_554 = tpu.vector_load %arg10[%parallel_loop3A_552, %parallel_loop3A_553] {strides = array<i32>} : memref<864x64xbf16, #tpu.memory_space<vmem>>, vector<32xbf16>,
        %parallel_loop3A_555 = arith.mulf %parallel_loop3A_554, %get3A_235 : vector<32xbf16>
        %parallel_loop3A_556 = arith.index_cast %parallel_loop3A_551 : i32 to index
        %parallel_loop3A_557 = arith.constant 32 : index
        %parallel_loop3A_558 = tpu.vector_load %arg10[%parallel_loop3A_556, %parallel_loop3A_557] {strides = array<i32>} : memref<864x64xbf16, #tpu.memory_space<vmem>>, vector<32xbf16>,
        %parallel_loop3A_559 = arith.mulf %parallel_loop3A_558, %get3A_238 : vector<32xbf16>
        %parallel_loop3A_560 = arith.addf %parallel_loop3A_555, %parallel_loop3A_559 : vector<32xbf16>
        %parallel_loop3A_561 = vector.bitcast %parallel_loop3A_560 : vector<32xbf16> to vector<16xi32>
        %parallel_loop3A_562 = arith.constant -65536 : i32
        %parallel_loop3A_563 = vector.broadcast %parallel_loop3A_562 : i32 to vector<16xi32>
        %parallel_loop3A_564 = arith.andi %parallel_loop3A_561, %parallel_loop3A_563 : vector<16xi32>
        %parallel_loop3A_565 = vector.bitcast %parallel_loop3A_564 : vector<16xi32> to vector<16xf32>
        %parallel_loop3A_566 = arith.constant 16 : i32
        %parallel_loop3A_567 = vector.broadcast %parallel_loop3A_566 : i32 to vector<16xi32>
        %parallel_loop3A_568 = arith.shli %parallel_loop3A_561, %parallel_loop3A_567 : vector<16xi32>
        %parallel_loop3A_569 = vector.bitcast %parallel_loop3A_568 : vector<16xi32> to vector<16xf32>
        %parallel_loop3A_570 = arith.addf %parallel_loop3A_565, %parallel_loop3A_569 : vector<16xf32>
        %parallel_loop3A_571 = arith.constant true
        %parallel_loop3A_572 = vector.broadcast %parallel_loop3A_571 : i1 to vector<16xi1>
        %parallel_loop3A_573 = tpu.scan <sum>, %parallel_loop3A_570 masked %parallel_loop3A_572 : vector<16xf32>, vector<16xi1> -> vector<16xf32>
        %parallel_loop3A_574 = vector.extract %parallel_loop3A_573[15] : f32 from vector<16xf32>
        %parallel_loop3A_575 = arith.constant 8 : i32
        %parallel_loop3A_576 = vector.broadcast %parallel_loop3A_575 : i32 to vector<16xi32>
        %parallel_loop3A_577 = arith.cmpi eq, %iota3A, %parallel_loop3A_576 : vector<16xi32>
        %parallel_loop3A_578 = vector.broadcast %parallel_loop3A_574 : f32 to vector<16xf32>
        %parallel_loop3A_579 = arith.addf %parallel_loop3A_545, %parallel_loop3A_578 : vector<16xf32>
        %parallel_loop3A_580 = arith.select %parallel_loop3A_577, %parallel_loop3A_579, %parallel_loop3A_545 : vector<16xi1>, vector<16xf32>
        %parallel_loop3A_581 = arith.constant 16 : i32
        %parallel_loop3A_582 = arith.muli %parallel_loop3A_263, %parallel_loop3A_581 : i32
        %parallel_loop3A_583 = arith.constant 432 : i32
        %parallel_loop3A_584 = arith.addi %parallel_loop3A_583, %parallel_loop3A_582 : i32
        %parallel_loop3A_585 = arith.constant 9 : i32
        %parallel_loop3A_586 = arith.addi %parallel_loop3A_584, %parallel_loop3A_585 : i32
        %parallel_loop3A_587 = arith.index_cast %parallel_loop3A_586 : i32 to index
        %parallel_loop3A_588 = arith.constant 0 : index
        %parallel_loop3A_589 = tpu.vector_load %arg10[%parallel_loop3A_587, %parallel_loop3A_588] {strides = array<i32>} : memref<864x64xbf16, #tpu.memory_space<vmem>>, vector<32xbf16>,
        %parallel_loop3A_590 = arith.mulf %parallel_loop3A_589, %get3A_235 : vector<32xbf16>
        %parallel_loop3A_591 = arith.index_cast %parallel_loop3A_586 : i32 to index
        %parallel_loop3A_592 = arith.constant 32 : index
        %parallel_loop3A_593 = tpu.vector_load %arg10[%parallel_loop3A_591, %parallel_loop3A_592] {strides = array<i32>} : memref<864x64xbf16, #tpu.memory_space<vmem>>, vector<32xbf16>,
        %parallel_loop3A_594 = arith.mulf %parallel_loop3A_593, %get3A_238 : vector<32xbf16>
        %parallel_loop3A_595 = arith.addf %parallel_loop3A_590, %parallel_loop3A_594 : vector<32xbf16>
        %parallel_loop3A_596 = vector.bitcast %parallel_loop3A_595 : vector<32xbf16> to vector<16xi32>
        %parallel_loop3A_597 = arith.constant -65536 : i32
        %parallel_loop3A_598 = vector.broadcast %parallel_loop3A_597 : i32 to vector<16xi32>
        %parallel_loop3A_599 = arith.andi %parallel_loop3A_596, %parallel_loop3A_598 : vector<16xi32>
        %parallel_loop3A_600 = vector.bitcast %parallel_loop3A_599 : vector<16xi32> to vector<16xf32>
        %parallel_loop3A_601 = arith.constant 16 : i32
        %parallel_loop3A_602 = vector.broadcast %parallel_loop3A_601 : i32 to vector<16xi32>
        %parallel_loop3A_603 = arith.shli %parallel_loop3A_596, %parallel_loop3A_602 : vector<16xi32>
        %parallel_loop3A_604 = vector.bitcast %parallel_loop3A_603 : vector<16xi32> to vector<16xf32>
        %parallel_loop3A_605 = arith.addf %parallel_loop3A_600, %parallel_loop3A_604 : vector<16xf32>
        %parallel_loop3A_606 = arith.constant true
        %parallel_loop3A_607 = vector.broadcast %parallel_loop3A_606 : i1 to vector<16xi1>
        %parallel_loop3A_608 = tpu.scan <sum>, %parallel_loop3A_605 masked %parallel_loop3A_607 : vector<16xf32>, vector<16xi1> -> vector<16xf32>
        %parallel_loop3A_609 = vector.extract %parallel_loop3A_608[15] : f32 from vector<16xf32>
        %parallel_loop3A_610 = arith.constant 9 : i32
        %parallel_loop3A_611 = vector.broadcast %parallel_loop3A_610 : i32 to vector<16xi32>
        %parallel_loop3A_612 = arith.cmpi eq, %iota3A, %parallel_loop3A_611 : vector<16xi32>
        %parallel_loop3A_613 = vector.broadcast %parallel_loop3A_609 : f32 to vector<16xf32>
        %parallel_loop3A_614 = arith.addf %parallel_loop3A_580, %parallel_loop3A_613 : vector<16xf32>
        %parallel_loop3A_615 = arith.select %parallel_loop3A_612, %parallel_loop3A_614, %parallel_loop3A_580 : vector<16xi1>, vector<16xf32>
        %parallel_loop3A_616 = arith.constant 16 : i32
        %parallel_loop3A_617 = arith.muli %parallel_loop3A_263, %parallel_loop3A_616 : i32
        %parallel_loop3A_618 = arith.constant 432 : i32
        %parallel_loop3A_619 = arith.addi %parallel_loop3A_618, %parallel_loop3A_617 : i32
        %parallel_loop3A_620 = arith.constant 10 : i32
        %parallel_loop3A_621 = arith.addi %parallel_loop3A_619, %parallel_loop3A_620 : i32
        %parallel_loop3A_622 = arith.index_cast %parallel_loop3A_621 : i32 to index
        %parallel_loop3A_623 = arith.constant 0 : index
        %parallel_loop3A_624 = tpu.vector_load %arg10[%parallel_loop3A_622, %parallel_loop3A_623] {strides = array<i32>} : memref<864x64xbf16, #tpu.memory_space<vmem>>, vector<32xbf16>,
        %parallel_loop3A_625 = arith.mulf %parallel_loop3A_624, %get3A_235 : vector<32xbf16>
        %parallel_loop3A_626 = arith.index_cast %parallel_loop3A_621 : i32 to index
        %parallel_loop3A_627 = arith.constant 32 : index
        %parallel_loop3A_628 = tpu.vector_load %arg10[%parallel_loop3A_626, %parallel_loop3A_627] {strides = array<i32>} : memref<864x64xbf16, #tpu.memory_space<vmem>>, vector<32xbf16>,
        %parallel_loop3A_629 = arith.mulf %parallel_loop3A_628, %get3A_238 : vector<32xbf16>
        %parallel_loop3A_630 = arith.addf %parallel_loop3A_625, %parallel_loop3A_629 : vector<32xbf16>
        %parallel_loop3A_631 = vector.bitcast %parallel_loop3A_630 : vector<32xbf16> to vector<16xi32>
        %parallel_loop3A_632 = arith.constant -65536 : i32
        %parallel_loop3A_633 = vector.broadcast %parallel_loop3A_632 : i32 to vector<16xi32>
        %parallel_loop3A_634 = arith.andi %parallel_loop3A_631, %parallel_loop3A_633 : vector<16xi32>
        %parallel_loop3A_635 = vector.bitcast %parallel_loop3A_634 : vector<16xi32> to vector<16xf32>
        %parallel_loop3A_636 = arith.constant 16 : i32
        %parallel_loop3A_637 = vector.broadcast %parallel_loop3A_636 : i32 to vector<16xi32>
        %parallel_loop3A_638 = arith.shli %parallel_loop3A_631, %parallel_loop3A_637 : vector<16xi32>
        %parallel_loop3A_639 = vector.bitcast %parallel_loop3A_638 : vector<16xi32> to vector<16xf32>
        %parallel_loop3A_640 = arith.addf %parallel_loop3A_635, %parallel_loop3A_639 : vector<16xf32>
        %parallel_loop3A_641 = arith.constant true
        %parallel_loop3A_642 = vector.broadcast %parallel_loop3A_641 : i1 to vector<16xi1>
        %parallel_loop3A_643 = tpu.scan <sum>, %parallel_loop3A_640 masked %parallel_loop3A_642 : vector<16xf32>, vector<16xi1> -> vector<16xf32>
        %parallel_loop3A_644 = vector.extract %parallel_loop3A_643[15] : f32 from vector<16xf32>
        %parallel_loop3A_645 = arith.constant 10 : i32
        %parallel_loop3A_646 = vector.broadcast %parallel_loop3A_645 : i32 to vector<16xi32>
        %parallel_loop3A_647 = arith.cmpi eq, %iota3A, %parallel_loop3A_646 : vector<16xi32>
        %parallel_loop3A_648 = vector.broadcast %parallel_loop3A_644 : f32 to vector<16xf32>
        %parallel_loop3A_649 = arith.addf %parallel_loop3A_615, %parallel_loop3A_648 : vector<16xf32>
        %parallel_loop3A_650 = arith.select %parallel_loop3A_647, %parallel_loop3A_649, %parallel_loop3A_615 : vector<16xi1>, vector<16xf32>
        %parallel_loop3A_651 = arith.constant 16 : i32
        %parallel_loop3A_652 = arith.muli %parallel_loop3A_263, %parallel_loop3A_651 : i32
        %parallel_loop3A_653 = arith.constant 432 : i32
        %parallel_loop3A_654 = arith.addi %parallel_loop3A_653, %parallel_loop3A_652 : i32
        %parallel_loop3A_655 = arith.constant 11 : i32
        %parallel_loop3A_656 = arith.addi %parallel_loop3A_654, %parallel_loop3A_655 : i32
        %parallel_loop3A_657 = arith.index_cast %parallel_loop3A_656 : i32 to index
        %parallel_loop3A_658 = arith.constant 0 : index
        %parallel_loop3A_659 = tpu.vector_load %arg10[%parallel_loop3A_657, %parallel_loop3A_658] {strides = array<i32>} : memref<864x64xbf16, #tpu.memory_space<vmem>>, vector<32xbf16>,
        %parallel_loop3A_660 = arith.mulf %parallel_loop3A_659, %get3A_235 : vector<32xbf16>
        %parallel_loop3A_661 = arith.index_cast %parallel_loop3A_656 : i32 to index
        %parallel_loop3A_662 = arith.constant 32 : index
        %parallel_loop3A_663 = tpu.vector_load %arg10[%parallel_loop3A_661, %parallel_loop3A_662] {strides = array<i32>} : memref<864x64xbf16, #tpu.memory_space<vmem>>, vector<32xbf16>,
        %parallel_loop3A_664 = arith.mulf %parallel_loop3A_663, %get3A_238 : vector<32xbf16>
        %parallel_loop3A_665 = arith.addf %parallel_loop3A_660, %parallel_loop3A_664 : vector<32xbf16>
        %parallel_loop3A_666 = vector.bitcast %parallel_loop3A_665 : vector<32xbf16> to vector<16xi32>
        %parallel_loop3A_667 = arith.constant -65536 : i32
        %parallel_loop3A_668 = vector.broadcast %parallel_loop3A_667 : i32 to vector<16xi32>
        %parallel_loop3A_669 = arith.andi %parallel_loop3A_666, %parallel_loop3A_668 : vector<16xi32>
        %parallel_loop3A_670 = vector.bitcast %parallel_loop3A_669 : vector<16xi32> to vector<16xf32>
        %parallel_loop3A_671 = arith.constant 16 : i32
        %parallel_loop3A_672 = vector.broadcast %parallel_loop3A_671 : i32 to vector<16xi32>
        %parallel_loop3A_673 = arith.shli %parallel_loop3A_666, %parallel_loop3A_672 : vector<16xi32>
        %parallel_loop3A_674 = vector.bitcast %parallel_loop3A_673 : vector<16xi32> to vector<16xf32>
        %parallel_loop3A_675 = arith.addf %parallel_loop3A_670, %parallel_loop3A_674 : vector<16xf32>
        %parallel_loop3A_676 = arith.constant true
        %parallel_loop3A_677 = vector.broadcast %parallel_loop3A_676 : i1 to vector<16xi1>
        %parallel_loop3A_678 = tpu.scan <sum>, %parallel_loop3A_675 masked %parallel_loop3A_677 : vector<16xf32>, vector<16xi1> -> vector<16xf32>
        %parallel_loop3A_679 = vector.extract %parallel_loop3A_678[15] : f32 from vector<16xf32>
        %parallel_loop3A_680 = arith.constant 11 : i32
        %parallel_loop3A_681 = vector.broadcast %parallel_loop3A_680 : i32 to vector<16xi32>
        %parallel_loop3A_682 = arith.cmpi eq, %iota3A, %parallel_loop3A_681 : vector<16xi32>
        %parallel_loop3A_683 = vector.broadcast %parallel_loop3A_679 : f32 to vector<16xf32>
        %parallel_loop3A_684 = arith.addf %parallel_loop3A_650, %parallel_loop3A_683 : vector<16xf32>
        %parallel_loop3A_685 = arith.select %parallel_loop3A_682, %parallel_loop3A_684, %parallel_loop3A_650 : vector<16xi1>, vector<16xf32>
        %parallel_loop3A_686 = arith.constant 16 : i32
        %parallel_loop3A_687 = arith.muli %parallel_loop3A_263, %parallel_loop3A_686 : i32
        %parallel_loop3A_688 = arith.constant 432 : i32
        %parallel_loop3A_689 = arith.addi %parallel_loop3A_688, %parallel_loop3A_687 : i32
        %parallel_loop3A_690 = arith.constant 12 : i32
        %parallel_loop3A_691 = arith.addi %parallel_loop3A_689, %parallel_loop3A_690 : i32
        %parallel_loop3A_692 = arith.index_cast %parallel_loop3A_691 : i32 to index
        %parallel_loop3A_693 = arith.constant 0 : index
        %parallel_loop3A_694 = tpu.vector_load %arg10[%parallel_loop3A_692, %parallel_loop3A_693] {strides = array<i32>} : memref<864x64xbf16, #tpu.memory_space<vmem>>, vector<32xbf16>,
        %parallel_loop3A_695 = arith.mulf %parallel_loop3A_694, %get3A_235 : vector<32xbf16>
        %parallel_loop3A_696 = arith.index_cast %parallel_loop3A_691 : i32 to index
        %parallel_loop3A_697 = arith.constant 32 : index
        %parallel_loop3A_698 = tpu.vector_load %arg10[%parallel_loop3A_696, %parallel_loop3A_697] {strides = array<i32>} : memref<864x64xbf16, #tpu.memory_space<vmem>>, vector<32xbf16>,
        %parallel_loop3A_699 = arith.mulf %parallel_loop3A_698, %get3A_238 : vector<32xbf16>
        %parallel_loop3A_700 = arith.addf %parallel_loop3A_695, %parallel_loop3A_699 : vector<32xbf16>
        %parallel_loop3A_701 = vector.bitcast %parallel_loop3A_700 : vector<32xbf16> to vector<16xi32>
        %parallel_loop3A_702 = arith.constant -65536 : i32
        %parallel_loop3A_703 = vector.broadcast %parallel_loop3A_702 : i32 to vector<16xi32>
        %parallel_loop3A_704 = arith.andi %parallel_loop3A_701, %parallel_loop3A_703 : vector<16xi32>
        %parallel_loop3A_705 = vector.bitcast %parallel_loop3A_704 : vector<16xi32> to vector<16xf32>
        %parallel_loop3A_706 = arith.constant 16 : i32
        %parallel_loop3A_707 = vector.broadcast %parallel_loop3A_706 : i32 to vector<16xi32>
        %parallel_loop3A_708 = arith.shli %parallel_loop3A_701, %parallel_loop3A_707 : vector<16xi32>
        %parallel_loop3A_709 = vector.bitcast %parallel_loop3A_708 : vector<16xi32> to vector<16xf32>
        %parallel_loop3A_710 = arith.addf %parallel_loop3A_705, %parallel_loop3A_709 : vector<16xf32>
        %parallel_loop3A_711 = arith.constant true
        %parallel_loop3A_712 = vector.broadcast %parallel_loop3A_711 : i1 to vector<16xi1>
        %parallel_loop3A_713 = tpu.scan <sum>, %parallel_loop3A_710 masked %parallel_loop3A_712 : vector<16xf32>, vector<16xi1> -> vector<16xf32>
        %parallel_loop3A_714 = vector.extract %parallel_loop3A_713[15] : f32 from vector<16xf32>
        %parallel_loop3A_715 = arith.constant 12 : i32
        %parallel_loop3A_716 = vector.broadcast %parallel_loop3A_715 : i32 to vector<16xi32>
        %parallel_loop3A_717 = arith.cmpi eq, %iota3A, %parallel_loop3A_716 : vector<16xi32>
        %parallel_loop3A_718 = vector.broadcast %parallel_loop3A_714 : f32 to vector<16xf32>
        %parallel_loop3A_719 = arith.addf %parallel_loop3A_685, %parallel_loop3A_718 : vector<16xf32>
        %parallel_loop3A_720 = arith.select %parallel_loop3A_717, %parallel_loop3A_719, %parallel_loop3A_685 : vector<16xi1>, vector<16xf32>
        %parallel_loop3A_721 = arith.constant 16 : i32
        %parallel_loop3A_722 = arith.muli %parallel_loop3A_263, %parallel_loop3A_721 : i32
        %parallel_loop3A_723 = arith.constant 432 : i32
        %parallel_loop3A_724 = arith.addi %parallel_loop3A_723, %parallel_loop3A_722 : i32
        %parallel_loop3A_725 = arith.constant 13 : i32
        %parallel_loop3A_726 = arith.addi %parallel_loop3A_724, %parallel_loop3A_725 : i32
        %parallel_loop3A_727 = arith.index_cast %parallel_loop3A_726 : i32 to index
        %parallel_loop3A_728 = arith.constant 0 : index
        %parallel_loop3A_729 = tpu.vector_load %arg10[%parallel_loop3A_727, %parallel_loop3A_728] {strides = array<i32>} : memref<864x64xbf16, #tpu.memory_space<vmem>>, vector<32xbf16>,
        %parallel_loop3A_730 = arith.mulf %parallel_loop3A_729, %get3A_235 : vector<32xbf16>
        %parallel_loop3A_731 = arith.index_cast %parallel_loop3A_726 : i32 to index
        %parallel_loop3A_732 = arith.constant 32 : index
        %parallel_loop3A_733 = tpu.vector_load %arg10[%parallel_loop3A_731, %parallel_loop3A_732] {strides = array<i32>} : memref<864x64xbf16, #tpu.memory_space<vmem>>, vector<32xbf16>,
        %parallel_loop3A_734 = arith.mulf %parallel_loop3A_733, %get3A_238 : vector<32xbf16>
        %parallel_loop3A_735 = arith.addf %parallel_loop3A_730, %parallel_loop3A_734 : vector<32xbf16>
        %parallel_loop3A_736 = vector.bitcast %parallel_loop3A_735 : vector<32xbf16> to vector<16xi32>
        %parallel_loop3A_737 = arith.constant -65536 : i32
        %parallel_loop3A_738 = vector.broadcast %parallel_loop3A_737 : i32 to vector<16xi32>
        %parallel_loop3A_739 = arith.andi %parallel_loop3A_736, %parallel_loop3A_738 : vector<16xi32>
        %parallel_loop3A_740 = vector.bitcast %parallel_loop3A_739 : vector<16xi32> to vector<16xf32>
        %parallel_loop3A_741 = arith.constant 16 : i32
        %parallel_loop3A_742 = vector.broadcast %parallel_loop3A_741 : i32 to vector<16xi32>
        %parallel_loop3A_743 = arith.shli %parallel_loop3A_736, %parallel_loop3A_742 : vector<16xi32>
        %parallel_loop3A_744 = vector.bitcast %parallel_loop3A_743 : vector<16xi32> to vector<16xf32>
        %parallel_loop3A_745 = arith.addf %parallel_loop3A_740, %parallel_loop3A_744 : vector<16xf32>
        %parallel_loop3A_746 = arith.constant true
        %parallel_loop3A_747 = vector.broadcast %parallel_loop3A_746 : i1 to vector<16xi1>
        %parallel_loop3A_748 = tpu.scan <sum>, %parallel_loop3A_745 masked %parallel_loop3A_747 : vector<16xf32>, vector<16xi1> -> vector<16xf32>
        %parallel_loop3A_749 = vector.extract %parallel_loop3A_748[15] : f32 from vector<16xf32>
        %parallel_loop3A_750 = arith.constant 13 : i32
        %parallel_loop3A_751 = vector.broadcast %parallel_loop3A_750 : i32 to vector<16xi32>
        %parallel_loop3A_752 = arith.cmpi eq, %iota3A, %parallel_loop3A_751 : vector<16xi32>
        %parallel_loop3A_753 = vector.broadcast %parallel_loop3A_749 : f32 to vector<16xf32>
        %parallel_loop3A_754 = arith.addf %parallel_loop3A_720, %parallel_loop3A_753 : vector<16xf32>
        %parallel_loop3A_755 = arith.select %parallel_loop3A_752, %parallel_loop3A_754, %parallel_loop3A_720 : vector<16xi1>, vector<16xf32>
        %parallel_loop3A_756 = arith.constant 16 : i32
        %parallel_loop3A_757 = arith.muli %parallel_loop3A_263, %parallel_loop3A_756 : i32
        %parallel_loop3A_758 = arith.constant 432 : i32
        %parallel_loop3A_759 = arith.addi %parallel_loop3A_758, %parallel_loop3A_757 : i32
        %parallel_loop3A_760 = arith.constant 14 : i32
        %parallel_loop3A_761 = arith.addi %parallel_loop3A_759, %parallel_loop3A_760 : i32
        %parallel_loop3A_762 = arith.index_cast %parallel_loop3A_761 : i32 to index
        %parallel_loop3A_763 = arith.constant 0 : index
        %parallel_loop3A_764 = tpu.vector_load %arg10[%parallel_loop3A_762, %parallel_loop3A_763] {strides = array<i32>} : memref<864x64xbf16, #tpu.memory_space<vmem>>, vector<32xbf16>,
        %parallel_loop3A_765 = arith.mulf %parallel_loop3A_764, %get3A_235 : vector<32xbf16>
        %parallel_loop3A_766 = arith.index_cast %parallel_loop3A_761 : i32 to index
        %parallel_loop3A_767 = arith.constant 32 : index
        %parallel_loop3A_768 = tpu.vector_load %arg10[%parallel_loop3A_766, %parallel_loop3A_767] {strides = array<i32>} : memref<864x64xbf16, #tpu.memory_space<vmem>>, vector<32xbf16>,
        %parallel_loop3A_769 = arith.mulf %parallel_loop3A_768, %get3A_238 : vector<32xbf16>
        %parallel_loop3A_770 = arith.addf %parallel_loop3A_765, %parallel_loop3A_769 : vector<32xbf16>
        %parallel_loop3A_771 = vector.bitcast %parallel_loop3A_770 : vector<32xbf16> to vector<16xi32>
        %parallel_loop3A_772 = arith.constant -65536 : i32
        %parallel_loop3A_773 = vector.broadcast %parallel_loop3A_772 : i32 to vector<16xi32>
        %parallel_loop3A_774 = arith.andi %parallel_loop3A_771, %parallel_loop3A_773 : vector<16xi32>
        %parallel_loop3A_775 = vector.bitcast %parallel_loop3A_774 : vector<16xi32> to vector<16xf32>
        %parallel_loop3A_776 = arith.constant 16 : i32
        %parallel_loop3A_777 = vector.broadcast %parallel_loop3A_776 : i32 to vector<16xi32>
        %parallel_loop3A_778 = arith.shli %parallel_loop3A_771, %parallel_loop3A_777 : vector<16xi32>
        %parallel_loop3A_779 = vector.bitcast %parallel_loop3A_778 : vector<16xi32> to vector<16xf32>
        %parallel_loop3A_780 = arith.addf %parallel_loop3A_775, %parallel_loop3A_779 : vector<16xf32>
        %parallel_loop3A_781 = arith.constant true
        %parallel_loop3A_782 = vector.broadcast %parallel_loop3A_781 : i1 to vector<16xi1>
        %parallel_loop3A_783 = tpu.scan <sum>, %parallel_loop3A_780 masked %parallel_loop3A_782 : vector<16xf32>, vector<16xi1> -> vector<16xf32>
        %parallel_loop3A_784 = vector.extract %parallel_loop3A_783[15] : f32 from vector<16xf32>
        %parallel_loop3A_785 = arith.constant 14 : i32
        %parallel_loop3A_786 = vector.broadcast %parallel_loop3A_785 : i32 to vector<16xi32>
        %parallel_loop3A_787 = arith.cmpi eq, %iota3A, %parallel_loop3A_786 : vector<16xi32>
        %parallel_loop3A_788 = vector.broadcast %parallel_loop3A_784 : f32 to vector<16xf32>
        %parallel_loop3A_789 = arith.addf %parallel_loop3A_755, %parallel_loop3A_788 : vector<16xf32>
        %parallel_loop3A_790 = arith.select %parallel_loop3A_787, %parallel_loop3A_789, %parallel_loop3A_755 : vector<16xi1>, vector<16xf32>
        %parallel_loop3A_791 = arith.constant 16 : i32
        %parallel_loop3A_792 = arith.muli %parallel_loop3A_263, %parallel_loop3A_791 : i32
        %parallel_loop3A_793 = arith.constant 432 : i32
        %parallel_loop3A_794 = arith.addi %parallel_loop3A_793, %parallel_loop3A_792 : i32
        %parallel_loop3A_795 = arith.constant 15 : i32
        %parallel_loop3A_796 = arith.addi %parallel_loop3A_794, %parallel_loop3A_795 : i32
        %parallel_loop3A_797 = arith.index_cast %parallel_loop3A_796 : i32 to index
        %parallel_loop3A_798 = arith.constant 0 : index
        %parallel_loop3A_799 = tpu.vector_load %arg10[%parallel_loop3A_797, %parallel_loop3A_798] {strides = array<i32>} : memref<864x64xbf16, #tpu.memory_space<vmem>>, vector<32xbf16>,
        %parallel_loop3A_800 = arith.mulf %parallel_loop3A_799, %get3A_235 : vector<32xbf16>
        %parallel_loop3A_801 = arith.index_cast %parallel_loop3A_796 : i32 to index
        %parallel_loop3A_802 = arith.constant 32 : index
        %parallel_loop3A_803 = tpu.vector_load %arg10[%parallel_loop3A_801, %parallel_loop3A_802] {strides = array<i32>} : memref<864x64xbf16, #tpu.memory_space<vmem>>, vector<32xbf16>,
        %parallel_loop3A_804 = arith.mulf %parallel_loop3A_803, %get3A_238 : vector<32xbf16>
        %parallel_loop3A_805 = arith.addf %parallel_loop3A_800, %parallel_loop3A_804 : vector<32xbf16>
        %parallel_loop3A_806 = vector.bitcast %parallel_loop3A_805 : vector<32xbf16> to vector<16xi32>
        %parallel_loop3A_807 = arith.constant -65536 : i32
        %parallel_loop3A_808 = vector.broadcast %parallel_loop3A_807 : i32 to vector<16xi32>
        %parallel_loop3A_809 = arith.andi %parallel_loop3A_806, %parallel_loop3A_808 : vector<16xi32>
        %parallel_loop3A_810 = vector.bitcast %parallel_loop3A_809 : vector<16xi32> to vector<16xf32>
        %parallel_loop3A_811 = arith.constant 16 : i32
        %parallel_loop3A_812 = vector.broadcast %parallel_loop3A_811 : i32 to vector<16xi32>
        %parallel_loop3A_813 = arith.shli %parallel_loop3A_806, %parallel_loop3A_812 : vector<16xi32>
        %parallel_loop3A_814 = vector.bitcast %parallel_loop3A_813 : vector<16xi32> to vector<16xf32>
        %parallel_loop3A_815 = arith.addf %parallel_loop3A_810, %parallel_loop3A_814 : vector<16xf32>
        %parallel_loop3A_816 = arith.constant true
        %parallel_loop3A_817 = vector.broadcast %parallel_loop3A_816 : i1 to vector<16xi1>
        %parallel_loop3A_818 = tpu.scan <sum>, %parallel_loop3A_815 masked %parallel_loop3A_817 : vector<16xf32>, vector<16xi1> -> vector<16xf32>
        %parallel_loop3A_819 = vector.extract %parallel_loop3A_818[15] : f32 from vector<16xf32>
        %parallel_loop3A_820 = arith.constant 15 : i32
        %parallel_loop3A_821 = vector.broadcast %parallel_loop3A_820 : i32 to vector<16xi32>
        %parallel_loop3A_822 = arith.cmpi eq, %iota3A, %parallel_loop3A_821 : vector<16xi32>
        %parallel_loop3A_823 = vector.broadcast %parallel_loop3A_819 : f32 to vector<16xf32>
        %parallel_loop3A_824 = arith.addf %parallel_loop3A_790, %parallel_loop3A_823 : vector<16xf32>
        %parallel_loop3A_825 = arith.select %parallel_loop3A_822, %parallel_loop3A_824, %parallel_loop3A_790 : vector<16xi1>, vector<16xf32>
        %parallel_loop3A_826 = arith.constant 16 : i32
        %parallel_loop3A_827 = arith.muli %parallel_loop3A_263, %parallel_loop3A_826 : i32
        %parallel_loop3A_828 = arith.index_cast %select_n3A_254 : i32 to index
        %parallel_loop3A_829 = arith.index_cast %parallel_loop3A_827 : i32 to index
        %parallel_loop3A_830 = tpu.vector_load %arg11[%parallel_loop3A_828, %parallel_loop3A_829] {strides = array<i32>} : memref<32x432xf32, #tpu.memory_space<vmem>>, vector<16xf32>,
        tpu.vector_store %arg11[%parallel_loop3A_828, %parallel_loop3A_829], %parallel_loop3A_825 {strides = array<i32>} : memref<32x432xf32, #tpu.memory_space<vmem>>, vector<16xf32>,
      } {sc.loop_unroll_factor = 3 : i64, sc.parallel_access}
      %eq3A_258 = arith.constant 31 : i32
      %eq3A_259 = arith.cmpi eq, %select_n3A_254, %eq3A_258 : i32
      %convert_element_type3A_260 = arith.extui %eq3A_259 : i1 to i32
      %cond3A_261 = arith.constant 0 : i32
      %cond3A_262 = arith.cmpi ne, %convert_element_type3A_260, %cond3A_261 : i32
      scf.if %cond3A_262 {
        %add3A_263 = arith.addi %mul3A_2, %add3A_86 : i32
        %sub3A = arith.constant 31 : i32
        %sub3A_264 = arith.subi %add3A_263, %sub3A : i32
        "tpu.region"() ({
          %run_scoped3A = tpu.sem_alloc : memref<!tpu.dma_semaphore, #tpu.memory_space<semaphore_mem>>
          %dma_start3A_265 = arith.constant 0 : i32
          %dma_start3A_266 = tpu.memref_slice %arg6[%sub3A_264, %dma_start3A_265] : memref<4096x432xf32, #tpu.memory_space<hbm>> -> memref<32x432xf32, #tpu.memory_space<hbm>>
          %dma_start3A_267 = arith.constant 0 : i32
          %dma_start3A_268 = tpu.memref_slice %arg6[%sub3A_264, %dma_start3A_267] : memref<4096x432xf32, #tpu.memory_space<hbm>> -> memref<32x432xf32, #tpu.memory_space<hbm>>
          tpu.enqueue_dma source(%arg11 : memref<32x432xf32, #tpu.memory_space<vmem>>) target(%dma_start3A_268 : memref<32x432xf32, #tpu.memory_space<hbm>>) target_semaphore(%run_scoped3A : memref<!tpu.dma_semaphore, #tpu.memory_space<semaphore_mem>>)
          %dma_wait3A_269 = arith.constant 0 : i32
          %dma_wait3A_270 = tpu.memref_slice %arg6[%sub3A_264, %dma_wait3A_269] : memref<4096x432xf32, #tpu.memory_space<hbm>> -> memref<32x432xf32, #tpu.memory_space<hbm>>
          %dma_wait3A_271 = arith.constant 0 : i32
          %dma_wait3A_272 = tpu.memref_slice %arg6[%sub3A_264, %dma_wait3A_271] : memref<4096x432xf32, #tpu.memory_space<hbm>> -> memref<32x432xf32, #tpu.memory_space<hbm>>
          tpu.wait_dma2 semaphore(%run_scoped3A : memref<!tpu.dma_semaphore, #tpu.memory_space<semaphore_mem>>) src(%arg11 : memref<32x432xf32, #tpu.memory_space<vmem>>) dst(%dma_wait3A_272 : memref<32x432xf32, #tpu.memory_space<hbm>>)
          tpu.yield
        }) : () -> ()
      } else {
      }
    }
    %scan3A_81 = arith.constant 64 : i32
    return
  }
}

module attributes {stable_mosaic.version = 14 : i64} {
  func.func @_tc_loss_body(%arg0: memref<4096x432xf32, #tpu.memory_space<vmem>>, %arg1: memref<1x1xf32, #tpu.memory_space<smem>>) attributes {dimension_semantics = [], scalar_prefetch = 0 : i64, scratch_operands = 0 : i64, tpu.core_type = #tpu.core_type<tc>} {
    %get3A = arith.constant 0 : index
    %get3A_0 = arith.constant 0 : index
    %get3A_1 = vector.load %arg0[%get3A, %get3A_0] : memref<4096x432xf32, #tpu.memory_space<vmem>>, vector<4096x432xf32>
    %iota3A = tpu.iota {dimensions = array<i32: 1>} : vector<4096x432xi32>
    %lt3A = arith.constant 20 : i32
    %lt3A_2 = vector.broadcast %lt3A : i32 to vector<4096x432xi32>
    %lt3A_3 = arith.cmpi slt, %iota3A, %lt3A_2 : vector<4096x432xi32>
    %jit3A = arith.constant 1.000000e+00 : f32
    %jit3A_4 = arith.constant -1.000000e+00 : f32
    %broadcast_in_dim3A = vector.broadcast %jit3A : f32 to vector<4096x432xf32>
    %broadcast_in_dim3A_5 = vector.broadcast %jit3A_4 : f32 to vector<4096x432xf32>
    %select_n3A = arith.select %lt3A_3, %broadcast_in_dim3A, %broadcast_in_dim3A_5 : vector<4096x432xi1>, vector<4096x432xf32>
    %mul3A = arith.mulf %get3A_1, %select_n3A : vector<4096x432xf32>
    %min3A = arith.constant 0.000000e+00 : f32
    %min3A_6 = vector.broadcast %min3A : f32 to vector<4096x432xf32>
    %min3A_7 = arith.minimumf %mul3A, %min3A_6 : vector<4096x432xf32>
    %abs3A = math.absf %mul3A : vector<4096x432xf32>
    %neg3A = arith.constant 0.000000e+00 : f32
    %neg3A_8 = vector.broadcast %neg3A : f32 to vector<4096x432xf32>
    %neg3A_9 = arith.subf %neg3A_8, %abs3A : vector<4096x432xf32>
    %exp3A = math.exp %neg3A_9 : vector<4096x432xf32>
    %log1p3A = math.log1p %exp3A : vector<4096x432xf32>
    %sub3A = arith.subf %min3A_7, %log1p3A : vector<4096x432xf32>
    %lt3A_10 = arith.constant 420 : i32
    %lt3A_11 = vector.broadcast %lt3A_10 : i32 to vector<4096x432xi32>
    %lt3A_12 = arith.cmpi slt, %iota3A, %lt3A_11 : vector<4096x432xi32>
    %jit3A_13 = arith.constant 0.000000e+00 : f32
    %broadcast_in_dim3A_14 = vector.broadcast %jit3A_13 : f32 to vector<4096x432xf32>
    %select_n3A_15 = arith.select %lt3A_12, %sub3A, %broadcast_in_dim3A_14 : vector<4096x432xi1>, vector<4096x432xf32>
    %reduce_sum3A = vector.shape_cast %select_n3A_15 : vector<4096x432xf32> to vector<1x4096x432xf32>
    %reduce_sum3A_16 = arith.constant dense<0.000000e+00> : vector<1xf32>
    %reduce_sum3A_17 = vector.multi_reduction <add>, %reduce_sum3A, %reduce_sum3A_16 [1, 2] : vector<1x4096x432xf32> to vector<1xf32>
    %reduce_sum3A_18 = vector.shape_cast %reduce_sum3A_17 : vector<1xf32> to vector<1x1x1xf32>
    %reduce_sum3A_19 = vector.extract %reduce_sum3A_18[0, 0, 0] : f32 from vector<1x1x1xf32>
    %neg3A_20 = arith.constant 0.000000e+00 : f32
    %neg3A_21 = arith.subf %neg3A_20, %reduce_sum3A_19 : f32
    %div3A = arith.constant 8.192000e+04 : f32
    %div3A_22 = arith.divf %neg3A_21, %div3A : f32
    %swap3A = arith.constant 0 : index
    %swap3A_23 = arith.constant 0 : index
    %swap3A_24 = memref.load %arg1[%swap3A, %swap3A_23] : memref<1x1xf32, #tpu.memory_space<smem>>
    memref.store %div3A_22, %arg1[%swap3A, %swap3A_23] : memref<1x1xf32, #tpu.memory_space<smem>>
    return
  }
}

</mosaic_0001>

<sc_bundles>
// kernel: kernel.4.cloned.1.call-start
scs
__scs_entry_jumppad:
0x0: {  	(pc) =	sbr.rel $0x88, $3  }
0x1: {  	(tag) =	ssettag $0x0;
	lr =	simm.s32 $0x1  }
0x2: {  	[smem:$0x3F9D] =	sst lr;
	_ =	strace $0xD0000000  }
0x3: {  	_ = 	snop  }
0x4: {  	_ = 	snop  }
0x5: {  	_ = 	snop  }
0x6: {  	_ = 	snop  }
0x7: {  	_ = 	snop  }
__scs_overlays_trampoline_lowered:
0x8: {  	[smem:$0x3FAC] =	sst s0  }
0x9: {  	[smem:$0x3FAD] =	sst s1  }
0xa: {  	[smem:$0x3FAE] =	sst s2  }
0xb: {  	[smem:$0x3FAF] =	sst s3  }
0xc: {  	[smem:$0x3FB0] =	sst s4  }
0xd: {  	[smem:$0x3FB1] =	sst s5  }
0xe: {  	[smem:$0x3FB2] =	sst s6  }
0xf: {  	[smem:$0x3FB3] =	sst s7  }
0x10: {  	[smem:$0x3FB4] =	sst s8  }
0x11: {  	[smem:$0x3FB5] =	sst s9;
	s0 =	simm.s32 @!p0 $0x0  }
0x12: {  	s1 =	sld [smem:$0x3F9B];
	s0 =	simm.s32 @p0 $0x1  }
0x13: {  	[smem:$0x3FB6] =	sst s0;
	s0 =	simm.s32 @!p1 $0x0  }
0x14: {  	s2 =	sld [smem:$0x3F9A];
	s0 =	simm.s32 @p1 $0x1  }
0x15: {  	[smem:$0x3FB7] =	sst s0;
	s0 =	simm.s32 @!p2 $0x0  }
0x16: {  	s3 =	sld [smem:$0x3FDB];
	s0 =	simm.s32 @p2 $0x1  }
0x17: {  	s4 =	simm.s32 $0x1BF5;
	[smem:$0x3FB9] =	sst s0  }
0x18: {  	s0 =	sld [smem:$0x3F9C];
	_ =	swait.ge [sflag:s4], $0x0  }
0x19: {  	s7 =	sld [smem:$0x3F9D]  }
0x1a: {  	s8 =	sadd.s32 $0xFFFFE003, lr  }
0x1b: {  	s9 =	sadd.s32 $0xFFFFFEF7, lr;
	s5 =	simm.s32 $0xFFFFFFFF;
	p2 =	slt.u32 s8, $0xFFFFF086  }
0x1c: {  	p1 =	slt.u32 s9, $0xF7A;
	s5 =	simm.s32 @!p2 $0x0  }
0x1d: {  	s5 =	simm.s32 @p1 $0x1;
	p0 =	seq.s32 s7, s2  }
0x1e: {  	s7 =	smul.u32 @!p0 $0xF7A, s2;
	p2 =	seq.s32 @!p0 s5, $0x0  }
0x1f: {  	s9 =	smul.u32 $0xF7A, s1;
	s8 =	simm.s32 @!p0 $0x1BF5;
	p2 =	por !p2, p0  }
0x20: {  	[sflag:s8] =	ssyncset.s32 @!p0 $0xFFFFF086;
	s6 =	sadd.s32 @!p0 s3, s7;
	s7 =	simm.s32 @!p0 $0x108  }
0x21: {  	s3 =	sadd.s32 s3, s9;
	s6 =	sadd.s32 @!p0 $0x88, s6;
	s7 =	simm.s32 @p2 $0x1082  }
0x22: {  	[simem:s7], [sflag:s8] =	dma.local @!p0 [hbm:s6], $0xF7A  }
0x23: {  	s9 =	sor.u32 $0xD0000000, s2;
	s6 =	simm.s32 $0x108;
	_ =	swait.ge @!p0 [sflag:s8], $0x0  }
0x24: {  	s3 =	sadd.s32 $0x88, s3;
	s6 =	simm.s32 @!p1 $0x1082;
	[sflag:s4] =	ssyncset.s32 $0xFFFFF086  }
0x25: {  	[simem:s6], [sflag:s4] =	dma.local [hbm:s3], $0xF7A  }
0x26: {  	[smem:$0x3F9D] =	sst s1;
	(tag) =	ssettag s2;
	_ =	strace s9  }
0x27: {  	s1 =	sld [smem:$0x3FAD]  }
0x28: {  	s2 =	sld [smem:$0x3FAE]  }
0x29: {  	s4 =	sld [smem:$0x3FB0]  }
0x2a: {  	p0 =	seq.s32 s5, $0x0;
	s5 =	sld [smem:$0x3FB1]  }
0x2b: {  	s6 =	sld [smem:$0x3FB2]  }
0x2c: {  	s7 =	sld [smem:$0x3FB3]  }
0x2d: {  	s3 =	simm.s32 $0x108;
	s8 =	sld [smem:$0x3FB4]  }
0x2e: {  	s3 =	simm.s32 @!p0 $0x1082;
	s9 =	sld [smem:$0x3FB5]  }
0x2f: {  	lr =	sadd.s32 s0, s3;
	s0 =	sld [smem:$0x3FAC]  }
0x30: {  	s3 =	sld [smem:$0x3FAF]  }
0x31: {  	[smem:$0x3FB8] =	sst s10  }
0x32: {  	s10 =	sld [smem:$0x3FB6];
	_ =	sdelay $0x3  }
0x33: {  	p0 =	seq.s32 s10, $0x1;
	s10 =	sld [smem:$0x3FB8];
	_ =	sdelay $0x3  }
0x34: {  	[smem:$0x3FB8] =	sst s10  }
0x35: {  	s10 =	sld [smem:$0x3FB7];
	_ =	sdelay $0x3  }
0x36: {  	p1 =	seq.s32 s10, $0x1;
	s10 =	sld [smem:$0x3FB8];
	_ =	sdelay $0x3  }
0x37: {  	[smem:$0x3FB8] =	sst s10  }
0x38: {  	s10 =	sld [smem:$0x3FB9]  }
0x39: {  	_ = 	snop;
	(pc) =	sbr.ind lr, $3  }
0x3a: {  	_ = 	snop  }
0x3b: {  	_ = 	snop  }
0x3c: {  	p2 =	seq.s32 s10, $0x1;
	s10 =	sld [smem:$0x3FB8]  }
0x3d: {  	_ =	shalt  }
0x3e: {  	_ =	shalt  }
0x3f: {  	_ =	shalt  }
0x40: {  	_ =	shalt  }
0x41: {  	_ =	shalt  }
0x42: {  	_ =	shalt  }
0x43: {  	_ =	shalt  }
0x44: {  	_ =	shalt  }
0x45: {  	_ =	shalt  }
0x46: {  	_ =	shalt  }
0x47: {  	_ =	shalt  }
0x48: {  	_ =	shalt  }
0x49: {  	_ =	shalt  }
0x4a: {  	_ =	shalt  }
0x4b: {  	_ =	shalt  }
0x4c: {  	_ =	shalt  }
0x4d: {  	_ =	shalt  }
0x4e: {  	_ =	shalt  }
0x4f: {  	_ =	shalt  }
0x50: {  	_ =	shalt  }
0x51: {  	_ =	shalt  }
0x52: {  	_ =	shalt  }
0x53: {  	_ =	shalt  }
0x54: {  	_ =	shalt  }
0x55: {  	_ =	shalt  }
0x56: {  	_ =	shalt  }
0x57: {  	_ =	shalt  }
0x58: {  	_ =	shalt  }
0x59: {  	_ =	shalt  }
0x5a: {  	_ =	shalt  }
0x5b: {  	_ =	shalt  }
0x5c: {  	_ =	shalt  }
0x5d: {  	_ =	shalt  }
0x5e: {  	_ =	shalt  }
0x5f: {  	_ =	shalt  }
0x60: {  	_ =	shalt  }
0x61: {  	_ =	shalt  }
0x62: {  	_ =	shalt  }
0x63: {  	_ =	shalt  }
0x64: {  	_ =	shalt  }
0x65: {  	_ =	shalt  }
0x66: {  	_ =	shalt  }
0x67: {  	_ =	shalt  }
0x68: {  	_ =	shalt  }
0x69: {  	_ =	shalt  }
0x6a: {  	_ =	shalt  }
0x6b: {  	_ =	shalt  }
0x6c: {  	_ =	shalt  }
0x6d: {  	_ =	shalt  }
0x6e: {  	_ =	shalt  }
0x6f: {  	_ =	shalt  }
0x70: {  	_ =	shalt  }
0x71: {  	_ =	shalt  }
0x72: {  	_ =	shalt  }
0x73: {  	_ =	shalt  }
0x74: {  	_ =	shalt  }
0x75: {  	_ =	shalt  }
0x76: {  	_ =	shalt  }
0x77: {  	_ =	shalt  }
0x78: {  	_ =	shalt  }
0x79: {  	_ =	shalt  }
0x7a: {  	_ =	shalt  }
0x7b: {  	_ =	shalt  }
0x7c: {  	_ =	shalt  }
0x7d: {  	_ =	shalt  }
0x7e: {  	_ =	shalt  }
0x7f: {  	_ =	shalt  }
0x80: {  	_ =	shalt  }
0x81: {  	_ =	shalt  }
0x82: {  	_ =	shalt  }
0x83: {  	_ =	shalt  }
0x84: {  	_ =	shalt  }
0x85: {  	_ =	shalt  }
0x86: {  	_ =	shalt  }
0x87: {  	_ =	shalt  }
.Lfunc_end0:
.L_simem_size_0:
called_computation_lowered:
.L_overlay_start_0:
0x88: {  	s2 =	sld [smem:$0x3FD9]  }
0x89: {  	s3 =	sld [smem:$0x3FFE];
	_ =	sdelay $0x1  }
0x8a: {  	s1 =	srdreg.scid  }
0x8b: {  	s0 =	sand.u32 $0x1, s1  }
0x8c: {  	s17 =	sshll.u32 s0, $0xA;
	s2 =	sadd.s32 s3, s2  }
0x8d: {  	s2 =	sadd.s32 s2, s17  }
0x8e: {  	[smem:$0x3FC4] =	sst s2  }
0x8f: {  	_ = 	snop  }
0x90: {  	s2 =	sld [smem:$0x3FC9];
	(tm) =	ssettm $0x1  }
0x91: {  	s18 =	sld [smem:$0x3FFB];
	_ =	sdelay $0x3  }
0x92: {  	_ =	strace s18  }
0x93: {  	s3 =	sld [smem:$0x3FFC];
	_ =	sdelay $0x3  }
0x94: {  	_ =	strace s3  }
0x95: {  	s3 =	sld [smem:$0x3FFD];
	_ =	sdelay $0x3  }
0x96: {  	_ =	strace s3  }
0x97: {  	_ =	strace $0x8FFFFFFF  }
0x98: {  	s19 =	sld [smem:$0x3FDB];
	_ =	sdelay $0x1  }
0x99: {  	s4 =	simm.s32 $_scs_section_size  }
0x9a: {  	s5 =	simm.s32 $_size__tile_overlayer_lowered;
	s6 =	simm.s32 $_tile_overlayer_lowered  }
0x9b: {  	s22 =	simm.s32 $0x1BFF;
	s21 =	sshll.u32 s6, $0x1;
	s3 =	sadd.s32 s4, s19  }
0x9c: {  	s7 =	simm.s32 $0x0;
	s20 =	sshll.u32 s5, $0x1;
	s5 =	sadd.s32 s21, s3  }
0x9d: {  	[timem:s7], [sflag:s22] =	dma.local [hbm:s5], s20  }
0x9e: {  	_ =	swait.ge [sflag:s22], s20  }
0x9f: {  	s4 =	ssub.s32 $0x0, s20;
	[sflag:s22] =	ssyncset.done $0x0  }
0xa0: {  	[sflag:s22] =	ssyncadd.s32 s4;
	_ =	sdelay $0x1  }
0xa1: {  	s23 =	simm.s32 $0x1B8B  }
0xa2: {  	_ =	swait.ge [sflag:s23], $0x1  }
0xa3: {  	[sflag:s23] =	ssyncset.done $0x0  }
0xa4: {  	s25 =	simm.s32 $0x1B8E;
	s24 =	sld [smem:$0x3FFE];
	[sflag:s23] =	ssyncadd.s32 $0xFFFFFFFF  }
0xa5: {  	s26 =	simm.s32 $execute0_lowered;
	[smem:$0x3FD2] =	sst s25  }
0xa6: {  	s5 =	sshll.u32 s26, $0x1;
	_ =	strace $0x80000046;
	[dreg:$0x1] =	wrdreg $0xFFFFFFFF  }
0xa7: {  	s28 =	simm.s32 $_size_execute0_lowered;
	s3 =	sadd.s32 s3, s5;
	[dreg:$0x0] =	wrdreg $0x0  }
0xa8: {  	s5 =	sshll.u32 s28, $0x1;
	[dreg:$0x2] =	wrdreg s3  }
0xa9: {  	[dreg:$0x3] =	wrdreg s5  }
0xaa: {  	[dreg:$0x4] =	wrdreg $0xC0  }
0xab: {  	_ =	task [dreg:s7], $0x5FFFF  }
0xac: {  	[dreg:$0x1] =	wrdreg $0xFFFFFFFF  }
0xad: {  	[dreg:$0x0] =	wrdreg $0x60  }
0xae: {  	[dreg:$0x2] =	wrdreg s2  }
0xaf: {  	[dreg:$0x3] =	wrdreg s24  }
0xb0: {  	[dreg:$0x4] =	wrdreg $0x9  }
0xb1: {  	_ =	task.clear_ibuf [dreg:s7], $0x5FFFF;
	_ =	strace $0x90000046  }
0xb2: {  	s29 =	simm.s32 $0x9;
	_ =	strace $0x80000048  }
0xb3: {  	_ =	swait.ge [sflag:s29], $0x1  }
0xb4: {  	[sflag:s29] =	ssyncadd.s32 $0xFFFFFFFF  }
0xb5: {  	_ =	strace $0x90000048  }
0xb6: {  	_ =	sfence  }
0xb7: {  	s30 =	sld [smem:$0x0];
	_ =	sdelay $0x2  }
0xb8: {  	s31 =	sshll.u32 s1, $0xD;
	s1 =	sshrl.u32 s1, $0x2  }
0xb9: {  	s3 =	sand.u32 $0x4000, s31;
	s1 =	sadd.s32 s1, s30  }
0xba: {  	s0 =	sor.u32 s3, s0;
	s1 =	sshll.u32 s1, $0x11  }
0xbb: {  	s0 =	sor.u32 s1, s0  }
0xbc: {  	s0 =	sadd.s32 $0x8F2B, s0  }
0xbd: {  	[sflag:s0] =	ssyncadd.remote.s32 $0x1  }
0xbe: {  	_ =	sfence.sel $0xFFFF  }
0xbf: {  	[dreg:$0x0] =	wrdreg $0xFFFFFFFF;
	(pc) =	sbr.abs _section_cstart, $3  }
0xc0: {  	[dreg:$0x1] =	wrdreg $0xFFFFFFFF  }
0xc1: {  	_ =	task.clear_ibuf [dreg:s7], $0x2FFFF;
	_ =	strace $0x9FFFFFFF  }
0xc2: {  	(tm) =	ssettm $0x7FFFFFFF  }
0xc3: {  	_ =	shalt  }
tec
execute0_lowered:
.L_overlay_start_1:
0x0: {  	(tag) =	ssettag $0x1  }
0x1: {  	s0 =	srdreg.scid;
	s1 =	rddreg [dreg:$0x0]  }
0x2: {  	s2 =	stileid.u32;
	s6 =	rddreg [dreg:$0x1]  }
0x3: {  	s10 =	simm.s32 $0x2;
	s11 =	simm.s32 $0x1080;
	s12 =	simm.s32 $0x40  }
0x4: {  	s15 =	simm.s32 $0x1;
	s16 =	simm.s32 $0x6C;
	s20 =	simm.s32 $0x1160  }
0x5: {  	s21 =	simm.s32 $0x10B80;
	s22 =	simm.s32 $0x11D0;
	s23 =	simm.s32 $0x11900  }
0x6: {  	vm0 =	vmmov $0x1;
	s24 =	simm.s32 $0x12680;
	s25 =	simm.s32 $0x13400;
	s26 =	simm.s32 $0x14180  }
0x7: {  	vm1 =	vcmask $0x30C;
	vm2 =	vcmask $0xF0C;
	vm3 =	vcmask $0x714;
	s28 =	simm.s32 $0x14F00;
	s29 =	simm.s32 $0x0;
	s0 =	sand.u32 $0x1, s0  }
0x8: {  	vm4 =	vcmask $0xF18;
	vm5 =	vcmask $0x131C;
	vm6 =	vcmask $0x1F1C;
	s3 =	sshll.u32 s2, $0x8;
	s2 =	simm.s32 $0x0;
	s4 =	sshll.u32 s0, $0x7  }
0x9: {  	vm7 =	vcmask $0x1724;
	vm8 =	vcmask $0x1F28;
	vm9 =	vcmask $0x232C;
	s5 =	sadd.s32 $0x9C200, s6;
	s0 =	ssub.s32 $0x2, s0;
	s3 =	sor.u32 s4, s3  }
0xa: {  	vm10 =	vcmask $0x2F2C;
	vm11 =	vcmask $0x2734;
	vm12 =	vcmask $0x2F38;
	[smem:$0x7FF] =	sst s2;
	s7 =	sshrl.u32 s0, $0x1;
	s4 =	smul.u32 $0x38, s3  }
0xb: {  	vm13 =	vcmask $0x333C;
	vm14 =	vmmov $0x3fff;
	vm15 =	vmmov $0x7fff;
	_ =	strace $0x80000047;
	s9 =	sshrl.u32 s3, $0x3;
	s0 =	ssub.s32 s0, s7  }
0xc: {  	vm2 =	vmor vm3, vm2;
	vm3 =	vcmask $0xB14;
	vm6 =	vmor vm7, vm6;
	s7 =	sadd.s32 s1, s9;
	s9 =	smax.u32 s0, $0x1;
	s8 =	sadd.s32 s4, s6  }
0xd: {  	vm7 =	vcmask $0x1B24;
	vm10 =	vmor vm11, vm10;
	vm11 =	vcmask $0x2B34;
	s4 =	sadd.s32 $0x3A600, s6;
	s6 =	sadd.s32 $0xFDE00, s6;
	s8 =	sadd.s32 $0x2600, s8  }
.LBB2_1:
0xe: {  	[tilespmem:s2], [sflag:$0x2] =	stream.linear.gather [hbm4b:s7+s2], $0x80, $0x38;
	[tilespmem:$0x19280] =	vst v63  }
0xf: {  	_ =	swait.ge [sflag:s10], $0x80  }
0x10: {  	[sflag:s10] =	ssyncset.done $0x0  }
0x11: {  	[sflag:s10] =	ssyncadd.s32 $0xFFFFFF80  }
0x12: {  	[tilespmem:s11], [sflag:$0x2] =	stream.linear.gather [hbm4b:s8+s2], $0xE000, $0x38;
	[tilespmem:$0x19280] =	vst v63  }
0x13: {  	_ =	swait.ge [sflag:s10], $0xE000  }
0x14: {  	[sflag:s10] =	ssyncset.done $0x0  }
0x15: {  	s0 =	simm.s32 $0x80;
	[sflag:s10] =	ssyncadd.s32 $0xFFFF2000  }
0x16: {  	[tilespmem:s0], [sflag:$0x1] =	stream.indirect.gather [hbm4b:s4+s12], $0x20, s2, s12, $0xb8;
	[tilespmem:$0x19280] =	vst v63  }
0x17: {  	s17 =	simm.s32 $0x880  }
0x18: {  	[tilespmem:s17], [sflag:$0x1] =	stream.indirect.gather [hbm4b:s4+s12], $0x20, s12, s12, $0xb8;
	[tilespmem:$0x19280] =	vst v63  }
0x19: {  	_ =	swait.ge [sflag:s15], $0x800  }
0x1a: {  	[sflag:s15] =	ssyncset.done $0x0  }
0x1b: {  	[sflag:s15] =	ssyncadd.s32 $0xFFFFF800  }
0x1c: {  	_ =	swait.ge [sflag:s15], $0x800  }
0x1d: {  	[sflag:s15] =	ssyncset.done $0x0  }
0x1e: {  	s18 =	simm.s32 $0xF080;
	[sflag:s15] =	ssyncadd.s32 $0xFFFFF800  }
0x1f: {  	[tilespmem:s18], [sflag:$0x1] =	stream.indirect.gather [hbm4b:s5+s16], $0x20, s11, s16, $0xb8;
	[tilespmem:$0x19280] =	vst v63  }
0x20: {  	s19 =	simm.s32 $0x10F0;
	s1 =	simm.s32 $0xFE00  }
0x21: {  	[tilespmem:s1], [sflag:$0x1] =	stream.indirect.gather [hbm4b:s5+s16], $0x20, s19, s16, $0xb8;
	[tilespmem:$0x19280] =	vst v63  }
0x22: {  	_ = 	snop  }
0x23: {  	[tilespmem:s21], [sflag:$0x1] =	stream.indirect.gather [hbm4b:s5+s16], $0x20, s20, s16, $0xb8;
	[tilespmem:$0x19280] =	vst v63  }
0x24: {  	s30 =	simm.s32 $0x0;
	s31 =	simm.s32 $0x0;
	s1 =	simm.s32 $0x0  }
0x25: {  	[tilespmem:s23], [sflag:$0x1] =	stream.indirect.gather [hbm4b:s5+s16], $0x20, s22, s16, $0xb8;
	[tilespmem:$0x19280] =	vst v63  }
.LBB2_2:
0x26: {  	s0 =	sshllo.u32 s1, $0x1  }
0x27: {  	s13 =	smul.u32 $0x700, s0;
	_ =	sdelay $0x1  }
0x28: {  	s13 =	sshra.s32 s13, $0x2  }
0x29: {  	s14 =	sadd.s32 $0x1080, s13  }
0x2a: {  	[tilespmem:s24], [sflag:$0x1] =	stream.indirect.gather [hbm4b:s5+s16], $0x20, s14, s16, $0xb8;
	[tilespmem:$0x19280] =	vst v63  }
0x2b: {  	s17 =	sadd.s32 $0x10F0, s13  }
0x2c: {  	[tilespmem:s25], [sflag:$0x1] =	stream.indirect.gather [hbm4b:s5+s16], $0x20, s17, s16, $0xb8;
	[tilespmem:$0x19280] =	vst v63  }
0x2d: {  	s18 =	sadd.s32 $0x1160, s13  }
0x2e: {  	[tilespmem:s26], [sflag:$0x1] =	stream.indirect.gather [hbm4b:s5+s16], $0x20, s18, s16, $0xb8;
	[tilespmem:$0x19280] =	vst v63  }
0x2f: {  	s13 =	sadd.s32 $0x11D0, s13  }
0x30: {  	[tilespmem:s28], [sflag:$0x1] =	stream.indirect.gather [hbm4b:s5+s16], $0x20, s13, s16, $0xb8;
	[tilespmem:$0x19280] =	vst v63  }
0x31: {  	_ =	swait.ge [sflag:s15], $0xD80  }
0x32: {  	[sflag:s15] =	ssyncset.done $0x0  }
0x33: {  	[sflag:s15] =	ssyncadd.s32 $0xFFFFF280  }
0x34: {  	_ =	swait.ge [sflag:s15], $0xD80  }
0x35: {  	[sflag:s15] =	ssyncset.done $0x0  }
0x36: {  	[sflag:s15] =	ssyncadd.s32 $0xFFFFF280  }
0x37: {  	_ =	swait.ge [sflag:s15], $0xD80  }
0x38: {  	[sflag:s15] =	ssyncset.done $0x0  }
0x39: {  	[sflag:s15] =	ssyncadd.s32 $0xFFFFF280  }
0x3a: {  	_ =	swait.ge [sflag:s15], $0xD80  }
0x3b: {  	s19 =	sshll.u32 s1, $0x6;
	[sflag:s15] =	ssyncset.done $0x0  }
0x3c: {  	s13 =	sand.u32 $0x3FFFFFC0, s19;
	[sflag:s15] =	ssyncadd.s32 $0xFFFFF280  }
0x3d: {  	v0 =	vld [tilespmem:s13+$0x80]  }
0x3e: {  	s14 =	simm.s32 $0xF380;
	v1 =	vld [tilespmem:s13+$0x90]  }
0x3f: {  	v2 =	vld [tilespmem:s14+$0x2A0]  }
0x40: {  	v3 =	vld [tilespmem:s14+$0x2B0]  }
0x41: {  	v4 =	vld [tilespmem:s14+$0xFFFFFD10]  }
0x42: {  	v5 =	vld [tilespmem:s14+$0x260]  }
0x43: {  	v6 =	vld [tilespmem:s14+$0x270]  }
0x44: {  	v7 =	vld [tilespmem:s14+$0xFFFFFF00]  }
0x45: {  	v8 =	vld [tilespmem:s14+$0x220]  }
0x46: {  	v9 =	vld [tilespmem:s14+$0x230]  }
0x47: {  	v10 =	vld [tilespmem:s14+$0xFFFFFF10]  }
0x48: {  	v11 =	vld [tilespmem:s14+$0x1E0]  }
0x49: {  	v12 =	vld [tilespmem:s14+$0xFFFFFD00]  }
0x4a: {  	v14 =	vld [tilespmem:s14+$0x1A0]  }
0x4b: {  	v16 =	vld [tilespmem:s14+$0xFFFFFD30]  }
0x4c: {  	v21 =	vld [tilespmem:s14+$0xFFFFFF30]  }
0x4d: {  	v34 =	vld [tilespmem:s14+$0xFFFFFFE0]  }
0x4e: {  	v38 =	vld [tilespmem:s14+$0x0];
	v2 =	vmul.bf16 v2, v0;
	v3 =	vmul.bf16 v3, v1  }
0x4f: {  	v41 =	vld [tilespmem:s14+$0x20];
	v5 =	vmul.bf16 v5, v0;
	v6 =	vmul.bf16 v6, v1  }
0x50: {  	v42 =	vld [tilespmem:s14+$0x30];
	v4 =	vmul.bf16 v4, v1;
	v7 =	vmul.bf16 v7, v0  }
0x51: {  	v48 =	vld [tilespmem:s14+$0x40];
	v10 =	vmul.bf16 v10, v1;
	v12 =	vmul.bf16 v12, v0  }
0x52: {  	v16 =	vmul.bf16 v16, v1;
	v39 =	vmul.bf16 v34, v0;
	v2 =	vadd.bf16 v3, v2;
	v3 =	vld [tilespmem:s14+$0x1F0]  }
0x53: {  	v5 =	vadd.bf16 v6, v5;
	v6 =	vmul.bf16 v8, v0;
	v8 =	vmul.bf16 v9, v1;
	v9 =	vld [tilespmem:s14+$0x1B0]  }
0x54: {  	v44 =	vmul.bf16 v38, v0;
	v7 =	vadd.bf16 v10, v7;
	v10 =	vmul.bf16 v11, v0;
	v11 =	vld [tilespmem:s14+$0x170]  }
0x55: {  	v49 =	vmul.bf16 v41, v0;
	v4 =	vadd.bf16 v4, v12;
	v12 =	vmul.bf16 v14, v0;
	v14 =	vld [tilespmem:s14+$0x130]  }
0x56: {  	v13 =	vand.u32 $0xFFFF0000, v2;
	v2 =	vshll.u32 v2, $0x10;
	v6 =	vadd.bf16 v8, v6;
	v8 =	vld [tilespmem:s14+$0x160]  }
0x57: {  	v15 =	vand.u32 $0xFFFF0000, v5;
	v5 =	vshll.u32 v5, $0x10;
	v2 =	vadd.f32 v2, v13;
	v13 =	vld [tilespmem:s14+$0xFFFFFD20]  }
0x58: {  	v50 =	vmul.bf16 v42, v1;
	v54 =	vmul.bf16 v48, v0;
	v5 =	vadd.f32 v5, v15  }
0x59: {  	v18 =	vld [tilespmem:s14+$0xFFFFFF20];
	v15 =	vand.u32 $0xFFFF0000, v6;
	v6 =	vshll.u32 v6, $0x10;
	v3 =	vmul.bf16 v3, v1  }
0x5a: {  	v29 =	vld [tilespmem:s14+$0xFFFFFF70];
	v9 =	vmul.bf16 v9, v1;
	v6 =	vadd.f32 v6, v15;
	v11 =	vmul.bf16 v11, v1;
	(xrf2) =	vadd.scan.msk.f32 $0xffff, v2  }
0x5b: {  	v14 =	vmul.bf16 v14, v1;
	(xrf2) =	vadd.scan.msk.f32 $0xffff, v5;
	v3 =	vadd.bf16 v3, v10;
	v10 =	vld [tilespmem:s14+$0x120];
	v8 =	vmul.bf16 v8, v0  }
0x5c: {  	v9 =	vadd.bf16 v9, v12;
	v12 =	vld [tilespmem:s14+$0x100];
	(xrf2) =	vadd.scan.msk.f32 $0xffff, v6;
	v6 =	vmul.bf16 v21, v1;
	v13 =	vmul.bf16 v13, v0  }
0x5d: {  	v15 =	vand.u32 $0xFFFF0000, v3;
	v3 =	vshll.u32 v3, $0x10;
	v8 =	vadd.bf16 v11, v8;
	v11 =	vld [tilespmem:s14+$0x140]  }
0x5e: {  	v20 =	vand.u32 $0xFFFF0000, v9;
	v9 =	vshll.u32 v9, $0x10;
	v3 =	vadd.f32 v3, v15;
	v15 =	vld [tilespmem:s14+$0x110]  }
0x5f: {  	v21 =	vmul.bf16 v29, v1;
	v9 =	vadd.f32 v9, v20;
	v20 =	vld [tilespmem:s14+$0x150];
	v13 =	vadd.bf16 v16, v13  }
0x60: {  	v29 =	vld [tilespmem:s14+$0x10];
	v16 =	vand.u32 $0xFFFF0000, v8;
	v8 =	vshll.u32 v8, $0x10;
	v10 =	vmul.bf16 v10, v0  }
0x61: {  	v17 =	vand.u32 $0xFFFF0000, v7;
	v19 =	vand.u32 $0xFFFF0000, v4;
	v8 =	vadd.f32 v8, v16;
	v16 =	vld [tilespmem:s14+$0x2E0];
	(xrf2) =	vadd.scan.msk.f32 $0xffff, v3  }
0x62: {  	v4 =	vshll.u32 v4, $0x10;
	v5 =	vmul.bf16 v18, v0;
	(xrf2) =	vadd.scan.msk.f32 $0xffff, v9;
	v2 =	vadd.bf16 v14, v10;
	v14 =	vld [tilespmem:s14+$0x180]  }
0x63: {  	v7 =	vshll.u32 v7, $0x10;
	v10 =	vmul.bf16 v12, v0;
	(xrf2) =	vadd.scan.msk.f32 $0xffff, v8;
	v8 =	vld [tilespmem:s14+$0x2F0];
	v12 =	vmul.bf16 v15, v1  }
0x64: {  	v4 =	vadd.f32 v4, v19;
	v3 =	vmul.bf16 v11, v0;
	v15 =	vld [tilespmem:s14+$0x190];
	v11 =	vmul.bf16 v20, v1  }
0x65: {  	v18 =	vand.u32 $0xFFFF0000, v2;
	v2 =	vshll.u32 v2, $0x10;
	v10 =	vadd.bf16 v12, v10  }
0x66: {  	v19 =	vand.u32 $0xFFFF0000, v13;
	v46 =	vmul.bf16 v29, v1;
	v2 =	vadd.f32 v2, v18  }
0x67: {  	v12 =	vld [tilespmem:s14+$0x1C0];
	v3 =	vadd.bf16 v11, v3;
	v16 =	vmul.bf16 v16, v0;
	v9 =	vand.u32 $0xFFFF0000, v10  }
0x68: {  	v18 =	vld [tilespmem:s14+$0x1D0];
	v10 =	vshll.u32 v10, $0x10;
	(xrf2) =	vadd.scan.msk.f32 $0xffff, v2;
	v2 =	vmul.bf16 v14, v0;
	v8 =	vmul.bf16 v8, v1  }
0x69: {  	v11 =	vld [tilespmem:s14+$0x200];
	v9 =	vadd.f32 v10, v9;
	v10 =	vadd.bf16 v6, v5;
	v6 =	vmul.bf16 v15, v1  }
0x6a: {  	v14 =	vld [tilespmem:s14+$0x210];
	v5 =	vadd.f32 v7, v17;
	v7 =	vand.u32 $0xFFFF0000, v3;
	v3 =	vshll.u32 v3, $0x10  }
0x6b: {  	v20 =	vld [tilespmem:s14+$0x290];
	v3 =	vadd.f32 v3, v7;
	v8 =	vadd.bf16 v8, v16;
	(xrf2) =	vadd.scan.msk.f32 $0xffff, v9;
	v9 =	vshll.u32 v13, $0x10  }
0x6c: {  	v17 =	vld [tilespmem:s14+$0x240];
	v2 =	vadd.bf16 v6, v2;
	v7 =	vand.u32 $0xFFFF0000, v10;
	v12 =	vmul.bf16 v12, v0  }
0x6d: {  	v13 =	vld [tilespmem:s14+$0x280];
	v15 =	vmul.bf16 v18, v1;
	v10 =	vshll.u32 v10, $0x10;
	v6 =	vadd.f32 v9, v19  }
0x6e: {  	v19 =	vld [tilespmem:s14+$0x250];
	(xrf2) =	vadd.scan.msk.f32 $0xffff, v3;
	v7 =	vadd.f32 v10, v7;
	v9 =	vand.u32 $0xFFFF0000, v2;
	v2 =	vshll.u32 v2, $0x10  }
0x6f: {  	v18, _, _ =	vpop (xrf2);
	v10 =	vmul.bf16 v11, v0;
	v11 =	vmul.bf16 v14, v1;
	v2 =	vadd.f32 v2, v9  }
0x70: {  	v16 =	vmul.bf16 v20, v1;
	v18 =	vbroadcast v18, $0xF;
	v14 =	vld [tilespmem:s14+$0x2C0];
	v3, _, _ =	vpop (xrf2);
	v9 =	vadd.bf16 v15, v12  }
0x71: {  	v22 =	vld [tilespmem:s14+$0x2D0];
	v17 =	vmul.bf16 v17, v0;
	v12, _, _ =	vpop (xrf2);
	v10 =	vadd.bf16 v11, v10;
	v3 =	vbroadcast v3, $0xF  }
0x72: {  	v15, _, _ =	vpop (xrf2);
	v26 =	vand.u32 $0xFFFF0000, v9;
	v9 =	vshll.u32 v9, $0x10;
	v13 =	vmul.bf16 v13, v0  }
0x73: {  	(xrf2) =	vadd.scan.msk.f32 $0xffff, v2;
	v12 =	vbroadcast v12, $0xF;
	v9 =	vadd.f32 v9, v26;
	v19 =	vmul.bf16 v19, v1;
	v2, _, _ =	vpop (xrf2)  }
0x74: {  	v23 =	vand.u32 $0xFFFF0000, v10;
	v10 =	vshll.u32 v10, $0x10;
	v15 =	vbroadcast v15, $0xF;
	v11, _, _ =	vpop (xrf2)  }
0x75: {  	v14 =	vmul.bf16 v14, v0;
	v27, _, _ =	vpop (xrf2);
	(xrf2) =	vadd.scan.msk.f32 $0xffff, v9;
	v9 =	vadd.f32 v10, v23;
	v10 =	vadd.bf16 v19, v17  }
0x76: {  	v13 =	vadd.bf16 v16, v13;
	v19 =	vmul.bf16 v22, v1;
	v11 =	vbroadcast v11, $0xF;
	v17, _, _ =	vpop (xrf2)  }
0x77: {  	v20 =	vbroadcast v27, $0xF;
	v17 =	vadd.f32 $0.0e+00, v17;
	v28 =	vand.u32 $0xFFFF0000, v10  }
0x78: {  	v10 =	vshll.u32 v10, $0x10;
	v16, _, _ =	vpop (xrf2);
	v14 =	vadd.bf16 v19, v14;
	v19 =	vand.u32 $0xFFFF0000, v13  }
0x79: {  	v13 =	vshll.u32 v13, $0x10;
	v10 =	vadd.f32 v10, v28;
	v16 =	vbroadcast v16, $0xF  }
0x7a: {  	v30 =	vld [tilespmem:s14+$0xFFFFFF90];
	v23 =	vadd.bf16 v46, v44;
	(xrf2) =	vadd.scan.msk.f32 $0xffff, v9;
	v13 =	vadd.f32 v13, v19;
	v9 =	vbroadcast v17, $0xF  }
0x7b: {  	v46 =	vld [tilespmem:s14+$0xFFFFFED0];
	v17 =	vadd.f32 $0.0e+00, v20;
	v19 =	vand.u32 $0xFFFF0000, v14;
	v14 =	vshll.u32 v14, $0x10;
	(xrf2) =	vadd.scan.msk.f32 $0xffff, v10  }
0x7c: {  	v20 =	vld [tilespmem:s14+$0xFFFFFD50];
	v9 =	vnsel vm0, $0x0, v9;
	(xrf2) =	vadd.scan.msk.f32 $0xffff, v13;
	v13 =	vadd.f32 v14, v19;
	v19 =	vand.u32 $0xFFFF0000, v8  }
0x7d: {  	v8 =	vshll.u32 v8, $0x10;
	v10 =	vsel vm1, v9, v17;
	v9 =	vadd.f32 v16, v9;
	v16, _, _ =	vpop (xrf2);
	v17 =	vld [tilespmem:s14+$0xFFFFFD40]  }
0x7e: {  	v27 =	vld [tilespmem:s14+$0xFFFFFDF0];
	v8 =	vadd.f32 v8, v19;
	v11 =	vadd.f32 v11, v10;
	v16 =	vbroadcast v16, $0xF  }
0x7f: {  	v2 =	vbroadcast v2, $0xF;
	v22 =	vmul.bf16 v30, v1;
	v19 =	vld [tilespmem:s14+$0xFFFFFF60];
	(xrf2) =	vadd.scan.msk.f32 $0xffff, v13;
	v9 =	vsel vm2, v10, v9  }
0x80: {  	v57 =	vand.u32 $0xFFFF0000, v23;
	(xrf2) =	vadd.scan.msk.f32 $0xffff, v8;
	v9 =	vsel vm3, v9, v11;
	v10 =	vadd.f32 v16, v10;
	v11 =	vld [tilespmem:s14+$0xFFFFFF40];
	v14, _, _ =	vpop (xrf2)  }
0x81: {  	v23 =	vshll.u32 v23, $0x10;
	(xrf2) =	vadd.scan.msk.f32 $0xffff, v4;
	v4 =	vld [tilespmem:s14+$0x50];
	v2 =	vadd.f32 v2, v9;
	v14 =	vbroadcast v14, $0xF  }
0x82: {  	v20 =	vmul.bf16 v20, v1;
	v9 =	vsel vm4, v9, v10;
	v10 =	vld [tilespmem:s14+$0xFFFFFD60];
	v17 =	vmul.bf16 v17, v0  }
0x83: {  	v23 =	vadd.f32 v23, v57;
	v16 =	vld [tilespmem:s14+$0xFFFFFF50];
	v2 =	vsel vm5, v9, v2;
	v9 =	vadd.f32 v14, v9  }
0x84: {  	v29 =	vmul.bf16 v46, v1;
	v15 =	vadd.f32 v15, v2;
	v17 =	vadd.bf16 v20, v17;
	v20 =	vld [tilespmem:s14+$0xFFFFFDA0]  }
0x85: {  	v33 =	vld [tilespmem:s14+$0xFFFFFDE0];
	v27 =	vmul.bf16 v27, v1;
	v14, _, _ =	vpop (xrf2);
	v9 =	vsel vm6, v2, v9;
	v8 =	vmul.bf16 v11, v0  }
0x86: {  	v13 =	vld [tilespmem:s14+$0xFFFFFD70];
	v4 =	vmul.bf16 v4, v1;
	v14 =	vbroadcast v14, $0xF;
	v9 =	vsel vm7, v9, v15;
	v11, _, _ =	vpop (xrf2)  }
0x87: {  	(xrf2) =	vadd.scan.msk.f32 $0xffff, v5;
	v5 =	vld [tilespmem:s14+$0xFFFFFE60];
	v31 =	vand.u32 $0xFFFF0000, v17;
	v11 =	vbroadcast v11, $0xF;
	v10 =	vmul.bf16 v10, v0  }
0x88: {  	v15 =	vld [tilespmem:s14+$0xFFFFFD80];
	v4 =	vadd.bf16 v4, v54;
	v2 =	vadd.f32 v14, v2;
	v14 =	vmul.bf16 v16, v1  }
0x89: {  	(xrf2) =	vadd.scan.msk.f32 $0xffff, v6;
	v6 =	vld [tilespmem:s14+$0x60];
	v12 =	vadd.f32 v12, v9;
	v16 =	vmul.bf16 v19, v0;
	v20 =	vmul.bf16 v20, v0  }
0x8a: {  	v44 =	vand.u32 $0xFFFF0000, v4;
	v4 =	vshll.u32 v4, $0x10;
	v2 =	vsel vm8, v9, v2  }
0x8b: {  	v19 =	vld [tilespmem:s14+$0xFFFFFF80];
	v9 =	vmul.bf16 v13, v1;
	v8 =	vadd.bf16 v14, v8;
	v16 =	vadd.bf16 v21, v16  }
0x8c: {  	v40 =	vld [tilespmem:s14+$0xFFFFFE20];
	v21 =	vmul.bf16 v33, v0;
	v5 =	vmul.bf16 v5, v0;
	v4 =	vadd.f32 v4, v44  }
0x8d: {  	v35 =	vld [tilespmem:s14+$0xFFFFFFF0];
	v12 =	vsel vm9, v2, v12;
	v2 =	vadd.f32 v11, v2;
	v11, _, _ =	vpop (xrf2);
	v15 =	vmul.bf16 v15, v0  }
0x8e: {  	v13 =	vld [tilespmem:s14+$0xFFFFFD90];
	v6 =	vmul.bf16 v6, v0;
	v3 =	vadd.f32 v3, v12;
	v11 =	vbroadcast v11, $0xF  }
0x8f: {  	v36 =	vld [tilespmem:s14+$0xFFFFFE00];
	v9 =	vadd.bf16 v9, v10;
	v24 =	vand.u32 $0xFFFF0000, v8;
	v8 =	vshll.u32 v8, $0x10  }
0x90: {  	v33 =	vld [tilespmem:s14+$0xFFFFFE70];
	v2 =	vsel vm10, v12, v2;
	v19 =	vmul.bf16 v19, v0;
	v8 =	vadd.f32 v8, v24  }
0x91: {  	v24 =	vmul.bf16 v40, v0;
	v2 =	vsel vm11, v2, v3;
	v3 =	vadd.f32 v11, v12  }
0x92: {  	v32 =	vld [tilespmem:s14+$0xFFFFFDD0];
	v26 =	vand.u32 $0xFFFF0000, v9;
	v9 =	vshll.u32 v9, $0x10;
	v14 =	vadd.f32 v18, v2  }
0x93: {  	v10 =	vld [tilespmem:s14+$0xFFFFFFA0];
	v13 =	vmul.bf16 v13, v1;
	v9 =	vadd.f32 v9, v26;
	v19 =	vadd.bf16 v22, v19  }
0x94: {  	v12 =	vld [tilespmem:s14+$0xFFFFFDB0];
	v26 =	vmul.bf16 v35, v1;
	v22 =	vmul.bf16 v36, v0;
	v11, _, _ =	vpop (xrf2);
	v2 =	vsel vm12, v2, v3  }
0x95: {  	v18 =	vld [tilespmem:s14+$0xFFFFFFB0];
	v58 =	vmul.bf16 v33, v1;
	v11 =	vbroadcast v11, $0xF;
	v3 =	vsel vm13, v2, v14  }
0x96: {  	v56 =	vld [tilespmem:s14+$0xFFFFFE80];
	v13 =	vadd.bf16 v13, v15;
	v15 =	vand.u32 $0xFFFF0000, v16;
	v16 =	vshll.u32 v16, $0x10  }
0x97: {  	v25 =	vld [tilespmem:s14+$0xFFFFFFD0];
	v28 =	vand.u32 $0xFFFF0000, v19;
	v19 =	vshll.u32 v19, $0x10;
	v5 =	vadd.bf16 v58, v5  }
0x98: {  	v14 =	vld [tilespmem:s14+$0xFFFFFDC0];
	v10 =	vmul.bf16 v10, v0;
	v15 =	vadd.f32 v16, v15;
	v19 =	vadd.f32 v19, v28  }
0x99: {  	v45 =	vld [tilespmem:s14+$0xFFFFFE50];
	v11 =	vadd.f32 v11, v2;
	v2, _, _ =	vpop (xrf2);
	v12 =	vmul.bf16 v12, v1;
	v37 =	vand.u32 $0xFFFF0000, v13  }
0x9a: {  	v13 =	vshll.u32 v13, $0x10;
	v2 =	vadd.f32 v3, v2;
	v18 =	vmul.bf16 v18, v1  }
0x9b: {  	v53 =	vld [tilespmem:s14+$0x70];
	(xrf2) =	vadd.scan.msk.f32 $0xffff, v7;
	v13 =	vadd.f32 v13, v37;
	v37 =	vmul.bf16 v56, v0;
	v3 =	vsel vm14, v3, v11  }
0x9c: {  	v60 =	vld [tilespmem:s14+$0x80];
	v62, _, _ =	vpop (xrf2);
	v11 =	vshll.u32 v17, $0x10;
	v12 =	vadd.bf16 v12, v20;
	v20 =	vmul.bf16 v32, v1  }
0x9d: {  	v34 =	vld [tilespmem:s14+$0x90];
	v33 =	vadd.f32 $0.0e+00, v62;
	v11 =	vadd.f32 v11, v31;
	v14 =	vmul.bf16 v14, v0  }
0x9e: {  	v17 =	vld [tilespmem:s14+$0xFFFFFFC0];
	v36, _, _ =	vpop (xrf2);
	v10 =	vadd.bf16 v18, v10;
	v18 =	vmul.bf16 v25, v1;
	v25 =	vmul.bf16 v45, v1  }
0x9f: {  	v58 =	vld [tilespmem:s14+$0xE0];
	v38 =	vadd.f32 $0.0e+00, v36;
	v30 =	vand.u32 $0xFFFF0000, v12;
	v12 =	vshll.u32 v12, $0x10  }
0xa0: {  	v31 =	vld [tilespmem:s14+$0xFFFFFE30];
	v33 =	vbroadcast v33, $0xF;
	v14 =	vadd.bf16 v20, v14;
	v20 =	vand.u32 $0xFFFF0000, v10  }
0xa1: {  	v10 =	vshll.u32 v10, $0x10;
	v12 =	vadd.f32 v12, v30;
	v30 =	vmul.bf16 v53, v1  }
0xa2: {  	(xrf2) =	vadd.scan.msk.f32 $0xffff, v11;
	v10 =	vadd.f32 v10, v20;
	v20 =	vadd.bf16 v26, v39;
	v26 =	vmul.bf16 v60, v0  }
0xa3: {  	v43 =	vld [tilespmem:s14+$0xFFFFFE40];
	(xrf2) =	vadd.scan.msk.f32 $0xffff, v8;
	v39, _, _ =	vpop (xrf2);
	v16 =	vmul.bf16 v17, v0;
	v47 =	vand.u32 $0xFFFF0000, v14;
	v14 =	vshll.u32 v14, $0x10  }
0xa4: {  	v28 =	vbroadcast v39, $0xF;
	v6 =	vadd.bf16 v30, v6;
	(xrf2) =	vadd.scan.msk.f32 $0xffff, v9;
	v9 =	vmul.bf16 v34, v1  }
0xa5: {  	v42, _, _ =	vpop (xrf2);
	v34 =	vmul.bf16 v58, v0;
	v31 =	vmul.bf16 v31, v1;
	v14 =	vadd.f32 v14, v47  }
0xa6: {  	v59 =	vld [tilespmem:s14+$0xFFFFFE90];
	v52 =	vand.u32 $0xFFFF0000, v20;
	v20 =	vshll.u32 v20, $0x10;
	(xrf2) =	vadd.scan.msk.f32 $0xffff, v15;
	v15 =	vbroadcast v42, $0xF  }
0xa7: {  	v11 =	vld [tilespmem:s14+$0xFFFFFEA0];
	v47 =	vand.u32 $0xFFFF0000, v5;
	v5 =	vshll.u32 v5, $0x10;
	v16 =	vadd.bf16 v18, v16  }
0xa8: {  	v18 =	vadd.bf16 v27, v21;
	v21 =	vmul.bf16 v43, v0;
	v7 =	vadd.f32 v20, v52  }
0xa9: {  	v41 =	vld [tilespmem:s14+$0xB0];
	v20 =	vadd.bf16 v50, v49;
	v27 =	vbroadcast v38, $0xF;
	v48 =	vand.u32 $0xFFFF0000, v6  }
0xaa: {  	v8 =	vld [tilespmem:s14+$0xFFFFFEB0];
	v6 =	vshll.u32 v6, $0x10;
	v28 =	vadd.f32 $0.0e+00, v28;
	v9 =	vadd.bf16 v9, v26  }
0xab: {  	v5 =	vadd.f32 v5, v47;
	v24 =	vadd.bf16 v31, v24;
	v31 =	vmul.bf16 v59, v1  }
0xac: {  	v17 =	vld [tilespmem:s14+$0xFFFFFE10];
	v11 =	vmul.bf16 v11, v0;
	v15 =	vadd.f32 $0.0e+00, v15;
	v6 =	vadd.f32 v6, v48  }
0xad: {  	v32 =	vand.u32 $0xFFFF0000, v16;
	v16 =	vshll.u32 v16, $0x10;
	v51 =	vand.u32 $0xFFFF0000, v18  }
0xae: {  	v40 =	vld [tilespmem:s14+$0xA0];
	v18 =	vshll.u32 v18, $0x10;
	v21 =	vadd.bf16 v25, v21;
	v63 =	vand.u32 $0xFFFF0000, v20  }
0xaf: {  	v20 =	vshll.u32 v20, $0x10;
	v8 =	vmul.bf16 v8, v1;
	v25 =	vmul.bf16 v41, v1  }
0xb0: {  	v27 =	vnsel vm0, $0x0, v27;
	v54 =	vand.u32 $0xFFFF0000, v9;
	v9 =	vshll.u32 v9, $0x10  }
0xb1: {  	v45 =	vld [tilespmem:s14+$0xFFFFFEC0];
	v17 =	vmul.bf16 v17, v1;
	v16 =	vadd.f32 v16, v32;
	v18 =	vadd.f32 v18, v51  }
0xb2: {  	s17 =	simm.s32 $0xF980;
	v61 =	vand.u32 $0xFFFF0000, v24;
	v24 =	vshll.u32 v24, $0x10;
	v20 =	vadd.f32 v20, v63  }
0xb3: {  	v48 =	vld [tilespmem:s17+$0xFFFFFD20];
	v32 =	vmul.bf16 v40, v0;
	v51 =	vnsel vm0, $0x0, v33;
	v15 =	vsel vm1, v27, v15  }
0xb4: {  	(xrf2) =	vadd.scan.msk.f32 $0xffff, v13;
	v9 =	vadd.f32 v9, v54;
	v24 =	vadd.f32 v24, v61;
	v43 =	vand.u32 $0xFFFF0000, v21  }
0xb5: {  	v59 =	vld [tilespmem:s14+$0xF0];
	v21 =	vshll.u32 v21, $0x10;
	v8 =	vadd.bf16 v8, v11;
	v17 =	vadd.bf16 v17, v22  }
0xb6: {  	v35 =	vld [tilespmem:s14+$0xC0];
	(xrf2) =	vadd.scan.msk.f32 $0xffff, v19;
	v11 =	vmul.bf16 v45, v0;
	v21 =	vadd.f32 v21, v43;
	v22 =	vadd.bf16 v31, v37  }
0xb7: {  	v13 =	vld [tilespmem:s14+$0xD0];
	v25 =	vadd.bf16 v25, v32;
	v57 =	vand.u32 $0xFFFF0000, v8;
	v8 =	vshll.u32 v8, $0x10  }
0xb8: {  	v36, _, _ =	vpop (xrf2);
	v11 =	vadd.bf16 v29, v11;
	v54 =	vmul.bf16 v48, v0;
	v55 =	vand.u32 $0xFFFF0000, v17  }
0xb9: {  	v17 =	vshll.u32 v17, $0x10;
	v49, _, _ =	vpop (xrf2);
	v19 =	vbroadcast v36, $0xF;
	v53 =	vand.u32 $0xFFFF0000, v22  }
0xba: {  	v22 =	vshll.u32 v22, $0x10;
	v8 =	vadd.f32 v8, v57;
	v36 =	vmul.bf16 v59, v1;
	v50, _, _ =	vpop (xrf2);
	(xrf2) =	vadd.scan.msk.f32 $0xffff, v12  }
0xbb: {  	v46 =	vld [tilespmem:s17+$0x1B0];
	v17 =	vadd.f32 v17, v55;
	v26 =	vbroadcast v49, $0xF;
	v12 =	vmul.bf16 v35, v0;
	(xrf2) =	vadd.scan.msk.f32 $0xffff, v10  }
0xbc: {  	v38 =	vand.u32 $0xFFFF0000, v11;
	v11 =	vshll.u32 v11, $0x10;
	v52, _, _ =	vpop (xrf2);
	v10 =	vmul.bf16 v13, v1;
	(xrf2) =	vadd.scan.msk.f32 $0xffff, v14  }
0xbd: {  	v55 =	vld [tilespmem:s14+$0xFFFFFEE0];
	v13 =	vbroadcast v50, $0xF;
	v19 =	vadd.f32 v19, v51;
	v32 =	vbroadcast v52, $0xF;
	(xrf2) =	vadd.scan.msk.f32 $0xffff, v16  }
0xbe: {  	v56 =	vld [tilespmem:s14+$0xFFFFFEF0];
	v14 =	vsel vm1, v51, v28;
	v26 =	vadd.f32 v26, v27;
	v60, _, _ =	vpop (xrf2);
	v16 =	vadd.f32 v22, v53  }
0xbf: {  	v49 =	vld [tilespmem:s17+$0x170];
	v10 =	vadd.bf16 v10, v12;
	v12 =	vadd.f32 v13, v14;
	v13 =	vbroadcast v60, $0xF;
	(xrf2) =	vadd.scan.msk.f32 $0xffff, v18  }
0xc0: {  	v51 =	vld [tilespmem:s17+$0xFFFFFD30];
	v61, _, _ =	vpop (xrf2);
	v19 =	vsel vm2, v14, v19;
	v53 =	vmul.bf16 v46, v1;
	v18 =	vand.u32 $0xFFFF0000, v25;
	(xrf2) =	vadd.scan.msk.f32 $0xffff, v7  }
0xc1: {  	v25 =	vshll.u32 v25, $0x10;
	v62 =	vbroadcast v61, $0xF;
	v26 =	vsel vm2, v15, v26  }
0xc2: {  	v7 =	vadd.f32 v32, v15;
	v18 =	vadd.f32 v25, v18;
	v63 =	vmul.bf16 v55, v0;
	(xrf2) =	vadd.scan.msk.f32 $0xffff, v17  }
0xc3: {  	v40 =	vand.u32 $0xFFFF0000, v10;
	v10 =	vshll.u32 v10, $0x10;
	v12 =	vsel vm3, v19, v12;
	(xrf2) =	vadd.scan.msk.f32 $0xffff, v23  }
0xc4: {  	v13 =	vadd.f32 v13, v14;
	v22 =	vmul.bf16 v49, v1;
	v17 =	vmul.bf16 v56, v1;
	v33, _, _ =	vpop (xrf2);
	(xrf2) =	vadd.scan.msk.f32 $0xffff, v24  }
0xc5: {  	v7 =	vsel vm3, v26, v7;
	v60 =	vmul.bf16 v51, v1;
	v35, _, _ =	vpop (xrf2);
	(xrf2) =	vadd.scan.msk.f32 $0xffff, v20;
	v20 =	vadd.f32 v11, v38  }
0xc6: {  	v37 =	vbroadcast v33, $0xF;
	v11 =	vadd.f32 v62, v15;
	v15 =	vadd.bf16 v17, v63;
	v41, _, _ =	vpop (xrf2);
	(xrf2) =	vadd.scan.msk.f32 $0xffff, v21  }
0xc7: {  	v39 =	vbroadcast v35, $0xF;
	v14, _, _ =	vpop (xrf2);
	v19 =	vbroadcast v41, $0xF;
	(xrf2) =	vadd.scan.msk.f32 $0xffff, v4;
	v4 =	vadd.f32 v10, v40  }
0xc8: {  	v10 =	vadd.f32 v37, v12;
	v11 =	vsel vm4, v7, v11;
	v42 =	vand.u32 $0xFFFF0000, v15  }
0xc9: {  	v15 =	vshll.u32 v15, $0x10;
	v17, _, _ =	vpop (xrf2);
	(xrf2) =	vadd.scan.msk.f32 $0xffff, v5;
	v5 =	vsel vm4, v12, v13;
	v12 =	vadd.bf16 v36, v34  }
0xca: {  	v14 =	vbroadcast v14, $0xF;
	v7 =	vadd.f32 v39, v7;
	v13 =	vbroadcast v17, $0xF;
	v17, _, _ =	vpop (xrf2)  }
0xcb: {  	(xrf2) =	vadd.scan.msk.f32 $0xffff, v6;
	v6 =	vbroadcast v17, $0xF;
	v17 =	vsel vm5, v5, v10;
	v10 =	vand.u32 $0xFFFF0000, v12  }
0xcc: {  	v12 =	vshll.u32 v12, $0x10;
	v5 =	vadd.f32 v19, v5;
	v14 =	vadd.f32 v14, v11  }
0xcd: {  	(xrf2) =	vadd.scan.msk.f32 $0xffff, v16;
	v16, _, _ =	vpop (xrf2);
	v7 =	vsel vm5, v11, v7;
	v11 =	vadd.f32 v15, v42;
	v10 =	vadd.f32 v12, v10  }
0xce: {  	v51 =	vld [tilespmem:s17+$0x290];
	(xrf2) =	vadd.scan.msk.f32 $0xffff, v9;
	v9, _, _ =	vpop (xrf2);
	v15 =	vbroadcast v16, $0xF;
	v13 =	vadd.f32 v13, v17;
	v6 =	vadd.f32 v6, v7  }
0xcf: {  	v58 =	vld [tilespmem:s17+$0xFFFFFF20];
	v9 =	vbroadcast v9, $0xF;
	v5 =	vsel vm6, v17, v5;
	v14 =	vsel vm6, v7, v14;
	v12, _, _ =	vpop (xrf2)  }
0xd0: {  	v59 =	vld [tilespmem:s17+$0x100];
	v6 =	vsel vm7, v14, v6;
	v14 =	vadd.f32 v15, v17;
	v16, _, _ =	vpop (xrf2);
	v12 =	vbroadcast v12, $0xF  }
0xd1: {  	v40 =	vld [tilespmem:s17+$0x2E0];
	v5 =	vsel vm7, v5, v13;
	(xrf2) =	vadd.scan.msk.f32 $0xffff, v8;
	v7 =	vadd.f32 v9, v7;
	v8, _, _ =	vpop (xrf2);
	v13 =	vbroadcast v16, $0xF  }
0xd2: {  	v16, _, _ =	vpop (xrf2);
	v8 =	vbroadcast v8, $0xF;
	v12 =	vadd.f32 v12, v5;
	v5 =	vsel vm8, v5, v14;
	v14 =	vld [tilespmem:s17+$0x2A0]  }
0xd3: {  	v21 =	vmul.bf16 v51, v1;
	v7 =	vsel vm8, v6, v7;
	v9, _, _ =	vpop (xrf2);
	v15 =	vbroadcast v16, $0xF;
	v16 =	vld [tilespmem:s17+$0x2B0]  }
0xd4: {  	v36 =	vld [tilespmem:s17+$0xFFFFFF30];
	v13 =	vadd.f32 v13, v6;
	v6 =	vsel vm15, v3, v2;
	v9 =	vbroadcast v9, $0xF  }
0xd5: {  	(xrf2) =	vadd.scan.msk.f32 $0xffff, v18;
	v18 =	vld [tilespmem:s17+$0x260];
	v12 =	vsel vm9, v5, v12;
	v5 =	vadd.f32 v8, v5;
	v3 =	vadd.f32 v15, v7  }
0xd6: {  	v24 =	vmul.bf16 v40, v0;
	v7 =	vsel vm9, v7, v13;
	v13 =	vld [tilespmem:s17+$0x270];
	v8, _, _ =	vpop (xrf2);
	v2 =	vadd.f32 v9, v12  }
0xd7: {  	v15 =	vld [tilespmem:s17+$0xFFFFFD10];
	v5 =	vsel vm10, v12, v5;
	(xrf2) =	vadd.scan.msk.f32 $0xffff, v20;
	v8 =	vbroadcast v8, $0xF;
	v3 =	vsel vm10, v7, v3  }
0xd8: {  	v14 =	vmul.bf16 v14, v0;
	(xrf2) =	vadd.scan.msk.f32 $0xffff, v4;
	v4 =	vadd.bf16 v60, v54;
	v54 =	vld [tilespmem:s17+$0x250];
	v9, _, _ =	vpop (xrf2);
	v16 =	vmul.bf16 v16, v1  }
0xd9: {  	v20 =	vld [tilespmem:s17+$0x220];
	v2 =	vsel vm11, v5, v2;
	v9 =	vbroadcast v9, $0xF;
	v17, _, _ =	vpop (xrf2);
	v8 =	vadd.f32 v8, v7  }
0xda: {  	v5 =	vbroadcast v17, $0xF;
	v14 =	vadd.bf16 v16, v14;
	v16 =	vmul.bf16 v18, v0;
	v18 =	vld [tilespmem:s17+$0x1F0]  }
0xdb: {  	(xrf2) =	vadd.scan.msk.f32 $0xffff, v11;
	v11 =	vmul.bf16 v58, v0;
	v13 =	vmul.bf16 v13, v1;
	v9 =	vadd.f32 v9, v12;
	v12 =	vld [tilespmem:s17+$0xFFFFFF00]  }
0xdc: {  	v15 =	vmul.bf16 v15, v1;
	v17 =	vadd.f32 v5, v7;
	v5 =	vsel vm11, v3, v8;
	v3 =	vld [tilespmem:s17+$0x230]  }
0xdd: {  	v19, _, _ =	vpop (xrf2);
	v43 =	vand.u32 $0xFFFF0000, v14;
	v13 =	vadd.bf16 v13, v16;
	v29 =	vmul.bf16 v54, v1;
	v54 =	vld [tilespmem:s17+$0xFFFFFF90]  }
0xde: {  	v14 =	vshll.u32 v14, $0x10;
	v7 =	vsel vm12, v2, v9;
	v9 =	vbroadcast v19, $0xF;
	v19 =	vld [tilespmem:s17+$0x1E0]  }
0xdf: {  	v14 =	vadd.f32 v14, v43;
	v43 =	vld [tilespmem:s17+$0x190];
	v47 =	vand.u32 $0xFFFF0000, v13;
	v13 =	vshll.u32 v13, $0x10  }
0xe0: {  	(xrf2) =	vadd.scan.msk.f32 $0xffff, v10;
	v8 =	vsel vm12, v5, v17;
	v17 =	vld [tilespmem:s17+$0xFFFFFF10];
	v13 =	vadd.f32 v13, v47;
	v18 =	vmul.bf16 v18, v1  }
0xe1: {  	v44 =	vld [tilespmem:s17+$0xFFFFFD00];
	(xrf2) =	vadd.scan.msk.f32 $0xffff, v14;
	v14 =	vmul.bf16 v59, v0;
	v12 =	vmul.bf16 v12, v0  }
0xe2: {  	v2 =	vadd.f32 v9, v2;
	v47 =	vld [tilespmem:s17+$0x200];
	v9, _, _ =	vpop (xrf2);
	v3 =	vmul.bf16 v3, v1;
	(xrf2) =	vadd.scan.msk.f32 $0xffff, v13;
	v13 =	vmul.bf16 v36, v1  }
0xe3: {  	v10 =	vand.u32 $0xFFFF0000, v4;
	v59 =	vld [tilespmem:s17+$0x2D0];
	v31 =	vmul.bf16 v54, v1;
	v16 =	vbroadcast v9, $0xF  }
0xe4: {  	v45 =	vld [tilespmem:s17+$0x1A0];
	v2 =	vsel vm13, v7, v2;
	v9 =	vmul.bf16 v20, v0;
	v19 =	vmul.bf16 v19, v0  }
0xe5: {  	v20, _, _ =	vpop (xrf2);
	v46 =	vmul.bf16 v43, v1;
	v17 =	vmul.bf16 v17, v1;
	v11 =	vadd.bf16 v13, v11  }
0xe6: {  	v3 =	vadd.bf16 v3, v9;
	v9 =	vbroadcast v20, $0xF;
	v20 =	vmul.bf16 v44, v0  }
0xe7: {  	v49 =	vld [tilespmem:s17+$0x210];
	v18 =	vadd.bf16 v18, v19;
	v25 =	vmul.bf16 v47, v0;
	v5 =	vadd.f32 v16, v5  }
0xe8: {  	v19 =	vld [tilespmem:s17+$0x120];
	v32 =	vmul.bf16 v59, v1;
	v12 =	vadd.bf16 v17, v12;
	v50 =	vand.u32 $0xFFFF0000, v3  }
0xe9: {  	v17 =	vld [tilespmem:s17+$0x160];
	v3 =	vshll.u32 v3, $0x10;
	v15 =	vadd.bf16 v15, v20;
	v20 =	vmul.bf16 v45, v0  }
0xea: {  	v38 =	vld [tilespmem:s17+$0x150];
	v56 =	vand.u32 $0xFFFF0000, v18;
	v18 =	vshll.u32 v18, $0x10;
	v52 =	vand.u32 $0xFFFF0000, v12  }
0xeb: {  	v55 =	vld [tilespmem:s17+$0x130];
	v3 =	vadd.f32 v3, v50;
	v18 =	vadd.f32 v18, v56;
	v63 =	vshll.u32 v12, $0x10  }
0xec: {  	v56 =	vmul.bf16 v49, v1;
	v57 =	vand.u32 $0xFFFF0000, v15;
	v13 =	vadd.f32 v63, v52;
	v52 =	vld [tilespmem:s17+$0x240]  }
0xed: {  	v20 =	vadd.bf16 v53, v20;
	v15 =	vshll.u32 v15, $0x10;
	v19 =	vmul.bf16 v19, v0  }
0xee: {  	v61 =	vld [tilespmem:s17+$0x110];
	(xrf2) =	vadd.scan.msk.f32 $0xffff, v3;
	v3 =	vshll.u32 v4, $0x10;
	v25 =	vadd.bf16 v56, v25;
	v17 =	vmul.bf16 v17, v0  }
0xef: {  	v49 =	vld [tilespmem:s17+$0xFFFFFF60];
	v62 =	vand.u32 $0xFFFF0000, v20;
	v20 =	vshll.u32 v20, $0x10;
	(xrf2) =	vadd.scan.msk.f32 $0xffff, v18;
	v18 =	vmul.bf16 v38, v1  }
0xf0: {  	v37 =	vld [tilespmem:s17+$0x140];
	v12 =	vadd.bf16 v22, v17;
	v17 =	vadd.f32 v20, v62;
	v20 =	vmul.bf16 v55, v1  }
0xf1: {  	v62 =	vand.u32 $0xFFFF0000, v25;
	v25 =	vshll.u32 v25, $0x10;
	v22 =	vmul.bf16 v52, v0;
	v52 =	vld [tilespmem:s17+$0xFFFFFD90]  }
0xf2: {  	v51 =	vld [tilespmem:s17+$0xFFFFFD80];
	v39 =	vand.u32 $0xFFFF0000, v12;
	v12 =	vshll.u32 v12, $0x10;
	v19 =	vadd.bf16 v20, v19  }
0xf3: {  	v41 =	vld [tilespmem:s17+$0x180];
	v20 =	vadd.f32 v12, v39;
	v12 =	vadd.f32 v15, v57;
	v15 =	vmul.bf16 v61, v1  }
0xf4: {  	v27 =	vmul.bf16 v49, v0;
	v57 =	vld [tilespmem:s17+$0x2C0];
	v42 =	vand.u32 $0xFFFF0000, v19;
	v19 =	vshll.u32 v19, $0x10  }
0xf5: {  	v44 =	vld [tilespmem:s17+$0x1C0];
	(xrf2) =	vadd.scan.msk.f32 $0xffff, v17;
	v4 =	vadd.bf16 v15, v14;
	v14 =	vadd.f32 v19, v42;
	v15 =	vmul.bf16 v37, v0  }
0xf6: {  	v45 =	vld [tilespmem:s17+$0x1D0];
	(xrf2) =	vadd.scan.msk.f32 $0xffff, v20;
	v20 =	vand.u32 $0xFFFF0000, v11;
	v11 =	vshll.u32 v11, $0x10;
	v59 =	vmul.bf16 v52, v1  }
0xf7: {  	v19 =	vld [tilespmem:s17+$0x2F0];
	v17 =	vand.u32 $0xFFFF0000, v4;
	v4 =	vshll.u32 v4, $0x10;
	v15 =	vadd.bf16 v18, v15  }
0xf8: {  	(xrf2) =	vadd.scan.msk.f32 $0xffff, v14;
	v18 =	vmul.bf16 v41, v0;
	v14 =	vadd.f32 v3, v10;
	v4 =	vadd.f32 v4, v17  }
0xf9: {  	v40 =	vld [tilespmem:s17+$0xFFFFFD40];
	v63 =	vmul.bf16 v57, v0;
	v10 =	vand.u32 $0xFFFF0000, v15;
	v15 =	vshll.u32 v15, $0x10  }
0xfa: {  	v17 =	vld [tilespmem:s17+$0x280];
	v57 =	vmul.bf16 v51, v0;
	v18 =	vadd.bf16 v46, v18;
	v50 =	vadd.f32 v15, v10  }
0xfb: {  	v48, _, _ =	vpop (xrf2);
	(xrf2) =	vadd.scan.msk.f32 $0xffff, v4;
	v15 =	vadd.f32 v11, v20;
	v11 =	vmul.bf16 v44, v0;
	v20 =	vmul.bf16 v45, v1  }
0xfc: {  	v22 =	vadd.bf16 v29, v22;
	v3, _, _ =	vpop (xrf2);
	v10 =	vbroadcast v48, $0xF;
	v19 =	vmul.bf16 v19, v1  }
0xfd: {  	v44 =	vld [tilespmem:s17+$0xFFFFFF50];
	v53 =	vand.u32 $0xFFFF0000, v18;
	v18 =	vshll.u32 v18, $0x10;
	v4, _, _ =	vpop (xrf2);
	v11 =	vadd.bf16 v20, v11  }
0xfe: {  	v48 =	vmul.bf16 v40, v0;
	v18 =	vadd.f32 v18, v53;
	v19 =	vadd.bf16 v19, v24;
	v23, _, _ =	vpop (xrf2);
	(xrf2) =	vadd.scan.msk.f32 $0xffff, v50  }
0xff: {  	v17 =	vmul.bf16 v17, v0;
	v55, _, _ =	vpop (xrf2);
	v58 =	vand.u32 $0xFFFF0000, v11;
	v11 =	vshll.u32 v11, $0x10  }
0x100: {  	v53 =	vld [tilespmem:s17+$0xFFFFFF80];
	v43 =	vand.u32 $0xFFFF0000, v19;
	v19 =	vshll.u32 v19, $0x10;
	v20, _, _ =	vpop (xrf2);
	v11 =	vadd.f32 v11, v58  }
0x101: {  	v23 =	vbroadcast v23, $0xF;
	(xrf2) =	vadd.scan.msk.f32 $0xffff, v18;
	v17 =	vadd.bf16 v21, v17;
	v21 =	vadd.bf16 v32, v63;
	v16, _, _ =	vpop (xrf2)  }
0x102: {  	v54 =	vld [tilespmem:s17+$0x20];
	v19 =	vadd.f32 v19, v43;
	v50 =	vmul.bf16 v44, v1;
	v20 =	vbroadcast v20, $0xF;
	v18, _, _ =	vpop (xrf2)  }
0x103: {  	v43 =	vld [tilespmem:s17+$0xFFFFFFE0];
	(xrf2) =	vadd.scan.msk.f32 $0xffff, v11;
	v11 =	vadd.f32 v25, v62;
	v36 =	vand.u32 $0xFFFF0000, v17;
	v17 =	vshll.u32 v17, $0x10;
	v60, _, _ =	vpop (xrf2)  }
0x104: {  	v40 =	vld [tilespmem:s17+$0xFFFFFDE0];
	v39 =	vand.u32 $0xFFFF0000, v21;
	v21 =	vshll.u32 v21, $0x10;
	v16 =	vbroadcast v16, $0xF;
	v61, _, _ =	vpop (xrf2)  }
0x105: {  	v17 =	vadd.f32 v17, v36;
	(xrf2) =	vadd.scan.msk.f32 $0xffff, v11;
	v26 =	vbroadcast v60, $0xF;
	v60 =	vmul.bf16 v53, v0;
	v53 =	vld [tilespmem:s17+$0xFFFFFE30];
	v29, _, _ =	vpop (xrf2)  }
0x106: {  	v18 =	vbroadcast v18, $0xF;
	v33 =	vbroadcast v61, $0xF;
	v61 =	vld [tilespmem:s17+$0xFFFFFDD0];
	v25 =	vadd.f32 $0.0e+00, v29  }
0x107: {  	v45 =	vld [tilespmem:s17+$0xFFFFFD60];
	v21 =	vadd.f32 v21, v39;
	v29 =	vand.u32 $0xFFFF0000, v22;
	v22 =	vshll.u32 v22, $0x10  }
0x108: {  	v58 =	vld [tilespmem:s17+$0xFFFFFDC0];
	v51 =	vmul.bf16 v43, v0;
	v22 =	vadd.f32 v22, v29;
	v11 =	vbroadcast v25, $0xF;
	v34, _, _ =	vpop (xrf2)  }
0x109: {  	v47 =	vld [tilespmem:s17+$0xFFFFFD70];
	v28 =	vadd.bf16 v31, v60;
	v35 =	vadd.f32 $0.0e+00, v33;
	v24 =	vbroadcast v34, $0xF  }
0x10a: {  	v42 =	vld [tilespmem:s17+$0xFFFFFF40];
	(xrf2) =	vadd.scan.msk.f32 $0xffff, v22;
	v34 =	vmul.bf16 v40, v0;
	v36 =	vmul.bf16 v53, v1;
	v11 =	vnsel vm0, $0x0, v11  }
0x10b: {  	v38, _, _ =	vpop (xrf2);
	(xrf2) =	vadd.scan.msk.f32 $0xffff, v17;
	v17 =	vld [tilespmem:s17+$0xFFFFFD50];
	v29 =	vmul.bf16 v61, v1;
	v37 =	vsel vm1, v11, v35;
	v11 =	vadd.f32 v24, v11  }
0x10c: {  	v24 =	vbroadcast v38, $0xF;
	v38 =	vld [tilespmem:s17+$0xFFFFFE20];
	v35 =	vmul.bf16 v54, v0;
	v25 =	vadd.f32 v26, v37  }
0x10d: {  	v41, _, _ =	vpop (xrf2);
	(xrf2) =	vadd.scan.msk.f32 $0xffff, v21;
	v21 =	vmul.bf16 v45, v0;
	v45 =	vld [tilespmem:s17+$0xFFFFFFF0];
	v26 =	vmul.bf16 v58, v0;
	v11 =	vsel vm2, v37, v11  }
0x10e: {  	v22 =	vadd.f32 v24, v37;
	v24 =	vbroadcast v41, $0xF;
	v41 =	vld [tilespmem:s17+$0xFFFFFDF0];
	v11 =	vsel vm3, v11, v25  }
0x10f: {  	v37 =	vld [tilespmem:s17+$0x10];
	v46, _, _ =	vpop (xrf2);
	v25 =	vmul.bf16 v42, v0;
	v26 =	vadd.bf16 v29, v26;
	v18 =	vadd.f32 v18, v11  }
0x110: {  	(xrf2) =	vadd.scan.msk.f32 $0xffff, v19;
	v19 =	vld [tilespmem:s17+$0xFFFFFF70];
	v11 =	vsel vm4, v11, v22;
	v22 =	vbroadcast v46, $0xF;
	v17 =	vmul.bf16 v17, v1  }
0x111: {  	v60 =	vand.u32 $0xFFFF0000, v26;
	v26 =	vshll.u32 v26, $0x10;
	v38 =	vmul.bf16 v38, v0  }
0x112: {  	v56 =	vld [tilespmem:s17+$0xFFFFFFA0];
	v18 =	vsel vm5, v11, v18;
	v11 =	vadd.f32 v24, v11;
	v24 =	vmul.bf16 v47, v1  }
0x113: {  	v40 =	vld [tilespmem:s17+$0x30];
	v17 =	vadd.bf16 v17, v48;
	v52 =	vmul.bf16 v45, v1;
	v26 =	vadd.f32 v26, v60  }
0x114: {  	v46 =	vld [tilespmem:s17+$0xFFFFFE00];
	v16 =	vadd.f32 v16, v18;
	v30 =	vmul.bf16 v41, v1;
	v58 =	vmul.bf16 v37, v1  }
0x115: {  	(xrf2) =	vadd.scan.msk.f32 $0xffff, v12;
	v12 =	vld [tilespmem:s17+$0xFFFFFE60];
	v11 =	vsel vm6, v18, v11;
	v19 =	vmul.bf16 v19, v1;
	v21 =	vadd.bf16 v24, v21  }
0x116: {  	v62 =	vand.u32 $0xFFFF0000, v17;
	v17 =	vshll.u32 v17, $0x10;
	v24 =	vadd.bf16 v59, v57  }
0x117: {  	v11 =	vsel vm7, v11, v16;
	v16 =	vadd.f32 v22, v18;
	v22 =	vadd.bf16 v50, v25  }
0x118: {  	(xrf2) =	vadd.scan.msk.f32 $0xffff, v13;
	v13 =	vld [tilespmem:s17+$0xFFFFFE70];
	v17 =	vadd.f32 v17, v62;
	v25 =	vmul.bf16 v56, v0;
	v50 =	vand.u32 $0xFFFF0000, v28  }
0x119: {  	v28 =	vshll.u32 v28, $0x10;
	v31 =	vmul.bf16 v46, v0;
	v30 =	vadd.bf16 v30, v34  }
0x11a: {  	v47 =	vld [tilespmem:s17+$0xFFFFFE10];
	v18, _, _ =	vpop (xrf2);
	v62 =	vmul.bf16 v40, v1;
	v12 =	vmul.bf16 v12, v0;
	v20 =	vadd.f32 v20, v11  }
0x11b: {  	v18 =	vbroadcast v18, $0xF;
	v19 =	vadd.bf16 v19, v27;
	v42 =	vand.u32 $0xFFFF0000, v21  }
0x11c: {  	v21 =	vshll.u32 v21, $0x10;
	v49 =	vand.u32 $0xFFFF0000, v24;
	v24 =	vshll.u32 v24, $0x10  }
0x11d: {  	v43 =	vld [tilespmem:s17+$0xB0];
	v28 =	vadd.f32 v28, v50;
	v13 =	vmul.bf16 v13, v1;
	v11 =	vsel vm8, v11, v16  }
0x11e: {  	v57 =	vld [tilespmem:s17+$0xFFFFFE50];
	v16 =	vbroadcast v55, $0xF;
	v39 =	vand.u32 $0xFFFF0000, v22;
	v22 =	vshll.u32 v22, $0x10  }
0x11f: {  	v59 =	vld [tilespmem:s17+$0x40];
	v21 =	vadd.f32 v21, v42;
	v24 =	vadd.f32 v24, v49;
	v27 =	vmul.bf16 v47, v1  }
0x120: {  	(xrf2) =	vadd.scan.msk.f32 $0xffff, v14;
	v14 =	vld [tilespmem:s17+$0x70];
	v46 =	vadd.bf16 v62, v35;
	v20 =	vsel vm9, v11, v20;
	v11 =	vadd.f32 v18, v11;
	v18, _, _ =	vpop (xrf2)  }
0x121: {  	v55 =	vld [tilespmem:s17+$0xFFFFFDA0];
	v22 =	vadd.f32 v22, v39;
	v44 =	vand.u32 $0xFFFF0000, v19;
	v18 =	vbroadcast v18, $0xF  }
0x122: {  	v49 =	vld [tilespmem:s17+$0xFFFFFE80];
	v19 =	vshll.u32 v19, $0x10;
	v12 =	vadd.bf16 v13, v12;
	v16 =	vadd.f32 v16, v20  }
0x123: {  	v19 =	vadd.f32 v19, v44;
	v44 =	vld [tilespmem:s17+$0x60];
	v27 =	vadd.bf16 v27, v31;
	v11 =	vsel vm10, v20, v11  }
0x124: {  	v29 =	vmul.bf16 v57, v1;
	v11 =	vsel vm11, v11, v16;
	v16 =	vadd.f32 v18, v20;
	v20 =	vld [tilespmem:s17+$0xFFFFFDB0]  }
0x125: {  	v47 =	vmul.bf16 v59, v0;
	v59 =	vld [tilespmem:s17+$0xFFFFFEB0];
	(xrf2) =	vadd.scan.msk.f32 $0xffff, v15;
	v15 =	vadd.bf16 v36, v38;
	v14 =	vmul.bf16 v14, v1;
	v18, _, _ =	vpop (xrf2)  }
0x126: {  	v23 =	vadd.f32 v23, v11;
	v11 =	vsel vm12, v11, v16;
	v16 =	vld [tilespmem:s17+$0xFFFFFFB0];
	v18 =	vbroadcast v18, $0xF  }
0x127: {  	v50 =	vand.u32 $0xFFFF0000, v27;
	v27 =	vshll.u32 v27, $0x10;
	v32 =	vmul.bf16 v55, v0;
	(xrf2) =	vadd.scan.msk.f32 $0xffff, v17;
	v17 =	vld [tilespmem:s17+$0xFFFFFEA0]  }
0x128: {  	v63 =	vld [tilespmem:s17+$0xFFFFFFC0];
	v54 =	vmul.bf16 v44, v0;
	v23 =	vsel vm13, v11, v23;
	v11 =	vadd.f32 v18, v11  }
0x129: {  	v27 =	vadd.f32 v27, v50;
	v35 =	vmul.bf16 v49, v0;
	v20 =	vmul.bf16 v20, v1  }
0x12a: {  	v48 =	vld [tilespmem:s17+$0x0];
	v14 =	vadd.bf16 v14, v54;
	v54 =	vmul.bf16 v43, v1;
	v11 =	vsel vm14, v23, v11  }
0x12b: {  	v41 =	vld [tilespmem:s17+$0x50];
	v18, _, _ =	vpop (xrf2);
	v16 =	vmul.bf16 v16, v1;
	v20 =	vadd.bf16 v20, v32;
	v32 =	vadd.bf16 v52, v51  }
0x12c: {  	v53 =	vld [tilespmem:s17+$0x80];
	(xrf2) =	vadd.scan.msk.f32 $0xffff, v22;
	v17 =	vmul.bf16 v17, v0;
	v22 =	vmul.bf16 v59, v1;
	v18 =	vadd.f32 v23, v18  }
0x12d: {  	v23 =	vmul.bf16 v63, v0;
	v63 =	vand.u32 $0xFFFF0000, v30;
	v30 =	vshll.u32 v30, $0x10  }
0x12e: {  	v16 =	vadd.bf16 v16, v25;
	v39 =	vand.u32 $0xFFFF0000, v20;
	v20 =	vshll.u32 v20, $0x10  }
0x12f: {  	v57, _, _ =	vpop (xrf2);
	v25 =	vmul.bf16 v48, v0;
	v45 =	vand.u32 $0xFFFF0000, v32;
	v32 =	vshll.u32 v32, $0x10  }
0x130: {  	v30 =	vadd.f32 v30, v63;
	v48 =	vmul.bf16 v41, v1;
	v37 =	vadd.f32 $0.0e+00, v57  }
0x131: {  	v52 =	vld [tilespmem:s17+$0xFFFFFE90];
	v63 =	vmul.bf16 v53, v0;
	v57 =	vand.u32 $0xFFFF0000, v14;
	v14 =	vshll.u32 v14, $0x10  }
0x132: {  	v60 =	vld [tilespmem:s17+$0xA0];
	v17 =	vadd.bf16 v22, v17;
	v11 =	vsel vm15, v11, v18;
	v20 =	vadd.f32 v20, v39  }
0x133: {  	v42, _, _ =	vpop (xrf2);
	v31 =	vadd.f32 v32, v45;
	v32 =	vshll.u32 v46, $0x10;
	v14 =	vadd.f32 v14, v57  }
0x134: {  	v53 =	vld [tilespmem:s17+$0xFFFFFED0];
	v62, _, _ =	vpop (xrf2);
	v55 =	vand.u32 $0xFFFF0000, v16;
	v16 =	vshll.u32 v16, $0x10;
	v25 =	vadd.bf16 v58, v25  }
0x135: {  	v18 =	vld [tilespmem:s17+$0xFFFFFFD0];
	v58 =	vand.u32 $0xFFFF0000, v46;
	v33 =	vadd.bf16 v48, v47;
	v48 =	vbroadcast v62, $0xF  }
0x136: {  	v45 =	vld [tilespmem:s17+$0xD0];
	v47, _, _ =	vpop (xrf2);
	v37 =	vbroadcast v37, $0xF;
	v16 =	vadd.f32 v16, v55;
	v38 =	vmul.bf16 v52, v1  }
0x137: {  	(xrf2) =	vadd.scan.msk.f32 $0xffff, v21;
	v13 =	vadd.f32 v32, v58;
	v32 =	vbroadcast v47, $0xF;
	v52 =	vmul.bf16 v60, v0  }
0x138: {  	v56 =	vld [tilespmem:s17+$0xFFFFFE40];
	(xrf2) =	vadd.scan.msk.f32 $0xffff, v19;
	v44, _, _ =	vpop (xrf2);
	v51 =	vand.u32 $0xFFFF0000, v25;
	v25 =	vshll.u32 v25, $0x10;
	v50 =	vand.u32 $0xFFFF0000, v33  }
0x139: {  	v55 =	vld [tilespmem:s17+$0x90];
	(xrf2) =	vadd.scan.msk.f32 $0xffff, v24;
	v33 =	vshll.u32 v33, $0x10;
	v21 =	vadd.f32 $0.0e+00, v48;
	v44 =	vbroadcast v44, $0xF  }
0x13a: {  	(xrf2) =	vadd.scan.msk.f32 $0xffff, v28;
	v25 =	vadd.f32 v25, v51;
	v35 =	vadd.bf16 v38, v35;
	v18 =	vmul.bf16 v18, v1  }
0x13b: {  	v33 =	vadd.f32 v33, v50;
	(xrf2) =	vadd.scan.msk.f32 $0xffff, v20;
	v20 =	vmul.bf16 v53, v1;
	v45 =	vmul.bf16 v45, v1  }
0x13c: {  	v51 =	vld [tilespmem:s17+$0xFFFFFEC0];
	v46 =	vand.u32 $0xFFFF0000, v35;
	v35 =	vshll.u32 v35, $0x10;
	v18 =	vadd.bf16 v18, v23  }
0x13d: {  	v23 =	vmul.bf16 v56, v0;
	v56 =	vand.u32 $0xFFFF0000, v15;
	v15 =	vshll.u32 v15, $0x10  }
0x13e: {  	v49 =	vmul.bf16 v55, v1;
	v58, _, _ =	vpop (xrf2);
	v15 =	vadd.f32 v15, v56;
	v56 =	vand.u32 $0xFFFF0000, v12  }
0x13f: {  	v12 =	vshll.u32 v12, $0x10;
	v24 =	vbroadcast v58, $0xF;
	v61 =	vand.u32 $0xFFFF0000, v18  }
0x140: {  	v18 =	vshll.u32 v18, $0x10;
	v23 =	vadd.bf16 v29, v23;
	v29 =	vadd.bf16 v49, v63  }
0x141: {  	v50 =	vld [tilespmem:s17+$0xE0];
	v28 =	vadd.f32 v12, v56;
	v12 =	vadd.f32 $0.0e+00, v32;
	v59 =	vmul.bf16 v51, v0  }
0x142: {  	v55 =	vld [tilespmem:s17+$0xC0];
	v51 =	vand.u32 $0xFFFF0000, v17;
	v17 =	vshll.u32 v17, $0x10;
	v18 =	vadd.f32 v18, v61  }
0x143: {  	v61 =	vadd.f32 $0.0e+00, v42;
	v60, _, _ =	vpop (xrf2);
	(xrf2) =	vadd.scan.msk.f32 $0xffff, v16;
	v16 =	vnsel vm0, $0x0, v37;
	v19 =	vand.u32 $0xFFFF0000, v23  }
0x144: {  	v47 =	vld [tilespmem:s17+$0xFFFFFEE0];
	v23 =	vshll.u32 v23, $0x10;
	v32 =	vbroadcast v60, $0xF;
	v48 =	vand.u32 $0xFFFF0000, v29  }
0x145: {  	v29 =	vshll.u32 v29, $0x10;
	v21 =	vsel vm1, v16, v21;
	v16 =	vadd.f32 v44, v16  }
0x146: {  	v62, _, _ =	vpop (xrf2);
	(xrf2) =	vadd.scan.msk.f32 $0xffff, v26;
	v20 =	vadd.bf16 v20, v59;
	v26 =	vmul.bf16 v50, v0;
	v19 =	vadd.f32 v23, v19  }
0x147: {  	v41 =	vbroadcast v61, $0xF;
	v23 =	vadd.bf16 v54, v52;
	v61 =	vmul.bf16 v55, v0  }
0x148: {  	v49 =	vld [tilespmem:s17+$0xFFFFFEF0];
	v36 =	vbroadcast v62, $0xF;
	(xrf2) =	vadd.scan.msk.f32 $0xffff, v18;
	v18 =	vadd.f32 v35, v46;
	v29 =	vadd.f32 v29, v48  }
0x149: {  	v54, _, _ =	vpop (xrf2);
	v35 =	vadd.f32 v17, v51;
	v62 =	vmul.bf16 v47, v0;
	v58 =	vadd.f32 v32, v21  }
0x14a: {  	v52 =	vld [tilespmem:s17+$0xF0];
	(xrf2) =	vadd.scan.msk.f32 $0xffff, v30;
	v59 =	vbroadcast v54, $0xF;
	v16 =	vsel vm2, v21, v16;
	v63 =	vnsel vm0, $0x0, v41  }
0x14b: {  	v57, _, _ =	vpop (xrf2);
	v53 =	vand.u32 $0xFFFF0000, v23;
	v55 =	vshll.u32 v23, $0x10;
	v56 =	vadd.bf16 v45, v61  }
0x14c: {  	(xrf2) =	vadd.scan.msk.f32 $0xffff, v31;
	v17 =	vbroadcast v57, $0xF;
	v45 =	vand.u32 $0xFFFF0000, v20;
	v12 =	vsel vm1, v63, v12  }
0x14d: {  	v24 =	vadd.f32 v24, v63;
	v22 =	vadd.f32 v55, v53;
	v63 =	vmul.bf16 v49, v1  }
0x14e: {  	(xrf2) =	vadd.scan.msk.f32 $0xffff, v27;
	v16 =	vsel vm3, v16, v58;
	v21 =	vadd.f32 v59, v21;
	v60 =	vadd.f32 v36, v12;
	v61, _, _ =	vpop (xrf2)  }
0x14f: {  	(xrf2) =	vadd.scan.msk.f32 $0xffff, v25;
	v23 =	vshll.u32 v56, $0x10;
	v43 =	vmul.bf16 v52, v1;
	v44 =	vbroadcast v61, $0xF  }
0x150: {  	v24 =	vsel vm2, v12, v24;
	(xrf2) =	vadd.scan.msk.f32 $0xffff, v15;
	v15 =	vshll.u32 v20, $0x10;
	v20 =	vand.u32 $0xFFFF0000, v56  }
0x151: {  	v21 =	vsel vm4, v16, v21;
	v16 =	vadd.f32 v44, v16;
	v50 =	vadd.bf16 v43, v26;
	v42, _, _ =	vpop (xrf2);
	(xrf2) =	vadd.scan.msk.f32 $0xffff, v13  }
0x152: {  	v24 =	vsel vm3, v24, v60;
	v13 =	vadd.f32 v15, v45;
	v15 =	vadd.f32 v17, v12;
	v47, _, _ =	vpop (xrf2);
	(xrf2) =	vadd.scan.msk.f32 $0xffff, v19  }
0x153: {  	v17 =	vadd.bf16 v63, v62;
	v12 =	vadd.f32 v23, v20;
	v46 =	vbroadcast v42, $0xF;
	v48, _, _ =	vpop (xrf2);
	(xrf2) =	vadd.scan.msk.f32 $0xffff, v33  }
0x154: {  	v16 =	vsel vm5, v21, v16;
	v23 =	vshll.u32 v50, $0x10;
	v19 =	vbroadcast v47, $0xF;
	v20, _, _ =	vpop (xrf2);
	(xrf2) =	vadd.scan.msk.f32 $0xffff, v28  }
0x155: {  	v15 =	vsel vm4, v24, v15;
	v52 =	vand.u32 $0xFFFF0000, v17;
	v17 =	vshll.u32 v17, $0x10  }
0x156: {  	v49 =	vbroadcast v48, $0xF;
	v24 =	vadd.f32 v46, v24;
	v51, _, _ =	vpop (xrf2);
	v20 =	vbroadcast v20, $0xF;
	(xrf2) =	vadd.scan.msk.f32 $0xffff, v14  }
0x157: {  	v14 =	vand.u32 $0xFFFF0000, v50;
	v19 =	vadd.f32 v19, v21;
	v25 =	vbroadcast v51, $0xF  }
0x158: {  	v53, _, _ =	vpop (xrf2);
	v54 =	vsel vm5, v15, v24;
	v55 =	vadd.f32 v49, v15;
	v15 =	vadd.f32 v17, v52  }
0x159: {  	s18 =	sand.u32 $0xF, s31;
	v14 =	vadd.f32 v23, v14;
	v56, _, _ =	vpop (xrf2);
	v27 =	vbroadcast v53, $0xF;
	(xrf2) =	vadd.scan.msk.f32 $0xffff, v18;
	v18 =	vadd.f32 v20, v16  }
0x15a: {  	s13 =	smul.u32 $0xD80, s18;
	v19 =	vsel vm6, v16, v19;
	v17, _, _ =	vpop (xrf2);
	v20 =	vadd.f32 v25, v54;
	v57 =	vbroadcast v56, $0xF  }
0x15b: {  	v24 =	vsel vm6, v54, v55;
	v17 =	vbroadcast v17, $0xF;
	v18 =	vsel vm7, v19, v18;
	v58, _, _ =	vpop (xrf2)  }
0x15c: {  	s13 =	sshrl.u32 s13, $0x2;
	(xrf2) =	vadd.scan.msk.f32 $0xffff, v29;
	v16 =	vadd.f32 v27, v16;
	v19 =	vsel vm7, v24, v20;
	v59, _, _ =	vpop (xrf2);
	v20 =	vbroadcast v58, $0xF  }
0x15d: {  	s14 =	sadd.s32 $0x15CA0, s13;
	v5 =	vsel vm13, v8, v5;
	v21 =	vadd.f32 v57, v54;
	v17 =	vadd.f32 v17, v18;
	v60, _, _ =	vpop (xrf2)  }
0x15e: {  	[tilespmem:s14+$0x0] =	vst v6;
	v6 =	vsel vm8, v18, v16;
	v61 =	vbroadcast v59, $0xF;
	v62, _, _ =	vpop (xrf2);
	v20 =	vadd.f32 v20, v19  }
0x15f: {  	s19 =	sand.u32 $0x1F, s30;
	s17 =	sadd.s32 $0x30, s14;
	v24 =	vbroadcast v60, $0xF;
	v19 =	vsel vm8, v19, v21;
	(xrf2) =	vadd.scan.msk.f32 $0xffff, v35;
	v18 =	vbroadcast v62, $0xF  }
0x160: {  	s13 =	smul.u32 $0x6C0, s19;
	[tilespmem:s17+$0x0] =	vst v11;
	v17 =	vsel vm9, v6, v17;
	v6 =	vadd.f32 v61, v6;
	v11, _, _ =	vpop (xrf2);
	v16 =	vsel vm9, v19, v20  }
0x161: {  	v19 =	vadd.f32 v24, v19;
	v11 =	vbroadcast v11, $0xF;
	v20 =	vadd.f32 v18, v17  }
0x162: {  	s13 =	sshrl.u32 s13, $0x2;
	(xrf2) =	vadd.scan.msk.f32 $0xffff, v22;
	v63 =	vsel vm10, v17, v6;
	v18 =	vadd.f32 v9, v7;
	v6 =	vadd.f32 v10, v8  }
0x163: {  	s18 =	simm.s32 $0x3;
	s19 =	simm.s32 $0xFF80;
	s13 =	sadd.s32 $0x15E50, s13;
	v10, _, _ =	vpop (xrf2);
	v7 =	vsel vm10, v16, v19;
	v9 =	vadd.f32 v11, v16;
	v8 =	vsel vm11, v63, v20  }
.LBB2_3:
0x164: {  	v19 =	vld [tilespmem:s19+$0x2A0];
	v10 =	vbroadcast v10, $0xF;
	v3 =	vadd.f32 v2, v3;
	v4 =	vadd.f32 v5, v4  }
0x165: {  	v2 =	vsel vm14, v2, v18;
	v5 =	vsel vm14, v5, v6;
	v20 =	vld [tilespmem:s19+$0x2B0];
	v11 =	vsel vm11, v7, v9;
	(xrf2) =	vadd.scan.msk.f32 $0xffff, v13  }
0x166: {  	v7 =	vld [tilespmem:s19+$0xFFFFFD10];
	v6 =	vadd.f32 v10, v17;
	v9, _, _ =	vpop (xrf2);
	v2 =	vsel vm15, v2, v3;
	v3 =	vsel vm15, v5, v4  }
0x167: {  	v4 =	vld [tilespmem:s19+$0x260];
	v5 =	vbroadcast v9, $0xF;
	[tilespmem:s14+$0xFFFFFFE0] =	vst v2  }
0x168: {  	v2 =	vld [tilespmem:s19+$0x270];
	v6 =	vsel vm12, v8, v6;
	(xrf2) =	vadd.scan.msk.f32 $0xffff, v12;
	[tilespmem:s14+$0xFFFFFFF0] =	vst v3;
	s14 =	smov.u32 s17  }
0x169: {  	v3 =	vld [tilespmem:s19+$0xFFFFFF00];
	v5 =	vadd.f32 v5, v16;
	v9, _, _ =	vpop (xrf2)  }
0x16a: {  	v18 =	vmul.bf16 v19, v0;
	v10 =	vld [tilespmem:s19+$0x220];
	v13 =	vmul.bf16 v20, v1  }
0x16b: {  	v9 =	vbroadcast v9, $0xF;
	v16 =	vmul.bf16 v7, v1;
	v17 =	vld [tilespmem:s19+$0x230];
	v7 =	vsel vm12, v11, v5;
	(xrf2) =	vadd.scan.msk.f32 $0xffff, v15  }
0x16c: {  	v15 =	vld [tilespmem:s19+$0xFFFFFF10];
	v5 =	vadd.bf16 v13, v18;
	v12, _, _ =	vpop (xrf2)  }
0x16d: {  	v4 =	vmul.bf16 v4, v0;
	v8 =	vadd.f32 v9, v8;
	v13 =	vld [tilespmem:s19+$0x1E0];
	v2 =	vmul.bf16 v2, v1  }
0x16e: {  	v3 =	vmul.bf16 v3, v0;
	v9 =	vld [tilespmem:s19+$0x1F0];
	v18 =	vand.u32 $0xFFFF0000, v5;
	v5 =	vshll.u32 v5, $0x10;
	(xrf2) =	vadd.scan.msk.f32 $0xffff, v14  }
0x16f: {  	v14 =	vld [tilespmem:s19+$0xFFFFFD00];
	v4 =	vadd.bf16 v2, v4;
	v18 =	vadd.f32 v5, v18;
	v5 =	vbroadcast v12, $0xF;
	v12, _, _ =	vpop (xrf2)  }
0x170: {  	v10 =	vmul.bf16 v10, v0;
	v2 =	vsel vm13, v6, v8;
	v19 =	vld [tilespmem:s19+$0x1A0];
	v17 =	vmul.bf16 v17, v1  }
0x171: {  	v15 =	vmul.bf16 v15, v1;
	v20 =	vld [tilespmem:s19+$0x1B0];
	v8 =	vand.u32 $0xFFFF0000, v4;
	v4 =	vshll.u32 v4, $0x10;
	(xrf2) =	vadd.scan.msk.f32 $0xffff, v18  }
0x172: {  	v18 =	vld [tilespmem:s19+$0xFFFFFD20];
	v10 =	vadd.bf16 v17, v10;
	v4 =	vadd.f32 v4, v8;
	v8 =	vbroadcast v12, $0xF;
	v21, _, _ =	vpop (xrf2)  }
0x173: {  	v24 =	vmul.bf16 v13, v0;
	v12 =	vadd.bf16 v15, v3;
	v15 =	vld [tilespmem:s19+$0x160];
	v9 =	vmul.bf16 v9, v1  }
0x174: {  	v13 =	vmul.bf16 v14, v0;
	v14 =	vld [tilespmem:s19+$0x170];
	v17 =	vand.u32 $0xFFFF0000, v10;
	v10 =	vshll.u32 v10, $0x10;
	(xrf2) =	vadd.scan.msk.f32 $0xffff, v4  }
0x175: {  	v22 =	vld [tilespmem:s19+$0xFFFFFD30];
	v23 =	vand.u32 $0xFFFF0000, v12;
	v26 =	vadd.bf16 v9, v24;
	v9 =	vadd.f32 v10, v17;
	v3, _, _ =	vpop (xrf2)  }
0x176: {  	v10 =	vadd.bf16 v16, v13;
	v13 =	vld [tilespmem:s19+$0x120];
	v16 =	vmul.bf16 v19, v0;
	v17 =	vmul.bf16 v20, v1  }
0x177: {  	v18 =	vmul.bf16 v18, v0;
	v19 =	vld [tilespmem:s19+$0x130];
	v20 =	vand.u32 $0xFFFF0000, v26;
	v25 =	vshll.u32 v26, $0x10;
	(xrf2) =	vadd.scan.msk.f32 $0xffff, v9  }
0x178: {  	v9 =	vand.u32 $0xFFFF0000, v10;
	v24 =	vld [tilespmem:s19+$0xFFFFFF20];
	v16 =	vadd.bf16 v17, v16;
	v17 =	vadd.f32 v25, v20;
	v4, _, _ =	vpop (xrf2)  }
0x179: {  	v20 =	vshll.u32 v10, $0x10;
	v28 =	vmul.bf16 v15, v0;
	v25 =	vld [tilespmem:s19+$0x100];
	v14 =	vmul.bf16 v14, v1  }
0x17a: {  	s18 =	sadd.s32 $0x3, s18;
	v15 =	vmul.bf16 v22, v1;
	v22 =	vld [tilespmem:s19+$0x110];
	v26 =	vand.u32 $0xFFFF0000, v16;
	v16 =	vshll.u32 v16, $0x10;
	(xrf2) =	vadd.scan.msk.f32 $0xffff, v17  }
0x17b: {  	p0 =	slt.u32 s18, $0x18;
	v27 =	vshll.u32 v12, $0x10;
	v17 =	vld [tilespmem:s19+$0xFFFFFF30];
	v30 =	vadd.bf16 v14, v28;
	v14 =	vadd.f32 v16, v26;
	v10, _, _ =	vpop (xrf2)  }
0x17c: {  	v13 =	vmul.bf16 v13, v0;
	v15 =	vadd.bf16 v15, v18;
	v16 =	vmul.bf16 v19, v1;
	v18 =	vld [tilespmem:s19+$0x140]  }
0x17d: {  	v19 =	vmul.bf16 v24, v0;
	v24 =	vld [tilespmem:s19+$0x150];
	v26 =	vand.u32 $0xFFFF0000, v30;
	v29 =	vshll.u32 v30, $0x10;
	(xrf2) =	vadd.scan.msk.f32 $0xffff, v14  }
0x17e: {  	v14 =	vand.u32 $0xFFFF0000, v15;
	v16 =	vadd.bf16 v16, v13;
	v26 =	vadd.f32 v29, v26;
	v28 =	vld [tilespmem:s19+$0x2E0];
	v12, _, _ =	vpop (xrf2)  }
0x17f: {  	v13 =	vadd.f32 v20, v9;
	v9 =	vmul.bf16 v25, v0;
	v20 =	vmul.bf16 v22, v1;
	v22 =	vld [tilespmem:s19+$0x180]  }
0x180: {  	v25 =	vmul.bf16 v17, v1;
	v30 =	vand.u32 $0xFFFF0000, v16;
	v16 =	vshll.u32 v16, $0x10;
	v29 =	vld [tilespmem:s19+$0x190];
	(xrf2) =	vadd.scan.msk.f32 $0xffff, v26  }
0x181: {  	v15 =	vshll.u32 v15, $0x10;
	v9 =	vadd.bf16 v20, v9;
	v20 =	vadd.f32 v16, v30;
	v26 =	vld [tilespmem:s19+$0x2F0];
	v17, _, _ =	vpop (xrf2)  }
0x182: {  	v18 =	vmul.bf16 v18, v0;
	v19 =	vadd.bf16 v25, v19;
	v30 =	vmul.bf16 v24, v1;
	v25 =	vld [tilespmem:s19+$0x1C0]  }
0x183: {  	v16 =	vadd.f32 v27, v23;
	v23 =	vand.u32 $0xFFFF0000, v9;
	v9 =	vshll.u32 v9, $0x10;
	v27 =	vld [tilespmem:s19+$0x1D0];
	(xrf2) =	vadd.scan.msk.f32 $0xffff, v20  }
0x184: {  	v20 =	vand.u32 $0xFFFF0000, v19;
	v9 =	vadd.f32 v9, v23;
	v18 =	vadd.bf16 v30, v18;
	v23 =	vld [tilespmem:s19+$0x280];
	v24, _, _ =	vpop (xrf2)  }
0x185: {  	v19 =	vshll.u32 v19, $0x10;
	v22 =	vmul.bf16 v22, v0;
	v29 =	vmul.bf16 v29, v1;
	v30 =	vld [tilespmem:s19+$0x200]  }
0x186: {  	v15 =	vadd.f32 v15, v14;
	v14 =	vand.u32 $0xFFFF0000, v18;
	v18 =	vshll.u32 v18, $0x10;
	v31 =	vld [tilespmem:s19+$0x210];
	(xrf2) =	vadd.scan.msk.f32 $0xffff, v9  }
0x187: {  	v9 =	vbroadcast v21, $0xF;
	v18 =	vadd.f32 v18, v14;
	v22 =	vadd.bf16 v29, v22;
	v29 =	vld [tilespmem:s19+$0x290];
	v32, _, _ =	vpop (xrf2)  }
0x188: {  	v14 =	vadd.f32 v19, v20;
	v19 =	vmul.bf16 v25, v0;
	v20 =	vmul.bf16 v27, v1;
	v21 =	vld [tilespmem:s19+$0x240]  }
0x189: {  	v28 =	vmul.bf16 v28, v0;
	v33 =	vand.u32 $0xFFFF0000, v22;
	v22 =	vshll.u32 v22, $0x10;
	v27 =	vld [tilespmem:s19+$0x250];
	(xrf2) =	vadd.scan.msk.f32 $0xffff, v18  }
0x18a: {  	v18 =	vld [tilespmem:s19+$0xFFFFFD40];
	v22 =	vadd.f32 v22, v33;
	v19 =	vadd.bf16 v20, v19;
	v20 =	vmul.bf16 v26, v1;
	v25, _, _ =	vpop (xrf2)  }
0x18b: {  	v5 =	vadd.f32 v5, v11;
	v26 =	vmul.bf16 v30, v0;
	v30 =	vmul.bf16 v31, v1;
	v31 =	vld [tilespmem:s19+$0x2C0]  }
0x18c: {  	v23 =	vmul.bf16 v23, v0;
	v11 =	vand.u32 $0xFFFF0000, v19;
	v19 =	vshll.u32 v19, $0x10;
	v33 =	vld [tilespmem:s19+$0x2D0];
	(xrf2) =	vadd.scan.msk.f32 $0xffff, v22  }
0x18d: {  	v22 =	vld [tilespmem:s19+$0xFFFFFD50];
	v11 =	vadd.f32 v19, v11;
	v19 =	vadd.bf16 v30, v26;
	v26 =	vmul.bf16 v29, v1;
	v29, _, _ =	vpop (xrf2)  }
0x18e: {  	v5 =	vsel vm13, v7, v5;
	v21 =	vmul.bf16 v21, v0;
	v30 =	vld [tilespmem:s19+$0xFFFFFF40];
	v27 =	vmul.bf16 v27, v1  }
0x18f: {  	v20 =	vadd.bf16 v20, v28;
	v34 =	vld [tilespmem:s19+$0xFFFFFF50];
	v35 =	vand.u32 $0xFFFF0000, v19;
	v19 =	vshll.u32 v19, $0x10;
	(xrf2) =	vadd.scan.msk.f32 $0xffff, v11  }
0x190: {  	v11 =	vld [tilespmem:s19+$0xFFFFFD60];
	v19 =	vadd.f32 v19, v35;
	v21 =	vadd.bf16 v27, v21;
	v36 =	vmul.bf16 v31, v0;
	v28, _, _ =	vpop (xrf2)  }
0x191: {  	v23 =	vadd.bf16 v26, v23;
	v31 =	vld [tilespmem:s19+$0xFFFFFD70];
	v28 =	vadd.f32 $0.0e+00, v28;
	v26 =	vmul.bf16 v33, v1  }
0x192: {  	v29 =	vbroadcast v29, $0xF;
	v33 =	vld [tilespmem:s19+$0xFFFFFF60];
	v35 =	vand.u32 $0xFFFF0000, v21;
	v21 =	vshll.u32 v21, $0x10;
	(xrf2) =	vadd.scan.msk.f32 $0xffff, v19  }
0x193: {  	v19 =	vld [tilespmem:s19+$0xFFFFFF70];
	v39 =	vbroadcast v28, $0xF;
	v21 =	vadd.f32 v21, v35;
	v26 =	vadd.bf16 v26, v36;
	v27, _, _ =	vpop (xrf2)  }
0x194: {  	v29 =	vadd.f32 $0.0e+00, v29;
	v36 =	vand.u32 $0xFFFF0000, v23;
	v35 =	vld [tilespmem:s19+$0xFFFFFD80];
	v27 =	vbroadcast v27, $0xF  }
0x195: {  	v25 =	vbroadcast v25, $0xF;
	v23 =	vshll.u32 v23, $0x10;
	v37 =	vld [tilespmem:s19+$0xFFFFFD90];
	v38 =	vnsel vm0, $0x0, v39;
	(xrf2) =	vadd.scan.msk.f32 $0xffff, v21  }
0x196: {  	v23 =	vadd.f32 v23, v36;
	v21 =	vld [tilespmem:s19+$0xFFFFFF80];
	v29 =	vsel vm1, v38, v29;
	v27 =	vadd.f32 v27, v38;
	v28, _, _ =	vpop (xrf2)  }
0x197: {  	v38 =	vand.u32 $0xFFFF0000, v26;
	v36 =	vld [tilespmem:s19+$0xFFFFFF90];
	v25 =	vadd.f32 v25, v29;
	v40 =	vbroadcast v28, $0xF  }
0x198: {  	v32 =	vbroadcast v32, $0xF;
	v26 =	vshll.u32 v26, $0x10;
	v39 =	vld [tilespmem:s19+$0xFFFFFDA0];
	v27 =	vsel vm2, v29, v27;
	(xrf2) =	vadd.scan.msk.f32 $0xffff, v23  }
0x199: {  	v26 =	vadd.f32 v26, v38;
	v23 =	vld [tilespmem:s19+$0xFFFFFDB0];
	v25 =	vsel vm3, v27, v25;
	v27 =	vadd.f32 v40, v29;
	v28, _, _ =	vpop (xrf2)  }
0x19a: {  	v38 =	vand.u32 $0xFFFF0000, v20;
	v29 =	vld [tilespmem:s19+$0xFFFFFFA0];
	v32 =	vadd.f32 v32, v25;
	v41 =	vbroadcast v28, $0xF  }
0x19b: {  	v24 =	vbroadcast v24, $0xF;
	v20 =	vshll.u32 v20, $0x10;
	v40 =	vld [tilespmem:s19+$0xFFFFFFB0];
	v25 =	vsel vm4, v25, v27;
	(xrf2) =	vadd.scan.msk.f32 $0xffff, v26  }
0x19c: {  	v20 =	vadd.f32 v20, v38;
	v26 =	vld [tilespmem:s19+$0xFFFFFDC0];
	v27 =	vsel vm5, v25, v32;
	v25 =	vadd.f32 v41, v25;
	v28, _, _ =	vpop (xrf2)  }
0x19d: {  	v18 =	vmul.bf16 v18, v0;
	v32 =	vld [tilespmem:s19+$0xFFFFFDD0];
	v24 =	vadd.f32 v24, v27;
	v28 =	vbroadcast v28, $0xF  }
0x19e: {  	v17 =	vbroadcast v17, $0xF;
	v22 =	vmul.bf16 v22, v1;
	v38 =	vld [tilespmem:s19+$0xFFFFFFC0];
	v25 =	vsel vm6, v27, v25;
	(xrf2) =	vadd.scan.msk.f32 $0xffff, v20  }
0x19f: {  	v20 =	vmul.bf16 v30, v0;
	v30 =	vld [tilespmem:s19+$0xFFFFFFD0];
	v24 =	vsel vm7, v25, v24;
	v25 =	vadd.f32 v28, v27;
	v27, _, _ =	vpop (xrf2)  }
0x1a0: {  	v34 =	vmul.bf16 v34, v1;
	v28 =	vld [tilespmem:s19+$0xFFFFFDE0];
	v17 =	vadd.f32 v17, v24;
	v42 =	vbroadcast v27, $0xF  }
0x1a1: {  	v12 =	vbroadcast v12, $0xF;
	v11 =	vmul.bf16 v11, v0;
	v41 =	vld [tilespmem:s19+$0xFFFFFDF0];
	v24 =	vsel vm8, v24, v25;
	(xrf2) =	vadd.scan.msk.f32 $0xffff, v13  }
0x1a2: {  	v13 =	vmul.bf16 v31, v1;
	v25 =	vld [tilespmem:s19+$0xFFFFFFE0];
	v17 =	vsel vm9, v24, v17;
	v24 =	vadd.f32 v42, v24;
	v27, _, _ =	vpop (xrf2)  }
0x1a3: {  	v31 =	vmul.bf16 v33, v0;
	v33 =	vld [tilespmem:s19+$0xFFFFFFF0];
	v12 =	vadd.f32 v12, v17;
	v27 =	vbroadcast v27, $0xF  }
0x1a4: {  	v10 =	vbroadcast v10, $0xF;
	v19 =	vmul.bf16 v19, v1;
	v42 =	vld [tilespmem:s19+$0xFFFFFE00];
	v24 =	vsel vm10, v17, v24;
	(xrf2) =	vadd.scan.msk.f32 $0xffff, v16  }
0x1a5: {  	v16 =	vadd.bf16 v22, v18;
	v18 =	vld [tilespmem:s19+$0xFFFFFE10];
	v12 =	vsel vm11, v24, v12;
	v17 =	vadd.f32 v27, v17;
	v22, _, _ =	vpop (xrf2)  }
0x1a6: {  	v20 =	vadd.bf16 v34, v20;
	v24 =	vld [tilespmem:s19+$0x0];
	v10 =	vadd.f32 v10, v12;
	v27 =	vbroadcast v22, $0xF  }
0x1a7: {  	v11 =	vadd.bf16 v13, v11;
	v13 =	vadd.bf16 v19, v31;
	v19 =	vld [tilespmem:s19+$0x10];
	v12 =	vsel vm12, v12, v17;
	(xrf2) =	vadd.scan.msk.f32 $0xffff, v15  }
0x1a8: {  	v15 =	vmul.bf16 v35, v0;
	v17 =	vld [tilespmem:s19+$0xFFFFFE20];
	v10 =	vsel vm13, v12, v10;
	v12 =	vadd.f32 v27, v12;
	v22, _, _ =	vpop (xrf2)  }
0x1a9: {  	v21 =	vmul.bf16 v21, v0;
	v27 =	vmul.bf16 v37, v1;
	v31 =	vld [tilespmem:s19+$0xFFFFFE30];
	v22 =	vadd.f32 v10, v22  }
0x1aa: {  	v34 =	vand.u32 $0xFFFF0000, v16;
	v35 =	vmul.bf16 v36, v1;
	v36 =	vld [tilespmem:s19+$0x20];
	v37 =	vsel vm14, v10, v12;
	(xrf2) =	vadd.scan.msk.f32 $0xffff, v14  }
0x1ab: {  	s17 =	sadd.s32 $0x30, s17;
	v12 =	vshll.u32 v16, $0x10;
	v14 =	vand.u32 $0xFFFF0000, v20;
	v16 =	vld [tilespmem:s19+$0x30];
	v22 =	vsel vm15, v37, v22;
	v10, _, _ =	vpop (xrf2)  }
0x1ac: {  	v23 =	vmul.bf16 v23, v1;
	v20 =	vshll.u32 v20, $0x10;
	v37 =	vmul.bf16 v39, v0;
	v39 =	vld [tilespmem:s19+$0xFFFFFE40];
	[tilespmem:s17+$0x0] =	vst v22  }
0x1ad: {  	v29 =	vmul.bf16 v29, v0;
	v40 =	vmul.bf16 v40, v1;
	v22 =	vadd.f32 v12, v34;
	v34 =	vld [tilespmem:s19+$0xFFFFFE50]  }
0x1ae: {  	v43 =	vand.u32 $0xFFFF0000, v11;
	v11 =	vshll.u32 v11, $0x10;
	v14 =	vadd.f32 v20, v14;
	v20 =	vld [tilespmem:s19+$0x40];
	v12, _, _ =	vpop (xrf2)  }
0x1af: {  	v45 =	vand.u32 $0xFFFF0000, v13;
	v13 =	vshll.u32 v13, $0x10;
	v27 =	vadd.bf16 v27, v15;
	v44 =	vld [tilespmem:s19+$0x50];
	(xrf2) =	vadd.scan.msk.f32 $0xffff, v22  }
0x1b0: {  	v11 =	vadd.f32 v11, v43;
	v21 =	vadd.bf16 v35, v21;
	v22 =	vmul.bf16 v26, v0;
	v26 =	vld [tilespmem:s19+$0xFFFFFE60]  }
0x1b1: {  	v32 =	vmul.bf16 v32, v1;
	v13 =	vadd.f32 v13, v45;
	v23 =	vadd.bf16 v23, v37;
	v35 =	vld [tilespmem:s19+$0xFFFFFE70];
	v15, _, _ =	vpop (xrf2)  }
0x1b2: {  	v29 =	vadd.bf16 v40, v29;
	v30 =	vmul.bf16 v30, v1;
	v37 =	vmul.bf16 v38, v0;
	v38 =	vld [tilespmem:s19+$0x60];
	(xrf2) =	vadd.scan.msk.f32 $0xffff, v14  }
0x1b3: {  	v40 =	vand.u32 $0xFFFF0000, v21;
	v14 =	vand.u32 $0xFFFF0000, v27;
	v27 =	vshll.u32 v27, $0x10;
	v43 =	vld [tilespmem:s19+$0x70]  }
0x1b4: {  	v28 =	vmul.bf16 v28, v0;
	v41 =	vmul.bf16 v41, v1;
	v21 =	vshll.u32 v21, $0x10;
	v45 =	vld [tilespmem:s19+$0xFFFFFE80];
	v46, _, _ =	vpop (xrf2)  }
0x1b5: {  	v25 =	vmul.bf16 v25, v0;
	v33 =	vmul.bf16 v33, v1;
	v14 =	vadd.f32 v27, v14;
	v27 =	vld [tilespmem:s19+$0xFFFFFE90];
	(xrf2) =	vadd.scan.msk.f32 $0xffff, v11  }
0x1b6: {  	v21 =	vadd.f32 v21, v40;
	v11 =	vand.u32 $0xFFFF0000, v23;
	v23 =	vshll.u32 v23, $0x10;
	v40 =	vld [tilespmem:s19+$0x80]  }
0x1b7: {  	v48 =	vand.u32 $0xFFFF0000, v29;
	v29 =	vshll.u32 v29, $0x10;
	v22 =	vadd.bf16 v32, v22;
	v47 =	vld [tilespmem:s19+$0x90]  }
0x1b8: {  	v30 =	vadd.bf16 v30, v37;
	v23 =	vadd.f32 v23, v11;
	v11 =	vmul.bf16 v42, v0;
	v42 =	vld [tilespmem:s19+$0xFFFFFEA0];
	(xrf2) =	vadd.scan.msk.f32 $0xffff, v13  }
0x1b9: {  	v29 =	vadd.f32 v29, v48;
	v18 =	vmul.bf16 v18, v1;
	v13 =	vadd.bf16 v41, v28;
	v28 =	vld [tilespmem:s19+$0xFFFFFEB0];
	v32, _, _ =	vpop (xrf2)  }
0x1ba: {  	v25 =	vadd.bf16 v33, v25;
	v24 =	vmul.bf16 v24, v0;
	v19 =	vmul.bf16 v19, v1;
	v33 =	vld [tilespmem:s19+$0xA0]  }
0x1bb: {  	v37 =	vand.u32 $0xFFFF0000, v22;
	v22 =	vshll.u32 v22, $0x10;
	v41 =	vand.u32 $0xFFFF0000, v30;
	v48 =	vld [tilespmem:s19+$0xB0];
	(xrf2) =	vadd.scan.msk.f32 $0xffff, v14  }
0x1bc: {  	v30 =	vshll.u32 v30, $0x10;
	v14 =	vmul.bf16 v17, v0;
	v17 =	vmul.bf16 v31, v1;
	v31 =	vld [tilespmem:s19+$0xFFFFFEC0];
	v49, _, _ =	vpop (xrf2)  }
0x1bd: {  	v36 =	vmul.bf16 v36, v0;
	v16 =	vmul.bf16 v16, v1;
	v22 =	vadd.f32 v22, v37;
	v37 =	vld [tilespmem:s19+$0xFFFFFED0]  }
0x1be: {  	v30 =	vadd.f32 v30, v41;
	v50 =	vand.u32 $0xFFFF0000, v13;
	v13 =	vshll.u32 v13, $0x10;
	v41 =	vld [tilespmem:s19+$0xC0];
	(xrf2) =	vadd.scan.msk.f32 $0xffff, v21  }
0x1bf: {  	v18 =	vadd.bf16 v18, v11;
	v21 =	vand.u32 $0xFFFF0000, v25;
	v25 =	vshll.u32 v25, $0x10;
	v51 =	vld [tilespmem:s19+$0xD0];
	v52, _, _ =	vpop (xrf2)  }
0x1c0: {  	v19 =	vadd.bf16 v19, v24;
	v39 =	vmul.bf16 v39, v0;
	v50 =	vadd.f32 v13, v50;
	v11 =	vld [tilespmem:s19+$0xFFFFFEE0]  }
0x1c1: {  	v24 =	vmul.bf16 v34, v1;
	v17 =	vadd.bf16 v17, v14;
	v21 =	vadd.f32 v25, v21;
	v13 =	vld [tilespmem:s19+$0xFFFFFEF0];
	(xrf2) =	vadd.scan.msk.f32 $0xffff, v23  }
0x1c2: {  	v20 =	vmul.bf16 v20, v0;
	v25 =	vmul.bf16 v44, v1;
	v23 =	vadd.bf16 v16, v36;
	v14 =	vld [tilespmem:s19+$0xE0];
	v34, _, _ =	vpop (xrf2)  }
0x1c3: {  	v44 =	vand.u32 $0xFFFF0000, v19;
	v36 =	vand.u32 $0xFFFF0000, v18;
	v18 =	vshll.u32 v18, $0x10;
	v16 =	vld [tilespmem:s19+$0xF0]  }
0x1c4: {  	v26 =	vmul.bf16 v26, v0;
	v35 =	vmul.bf16 v35, v1;
	v19 =	vshll.u32 v19, $0x10;
	(xrf2) =	vadd.scan.msk.f32 $0xffff, v29  }
0x1c5: {  	v18 =	vadd.f32 v18, v36;
	v36 =	vmul.bf16 v43, v1;
	v29 =	vmul.bf16 v38, v0;
	v38, _, _ =	vpop (xrf2)  }
0x1c6: {  	v19 =	vadd.f32 v19, v44;
	v43 =	vand.u32 $0xFFFF0000, v17;
	v17 =	vshll.u32 v17, $0x10  }
0x1c7: {  	v24 =	vadd.bf16 v24, v39;
	v39 =	vand.u32 $0xFFFF0000, v23;
	v23 =	vshll.u32 v23, $0x10;
	(xrf2) =	vadd.scan.msk.f32 $0xffff, v22  }
0x1c8: {  	v10 =	vadd.f32 $0.0e+00, v10;
	v20 =	vadd.bf16 v25, v20;
	v22 =	vmul.bf16 v45, v0;
	v25, _, _ =	vpop (xrf2)  }
0x1c9: {  	v12 =	vadd.f32 $0.0e+00, v12;
	v27 =	vmul.bf16 v27, v1;
	v17 =	vadd.f32 v17, v43  }
0x1ca: {  	v26 =	vadd.bf16 v35, v26;
	v35 =	vmul.bf16 v40, v0;
	v23 =	vadd.f32 v23, v39;
	(xrf2) =	vadd.scan.msk.f32 $0xffff, v30  }
0x1cb: {  	v15 =	vbroadcast v15, $0xF;
	v29 =	vadd.bf16 v36, v29;
	v30 =	vmul.bf16 v47, v1;
	v36, _, _ =	vpop (xrf2)  }
0x1cc: {  	v40 =	vbroadcast v46, $0xF;
	v44 =	vand.u32 $0xFFFF0000, v24;
	v24 =	vshll.u32 v24, $0x10  }
0x1cd: {  	v42 =	vmul.bf16 v42, v0;
	v43 =	vand.u32 $0xFFFF0000, v20;
	v20 =	vshll.u32 v20, $0x10;
	(xrf2) =	vadd.scan.msk.f32 $0xffff, v50  }
0x1ce: {  	v28 =	vmul.bf16 v28, v1;
	v33 =	vmul.bf16 v33, v0;
	v24 =	vadd.f32 v24, v44;
	v39, _, _ =	vpop (xrf2)  }
0x1cf: {  	v10 =	vbroadcast v10, $0xF;
	v20 =	vadd.f32 v20, v43;
	v43 =	vmul.bf16 v48, v1  }
0x1d0: {  	v12 =	vbroadcast v12, $0xF;
	v44 =	vand.u32 $0xFFFF0000, v26;
	v26 =	vshll.u32 v26, $0x10;
	(xrf2) =	vadd.scan.msk.f32 $0xffff, v21  }
0x1d1: {  	v21 =	vadd.bf16 v27, v22;
	v22 =	vand.u32 $0xFFFF0000, v29;
	v27 =	vshll.u32 v29, $0x10;
	v29, _, _ =	vpop (xrf2)  }
0x1d2: {  	v15 =	vadd.f32 $0.0e+00, v15;
	v32 =	vbroadcast v32, $0xF;
	v30 =	vadd.bf16 v30, v35  }
0x1d3: {  	v26 =	vadd.f32 v26, v44;
	v35 =	vadd.f32 $0.0e+00, v40;
	v40 =	vbroadcast v49, $0xF;
	(xrf2) =	vadd.scan.msk.f32 $0xffff, v18  }
0x1d4: {  	v22 =	vadd.f32 v27, v22;
	v18 =	vadd.bf16 v28, v42;
	v28 =	vmul.bf16 v31, v0;
	v27, _, _ =	vpop (xrf2)  }
0x1d5: {  	v33 =	vadd.bf16 v43, v33;
	v31 =	vmul.bf16 v37, v1;
	v37 =	vmul.bf16 v41, v0  }
0x1d6: {  	v10 =	vnsel vm0, $0x0, v10;
	v12 =	vnsel vm0, $0x0, v12;
	v41 =	vmul.bf16 v51, v1;
	(xrf2) =	vadd.scan.msk.f32 $0xffff, v19  }
0x1d7: {  	v34 =	vbroadcast v34, $0xF;
	v42 =	vand.u32 $0xFFFF0000, v21;
	v19 =	vbroadcast v52, $0xF;
	v43, _, _ =	vpop (xrf2)  }
0x1d8: {  	v44 =	vand.u32 $0xFFFF0000, v30;
	v30 =	vshll.u32 v30, $0x10;
	v21 =	vshll.u32 v21, $0x10  }
0x1d9: {  	v15 =	vsel vm1, v10, v15;
	v10 =	vadd.f32 v32, v10;
	v32 =	vsel vm1, v12, v35;
	(xrf2) =	vadd.scan.msk.f32 $0xffff, v17  }
0x1da: {  	v12 =	vadd.f32 v40, v12;
	v17 =	vadd.f32 v21, v42;
	v21 =	vand.u32 $0xFFFF0000, v18;
	v35, _, _ =	vpop (xrf2)  }
0x1db: {  	v40 =	vand.u32 $0xFFFF0000, v33;
	v30 =	vadd.f32 v30, v44;
	v18 =	vshll.u32 v18, $0x10  }
0x1dc: {  	v28 =	vadd.bf16 v31, v28;
	v31 =	vshll.u32 v33, $0x10;
	v33 =	vadd.bf16 v41, v37;
	(xrf2) =	vadd.scan.msk.f32 $0xffff, v23  }
0x1dd: {  	v34 =	vadd.f32 v34, v32;
	v19 =	vadd.f32 v19, v15;
	v23 =	vbroadcast v38, $0xF;
	v37, _, _ =	vpop (xrf2)  }
0x1de: {  	v18 =	vadd.f32 v18, v21;
	v21 =	vbroadcast v25, $0xF;
	v25 =	vadd.f32 v31, v40  }
0x1df: {  	v10 =	vsel vm2, v15, v10;
	v11 =	vmul.bf16 v11, v0;
	v31 =	vmul.bf16 v13, v1;
	(xrf2) =	vadd.scan.msk.f32 $0xffff, v24  }
0x1e0: {  	v14 =	vmul.bf16 v14, v0;
	v16 =	vmul.bf16 v16, v1;
	v12 =	vsel vm2, v32, v12;
	v24, _, _ =	vpop (xrf2)  }
0x1e1: {  	v36 =	vbroadcast v36, $0xF;
	v13 =	vand.u32 $0xFFFF0000, v28;
	v38 =	vbroadcast v39, $0xF  }
0x1e2: {  	v28 =	vshll.u32 v28, $0x10;
	v39 =	vand.u32 $0xFFFF0000, v33;
	v33 =	vshll.u32 v33, $0x10;
	(xrf2) =	vadd.scan.msk.f32 $0xffff, v20  }
0x1e3: {  	v10 =	vsel vm3, v10, v19;
	v19 =	vsel vm3, v12, v34;
	v15 =	vadd.f32 v23, v15;
	v20, _, _ =	vpop (xrf2)  }
0x1e4: {  	v13 =	vadd.f32 v28, v13;
	v21 =	vadd.f32 v21, v32;
	v23 =	vbroadcast v29, $0xF  }
0x1e5: {  	v27 =	vbroadcast v27, $0xF;
	v11 =	vadd.bf16 v31, v11;
	v12 =	vadd.f32 v33, v39;
	(xrf2) =	vadd.scan.msk.f32 $0xffff, v26  }
0x1e6: {  	v14 =	vadd.bf16 v16, v14;
	v15 =	vsel vm4, v10, v15;
	v10 =	vadd.f32 v36, v10;
	v16, _, _ =	vpop (xrf2)  }
0x1e7: {  	v21 =	vsel vm4, v19, v21;
	v19 =	vadd.f32 v38, v19;
	v26 =	vbroadcast v43, $0xF  }
0x1e8: {  	v28 =	vand.u32 $0xFFFF0000, v11;
	v11 =	vshll.u32 v11, $0x10;
	v29 =	vbroadcast v35, $0xF;
	(xrf2) =	vadd.scan.msk.f32 $0xffff, v22  }
0x1e9: {  	v10 =	vsel vm5, v15, v10;
	v22 =	vand.u32 $0xFFFF0000, v14;
	v14 =	vshll.u32 v14, $0x10;
	v31, _, _ =	vpop (xrf2)  }
0x1ea: {  	v19 =	vsel vm5, v21, v19;
	v21 =	vadd.f32 v27, v21;
	v23 =	vadd.f32 v23, v15  }
0x1eb: {  	v27 =	vbroadcast v37, $0xF;
	v15 =	vadd.f32 v11, v28;
	v14 =	vadd.f32 v14, v22;
	(xrf2) =	vadd.scan.msk.f32 $0xffff, v17  }
0x1ec: {  	v11 =	vadd.f32 v26, v10;
	v26 =	vbroadcast v24, $0xF;
	v17 =	vadd.f32 v29, v19;
	v24, _, _ =	vpop (xrf2)  }
0x1ed: {  	v21 =	vsel vm6, v19, v21;
	v23 =	vsel vm6, v10, v23;
	v20 =	vbroadcast v20, $0xF  }
0x1ee: {  	v16 =	vbroadcast v16, $0xF;
	v11 =	vsel vm7, v23, v11;
	v17 =	vsel vm7, v21, v17;
	(xrf2) =	vadd.scan.msk.f32 $0xffff, v30  }
0x1ef: {  	v10 =	vadd.f32 v27, v10;
	v19 =	vadd.f32 v26, v19;
	v21 =	vbroadcast v31, $0xF;
	v22, _, _ =	vpop (xrf2)  }
0x1f0: {  	v20 =	vadd.f32 v20, v11;
	v23 =	vbroadcast v24, $0xF;
	v16 =	vadd.f32 v16, v17  }
.Ltmp0:
0x1f1: {  	v10 =	vsel vm8, v11, v10;
	v19 =	vsel vm8, v17, v19;
	v11 =	vbroadcast v22, $0xF;
	(xrf2) =	vadd.scan.msk.f32 $0xffff, v18;
	(pc) =	sbr.rel @p0 .LBB2_3-.Ltmp0, $4  }
0x1f2: {  	v17 =	vsel vm9, v10, v20;
	v22 =	vadd.f32 v21, v10;
	v16 =	vsel vm9, v19, v16;
	v18, _, _ =	vpop (xrf2)  }
0x1f3: {  	v19 =	vadd.f32 v23, v19;
	v11 =	vadd.f32 v11, v17;
	v20 =	vbroadcast v18, $0xF  }
0x1f4: {  	v21 =	vsel vm10, v17, v22;
	v18 =	vadd.f32 v8, v6;
	v6 =	vadd.f32 v9, v7;
	(xrf2) =	vadd.scan.msk.f32 $0xffff, v25  }
0x1f5: {  	s19 =	sadd.s32 $0x600, s19;
	v7 =	vsel vm10, v16, v19;
	v8 =	vsel vm11, v21, v11;
	v9 =	vadd.f32 v20, v16;
	v10, _, _ =	vpop (xrf2)  }
0x1f6: {  	(xrf2) =	vadd.scan.msk.f32 $0xffff, v13;
	_ =	sdelay $0x1  }
0x1f7: {  	(xrf2) =	vadd.scan.msk.f32 $0xffff, v12;
	_ =	sdelay $0x1  }
0x1f8: {  	(xrf2) =	vadd.scan.msk.f32 $0xffff, v15  }
0x1f9: {  	(xrf2) =	vadd.scan.msk.f32 $0xffff, v14;
	_ =	sdelay $0x1  }
0x1fa: {  	v1 =	vadd.f32 v2, v3;
	v3, _, _ =	vpop (xrf2)  }
0x1fb: {  	v0 =	vbroadcast v10, $0xF;
	v4 =	vadd.f32 v5, v4;
	v7 =	vsel vm11, v7, v9;
	v9, _, _ =	vpop (xrf2)  }
0x1fc: {  	v2 =	vsel vm14, v2, v18;
	v5 =	vsel vm14, v5, v6;
	v6 =	vbroadcast v9, $0xF;
	v9, _, _ =	vpop (xrf2)  }
0x1fd: {  	v1 =	vsel vm15, v2, v1;
	v3 =	vbroadcast v3, $0xF;
	v2 =	vbroadcast v9, $0xF;
	v9, _, _ =	vpop (xrf2)  }
0x1fe: {  	v0 =	vadd.f32 v0, v17;
	v9 =	vbroadcast v9, $0xF  }
0x1ff: {  	v3 =	vadd.f32 v3, v16;
	v6 =	vadd.f32 v6, v8;
	v10, _, _ =	vpop (xrf2)  }
0x200: {  	v0 =	vsel vm12, v8, v0;
	v2 =	vadd.f32 v2, v7;
	v8 =	vbroadcast v10, $0xF  }
0x201: {  	v3 =	vsel vm12, v7, v3;
	v6 =	vsel vm13, v0, v6;
	v7, _, _ =	vpop (xrf2);
	v0 =	vadd.f32 v9, v0  }
0x202: {  	p0 =	seq.s32 s1, $0x3F;
	v2 =	vsel vm13, v3, v2;
	v7 =	vadd.f32 v6, v7;
	v3 =	vadd.f32 v8, v3;
	v9, _, _ =	vpop (xrf2)  }
0x203: {  	s18 =	smul.u32 @!p0 $0xE00, s1;
	v4 =	vsel vm15, v5, v4;
	[tilespmem:s14+$0xFFFFFFE0] =	vst v1;
	v0 =	vsel vm14, v6, v0;
	v1 =	vadd.f32 v2, v9  }
0x204: {  	[tilespmem:s14+$0xFFFFFFF0] =	vst v4;
	v2 =	vsel vm14, v2, v3;
	v0 =	vsel vm15, v0, v7  }
0x205: {  	s14 =	sshra.s32 @!p0 s18, $0x2;
	[tilespmem:s17+$0xFFFFFFE0] =	vst v0;
	v1 =	vsel vm15, v2, v1  }
0x206: {  	s19 =	simm.s32 @!p0 $0xF080;
	s18 =	simm.s32 @!p0 $0x6C;
	[tilespmem:s17+$0xFFFFFFF0] =	vst v1;
	s17 =	sadd.s32 @!p0 $0x1400, s14  }
0x207: {  	[tilespmem:s19], [sflag:$0x1] =	stream.indirect.gather @!p0 [hbm4b:s5+s18], $0x20, s17, s18, $0xb8;
	[tilespmem:$0x19280] =	vst v63  }
0x208: {  	s17 =	sadd.s32 @!p0 $0x1470, s14;
	s19 =	simm.s32 @!p0 $0xFE00  }
0x209: {  	[tilespmem:s19], [sflag:$0x1] =	stream.indirect.gather @!p0 [hbm4b:s5+s18], $0x20, s17, s18, $0xb8;
	[tilespmem:$0x19280] =	vst v63  }
0x20a: {  	s17 =	sadd.s32 @!p0 $0x14E0, s14;
	s19 =	simm.s32 @!p0 $0x10B80  }
0x20b: {  	[tilespmem:s19], [sflag:$0x1] =	stream.indirect.gather @!p0 [hbm4b:s5+s18], $0x20, s17, s18, $0xb8;
	[tilespmem:$0x19280] =	vst v63  }
0x20c: {  	s14 =	sadd.s32 @!p0 $0x1550, s14;
	s17 =	simm.s32 @!p0 $0x11900  }
0x20d: {  	[tilespmem:s17], [sflag:$0x1] =	stream.indirect.gather @!p0 [hbm4b:s5+s18], $0x20, s14, s18, $0xb8;
	[tilespmem:$0x19280] =	vst v63  }
0x20e: {  	_ =	swait.ge [sflag:s15], $0xD80  }
0x20f: {  	[sflag:s15] =	ssyncset.done $0x0  }
0x210: {  	[sflag:s15] =	ssyncadd.s32 $0xFFFFF280  }
0x211: {  	_ =	swait.ge [sflag:s15], $0xD80  }
0x212: {  	[sflag:s15] =	ssyncset.done $0x0  }
0x213: {  	[sflag:s15] =	ssyncadd.s32 $0xFFFFF280  }
0x214: {  	_ =	swait.ge [sflag:s15], $0xD80  }
0x215: {  	[sflag:s15] =	ssyncset.done $0x0  }
0x216: {  	[sflag:s15] =	ssyncadd.s32 $0xFFFFF280  }
0x217: {  	_ =	swait.ge [sflag:s15], $0xD80  }
0x218: {  	s17 =	sshll.u32 s0, $0x5;
	[sflag:s15] =	ssyncset.done $0x0  }
0x219: {  	s14 =	sand.u32 $0x3FFFFFE0, s17;
	[sflag:s15] =	ssyncadd.s32 $0xFFFFF280  }
0x21a: {  	v0 =	vld [tilespmem:s14+$0x80]  }
0x21b: {  	s18 =	simm.s32 $0x12C70;
	v1 =	vld [tilespmem:s14+$0x90]  }
0x21c: {  	v2 =	vld [tilespmem:s18+$0xFFFFFFB0]  }
0x21d: {  	v3 =	vld [tilespmem:s18+$0xFFFFFFC0]  }
0x21e: {  	v4 =	vld [tilespmem:s18+$0xFFFFFA20]  }
0x21f: {  	v5 =	vld [tilespmem:s18+$0xFFFFFF70]  }
0x220: {  	v6 =	vld [tilespmem:s18+$0xFFFFFF80]  }
0x221: {  	v7 =	vld [tilespmem:s18+$0xFFFFFC10]  }
0x222: {  	v8 =	vld [tilespmem:s18+$0xFFFFFF30]  }
0x223: {  	v9 =	vld [tilespmem:s18+$0xFFFFFF40]  }
0x224: {  	v10 =	vld [tilespmem:s18+$0xFFFFFC20]  }
0x225: {  	v11 =	vld [tilespmem:s18+$0xFFFFFEF0]  }
0x226: {  	v12 =	vld [tilespmem:s18+$0xFFFFFA10]  }
0x227: {  	v14 =	vld [tilespmem:s18+$0xFFFFFEB0]  }
0x228: {  	v16 =	vld [tilespmem:s18+$0xFFFFFA40]  }
0x229: {  	v21 =	vld [tilespmem:s18+$0xFFFFFC40]  }
0x22a: {  	v34 =	vld [tilespmem:s18+$0xFFFFFCF0]  }
0x22b: {  	v38 =	vld [tilespmem:s18+$0xFFFFFD10];
	v2 =	vmul.bf16 v2, v0;
	v3 =	vmul.bf16 v3, v1  }
0x22c: {  	v41 =	vld [tilespmem:s18+$0xFFFFFD30];
	v5 =	vmul.bf16 v5, v0;
	v6 =	vmul.bf16 v6, v1  }
0x22d: {  	v42 =	vld [tilespmem:s18+$0xFFFFFD40];
	v4 =	vmul.bf16 v4, v1;
	v7 =	vmul.bf16 v7, v0  }
0x22e: {  	v48 =	vld [tilespmem:s18+$0xFFFFFD50];
	v10 =	vmul.bf16 v10, v1;
	v12 =	vmul.bf16 v12, v0  }
0x22f: {  	v16 =	vmul.bf16 v16, v1;
	v39 =	vmul.bf16 v34, v0;
	v2 =	vadd.bf16 v3, v2;
	v3 =	vld [tilespmem:s18+$0xFFFFFF00]  }
0x230: {  	v5 =	vadd.bf16 v6, v5;
	v6 =	vmul.bf16 v8, v0;
	v8 =	vmul.bf16 v9, v1;
	v9 =	vld [tilespmem:s18+$0xFFFFFEC0]  }
0x231: {  	v44 =	vmul.bf16 v38, v0;
	v7 =	vadd.bf16 v10, v7;
	v10 =	vmul.bf16 v11, v0;
	v11 =	vld [tilespmem:s18+$0xFFFFFE80]  }
0x232: {  	v49 =	vmul.bf16 v41, v0;
	v4 =	vadd.bf16 v4, v12;
	v12 =	vmul.bf16 v14, v0;
	v14 =	vld [tilespmem:s18+$0xFFFFFE40]  }
0x233: {  	v13 =	vand.u32 $0xFFFF0000, v2;
	v2 =	vshll.u32 v2, $0x10;
	v6 =	vadd.bf16 v8, v6;
	v8 =	vld [tilespmem:s18+$0xFFFFFE70]  }
0x234: {  	v15 =	vand.u32 $0xFFFF0000, v5;
	v5 =	vshll.u32 v5, $0x10;
	v2 =	vadd.f32 v2, v13;
	v13 =	vld [tilespmem:s18+$0xFFFFFA30]  }
0x235: {  	v50 =	vmul.bf16 v42, v1;
	v54 =	vmul.bf16 v48, v0;
	v5 =	vadd.f32 v5, v15  }
0x236: {  	v18 =	vld [tilespmem:s18+$0xFFFFFC30];
	v15 =	vand.u32 $0xFFFF0000, v6;
	v6 =	vshll.u32 v6, $0x10;
	v3 =	vmul.bf16 v3, v1  }
0x237: {  	v29 =	vld [tilespmem:s18+$0xFFFFFC80];
	v9 =	vmul.bf16 v9, v1;
	v6 =	vadd.f32 v6, v15;
	v11 =	vmul.bf16 v11, v1;
	(xrf2) =	vadd.scan.msk.f32 $0xffff, v2  }
0x238: {  	v14 =	vmul.bf16 v14, v1;
	(xrf2) =	vadd.scan.msk.f32 $0xffff, v5;
	v3 =	vadd.bf16 v3, v10;
	v10 =	vld [tilespmem:s18+$0xFFFFFE30];
	v8 =	vmul.bf16 v8, v0  }
0x239: {  	v9 =	vadd.bf16 v9, v12;
	v12 =	vld [tilespmem:s18+$0xFFFFFE10];
	(xrf2) =	vadd.scan.msk.f32 $0xffff, v6;
	v6 =	vmul.bf16 v21, v1;
	v13 =	vmul.bf16 v13, v0  }
0x23a: {  	v15 =	vand.u32 $0xFFFF0000, v3;
	v3 =	vshll.u32 v3, $0x10;
	v8 =	vadd.bf16 v11, v8;
	v11 =	vld [tilespmem:s18+$0xFFFFFE50]  }
0x23b: {  	v20 =	vand.u32 $0xFFFF0000, v9;
	v9 =	vshll.u32 v9, $0x10;
	v3 =	vadd.f32 v3, v15;
	v15 =	vld [tilespmem:s18+$0xFFFFFE20]  }
0x23c: {  	v21 =	vmul.bf16 v29, v1;
	v9 =	vadd.f32 v9, v20;
	v20 =	vld [tilespmem:s18+$0xFFFFFE60];
	v13 =	vadd.bf16 v16, v13  }
0x23d: {  	v29 =	vld [tilespmem:s18+$0xFFFFFD20];
	v16 =	vand.u32 $0xFFFF0000, v8;
	v8 =	vshll.u32 v8, $0x10;
	v10 =	vmul.bf16 v10, v0  }
0x23e: {  	v17 =	vand.u32 $0xFFFF0000, v7;
	v19 =	vand.u32 $0xFFFF0000, v4;
	v8 =	vadd.f32 v8, v16;
	v16 =	vld [tilespmem:s18+$0xFFFFFFF0];
	(xrf2) =	vadd.scan.msk.f32 $0xffff, v3  }
0x23f: {  	v4 =	vshll.u32 v4, $0x10;
	v5 =	vmul.bf16 v18, v0;
	(xrf2) =	vadd.scan.msk.f32 $0xffff, v9;
	v2 =	vadd.bf16 v14, v10;
	v14 =	vld [tilespmem:s18+$0xFFFFFE90]  }
0x240: {  	v7 =	vshll.u32 v7, $0x10;
	v10 =	vmul.bf16 v12, v0;
	(xrf2) =	vadd.scan.msk.f32 $0xffff, v8;
	v8 =	vld [tilespmem:s18+$0x0];
	v12 =	vmul.bf16 v15, v1  }
0x241: {  	v4 =	vadd.f32 v4, v19;
	v3 =	vmul.bf16 v11, v0;
	v15 =	vld [tilespmem:s18+$0xFFFFFEA0];
	v11 =	vmul.bf16 v20, v1  }
0x242: {  	v18 =	vand.u32 $0xFFFF0000, v2;
	v2 =	vshll.u32 v2, $0x10;
	v10 =	vadd.bf16 v12, v10  }
0x243: {  	v19 =	vand.u32 $0xFFFF0000, v13;
	v46 =	vmul.bf16 v29, v1;
	v2 =	vadd.f32 v2, v18  }
0x244: {  	v12 =	vld [tilespmem:s18+$0xFFFFFED0];
	v3 =	vadd.bf16 v11, v3;
	v16 =	vmul.bf16 v16, v0;
	v9 =	vand.u32 $0xFFFF0000, v10  }
0x245: {  	v18 =	vld [tilespmem:s18+$0xFFFFFEE0];
	v10 =	vshll.u32 v10, $0x10;
	(xrf2) =	vadd.scan.msk.f32 $0xffff, v2;
	v2 =	vmul.bf16 v14, v0;
	v8 =	vmul.bf16 v8, v1  }
0x246: {  	v11 =	vld [tilespmem:s18+$0xFFFFFF10];
	v9 =	vadd.f32 v10, v9;
	v10 =	vadd.bf16 v6, v5;
	v6 =	vmul.bf16 v15, v1  }
0x247: {  	v14 =	vld [tilespmem:s18+$0xFFFFFF20];
	v5 =	vadd.f32 v7, v17;
	v7 =	vand.u32 $0xFFFF0000, v3;
	v3 =	vshll.u32 v3, $0x10  }
0x248: {  	v20 =	vld [tilespmem:s18+$0xFFFFFFA0];
	v3 =	vadd.f32 v3, v7;
	(xrf2) =	vadd.scan.msk.f32 $0xffff, v9;
	v9 =	vshll.u32 v13, $0x10;
	v2 =	vadd.bf16 v6, v2  }
0x249: {  	v17 =	vld [tilespmem:s18+$0xFFFFFF50];
	v7 =	vand.u32 $0xFFFF0000, v10;
	v12 =	vmul.bf16 v12, v0;
	v10 =	vshll.u32 v10, $0x10  }
0x24a: {  	v15 =	vmul.bf16 v18, v1;
	v6 =	vadd.f32 v9, v19;
	v19 =	vld [tilespmem:s18+$0xFFFFFF60];
	v7 =	vadd.f32 v10, v7  }
0x24b: {  	v13 =	vld [tilespmem:s18+$0xFFFFFF90];
	(xrf2) =	vadd.scan.msk.f32 $0xffff, v3;
	v10 =	vmul.bf16 v11, v0;
	v9 =	vand.u32 $0xFFFF0000, v2;
	v2 =	vshll.u32 v2, $0x10  }
0x24c: {  	v22 =	vld [tilespmem:s18+$0xFFFFFFE0];
	v18, _, _ =	vpop (xrf2);
	v11 =	vmul.bf16 v14, v1;
	v2 =	vadd.f32 v2, v9;
	v9 =	vadd.bf16 v15, v12  }
0x24d: {  	v8 =	vadd.bf16 v8, v16;
	v16 =	vmul.bf16 v20, v1;
	v18 =	vbroadcast v18, $0xF;
	v14 =	vld [tilespmem:s18+$0xFFFFFFD0];
	v3, _, _ =	vpop (xrf2)  }
0x24e: {  	v12, _, _ =	vpop (xrf2);
	v10 =	vadd.bf16 v11, v10;
	v26 =	vand.u32 $0xFFFF0000, v9;
	v9 =	vshll.u32 v9, $0x10  }
0x24f: {  	v17 =	vmul.bf16 v17, v0;
	v15, _, _ =	vpop (xrf2);
	v9 =	vadd.f32 v9, v26;
	v19 =	vmul.bf16 v19, v1  }
0x250: {  	(xrf2) =	vadd.scan.msk.f32 $0xffff, v2;
	v13 =	vmul.bf16 v13, v0;
	v23 =	vand.u32 $0xFFFF0000, v10;
	v10 =	vshll.u32 v10, $0x10;
	v2, _, _ =	vpop (xrf2)  }
0x251: {  	v3 =	vbroadcast v3, $0xF;
	v11, _, _ =	vpop (xrf2);
	(xrf2) =	vadd.scan.msk.f32 $0xffff, v9;
	v9 =	vadd.f32 v10, v23;
	v10 =	vadd.bf16 v19, v17  }
0x252: {  	v14 =	vmul.bf16 v14, v0;
	v13 =	vadd.bf16 v16, v13;
	v19 =	vmul.bf16 v22, v1  }
0x253: {  	v12 =	vbroadcast v12, $0xF;
	v23 =	vadd.bf16 v46, v44;
	v27, _, _ =	vpop (xrf2);
	v28 =	vand.u32 $0xFFFF0000, v10  }
0x254: {  	v17, _, _ =	vpop (xrf2);
	v10 =	vshll.u32 v10, $0x10;
	v14 =	vadd.bf16 v19, v14;
	v19 =	vand.u32 $0xFFFF0000, v13  }
0x255: {  	v13 =	vshll.u32 v13, $0x10;
	v17 =	vadd.f32 $0.0e+00, v17;
	v10 =	vadd.f32 v10, v28;
	v16, _, _ =	vpop (xrf2)  }
0x256: {  	v20 =	vbroadcast v27, $0xF;
	(xrf2) =	vadd.scan.msk.f32 $0xffff, v9;
	v13 =	vadd.f32 v13, v19;
	v16 =	vbroadcast v16, $0xF  }
0x257: {  	v30 =	vld [tilespmem:s18+$0xFFFFFCA0];
	v19 =	vand.u32 $0xFFFF0000, v14;
	v14 =	vshll.u32 v14, $0x10;
	v9 =	vbroadcast v17, $0xF;
	(xrf2) =	vadd.scan.msk.f32 $0xffff, v10  }
0x258: {  	v33 =	vld [tilespmem:s18+$0xFFFFFAF0];
	v11 =	vbroadcast v11, $0xF;
	v17 =	vadd.f32 $0.0e+00, v20;
	(xrf2) =	vadd.scan.msk.f32 $0xffff, v13;
	v13 =	vadd.f32 v14, v19  }
0x259: {  	v46 =	vld [tilespmem:s18+$0xFFFFFBE0];
	v19 =	vand.u32 $0xFFFF0000, v8;
	v8 =	vshll.u32 v8, $0x10;
	v9 =	vnsel vm0, $0x0, v9  }
0x25a: {  	v20 =	vld [tilespmem:s18+$0xFFFFFA60];
	v8 =	vadd.f32 v8, v19;
	v10 =	vsel vm1, v9, v17;
	v9 =	vadd.f32 v16, v9;
	v16, _, _ =	vpop (xrf2)  }
0x25b: {  	v15 =	vbroadcast v15, $0xF;
	v17 =	vld [tilespmem:s18+$0xFFFFFA50];
	(xrf2) =	vadd.scan.msk.f32 $0xffff, v13;
	v11 =	vadd.f32 v11, v10;
	v16 =	vbroadcast v16, $0xF  }
0x25c: {  	v2 =	vbroadcast v2, $0xF;
	v22 =	vmul.bf16 v30, v1;
	v27 =	vld [tilespmem:s18+$0xFFFFFB00];
	(xrf2) =	vadd.scan.msk.f32 $0xffff, v8;
	v9 =	vsel vm2, v10, v9  }
0x25d: {  	v57 =	vand.u32 $0xFFFF0000, v23;
	v14, _, _ =	vpop (xrf2);
	(xrf2) =	vadd.scan.msk.f32 $0xffff, v4;
	v4 =	vld [tilespmem:s18+$0xFFFFFD60];
	v9 =	vsel vm3, v9, v11;
	v10 =	vadd.f32 v16, v10  }
0x25e: {  	v23 =	vshll.u32 v23, $0x10;
	v11 =	vld [tilespmem:s18+$0xFFFFFC50];
	v14 =	vbroadcast v14, $0xF;
	v2 =	vadd.f32 v2, v9  }
0x25f: {  	v23 =	vadd.f32 v23, v57;
	v19 =	vld [tilespmem:s18+$0xFFFFFC70];
	v20 =	vmul.bf16 v20, v1;
	v9 =	vsel vm4, v9, v10  }
0x260: {  	v16 =	vld [tilespmem:s18+$0xFFFFFC60];
	v17 =	vmul.bf16 v17, v0;
	v2 =	vsel vm5, v9, v2;
	v9 =	vadd.f32 v14, v9  }
0x261: {  	v29 =	vmul.bf16 v46, v1;
	v27 =	vmul.bf16 v27, v1;
	v10 =	vld [tilespmem:s18+$0xFFFFFA70];
	v15 =	vadd.f32 v15, v2  }
0x262: {  	v13 =	vld [tilespmem:s18+$0xFFFFFA80];
	v14, _, _ =	vpop (xrf2);
	v17 =	vadd.bf16 v20, v17;
	v4 =	vmul.bf16 v4, v1;
	v9 =	vsel vm6, v2, v9  }
0x263: {  	v20 =	vld [tilespmem:s18+$0xFFFFFAB0];
	v14 =	vbroadcast v14, $0xF;
	v8 =	vmul.bf16 v11, v0;
	v11, _, _ =	vpop (xrf2);
	v9 =	vsel vm7, v9, v15  }
0x264: {  	(xrf2) =	vadd.scan.msk.f32 $0xffff, v5;
	v5 =	vld [tilespmem:s18+$0xFFFFFB70];
	v11 =	vbroadcast v11, $0xF;
	v31 =	vand.u32 $0xFFFF0000, v17;
	v4 =	vadd.bf16 v4, v54  }
0x265: {  	(xrf2) =	vadd.scan.msk.f32 $0xffff, v6;
	v6 =	vld [tilespmem:s18+$0xFFFFFD70];
	v2 =	vadd.f32 v14, v2;
	v14 =	vmul.bf16 v16, v1;
	v12 =	vadd.f32 v12, v9  }
0x266: {  	v10 =	vmul.bf16 v10, v0;
	v16 =	vmul.bf16 v19, v0;
	v44 =	vand.u32 $0xFFFF0000, v4  }
0x267: {  	v15 =	vld [tilespmem:s18+$0xFFFFFA90];
	v4 =	vshll.u32 v4, $0x10;
	v2 =	vsel vm8, v9, v2;
	v9 =	vmul.bf16 v13, v1  }
0x268: {  	v19 =	vld [tilespmem:s18+$0xFFFFFC90];
	v8 =	vadd.bf16 v14, v8;
	v16 =	vadd.bf16 v21, v16;
	v20 =	vmul.bf16 v20, v0  }
0x269: {  	v40 =	vld [tilespmem:s18+$0xFFFFFB30];
	v21 =	vmul.bf16 v33, v0;
	v5 =	vmul.bf16 v5, v0;
	v4 =	vadd.f32 v4, v44  }
0x26a: {  	v35 =	vld [tilespmem:s18+$0xFFFFFD00];
	v12 =	vsel vm9, v2, v12;
	v2 =	vadd.f32 v11, v2;
	v11, _, _ =	vpop (xrf2);
	v6 =	vmul.bf16 v6, v0  }
0x26b: {  	v13 =	vld [tilespmem:s18+$0xFFFFFAA0];
	v3 =	vadd.f32 v3, v12;
	v11 =	vbroadcast v11, $0xF;
	v9 =	vadd.bf16 v9, v10  }
0x26c: {  	v36 =	vld [tilespmem:s18+$0xFFFFFB10];
	v15 =	vmul.bf16 v15, v0;
	v24 =	vand.u32 $0xFFFF0000, v8;
	v8 =	vshll.u32 v8, $0x10  }
0x26d: {  	v33 =	vld [tilespmem:s18+$0xFFFFFB80];
	v2 =	vsel vm10, v12, v2;
	v19 =	vmul.bf16 v19, v0;
	v8 =	vadd.f32 v8, v24  }
0x26e: {  	v24 =	vmul.bf16 v40, v0;
	v2 =	vsel vm11, v2, v3;
	v3 =	vadd.f32 v11, v12  }
0x26f: {  	v32 =	vld [tilespmem:s18+$0xFFFFFAE0];
	v26 =	vand.u32 $0xFFFF0000, v9;
	v9 =	vshll.u32 v9, $0x10;
	v14 =	vadd.f32 v18, v2  }
0x270: {  	v10 =	vld [tilespmem:s18+$0xFFFFFCB0];
	v13 =	vmul.bf16 v13, v1;
	v9 =	vadd.f32 v9, v26;
	v19 =	vadd.bf16 v22, v19  }
0x271: {  	v12 =	vld [tilespmem:s18+$0xFFFFFAC0];
	v26 =	vmul.bf16 v35, v1;
	v22 =	vmul.bf16 v36, v0;
	v11, _, _ =	vpop (xrf2);
	v2 =	vsel vm12, v2, v3  }
0x272: {  	v18 =	vld [tilespmem:s18+$0xFFFFFCC0];
	v58 =	vmul.bf16 v33, v1;
	v11 =	vbroadcast v11, $0xF;
	v3 =	vsel vm13, v2, v14  }
0x273: {  	v56 =	vld [tilespmem:s18+$0xFFFFFB90];
	v13 =	vadd.bf16 v13, v15;
	v15 =	vand.u32 $0xFFFF0000, v16;
	v16 =	vshll.u32 v16, $0x10  }
0x274: {  	v25 =	vld [tilespmem:s18+$0xFFFFFCE0];
	v28 =	vand.u32 $0xFFFF0000, v19;
	v19 =	vshll.u32 v19, $0x10;
	v5 =	vadd.bf16 v58, v5  }
0x275: {  	v14 =	vld [tilespmem:s18+$0xFFFFFAD0];
	v10 =	vmul.bf16 v10, v0;
	v15 =	vadd.f32 v16, v15;
	v19 =	vadd.f32 v19, v28  }
0x276: {  	v45 =	vld [tilespmem:s18+$0xFFFFFB60];
	v11 =	vadd.f32 v11, v2;
	v2, _, _ =	vpop (xrf2);
	v12 =	vmul.bf16 v12, v1;
	v37 =	vand.u32 $0xFFFF0000, v13  }
0x277: {  	v13 =	vshll.u32 v13, $0x10;
	v2 =	vadd.f32 v3, v2;
	v18 =	vmul.bf16 v18, v1  }
0x278: {  	v53 =	vld [tilespmem:s18+$0xFFFFFD80];
	(xrf2) =	vadd.scan.msk.f32 $0xffff, v7;
	v13 =	vadd.f32 v13, v37;
	v37 =	vmul.bf16 v56, v0;
	v3 =	vsel vm14, v3, v11  }
0x279: {  	v60 =	vld [tilespmem:s18+$0xFFFFFD90];
	v62, _, _ =	vpop (xrf2);
	v11 =	vshll.u32 v17, $0x10;
	v12 =	vadd.bf16 v12, v20;
	v20 =	vmul.bf16 v32, v1  }
0x27a: {  	v34 =	vld [tilespmem:s18+$0xFFFFFDA0];
	v33 =	vadd.f32 $0.0e+00, v62;
	v11 =	vadd.f32 v11, v31;
	v14 =	vmul.bf16 v14, v0  }
0x27b: {  	v17 =	vld [tilespmem:s18+$0xFFFFFCD0];
	v36, _, _ =	vpop (xrf2);
	v10 =	vadd.bf16 v18, v10;
	v18 =	vmul.bf16 v25, v1;
	v25 =	vmul.bf16 v45, v1  }
0x27c: {  	v58 =	vld [tilespmem:s18+$0xFFFFFDF0];
	v38 =	vadd.f32 $0.0e+00, v36;
	v30 =	vand.u32 $0xFFFF0000, v12;
	v12 =	vshll.u32 v12, $0x10  }
0x27d: {  	v31 =	vld [tilespmem:s18+$0xFFFFFB40];
	v33 =	vbroadcast v33, $0xF;
	v14 =	vadd.bf16 v20, v14;
	v20 =	vand.u32 $0xFFFF0000, v10  }
0x27e: {  	v10 =	vshll.u32 v10, $0x10;
	v12 =	vadd.f32 v12, v30;
	v30 =	vmul.bf16 v53, v1  }
0x27f: {  	(xrf2) =	vadd.scan.msk.f32 $0xffff, v11;
	v10 =	vadd.f32 v10, v20;
	v20 =	vadd.bf16 v26, v39;
	v26 =	vmul.bf16 v60, v0  }
0x280: {  	v43 =	vld [tilespmem:s18+$0xFFFFFB50];
	(xrf2) =	vadd.scan.msk.f32 $0xffff, v8;
	v39, _, _ =	vpop (xrf2);
	v16 =	vmul.bf16 v17, v0;
	v47 =	vand.u32 $0xFFFF0000, v14;
	v14 =	vshll.u32 v14, $0x10  }
0x281: {  	v28 =	vbroadcast v39, $0xF;
	v6 =	vadd.bf16 v30, v6;
	(xrf2) =	vadd.scan.msk.f32 $0xffff, v9;
	v9 =	vmul.bf16 v34, v1  }
0x282: {  	v42, _, _ =	vpop (xrf2);
	v34 =	vmul.bf16 v58, v0;
	v31 =	vmul.bf16 v31, v1;
	v14 =	vadd.f32 v14, v47  }
0x283: {  	v59 =	vld [tilespmem:s18+$0xFFFFFBA0];
	v52 =	vand.u32 $0xFFFF0000, v20;
	v20 =	vshll.u32 v20, $0x10;
	(xrf2) =	vadd.scan.msk.f32 $0xffff, v15;
	v15 =	vbroadcast v42, $0xF  }
0x284: {  	v11 =	vld [tilespmem:s18+$0xFFFFFBB0];
	v47 =	vand.u32 $0xFFFF0000, v5;
	v5 =	vshll.u32 v5, $0x10;
	v16 =	vadd.bf16 v18, v16  }
0x285: {  	v18 =	vadd.bf16 v27, v21;
	v21 =	vmul.bf16 v43, v0;
	v7 =	vadd.f32 v20, v52  }
0x286: {  	v41 =	vld [tilespmem:s18+$0xFFFFFDC0];
	v20 =	vadd.bf16 v50, v49;
	v27 =	vbroadcast v38, $0xF;
	v48 =	vand.u32 $0xFFFF0000, v6  }
0x287: {  	v8 =	vld [tilespmem:s18+$0xFFFFFBC0];
	v6 =	vshll.u32 v6, $0x10;
	v28 =	vadd.f32 $0.0e+00, v28;
	v9 =	vadd.bf16 v9, v26  }
0x288: {  	v5 =	vadd.f32 v5, v47;
	v24 =	vadd.bf16 v31, v24;
	v31 =	vmul.bf16 v59, v1  }
0x289: {  	v17 =	vld [tilespmem:s18+$0xFFFFFB20];
	v11 =	vmul.bf16 v11, v0;
	v15 =	vadd.f32 $0.0e+00, v15;
	v6 =	vadd.f32 v6, v48  }
0x28a: {  	v32 =	vand.u32 $0xFFFF0000, v16;
	v16 =	vshll.u32 v16, $0x10;
	v51 =	vand.u32 $0xFFFF0000, v18  }
0x28b: {  	v40 =	vld [tilespmem:s18+$0xFFFFFDB0];
	v18 =	vshll.u32 v18, $0x10;
	v21 =	vadd.bf16 v25, v21;
	v63 =	vand.u32 $0xFFFF0000, v20  }
0x28c: {  	v20 =	vshll.u32 v20, $0x10;
	v8 =	vmul.bf16 v8, v1;
	v25 =	vmul.bf16 v41, v1  }
0x28d: {  	v27 =	vnsel vm0, $0x0, v27;
	v54 =	vand.u32 $0xFFFF0000, v9;
	v9 =	vshll.u32 v9, $0x10  }
0x28e: {  	v45 =	vld [tilespmem:s18+$0xFFFFFBD0];
	v17 =	vmul.bf16 v17, v1;
	v16 =	vadd.f32 v16, v32;
	v18 =	vadd.f32 v18, v51  }
0x28f: {  	s19 =	simm.s32 $0x13270;
	v61 =	vand.u32 $0xFFFF0000, v24;
	v24 =	vshll.u32 v24, $0x10;
	v20 =	vadd.f32 v20, v63  }
0x290: {  	v48 =	vld [tilespmem:s19+$0xFFFFFA30];
	v32 =	vmul.bf16 v40, v0;
	v51 =	vnsel vm0, $0x0, v33;
	v15 =	vsel vm1, v27, v15  }
0x291: {  	(xrf2) =	vadd.scan.msk.f32 $0xffff, v13;
	v9 =	vadd.f32 v9, v54;
	v24 =	vadd.f32 v24, v61;
	v43 =	vand.u32 $0xFFFF0000, v21  }
0x292: {  	v59 =	vld [tilespmem:s18+$0xFFFFFE00];
	v21 =	vshll.u32 v21, $0x10;
	v8 =	vadd.bf16 v8, v11;
	v17 =	vadd.bf16 v17, v22  }
0x293: {  	v35 =	vld [tilespmem:s18+$0xFFFFFDD0];
	(xrf2) =	vadd.scan.msk.f32 $0xffff, v19;
	v11 =	vmul.bf16 v45, v0;
	v21 =	vadd.f32 v21, v43;
	v22 =	vadd.bf16 v31, v37  }
0x294: {  	v13 =	vld [tilespmem:s18+$0xFFFFFDE0];
	v25 =	vadd.bf16 v25, v32;
	v57 =	vand.u32 $0xFFFF0000, v8;
	v8 =	vshll.u32 v8, $0x10  }
0x295: {  	v36, _, _ =	vpop (xrf2);
	v11 =	vadd.bf16 v29, v11;
	v54 =	vmul.bf16 v48, v0;
	v55 =	vand.u32 $0xFFFF0000, v17  }
0x296: {  	v17 =	vshll.u32 v17, $0x10;
	v49, _, _ =	vpop (xrf2);
	v19 =	vbroadcast v36, $0xF;
	v53 =	vand.u32 $0xFFFF0000, v22  }
0x297: {  	v22 =	vshll.u32 v22, $0x10;
	v8 =	vadd.f32 v8, v57;
	v36 =	vmul.bf16 v59, v1;
	v50, _, _ =	vpop (xrf2);
	(xrf2) =	vadd.scan.msk.f32 $0xffff, v12  }
0x298: {  	v46 =	vld [tilespmem:s19+$0xFFFFFEC0];
	v17 =	vadd.f32 v17, v55;
	v26 =	vbroadcast v49, $0xF;
	v12 =	vmul.bf16 v35, v0;
	(xrf2) =	vadd.scan.msk.f32 $0xffff, v10  }
0x299: {  	v38 =	vand.u32 $0xFFFF0000, v11;
	v11 =	vshll.u32 v11, $0x10;
	v52, _, _ =	vpop (xrf2);
	v10 =	vmul.bf16 v13, v1;
	(xrf2) =	vadd.scan.msk.f32 $0xffff, v14  }
0x29a: {  	v55 =	vld [tilespmem:s18+$0xFFFFFBF0];
	v13 =	vbroadcast v50, $0xF;
	v19 =	vadd.f32 v19, v51;
	v32 =	vbroadcast v52, $0xF;
	(xrf2) =	vadd.scan.msk.f32 $0xffff, v16  }
0x29b: {  	v56 =	vld [tilespmem:s18+$0xFFFFFC00];
	v14 =	vsel vm1, v51, v28;
	v26 =	vadd.f32 v26, v27;
	v60, _, _ =	vpop (xrf2);
	v16 =	vadd.f32 v22, v53  }
0x29c: {  	v49 =	vld [tilespmem:s19+$0xFFFFFE80];
	v10 =	vadd.bf16 v10, v12;
	v12 =	vadd.f32 v13, v14;
	v13 =	vbroadcast v60, $0xF;
	(xrf2) =	vadd.scan.msk.f32 $0xffff, v18  }
0x29d: {  	v51 =	vld [tilespmem:s19+$0xFFFFFA40];
	v61, _, _ =	vpop (xrf2);
	v19 =	vsel vm2, v14, v19;
	v53 =	vmul.bf16 v46, v1;
	v18 =	vand.u32 $0xFFFF0000, v25;
	(xrf2) =	vadd.scan.msk.f32 $0xffff, v7  }
0x29e: {  	v25 =	vshll.u32 v25, $0x10;
	v62 =	vbroadcast v61, $0xF;
	v26 =	vsel vm2, v15, v26  }
0x29f: {  	v7 =	vadd.f32 v32, v15;
	v18 =	vadd.f32 v25, v18;
	v63 =	vmul.bf16 v55, v0;
	(xrf2) =	vadd.scan.msk.f32 $0xffff, v17  }
0x2a0: {  	v40 =	vand.u32 $0xFFFF0000, v10;
	v10 =	vshll.u32 v10, $0x10;
	v12 =	vsel vm3, v19, v12;
	(xrf2) =	vadd.scan.msk.f32 $0xffff, v23  }
0x2a1: {  	v13 =	vadd.f32 v13, v14;
	v22 =	vmul.bf16 v49, v1;
	v17 =	vmul.bf16 v56, v1;
	v33, _, _ =	vpop (xrf2);
	(xrf2) =	vadd.scan.msk.f32 $0xffff, v24  }
0x2a2: {  	v7 =	vsel vm3, v26, v7;
	v60 =	vmul.bf16 v51, v1;
	v35, _, _ =	vpop (xrf2);
	(xrf2) =	vadd.scan.msk.f32 $0xffff, v20;
	v20 =	vadd.f32 v11, v38  }
0x2a3: {  	v37 =	vbroadcast v33, $0xF;
	v11 =	vadd.f32 v62, v15;
	v15 =	vadd.bf16 v17, v63;
	v41, _, _ =	vpop (xrf2);
	(xrf2) =	vadd.scan.msk.f32 $0xffff, v21  }
0x2a4: {  	v39 =	vbroadcast v35, $0xF;
	v14, _, _ =	vpop (xrf2);
	v19 =	vbroadcast v41, $0xF;
	(xrf2) =	vadd.scan.msk.f32 $0xffff, v4;
	v4 =	vadd.f32 v10, v40  }
0x2a5: {  	v10 =	vadd.f32 v37, v12;
	v11 =	vsel vm4, v7, v11;
	v42 =	vand.u32 $0xFFFF0000, v15  }
0x2a6: {  	v15 =	vshll.u32 v15, $0x10;
	v17, _, _ =	vpop (xrf2);
	(xrf2) =	vadd.scan.msk.f32 $0xffff, v5;
	v5 =	vsel vm4, v12, v13;
	v12 =	vadd.bf16 v36, v34  }
0x2a7: {  	v14 =	vbroadcast v14, $0xF;
	v7 =	vadd.f32 v39, v7;
	v13 =	vbroadcast v17, $0xF;
	v17, _, _ =	vpop (xrf2)  }
0x2a8: {  	(xrf2) =	vadd.scan.msk.f32 $0xffff, v6;
	v6 =	vbroadcast v17, $0xF;
	v17 =	vsel vm5, v5, v10;
	v10 =	vand.u32 $0xFFFF0000, v12  }
0x2a9: {  	v12 =	vshll.u32 v12, $0x10;
	v5 =	vadd.f32 v19, v5;
	v14 =	vadd.f32 v14, v11  }
0x2aa: {  	(xrf2) =	vadd.scan.msk.f32 $0xffff, v16;
	v16, _, _ =	vpop (xrf2);
	v7 =	vsel vm5, v11, v7;
	v11 =	vadd.f32 v15, v42;
	v10 =	vadd.f32 v12, v10  }
0x2ab: {  	v51 =	vld [tilespmem:s19+$0xFFFFFFA0];
	(xrf2) =	vadd.scan.msk.f32 $0xffff, v9;
	v9, _, _ =	vpop (xrf2);
	v15 =	vbroadcast v16, $0xF;
	v13 =	vadd.f32 v13, v17;
	v6 =	vadd.f32 v6, v7  }
0x2ac: {  	v58 =	vld [tilespmem:s19+$0xFFFFFC30];
	v9 =	vbroadcast v9, $0xF;
	v5 =	vsel vm6, v17, v5;
	v14 =	vsel vm6, v7, v14;
	v12, _, _ =	vpop (xrf2)  }
0x2ad: {  	v59 =	vld [tilespmem:s19+$0xFFFFFE10];
	v6 =	vsel vm7, v14, v6;
	v14 =	vadd.f32 v15, v17;
	v16, _, _ =	vpop (xrf2);
	v12 =	vbroadcast v12, $0xF  }
0x2ae: {  	v40 =	vld [tilespmem:s19+$0xFFFFFFF0];
	v5 =	vsel vm7, v5, v13;
	(xrf2) =	vadd.scan.msk.f32 $0xffff, v8;
	v7 =	vadd.f32 v9, v7;
	v8, _, _ =	vpop (xrf2);
	v13 =	vbroadcast v16, $0xF  }
0x2af: {  	v16, _, _ =	vpop (xrf2);
	v8 =	vbroadcast v8, $0xF;
	v12 =	vadd.f32 v12, v5;
	v5 =	vsel vm8, v5, v14;
	v14 =	vld [tilespmem:s19+$0xFFFFFFB0]  }
0x2b0: {  	v21 =	vmul.bf16 v51, v1;
	v7 =	vsel vm8, v6, v7;
	v9, _, _ =	vpop (xrf2);
	v15 =	vbroadcast v16, $0xF;
	v16 =	vld [tilespmem:s19+$0xFFFFFFC0]  }
0x2b1: {  	v36 =	vld [tilespmem:s19+$0xFFFFFC40];
	v13 =	vadd.f32 v13, v6;
	v6 =	vsel vm15, v3, v2;
	v9 =	vbroadcast v9, $0xF  }
0x2b2: {  	(xrf2) =	vadd.scan.msk.f32 $0xffff, v18;
	v18 =	vld [tilespmem:s19+$0xFFFFFF70];
	v12 =	vsel vm9, v5, v12;
	v5 =	vadd.f32 v8, v5;
	v3 =	vadd.f32 v15, v7  }
0x2b3: {  	v24 =	vmul.bf16 v40, v0;
	v7 =	vsel vm9, v7, v13;
	v13 =	vld [tilespmem:s19+$0xFFFFFF80];
	v8, _, _ =	vpop (xrf2);
	v2 =	vadd.f32 v9, v12  }
0x2b4: {  	v15 =	vld [tilespmem:s19+$0xFFFFFA20];
	v5 =	vsel vm10, v12, v5;
	(xrf2) =	vadd.scan.msk.f32 $0xffff, v20;
	v8 =	vbroadcast v8, $0xF;
	v3 =	vsel vm10, v7, v3  }
0x2b5: {  	v14 =	vmul.bf16 v14, v0;
	(xrf2) =	vadd.scan.msk.f32 $0xffff, v4;
	v4 =	vadd.bf16 v60, v54;
	v54 =	vld [tilespmem:s19+$0xFFFFFF60];
	v9, _, _ =	vpop (xrf2);
	v16 =	vmul.bf16 v16, v1  }
0x2b6: {  	v20 =	vld [tilespmem:s19+$0xFFFFFF30];
	v2 =	vsel vm11, v5, v2;
	v9 =	vbroadcast v9, $0xF;
	v17, _, _ =	vpop (xrf2);
	v8 =	vadd.f32 v8, v7  }
0x2b7: {  	v5 =	vbroadcast v17, $0xF;
	v14 =	vadd.bf16 v16, v14;
	v16 =	vmul.bf16 v18, v0;
	v18 =	vld [tilespmem:s19+$0xFFFFFF00]  }
0x2b8: {  	(xrf2) =	vadd.scan.msk.f32 $0xffff, v11;
	v11 =	vmul.bf16 v58, v0;
	v13 =	vmul.bf16 v13, v1;
	v9 =	vadd.f32 v9, v12;
	v12 =	vld [tilespmem:s19+$0xFFFFFC10]  }
0x2b9: {  	v15 =	vmul.bf16 v15, v1;
	v17 =	vadd.f32 v5, v7;
	v5 =	vsel vm11, v3, v8;
	v3 =	vld [tilespmem:s19+$0xFFFFFF40]  }
0x2ba: {  	v19, _, _ =	vpop (xrf2);
	v43 =	vand.u32 $0xFFFF0000, v14;
	v13 =	vadd.bf16 v13, v16;
	v29 =	vmul.bf16 v54, v1;
	v54 =	vld [tilespmem:s19+$0xFFFFFCA0]  }
0x2bb: {  	v14 =	vshll.u32 v14, $0x10;
	v7 =	vsel vm12, v2, v9;
	v9 =	vbroadcast v19, $0xF;
	v19 =	vld [tilespmem:s19+$0xFFFFFEF0]  }
0x2bc: {  	v14 =	vadd.f32 v14, v43;
	v43 =	vld [tilespmem:s19+$0xFFFFFEA0];
	v47 =	vand.u32 $0xFFFF0000, v13;
	v13 =	vshll.u32 v13, $0x10  }
0x2bd: {  	(xrf2) =	vadd.scan.msk.f32 $0xffff, v10;
	v8 =	vsel vm12, v5, v17;
	v17 =	vld [tilespmem:s19+$0xFFFFFC20];
	v13 =	vadd.f32 v13, v47;
	v18 =	vmul.bf16 v18, v1  }
0x2be: {  	v44 =	vld [tilespmem:s19+$0xFFFFFA10];
	(xrf2) =	vadd.scan.msk.f32 $0xffff, v14;
	v14 =	vmul.bf16 v59, v0;
	v12 =	vmul.bf16 v12, v0  }
0x2bf: {  	v2 =	vadd.f32 v9, v2;
	v47 =	vld [tilespmem:s19+$0xFFFFFF10];
	v9, _, _ =	vpop (xrf2);
	v3 =	vmul.bf16 v3, v1;
	(xrf2) =	vadd.scan.msk.f32 $0xffff, v13;
	v13 =	vmul.bf16 v36, v1  }
0x2c0: {  	v10 =	vand.u32 $0xFFFF0000, v4;
	v59 =	vld [tilespmem:s19+$0xFFFFFFE0];
	v31 =	vmul.bf16 v54, v1;
	v16 =	vbroadcast v9, $0xF  }
0x2c1: {  	v45 =	vld [tilespmem:s19+$0xFFFFFEB0];
	v2 =	vsel vm13, v7, v2;
	v9 =	vmul.bf16 v20, v0;
	v19 =	vmul.bf16 v19, v0  }
0x2c2: {  	v20, _, _ =	vpop (xrf2);
	v46 =	vmul.bf16 v43, v1;
	v17 =	vmul.bf16 v17, v1;
	v11 =	vadd.bf16 v13, v11  }
0x2c3: {  	v3 =	vadd.bf16 v3, v9;
	v9 =	vbroadcast v20, $0xF;
	v20 =	vmul.bf16 v44, v0  }
0x2c4: {  	v49 =	vld [tilespmem:s19+$0xFFFFFF20];
	v18 =	vadd.bf16 v18, v19;
	v25 =	vmul.bf16 v47, v0;
	v5 =	vadd.f32 v16, v5  }
0x2c5: {  	v19 =	vld [tilespmem:s19+$0xFFFFFE30];
	v32 =	vmul.bf16 v59, v1;
	v12 =	vadd.bf16 v17, v12;
	v50 =	vand.u32 $0xFFFF0000, v3  }
0x2c6: {  	v17 =	vld [tilespmem:s19+$0xFFFFFE70];
	v3 =	vshll.u32 v3, $0x10;
	v15 =	vadd.bf16 v15, v20;
	v20 =	vmul.bf16 v45, v0  }
0x2c7: {  	v38 =	vld [tilespmem:s19+$0xFFFFFE60];
	v56 =	vand.u32 $0xFFFF0000, v18;
	v18 =	vshll.u32 v18, $0x10;
	v52 =	vand.u32 $0xFFFF0000, v12  }
0x2c8: {  	v55 =	vld [tilespmem:s19+$0xFFFFFE40];
	v3 =	vadd.f32 v3, v50;
	v18 =	vadd.f32 v18, v56;
	v63 =	vshll.u32 v12, $0x10  }
0x2c9: {  	v56 =	vmul.bf16 v49, v1;
	v57 =	vand.u32 $0xFFFF0000, v15;
	v13 =	vadd.f32 v63, v52;
	v52 =	vld [tilespmem:s19+$0xFFFFFF50]  }
0x2ca: {  	v20 =	vadd.bf16 v53, v20;
	v15 =	vshll.u32 v15, $0x10;
	v19 =	vmul.bf16 v19, v0  }
0x2cb: {  	v61 =	vld [tilespmem:s19+$0xFFFFFE20];
	(xrf2) =	vadd.scan.msk.f32 $0xffff, v3;
	v3 =	vshll.u32 v4, $0x10;
	v25 =	vadd.bf16 v56, v25;
	v17 =	vmul.bf16 v17, v0  }
0x2cc: {  	v49 =	vld [tilespmem:s19+$0xFFFFFC70];
	v62 =	vand.u32 $0xFFFF0000, v20;
	v20 =	vshll.u32 v20, $0x10;
	(xrf2) =	vadd.scan.msk.f32 $0xffff, v18;
	v18 =	vmul.bf16 v38, v1  }
0x2cd: {  	v37 =	vld [tilespmem:s19+$0xFFFFFE50];
	v12 =	vadd.bf16 v22, v17;
	v17 =	vadd.f32 v20, v62;
	v20 =	vmul.bf16 v55, v1  }
0x2ce: {  	v62 =	vand.u32 $0xFFFF0000, v25;
	v25 =	vshll.u32 v25, $0x10;
	v22 =	vmul.bf16 v52, v0;
	v52 =	vld [tilespmem:s19+$0xFFFFFAA0]  }
0x2cf: {  	v51 =	vld [tilespmem:s19+$0xFFFFFA90];
	v39 =	vand.u32 $0xFFFF0000, v12;
	v12 =	vshll.u32 v12, $0x10;
	v19 =	vadd.bf16 v20, v19  }
0x2d0: {  	v41 =	vld [tilespmem:s19+$0xFFFFFE90];
	v20 =	vadd.f32 v12, v39;
	v12 =	vadd.f32 v15, v57;
	v15 =	vmul.bf16 v61, v1  }
0x2d1: {  	v27 =	vmul.bf16 v49, v0;
	v57 =	vld [tilespmem:s19+$0xFFFFFFD0];
	v42 =	vand.u32 $0xFFFF0000, v19;
	v19 =	vshll.u32 v19, $0x10  }
0x2d2: {  	v44 =	vld [tilespmem:s19+$0xFFFFFED0];
	(xrf2) =	vadd.scan.msk.f32 $0xffff, v17;
	v4 =	vadd.bf16 v15, v14;
	v14 =	vadd.f32 v19, v42;
	v15 =	vmul.bf16 v37, v0  }
0x2d3: {  	v45 =	vld [tilespmem:s19+$0xFFFFFEE0];
	(xrf2) =	vadd.scan.msk.f32 $0xffff, v20;
	v20 =	vand.u32 $0xFFFF0000, v11;
	v11 =	vshll.u32 v11, $0x10;
	v59 =	vmul.bf16 v52, v1  }
0x2d4: {  	v19 =	vld [tilespmem:s19+$0x0];
	v17 =	vand.u32 $0xFFFF0000, v4;
	v4 =	vshll.u32 v4, $0x10;
	v15 =	vadd.bf16 v18, v15  }
0x2d5: {  	(xrf2) =	vadd.scan.msk.f32 $0xffff, v14;
	v18 =	vmul.bf16 v41, v0;
	v14 =	vadd.f32 v3, v10;
	v4 =	vadd.f32 v4, v17  }
0x2d6: {  	v40 =	vld [tilespmem:s19+$0xFFFFFA50];
	v63 =	vmul.bf16 v57, v0;
	v10 =	vand.u32 $0xFFFF0000, v15;
	v15 =	vshll.u32 v15, $0x10  }
0x2d7: {  	v17 =	vld [tilespmem:s19+$0xFFFFFF90];
	v57 =	vmul.bf16 v51, v0;
	v18 =	vadd.bf16 v46, v18;
	v50 =	vadd.f32 v15, v10  }
0x2d8: {  	v48, _, _ =	vpop (xrf2);
	(xrf2) =	vadd.scan.msk.f32 $0xffff, v4;
	v15 =	vadd.f32 v11, v20;
	v11 =	vmul.bf16 v44, v0;
	v20 =	vmul.bf16 v45, v1  }
0x2d9: {  	v22 =	vadd.bf16 v29, v22;
	v3, _, _ =	vpop (xrf2);
	v10 =	vbroadcast v48, $0xF;
	v19 =	vmul.bf16 v19, v1  }
0x2da: {  	v44 =	vld [tilespmem:s19+$0xFFFFFC60];
	v53 =	vand.u32 $0xFFFF0000, v18;
	v18 =	vshll.u32 v18, $0x10;
	v4, _, _ =	vpop (xrf2);
	v11 =	vadd.bf16 v20, v11  }
0x2db: {  	v48 =	vmul.bf16 v40, v0;
	v18 =	vadd.f32 v18, v53;
	v19 =	vadd.bf16 v19, v24;
	v23, _, _ =	vpop (xrf2);
	(xrf2) =	vadd.scan.msk.f32 $0xffff, v50  }
0x2dc: {  	v17 =	vmul.bf16 v17, v0;
	v55, _, _ =	vpop (xrf2);
	v58 =	vand.u32 $0xFFFF0000, v11;
	v11 =	vshll.u32 v11, $0x10  }
0x2dd: {  	v53 =	vld [tilespmem:s19+$0xFFFFFC90];
	v43 =	vand.u32 $0xFFFF0000, v19;
	v19 =	vshll.u32 v19, $0x10;
	v20, _, _ =	vpop (xrf2);
	v11 =	vadd.f32 v11, v58  }
0x2de: {  	v23 =	vbroadcast v23, $0xF;
	(xrf2) =	vadd.scan.msk.f32 $0xffff, v18;
	v17 =	vadd.bf16 v21, v17;
	v21 =	vadd.bf16 v32, v63;
	v16, _, _ =	vpop (xrf2)  }
0x2df: {  	v54 =	vld [tilespmem:s19+$0xFFFFFD30];
	v19 =	vadd.f32 v19, v43;
	v50 =	vmul.bf16 v44, v1;
	v20 =	vbroadcast v20, $0xF;
	v18, _, _ =	vpop (xrf2)  }
0x2e0: {  	v43 =	vld [tilespmem:s19+$0xFFFFFCF0];
	(xrf2) =	vadd.scan.msk.f32 $0xffff, v11;
	v11 =	vadd.f32 v25, v62;
	v36 =	vand.u32 $0xFFFF0000, v17;
	v17 =	vshll.u32 v17, $0x10;
	v60, _, _ =	vpop (xrf2)  }
0x2e1: {  	v40 =	vld [tilespmem:s19+$0xFFFFFAF0];
	v39 =	vand.u32 $0xFFFF0000, v21;
	v21 =	vshll.u32 v21, $0x10;
	v16 =	vbroadcast v16, $0xF;
	v61, _, _ =	vpop (xrf2)  }
0x2e2: {  	v17 =	vadd.f32 v17, v36;
	(xrf2) =	vadd.scan.msk.f32 $0xffff, v11;
	v26 =	vbroadcast v60, $0xF;
	v60 =	vmul.bf16 v53, v0;
	v53 =	vld [tilespmem:s19+$0xFFFFFB40];
	v29, _, _ =	vpop (xrf2)  }
0x2e3: {  	v18 =	vbroadcast v18, $0xF;
	v33 =	vbroadcast v61, $0xF;
	v61 =	vld [tilespmem:s19+$0xFFFFFAE0];
	v25 =	vadd.f32 $0.0e+00, v29  }
0x2e4: {  	v45 =	vld [tilespmem:s19+$0xFFFFFA70];
	v21 =	vadd.f32 v21, v39;
	v29 =	vand.u32 $0xFFFF0000, v22;
	v22 =	vshll.u32 v22, $0x10  }
0x2e5: {  	v58 =	vld [tilespmem:s19+$0xFFFFFAD0];
	v51 =	vmul.bf16 v43, v0;
	v22 =	vadd.f32 v22, v29;
	v11 =	vbroadcast v25, $0xF;
	v34, _, _ =	vpop (xrf2)  }
0x2e6: {  	v47 =	vld [tilespmem:s19+$0xFFFFFA80];
	v28 =	vadd.bf16 v31, v60;
	v35 =	vadd.f32 $0.0e+00, v33;
	v24 =	vbroadcast v34, $0xF  }
0x2e7: {  	v42 =	vld [tilespmem:s19+$0xFFFFFC50];
	(xrf2) =	vadd.scan.msk.f32 $0xffff, v22;
	v34 =	vmul.bf16 v40, v0;
	v36 =	vmul.bf16 v53, v1;
	v11 =	vnsel vm0, $0x0, v11  }
0x2e8: {  	v38, _, _ =	vpop (xrf2);
	(xrf2) =	vadd.scan.msk.f32 $0xffff, v17;
	v17 =	vld [tilespmem:s19+$0xFFFFFA60];
	v29 =	vmul.bf16 v61, v1;
	v37 =	vsel vm1, v11, v35;
	v11 =	vadd.f32 v24, v11  }
0x2e9: {  	v24 =	vbroadcast v38, $0xF;
	v38 =	vld [tilespmem:s19+$0xFFFFFB30];
	v35 =	vmul.bf16 v54, v0;
	v25 =	vadd.f32 v26, v37  }
0x2ea: {  	v41, _, _ =	vpop (xrf2);
	(xrf2) =	vadd.scan.msk.f32 $0xffff, v21;
	v21 =	vmul.bf16 v45, v0;
	v45 =	vld [tilespmem:s19+$0xFFFFFD00];
	v26 =	vmul.bf16 v58, v0;
	v11 =	vsel vm2, v37, v11  }
0x2eb: {  	v22 =	vadd.f32 v24, v37;
	v24 =	vbroadcast v41, $0xF;
	v41 =	vld [tilespmem:s19+$0xFFFFFB00];
	v11 =	vsel vm3, v11, v25  }
0x2ec: {  	v37 =	vld [tilespmem:s19+$0xFFFFFD20];
	v46, _, _ =	vpop (xrf2);
	v25 =	vmul.bf16 v42, v0;
	v26 =	vadd.bf16 v29, v26;
	v18 =	vadd.f32 v18, v11  }
0x2ed: {  	(xrf2) =	vadd.scan.msk.f32 $0xffff, v19;
	v19 =	vld [tilespmem:s19+$0xFFFFFC80];
	v11 =	vsel vm4, v11, v22;
	v22 =	vbroadcast v46, $0xF;
	v17 =	vmul.bf16 v17, v1  }
0x2ee: {  	v60 =	vand.u32 $0xFFFF0000, v26;
	v26 =	vshll.u32 v26, $0x10;
	v38 =	vmul.bf16 v38, v0  }
0x2ef: {  	v56 =	vld [tilespmem:s19+$0xFFFFFCB0];
	v18 =	vsel vm5, v11, v18;
	v11 =	vadd.f32 v24, v11;
	v24 =	vmul.bf16 v47, v1  }
0x2f0: {  	v40 =	vld [tilespmem:s19+$0xFFFFFD40];
	v17 =	vadd.bf16 v17, v48;
	v52 =	vmul.bf16 v45, v1;
	v26 =	vadd.f32 v26, v60  }
0x2f1: {  	v46 =	vld [tilespmem:s19+$0xFFFFFB10];
	v16 =	vadd.f32 v16, v18;
	v30 =	vmul.bf16 v41, v1;
	v58 =	vmul.bf16 v37, v1  }
0x2f2: {  	(xrf2) =	vadd.scan.msk.f32 $0xffff, v12;
	v12 =	vld [tilespmem:s19+$0xFFFFFB70];
	v11 =	vsel vm6, v18, v11;
	v19 =	vmul.bf16 v19, v1;
	v21 =	vadd.bf16 v24, v21  }
0x2f3: {  	v62 =	vand.u32 $0xFFFF0000, v17;
	v17 =	vshll.u32 v17, $0x10;
	v24 =	vadd.bf16 v59, v57  }
0x2f4: {  	v11 =	vsel vm7, v11, v16;
	v16 =	vadd.f32 v22, v18;
	v22 =	vadd.bf16 v50, v25  }
0x2f5: {  	(xrf2) =	vadd.scan.msk.f32 $0xffff, v13;
	v13 =	vld [tilespmem:s19+$0xFFFFFB80];
	v17 =	vadd.f32 v17, v62;
	v25 =	vmul.bf16 v56, v0;
	v50 =	vand.u32 $0xFFFF0000, v28  }
0x2f6: {  	v28 =	vshll.u32 v28, $0x10;
	v31 =	vmul.bf16 v46, v0;
	v30 =	vadd.bf16 v30, v34  }
0x2f7: {  	v47 =	vld [tilespmem:s19+$0xFFFFFB20];
	v18, _, _ =	vpop (xrf2);
	v62 =	vmul.bf16 v40, v1;
	v12 =	vmul.bf16 v12, v0;
	v20 =	vadd.f32 v20, v11  }
0x2f8: {  	v18 =	vbroadcast v18, $0xF;
	v19 =	vadd.bf16 v19, v27;
	v42 =	vand.u32 $0xFFFF0000, v21  }
0x2f9: {  	v21 =	vshll.u32 v21, $0x10;
	v49 =	vand.u32 $0xFFFF0000, v24;
	v24 =	vshll.u32 v24, $0x10  }
0x2fa: {  	v43 =	vld [tilespmem:s19+$0xFFFFFDC0];
	v28 =	vadd.f32 v28, v50;
	v13 =	vmul.bf16 v13, v1;
	v11 =	vsel vm8, v11, v16  }
0x2fb: {  	v57 =	vld [tilespmem:s19+$0xFFFFFB60];
	v16 =	vbroadcast v55, $0xF;
	v39 =	vand.u32 $0xFFFF0000, v22;
	v22 =	vshll.u32 v22, $0x10  }
0x2fc: {  	v59 =	vld [tilespmem:s19+$0xFFFFFD50];
	v21 =	vadd.f32 v21, v42;
	v24 =	vadd.f32 v24, v49;
	v27 =	vmul.bf16 v47, v1  }
0x2fd: {  	(xrf2) =	vadd.scan.msk.f32 $0xffff, v14;
	v14 =	vld [tilespmem:s19+$0xFFFFFD80];
	v46 =	vadd.bf16 v62, v35;
	v20 =	vsel vm9, v11, v20;
	v11 =	vadd.f32 v18, v11;
	v18, _, _ =	vpop (xrf2)  }
0x2fe: {  	v55 =	vld [tilespmem:s19+$0xFFFFFAB0];
	v22 =	vadd.f32 v22, v39;
	v44 =	vand.u32 $0xFFFF0000, v19;
	v18 =	vbroadcast v18, $0xF  }
0x2ff: {  	v49 =	vld [tilespmem:s19+$0xFFFFFB90];
	v19 =	vshll.u32 v19, $0x10;
	v12 =	vadd.bf16 v13, v12;
	v16 =	vadd.f32 v16, v20  }
0x300: {  	v19 =	vadd.f32 v19, v44;
	v44 =	vld [tilespmem:s19+$0xFFFFFD70];
	v27 =	vadd.bf16 v27, v31;
	v11 =	vsel vm10, v20, v11  }
0x301: {  	v29 =	vmul.bf16 v57, v1;
	v11 =	vsel vm11, v11, v16;
	v16 =	vadd.f32 v18, v20;
	v20 =	vld [tilespmem:s19+$0xFFFFFAC0]  }
0x302: {  	v47 =	vmul.bf16 v59, v0;
	v59 =	vld [tilespmem:s19+$0xFFFFFBC0];
	(xrf2) =	vadd.scan.msk.f32 $0xffff, v15;
	v15 =	vadd.bf16 v36, v38;
	v14 =	vmul.bf16 v14, v1;
	v18, _, _ =	vpop (xrf2)  }
0x303: {  	v23 =	vadd.f32 v23, v11;
	v11 =	vsel vm12, v11, v16;
	v16 =	vld [tilespmem:s19+$0xFFFFFCC0];
	v18 =	vbroadcast v18, $0xF  }
0x304: {  	v50 =	vand.u32 $0xFFFF0000, v27;
	v27 =	vshll.u32 v27, $0x10;
	v32 =	vmul.bf16 v55, v0;
	(xrf2) =	vadd.scan.msk.f32 $0xffff, v17;
	v17 =	vld [tilespmem:s19+$0xFFFFFBB0]  }
0x305: {  	v63 =	vld [tilespmem:s19+$0xFFFFFCD0];
	v54 =	vmul.bf16 v44, v0;
	v23 =	vsel vm13, v11, v23;
	v11 =	vadd.f32 v18, v11  }
0x306: {  	v27 =	vadd.f32 v27, v50;
	v35 =	vmul.bf16 v49, v0;
	v20 =	vmul.bf16 v20, v1  }
0x307: {  	v48 =	vld [tilespmem:s19+$0xFFFFFD10];
	v14 =	vadd.bf16 v14, v54;
	v54 =	vmul.bf16 v43, v1;
	v11 =	vsel vm14, v23, v11  }
0x308: {  	v41 =	vld [tilespmem:s19+$0xFFFFFD60];
	v18, _, _ =	vpop (xrf2);
	v16 =	vmul.bf16 v16, v1;
	v20 =	vadd.bf16 v20, v32;
	v32 =	vadd.bf16 v52, v51  }
0x309: {  	v53 =	vld [tilespmem:s19+$0xFFFFFD90];
	(xrf2) =	vadd.scan.msk.f32 $0xffff, v22;
	v17 =	vmul.bf16 v17, v0;
	v22 =	vmul.bf16 v59, v1;
	v18 =	vadd.f32 v23, v18  }
0x30a: {  	v23 =	vmul.bf16 v63, v0;
	v63 =	vand.u32 $0xFFFF0000, v30;
	v30 =	vshll.u32 v30, $0x10  }
0x30b: {  	v16 =	vadd.bf16 v16, v25;
	v39 =	vand.u32 $0xFFFF0000, v20;
	v20 =	vshll.u32 v20, $0x10  }
0x30c: {  	v57, _, _ =	vpop (xrf2);
	v25 =	vmul.bf16 v48, v0;
	v45 =	vand.u32 $0xFFFF0000, v32;
	v32 =	vshll.u32 v32, $0x10  }
0x30d: {  	v30 =	vadd.f32 v30, v63;
	v48 =	vmul.bf16 v41, v1;
	v37 =	vadd.f32 $0.0e+00, v57  }
0x30e: {  	v52 =	vld [tilespmem:s19+$0xFFFFFBA0];
	v63 =	vmul.bf16 v53, v0;
	v57 =	vand.u32 $0xFFFF0000, v14;
	v14 =	vshll.u32 v14, $0x10  }
0x30f: {  	v60 =	vld [tilespmem:s19+$0xFFFFFDB0];
	v17 =	vadd.bf16 v22, v17;
	v11 =	vsel vm15, v11, v18;
	v20 =	vadd.f32 v20, v39  }
0x310: {  	v42, _, _ =	vpop (xrf2);
	v31 =	vadd.f32 v32, v45;
	v32 =	vshll.u32 v46, $0x10;
	v14 =	vadd.f32 v14, v57  }
0x311: {  	v53 =	vld [tilespmem:s19+$0xFFFFFBE0];
	v62, _, _ =	vpop (xrf2);
	v55 =	vand.u32 $0xFFFF0000, v16;
	v16 =	vshll.u32 v16, $0x10;
	v25 =	vadd.bf16 v58, v25  }
0x312: {  	v18 =	vld [tilespmem:s19+$0xFFFFFCE0];
	v58 =	vand.u32 $0xFFFF0000, v46;
	v33 =	vadd.bf16 v48, v47;
	v48 =	vbroadcast v62, $0xF  }
0x313: {  	v45 =	vld [tilespmem:s19+$0xFFFFFDE0];
	v47, _, _ =	vpop (xrf2);
	v37 =	vbroadcast v37, $0xF;
	v16 =	vadd.f32 v16, v55;
	v38 =	vmul.bf16 v52, v1  }
0x314: {  	(xrf2) =	vadd.scan.msk.f32 $0xffff, v21;
	v13 =	vadd.f32 v32, v58;
	v32 =	vbroadcast v47, $0xF;
	v52 =	vmul.bf16 v60, v0  }
0x315: {  	v56 =	vld [tilespmem:s19+$0xFFFFFB50];
	(xrf2) =	vadd.scan.msk.f32 $0xffff, v19;
	v44, _, _ =	vpop (xrf2);
	v51 =	vand.u32 $0xFFFF0000, v25;
	v25 =	vshll.u32 v25, $0x10;
	v50 =	vand.u32 $0xFFFF0000, v33  }
0x316: {  	v55 =	vld [tilespmem:s19+$0xFFFFFDA0];
	(xrf2) =	vadd.scan.msk.f32 $0xffff, v24;
	v33 =	vshll.u32 v33, $0x10;
	v21 =	vadd.f32 $0.0e+00, v48;
	v44 =	vbroadcast v44, $0xF  }
0x317: {  	(xrf2) =	vadd.scan.msk.f32 $0xffff, v28;
	v25 =	vadd.f32 v25, v51;
	v35 =	vadd.bf16 v38, v35;
	v18 =	vmul.bf16 v18, v1  }
0x318: {  	v33 =	vadd.f32 v33, v50;
	(xrf2) =	vadd.scan.msk.f32 $0xffff, v20;
	v20 =	vmul.bf16 v53, v1;
	v45 =	vmul.bf16 v45, v1  }
0x319: {  	v51 =	vld [tilespmem:s19+$0xFFFFFBD0];
	v46 =	vand.u32 $0xFFFF0000, v35;
	v35 =	vshll.u32 v35, $0x10;
	v18 =	vadd.bf16 v18, v23  }
0x31a: {  	v23 =	vmul.bf16 v56, v0;
	v56 =	vand.u32 $0xFFFF0000, v15;
	v15 =	vshll.u32 v15, $0x10  }
0x31b: {  	v49 =	vmul.bf16 v55, v1;
	v58, _, _ =	vpop (xrf2);
	v15 =	vadd.f32 v15, v56;
	v56 =	vand.u32 $0xFFFF0000, v12  }
0x31c: {  	v12 =	vshll.u32 v12, $0x10;
	v24 =	vbroadcast v58, $0xF;
	v61 =	vand.u32 $0xFFFF0000, v18  }
0x31d: {  	v18 =	vshll.u32 v18, $0x10;
	v23 =	vadd.bf16 v29, v23;
	v29 =	vadd.bf16 v49, v63  }
0x31e: {  	v50 =	vld [tilespmem:s19+$0xFFFFFDF0];
	v28 =	vadd.f32 v12, v56;
	v12 =	vadd.f32 $0.0e+00, v32;
	v59 =	vmul.bf16 v51, v0  }
0x31f: {  	v55 =	vld [tilespmem:s19+$0xFFFFFDD0];
	v51 =	vand.u32 $0xFFFF0000, v17;
	v17 =	vshll.u32 v17, $0x10;
	v18 =	vadd.f32 v18, v61  }
0x320: {  	v61 =	vadd.f32 $0.0e+00, v42;
	v60, _, _ =	vpop (xrf2);
	(xrf2) =	vadd.scan.msk.f32 $0xffff, v16;
	v16 =	vnsel vm0, $0x0, v37;
	v19 =	vand.u32 $0xFFFF0000, v23  }
0x321: {  	v47 =	vld [tilespmem:s19+$0xFFFFFBF0];
	v23 =	vshll.u32 v23, $0x10;
	v32 =	vbroadcast v60, $0xF;
	v48 =	vand.u32 $0xFFFF0000, v29  }
0x322: {  	v29 =	vshll.u32 v29, $0x10;
	v21 =	vsel vm1, v16, v21;
	v16 =	vadd.f32 v44, v16  }
0x323: {  	v62, _, _ =	vpop (xrf2);
	(xrf2) =	vadd.scan.msk.f32 $0xffff, v26;
	v20 =	vadd.bf16 v20, v59;
	v26 =	vmul.bf16 v50, v0;
	v19 =	vadd.f32 v23, v19  }
0x324: {  	v41 =	vbroadcast v61, $0xF;
	v23 =	vadd.bf16 v54, v52;
	v61 =	vmul.bf16 v55, v0  }
0x325: {  	v49 =	vld [tilespmem:s19+$0xFFFFFC00];
	v36 =	vbroadcast v62, $0xF;
	(xrf2) =	vadd.scan.msk.f32 $0xffff, v18;
	v18 =	vadd.f32 v35, v46;
	v29 =	vadd.f32 v29, v48  }
0x326: {  	v54, _, _ =	vpop (xrf2);
	v35 =	vadd.f32 v17, v51;
	v62 =	vmul.bf16 v47, v0;
	v58 =	vadd.f32 v32, v21  }
0x327: {  	v52 =	vld [tilespmem:s19+$0xFFFFFE00];
	(xrf2) =	vadd.scan.msk.f32 $0xffff, v30;
	v59 =	vbroadcast v54, $0xF;
	v16 =	vsel vm2, v21, v16;
	v63 =	vnsel vm0, $0x0, v41  }
0x328: {  	v57, _, _ =	vpop (xrf2);
	v53 =	vand.u32 $0xFFFF0000, v23;
	v55 =	vshll.u32 v23, $0x10;
	v56 =	vadd.bf16 v45, v61  }
0x329: {  	(xrf2) =	vadd.scan.msk.f32 $0xffff, v31;
	v17 =	vbroadcast v57, $0xF;
	v45 =	vand.u32 $0xFFFF0000, v20;
	v12 =	vsel vm1, v63, v12  }
0x32a: {  	v24 =	vadd.f32 v24, v63;
	v22 =	vadd.f32 v55, v53;
	v63 =	vmul.bf16 v49, v1  }
0x32b: {  	(xrf2) =	vadd.scan.msk.f32 $0xffff, v27;
	v16 =	vsel vm3, v16, v58;
	v21 =	vadd.f32 v59, v21;
	v60 =	vadd.f32 v36, v12;
	v61, _, _ =	vpop (xrf2)  }
0x32c: {  	(xrf2) =	vadd.scan.msk.f32 $0xffff, v25;
	v23 =	vshll.u32 v56, $0x10;
	v43 =	vmul.bf16 v52, v1;
	v44 =	vbroadcast v61, $0xF  }
0x32d: {  	v24 =	vsel vm2, v12, v24;
	(xrf2) =	vadd.scan.msk.f32 $0xffff, v15;
	v15 =	vshll.u32 v20, $0x10;
	v20 =	vand.u32 $0xFFFF0000, v56  }
0x32e: {  	v21 =	vsel vm4, v16, v21;
	v16 =	vadd.f32 v44, v16;
	v50 =	vadd.bf16 v43, v26;
	v42, _, _ =	vpop (xrf2);
	(xrf2) =	vadd.scan.msk.f32 $0xffff, v13  }
0x32f: {  	v24 =	vsel vm3, v24, v60;
	v13 =	vadd.f32 v15, v45;
	v15 =	vadd.f32 v17, v12;
	v47, _, _ =	vpop (xrf2);
	(xrf2) =	vadd.scan.msk.f32 $0xffff, v19  }
0x330: {  	v17 =	vadd.bf16 v63, v62;
	v12 =	vadd.f32 v23, v20;
	v46 =	vbroadcast v42, $0xF;
	v48, _, _ =	vpop (xrf2);
	(xrf2) =	vadd.scan.msk.f32 $0xffff, v33  }
0x331: {  	v16 =	vsel vm5, v21, v16;
	v23 =	vshll.u32 v50, $0x10;
	v19 =	vbroadcast v47, $0xF;
	v20, _, _ =	vpop (xrf2);
	(xrf2) =	vadd.scan.msk.f32 $0xffff, v28  }
0x332: {  	v15 =	vsel vm4, v24, v15;
	v52 =	vand.u32 $0xFFFF0000, v17;
	v17 =	vshll.u32 v17, $0x10  }
0x333: {  	v49 =	vbroadcast v48, $0xF;
	v24 =	vadd.f32 v46, v24;
	v51, _, _ =	vpop (xrf2);
	v20 =	vbroadcast v20, $0xF;
	(xrf2) =	vadd.scan.msk.f32 $0xffff, v14  }
0x334: {  	v14 =	vand.u32 $0xFFFF0000, v50;
	v19 =	vadd.f32 v19, v21;
	v25 =	vbroadcast v51, $0xF  }
0x335: {  	v53, _, _ =	vpop (xrf2);
	v54 =	vsel vm5, v15, v24;
	v55 =	vadd.f32 v49, v15;
	v15 =	vadd.f32 v17, v52  }
0x336: {  	v14 =	vadd.f32 v23, v14;
	v56, _, _ =	vpop (xrf2);
	v27 =	vbroadcast v53, $0xF;
	(xrf2) =	vadd.scan.msk.f32 $0xffff, v18;
	v18 =	vadd.f32 v20, v16  }
0x337: {  	v19 =	vsel vm6, v16, v19;
	v17, _, _ =	vpop (xrf2);
	v20 =	vadd.f32 v25, v54;
	v57 =	vbroadcast v56, $0xF  }
0x338: {  	v24 =	vsel vm6, v54, v55;
	v17 =	vbroadcast v17, $0xF;
	v18 =	vsel vm7, v19, v18;
	v58, _, _ =	vpop (xrf2)  }
0x339: {  	(xrf2) =	vadd.scan.msk.f32 $0xffff, v29;
	v16 =	vadd.f32 v27, v16;
	v19 =	vsel vm7, v24, v20;
	v59, _, _ =	vpop (xrf2);
	v20 =	vbroadcast v58, $0xF  }
0x33a: {  	v5 =	vsel vm13, v8, v5;
	v21 =	vadd.f32 v57, v54;
	v17 =	vadd.f32 v17, v18;
	v60, _, _ =	vpop (xrf2)  }
0x33b: {  	[tilespmem:s13+$0x0] =	vst v6;
	v6 =	vsel vm8, v18, v16;
	v61 =	vbroadcast v59, $0xF;
	v62, _, _ =	vpop (xrf2);
	v20 =	vadd.f32 v20, v19  }
0x33c: {  	s14 =	sadd.s32 $0x30, s13;
	v24 =	vbroadcast v60, $0xF;
	v19 =	vsel vm8, v19, v21;
	(xrf2) =	vadd.scan.msk.f32 $0xffff, v35;
	v18 =	vbroadcast v62, $0xF  }
0x33d: {  	[tilespmem:s14+$0x0] =	vst v11;
	v17 =	vsel vm9, v6, v17;
	v6 =	vadd.f32 v61, v6;
	v11, _, _ =	vpop (xrf2);
	v16 =	vsel vm9, v19, v20  }
0x33e: {  	v19 =	vadd.f32 v24, v19;
	v11 =	vbroadcast v11, $0xF;
	v20 =	vadd.f32 v18, v17  }
0x33f: {  	(xrf2) =	vadd.scan.msk.f32 $0xffff, v22;
	v63 =	vsel vm10, v17, v6;
	v18 =	vadd.f32 v9, v7;
	v6 =	vadd.f32 v10, v8  }
0x340: {  	s17 =	sand.u32 $0x1F, s0;
	s18 =	simm.s32 $0x3;
	s19 =	simm.s32 $0x13870;
	v10, _, _ =	vpop (xrf2);
	v7 =	vsel vm10, v16, v19;
	v9 =	vadd.f32 v11, v16;
	v8 =	vsel vm11, v63, v20  }
.LBB2_5:
0x341: {  	v19 =	vld [tilespmem:s19+$0xFFFFFFB0];
	v10 =	vbroadcast v10, $0xF;
	v3 =	vadd.f32 v2, v3;
	v4 =	vadd.f32 v5, v4  }
0x342: {  	v2 =	vsel vm14, v2, v18;
	v5 =	vsel vm14, v5, v6;
	v20 =	vld [tilespmem:s19+$0xFFFFFFC0];
	v11 =	vsel vm11, v7, v9;
	(xrf2) =	vadd.scan.msk.f32 $0xffff, v13  }
0x343: {  	v7 =	vld [tilespmem:s19+$0xFFFFFA20];
	v6 =	vadd.f32 v10, v17;
	v9, _, _ =	vpop (xrf2);
	v2 =	vsel vm15, v2, v3;
	v3 =	vsel vm15, v5, v4  }
0x344: {  	v4 =	vld [tilespmem:s19+$0xFFFFFF70];
	v5 =	vbroadcast v9, $0xF;
	[tilespmem:s13+$0xFFFFFFE0] =	vst v2  }
0x345: {  	v2 =	vld [tilespmem:s19+$0xFFFFFF80];
	v6 =	vsel vm12, v8, v6;
	(xrf2) =	vadd.scan.msk.f32 $0xffff, v12;
	[tilespmem:s13+$0xFFFFFFF0] =	vst v3;
	s13 =	smov.u32 s14  }
0x346: {  	v3 =	vld [tilespmem:s19+$0xFFFFFC10];
	v5 =	vadd.f32 v5, v16;
	v9, _, _ =	vpop (xrf2)  }
0x347: {  	v18 =	vmul.bf16 v19, v0;
	v10 =	vld [tilespmem:s19+$0xFFFFFF30];
	v13 =	vmul.bf16 v20, v1  }
0x348: {  	v9 =	vbroadcast v9, $0xF;
	v16 =	vmul.bf16 v7, v1;
	v17 =	vld [tilespmem:s19+$0xFFFFFF40];
	v7 =	vsel vm12, v11, v5;
	(xrf2) =	vadd.scan.msk.f32 $0xffff, v15  }
0x349: {  	v15 =	vld [tilespmem:s19+$0xFFFFFC20];
	v5 =	vadd.bf16 v13, v18;
	v12, _, _ =	vpop (xrf2)  }
0x34a: {  	v4 =	vmul.bf16 v4, v0;
	v8 =	vadd.f32 v9, v8;
	v13 =	vld [tilespmem:s19+$0xFFFFFEF0];
	v2 =	vmul.bf16 v2, v1  }
0x34b: {  	v3 =	vmul.bf16 v3, v0;
	v9 =	vld [tilespmem:s19+$0xFFFFFF00];
	v18 =	vand.u32 $0xFFFF0000, v5;
	v5 =	vshll.u32 v5, $0x10;
	(xrf2) =	vadd.scan.msk.f32 $0xffff, v14  }
0x34c: {  	v14 =	vld [tilespmem:s19+$0xFFFFFA10];
	v4 =	vadd.bf16 v2, v4;
	v18 =	vadd.f32 v5, v18;
	v5 =	vbroadcast v12, $0xF;
	v12, _, _ =	vpop (xrf2)  }
0x34d: {  	v10 =	vmul.bf16 v10, v0;
	v2 =	vsel vm13, v6, v8;
	v19 =	vld [tilespmem:s19+$0xFFFFFEB0];
	v17 =	vmul.bf16 v17, v1  }
0x34e: {  	v15 =	vmul.bf16 v15, v1;
	v20 =	vld [tilespmem:s19+$0xFFFFFEC0];
	v8 =	vand.u32 $0xFFFF0000, v4;
	v4 =	vshll.u32 v4, $0x10;
	(xrf2) =	vadd.scan.msk.f32 $0xffff, v18  }
0x34f: {  	v18 =	vld [tilespmem:s19+$0xFFFFFA30];
	v10 =	vadd.bf16 v17, v10;
	v4 =	vadd.f32 v4, v8;
	v8 =	vbroadcast v12, $0xF;
	v21, _, _ =	vpop (xrf2)  }
0x350: {  	v24 =	vmul.bf16 v13, v0;
	v12 =	vadd.bf16 v15, v3;
	v15 =	vld [tilespmem:s19+$0xFFFFFE70];
	v9 =	vmul.bf16 v9, v1  }
0x351: {  	v13 =	vmul.bf16 v14, v0;
	v14 =	vld [tilespmem:s19+$0xFFFFFE80];
	v17 =	vand.u32 $0xFFFF0000, v10;
	v10 =	vshll.u32 v10, $0x10;
	(xrf2) =	vadd.scan.msk.f32 $0xffff, v4  }
0x352: {  	v22 =	vld [tilespmem:s19+$0xFFFFFA40];
	v23 =	vand.u32 $0xFFFF0000, v12;
	v26 =	vadd.bf16 v9, v24;
	v9 =	vadd.f32 v10, v17;
	v3, _, _ =	vpop (xrf2)  }
0x353: {  	v10 =	vadd.bf16 v16, v13;
	v13 =	vld [tilespmem:s19+$0xFFFFFE30];
	v16 =	vmul.bf16 v19, v0;
	v17 =	vmul.bf16 v20, v1  }
0x354: {  	v18 =	vmul.bf16 v18, v0;
	v19 =	vld [tilespmem:s19+$0xFFFFFE40];
	v20 =	vand.u32 $0xFFFF0000, v26;
	v25 =	vshll.u32 v26, $0x10;
	(xrf2) =	vadd.scan.msk.f32 $0xffff, v9  }
0x355: {  	v9 =	vand.u32 $0xFFFF0000, v10;
	v24 =	vld [tilespmem:s19+$0xFFFFFC30];
	v16 =	vadd.bf16 v17, v16;
	v17 =	vadd.f32 v25, v20;
	v4, _, _ =	vpop (xrf2)  }
0x356: {  	v20 =	vshll.u32 v10, $0x10;
	v28 =	vmul.bf16 v15, v0;
	v25 =	vld [tilespmem:s19+$0xFFFFFE10];
	v14 =	vmul.bf16 v14, v1  }
0x357: {  	s18 =	sadd.s32 $0x3, s18;
	v15 =	vmul.bf16 v22, v1;
	v22 =	vld [tilespmem:s19+$0xFFFFFE20];
	v26 =	vand.u32 $0xFFFF0000, v16;
	v16 =	vshll.u32 v16, $0x10;
	(xrf2) =	vadd.scan.msk.f32 $0xffff, v17  }
0x358: {  	p0 =	slt.u32 s18, $0x18;
	v27 =	vshll.u32 v12, $0x10;
	v17 =	vld [tilespmem:s19+$0xFFFFFC40];
	v30 =	vadd.bf16 v14, v28;
	v14 =	vadd.f32 v16, v26;
	v10, _, _ =	vpop (xrf2)  }
0x359: {  	v13 =	vmul.bf16 v13, v0;
	v15 =	vadd.bf16 v15, v18;
	v16 =	vmul.bf16 v19, v1;
	v18 =	vld [tilespmem:s19+$0xFFFFFE50]  }
0x35a: {  	v19 =	vmul.bf16 v24, v0;
	v24 =	vld [tilespmem:s19+$0xFFFFFE60];
	v26 =	vand.u32 $0xFFFF0000, v30;
	v29 =	vshll.u32 v30, $0x10;
	(xrf2) =	vadd.scan.msk.f32 $0xffff, v14  }
0x35b: {  	v14 =	vand.u32 $0xFFFF0000, v15;
	v16 =	vadd.bf16 v16, v13;
	v26 =	vadd.f32 v29, v26;
	v28 =	vld [tilespmem:s19+$0xFFFFFFF0];
	v12, _, _ =	vpop (xrf2)  }
0x35c: {  	v13 =	vadd.f32 v20, v9;
	v9 =	vmul.bf16 v25, v0;
	v20 =	vmul.bf16 v22, v1;
	v22 =	vld [tilespmem:s19+$0xFFFFFE90]  }
0x35d: {  	v25 =	vmul.bf16 v17, v1;
	v30 =	vand.u32 $0xFFFF0000, v16;
	v16 =	vshll.u32 v16, $0x10;
	v29 =	vld [tilespmem:s19+$0xFFFFFEA0];
	(xrf2) =	vadd.scan.msk.f32 $0xffff, v26  }
0x35e: {  	v15 =	vshll.u32 v15, $0x10;
	v9 =	vadd.bf16 v20, v9;
	v20 =	vadd.f32 v16, v30;
	v26 =	vld [tilespmem:s19+$0x0];
	v17, _, _ =	vpop (xrf2)  }
0x35f: {  	v18 =	vmul.bf16 v18, v0;
	v19 =	vadd.bf16 v25, v19;
	v30 =	vmul.bf16 v24, v1;
	v25 =	vld [tilespmem:s19+$0xFFFFFED0]  }
0x360: {  	v16 =	vadd.f32 v27, v23;
	v23 =	vand.u32 $0xFFFF0000, v9;
	v9 =	vshll.u32 v9, $0x10;
	v27 =	vld [tilespmem:s19+$0xFFFFFEE0];
	(xrf2) =	vadd.scan.msk.f32 $0xffff, v20  }
0x361: {  	v20 =	vand.u32 $0xFFFF0000, v19;
	v9 =	vadd.f32 v9, v23;
	v18 =	vadd.bf16 v30, v18;
	v23 =	vld [tilespmem:s19+$0xFFFFFF90];
	v24, _, _ =	vpop (xrf2)  }
0x362: {  	v19 =	vshll.u32 v19, $0x10;
	v22 =	vmul.bf16 v22, v0;
	v29 =	vmul.bf16 v29, v1;
	v30 =	vld [tilespmem:s19+$0xFFFFFF10]  }
0x363: {  	v15 =	vadd.f32 v15, v14;
	v14 =	vand.u32 $0xFFFF0000, v18;
	v18 =	vshll.u32 v18, $0x10;
	v31 =	vld [tilespmem:s19+$0xFFFFFF20];
	(xrf2) =	vadd.scan.msk.f32 $0xffff, v9  }
0x364: {  	v9 =	vbroadcast v21, $0xF;
	v18 =	vadd.f32 v18, v14;
	v22 =	vadd.bf16 v29, v22;
	v29 =	vld [tilespmem:s19+$0xFFFFFFA0];
	v32, _, _ =	vpop (xrf2)  }
0x365: {  	v14 =	vadd.f32 v19, v20;
	v19 =	vmul.bf16 v25, v0;
	v20 =	vmul.bf16 v27, v1;
	v21 =	vld [tilespmem:s19+$0xFFFFFF50]  }
0x366: {  	v28 =	vmul.bf16 v28, v0;
	v33 =	vand.u32 $0xFFFF0000, v22;
	v22 =	vshll.u32 v22, $0x10;
	v27 =	vld [tilespmem:s19+$0xFFFFFF60];
	(xrf2) =	vadd.scan.msk.f32 $0xffff, v18  }
0x367: {  	v18 =	vld [tilespmem:s19+$0xFFFFFA50];
	v22 =	vadd.f32 v22, v33;
	v19 =	vadd.bf16 v20, v19;
	v20 =	vmul.bf16 v26, v1;
	v25, _, _ =	vpop (xrf2)  }
0x368: {  	v5 =	vadd.f32 v5, v11;
	v26 =	vmul.bf16 v30, v0;
	v30 =	vmul.bf16 v31, v1;
	v31 =	vld [tilespmem:s19+$0xFFFFFFD0]  }
0x369: {  	v23 =	vmul.bf16 v23, v0;
	v11 =	vand.u32 $0xFFFF0000, v19;
	v19 =	vshll.u32 v19, $0x10;
	v33 =	vld [tilespmem:s19+$0xFFFFFFE0];
	(xrf2) =	vadd.scan.msk.f32 $0xffff, v22  }
0x36a: {  	v22 =	vld [tilespmem:s19+$0xFFFFFA60];
	v11 =	vadd.f32 v19, v11;
	v19 =	vadd.bf16 v30, v26;
	v26 =	vmul.bf16 v29, v1;
	v29, _, _ =	vpop (xrf2)  }
0x36b: {  	v5 =	vsel vm13, v7, v5;
	v21 =	vmul.bf16 v21, v0;
	v30 =	vld [tilespmem:s19+$0xFFFFFC50];
	v27 =	vmul.bf16 v27, v1  }
0x36c: {  	v20 =	vadd.bf16 v20, v28;
	v34 =	vld [tilespmem:s19+$0xFFFFFC60];
	v35 =	vand.u32 $0xFFFF0000, v19;
	v19 =	vshll.u32 v19, $0x10;
	(xrf2) =	vadd.scan.msk.f32 $0xffff, v11  }
0x36d: {  	v11 =	vld [tilespmem:s19+$0xFFFFFA70];
	v19 =	vadd.f32 v19, v35;
	v21 =	vadd.bf16 v27, v21;
	v36 =	vmul.bf16 v31, v0;
	v28, _, _ =	vpop (xrf2)  }
0x36e: {  	v23 =	vadd.bf16 v26, v23;
	v31 =	vld [tilespmem:s19+$0xFFFFFA80];
	v28 =	vadd.f32 $0.0e+00, v28;
	v26 =	vmul.bf16 v33, v1  }
0x36f: {  	v29 =	vbroadcast v29, $0xF;
	v33 =	vld [tilespmem:s19+$0xFFFFFC70];
	v35 =	vand.u32 $0xFFFF0000, v21;
	v21 =	vshll.u32 v21, $0x10;
	(xrf2) =	vadd.scan.msk.f32 $0xffff, v19  }
0x370: {  	v19 =	vld [tilespmem:s19+$0xFFFFFC80];
	v39 =	vbroadcast v28, $0xF;
	v21 =	vadd.f32 v21, v35;
	v26 =	vadd.bf16 v26, v36;
	v27, _, _ =	vpop (xrf2)  }
0x371: {  	v29 =	vadd.f32 $0.0e+00, v29;
	v36 =	vand.u32 $0xFFFF0000, v23;
	v35 =	vld [tilespmem:s19+$0xFFFFFA90];
	v27 =	vbroadcast v27, $0xF  }
0x372: {  	v25 =	vbroadcast v25, $0xF;
	v23 =	vshll.u32 v23, $0x10;
	v37 =	vld [tilespmem:s19+$0xFFFFFAA0];
	v38 =	vnsel vm0, $0x0, v39;
	(xrf2) =	vadd.scan.msk.f32 $0xffff, v21  }
0x373: {  	v23 =	vadd.f32 v23, v36;
	v21 =	vld [tilespmem:s19+$0xFFFFFC90];
	v29 =	vsel vm1, v38, v29;
	v27 =	vadd.f32 v27, v38;
	v28, _, _ =	vpop (xrf2)  }
0x374: {  	v38 =	vand.u32 $0xFFFF0000, v26;
	v36 =	vld [tilespmem:s19+$0xFFFFFCA0];
	v25 =	vadd.f32 v25, v29;
	v40 =	vbroadcast v28, $0xF  }
0x375: {  	v32 =	vbroadcast v32, $0xF;
	v26 =	vshll.u32 v26, $0x10;
	v39 =	vld [tilespmem:s19+$0xFFFFFAB0];
	v27 =	vsel vm2, v29, v27;
	(xrf2) =	vadd.scan.msk.f32 $0xffff, v23  }
0x376: {  	v26 =	vadd.f32 v26, v38;
	v23 =	vld [tilespmem:s19+$0xFFFFFAC0];
	v25 =	vsel vm3, v27, v25;
	v27 =	vadd.f32 v40, v29;
	v28, _, _ =	vpop (xrf2)  }
0x377: {  	v38 =	vand.u32 $0xFFFF0000, v20;
	v29 =	vld [tilespmem:s19+$0xFFFFFCB0];
	v32 =	vadd.f32 v32, v25;
	v41 =	vbroadcast v28, $0xF  }
0x378: {  	v24 =	vbroadcast v24, $0xF;
	v20 =	vshll.u32 v20, $0x10;
	v40 =	vld [tilespmem:s19+$0xFFFFFCC0];
	v25 =	vsel vm4, v25, v27;
	(xrf2) =	vadd.scan.msk.f32 $0xffff, v26  }
0x379: {  	v20 =	vadd.f32 v20, v38;
	v26 =	vld [tilespmem:s19+$0xFFFFFAD0];
	v27 =	vsel vm5, v25, v32;
	v25 =	vadd.f32 v41, v25;
	v28, _, _ =	vpop (xrf2)  }
0x37a: {  	v18 =	vmul.bf16 v18, v0;
	v32 =	vld [tilespmem:s19+$0xFFFFFAE0];
	v24 =	vadd.f32 v24, v27;
	v28 =	vbroadcast v28, $0xF  }
0x37b: {  	v17 =	vbroadcast v17, $0xF;
	v22 =	vmul.bf16 v22, v1;
	v38 =	vld [tilespmem:s19+$0xFFFFFCD0];
	v25 =	vsel vm6, v27, v25;
	(xrf2) =	vadd.scan.msk.f32 $0xffff, v20  }
0x37c: {  	v20 =	vmul.bf16 v30, v0;
	v30 =	vld [tilespmem:s19+$0xFFFFFCE0];
	v24 =	vsel vm7, v25, v24;
	v25 =	vadd.f32 v28, v27;
	v27, _, _ =	vpop (xrf2)  }
0x37d: {  	v34 =	vmul.bf16 v34, v1;
	v28 =	vld [tilespmem:s19+$0xFFFFFAF0];
	v17 =	vadd.f32 v17, v24;
	v42 =	vbroadcast v27, $0xF  }
0x37e: {  	v12 =	vbroadcast v12, $0xF;
	v11 =	vmul.bf16 v11, v0;
	v41 =	vld [tilespmem:s19+$0xFFFFFB00];
	v24 =	vsel vm8, v24, v25;
	(xrf2) =	vadd.scan.msk.f32 $0xffff, v13  }
0x37f: {  	v13 =	vmul.bf16 v31, v1;
	v25 =	vld [tilespmem:s19+$0xFFFFFCF0];
	v17 =	vsel vm9, v24, v17;
	v24 =	vadd.f32 v42, v24;
	v27, _, _ =	vpop (xrf2)  }
0x380: {  	v31 =	vmul.bf16 v33, v0;
	v33 =	vld [tilespmem:s19+$0xFFFFFD00];
	v12 =	vadd.f32 v12, v17;
	v27 =	vbroadcast v27, $0xF  }
0x381: {  	v10 =	vbroadcast v10, $0xF;
	v19 =	vmul.bf16 v19, v1;
	v42 =	vld [tilespmem:s19+$0xFFFFFB10];
	v24 =	vsel vm10, v17, v24;
	(xrf2) =	vadd.scan.msk.f32 $0xffff, v16  }
0x382: {  	v16 =	vadd.bf16 v22, v18;
	v18 =	vld [tilespmem:s19+$0xFFFFFB20];
	v12 =	vsel vm11, v24, v12;
	v17 =	vadd.f32 v27, v17;
	v22, _, _ =	vpop (xrf2)  }
0x383: {  	v20 =	vadd.bf16 v34, v20;
	v24 =	vld [tilespmem:s19+$0xFFFFFD10];
	v10 =	vadd.f32 v10, v12;
	v27 =	vbroadcast v22, $0xF  }
0x384: {  	v11 =	vadd.bf16 v13, v11;
	v13 =	vadd.bf16 v19, v31;
	v19 =	vld [tilespmem:s19+$0xFFFFFD20];
	v12 =	vsel vm12, v12, v17;
	(xrf2) =	vadd.scan.msk.f32 $0xffff, v15  }
0x385: {  	v15 =	vmul.bf16 v35, v0;
	v17 =	vld [tilespmem:s19+$0xFFFFFB30];
	v10 =	vsel vm13, v12, v10;
	v12 =	vadd.f32 v27, v12;
	v22, _, _ =	vpop (xrf2)  }
0x386: {  	v21 =	vmul.bf16 v21, v0;
	v27 =	vmul.bf16 v37, v1;
	v31 =	vld [tilespmem:s19+$0xFFFFFB40];
	v22 =	vadd.f32 v10, v22  }
0x387: {  	v34 =	vand.u32 $0xFFFF0000, v16;
	v35 =	vmul.bf16 v36, v1;
	v36 =	vld [tilespmem:s19+$0xFFFFFD30];
	v37 =	vsel vm14, v10, v12;
	(xrf2) =	vadd.scan.msk.f32 $0xffff, v14  }
0x388: {  	s14 =	sadd.s32 $0x30, s14;
	v12 =	vshll.u32 v16, $0x10;
	v14 =	vand.u32 $0xFFFF0000, v20;
	v16 =	vld [tilespmem:s19+$0xFFFFFD40];
	v22 =	vsel vm15, v37, v22;
	v10, _, _ =	vpop (xrf2)  }
0x389: {  	v23 =	vmul.bf16 v23, v1;
	v20 =	vshll.u32 v20, $0x10;
	v37 =	vmul.bf16 v39, v0;
	v39 =	vld [tilespmem:s19+$0xFFFFFB50];
	[tilespmem:s14+$0x0] =	vst v22  }
0x38a: {  	v29 =	vmul.bf16 v29, v0;
	v40 =	vmul.bf16 v40, v1;
	v22 =	vadd.f32 v12, v34;
	v34 =	vld [tilespmem:s19+$0xFFFFFB60]  }
0x38b: {  	v43 =	vand.u32 $0xFFFF0000, v11;
	v11 =	vshll.u32 v11, $0x10;
	v14 =	vadd.f32 v20, v14;
	v20 =	vld [tilespmem:s19+$0xFFFFFD50];
	v12, _, _ =	vpop (xrf2)  }
0x38c: {  	v45 =	vand.u32 $0xFFFF0000, v13;
	v13 =	vshll.u32 v13, $0x10;
	v27 =	vadd.bf16 v27, v15;
	v44 =	vld [tilespmem:s19+$0xFFFFFD60];
	(xrf2) =	vadd.scan.msk.f32 $0xffff, v22  }
0x38d: {  	v11 =	vadd.f32 v11, v43;
	v21 =	vadd.bf16 v35, v21;
	v22 =	vmul.bf16 v26, v0;
	v26 =	vld [tilespmem:s19+$0xFFFFFB70]  }
0x38e: {  	v32 =	vmul.bf16 v32, v1;
	v13 =	vadd.f32 v13, v45;
	v23 =	vadd.bf16 v23, v37;
	v35 =	vld [tilespmem:s19+$0xFFFFFB80];
	v15, _, _ =	vpop (xrf2)  }
0x38f: {  	v29 =	vadd.bf16 v40, v29;
	v30 =	vmul.bf16 v30, v1;
	v37 =	vmul.bf16 v38, v0;
	v38 =	vld [tilespmem:s19+$0xFFFFFD70];
	(xrf2) =	vadd.scan.msk.f32 $0xffff, v14  }
0x390: {  	v40 =	vand.u32 $0xFFFF0000, v21;
	v14 =	vand.u32 $0xFFFF0000, v27;
	v27 =	vshll.u32 v27, $0x10;
	v43 =	vld [tilespmem:s19+$0xFFFFFD80]  }
0x391: {  	v28 =	vmul.bf16 v28, v0;
	v41 =	vmul.bf16 v41, v1;
	v21 =	vshll.u32 v21, $0x10;
	v45 =	vld [tilespmem:s19+$0xFFFFFB90];
	v46, _, _ =	vpop (xrf2)  }
0x392: {  	v25 =	vmul.bf16 v25, v0;
	v33 =	vmul.bf16 v33, v1;
	v14 =	vadd.f32 v27, v14;
	v27 =	vld [tilespmem:s19+$0xFFFFFBA0];
	(xrf2) =	vadd.scan.msk.f32 $0xffff, v11  }
0x393: {  	v21 =	vadd.f32 v21, v40;
	v11 =	vand.u32 $0xFFFF0000, v23;
	v23 =	vshll.u32 v23, $0x10;
	v40 =	vld [tilespmem:s19+$0xFFFFFD90]  }
0x394: {  	v48 =	vand.u32 $0xFFFF0000, v29;
	v29 =	vshll.u32 v29, $0x10;
	v22 =	vadd.bf16 v32, v22;
	v47 =	vld [tilespmem:s19+$0xFFFFFDA0]  }
0x395: {  	v30 =	vadd.bf16 v30, v37;
	v23 =	vadd.f32 v23, v11;
	v11 =	vmul.bf16 v42, v0;
	v42 =	vld [tilespmem:s19+$0xFFFFFBB0];
	(xrf2) =	vadd.scan.msk.f32 $0xffff, v13  }
0x396: {  	v29 =	vadd.f32 v29, v48;
	v18 =	vmul.bf16 v18, v1;
	v13 =	vadd.bf16 v41, v28;
	v28 =	vld [tilespmem:s19+$0xFFFFFBC0];
	v32, _, _ =	vpop (xrf2)  }
0x397: {  	v25 =	vadd.bf16 v33, v25;
	v24 =	vmul.bf16 v24, v0;
	v19 =	vmul.bf16 v19, v1;
	v33 =	vld [tilespmem:s19+$0xFFFFFDB0]  }
0x398: {  	v37 =	vand.u32 $0xFFFF0000, v22;
	v22 =	vshll.u32 v22, $0x10;
	v41 =	vand.u32 $0xFFFF0000, v30;
	v48 =	vld [tilespmem:s19+$0xFFFFFDC0];
	(xrf2) =	vadd.scan.msk.f32 $0xffff, v14  }
0x399: {  	v30 =	vshll.u32 v30, $0x10;
	v14 =	vmul.bf16 v17, v0;
	v17 =	vmul.bf16 v31, v1;
	v31 =	vld [tilespmem:s19+$0xFFFFFBD0];
	v49, _, _ =	vpop (xrf2)  }
0x39a: {  	v36 =	vmul.bf16 v36, v0;
	v16 =	vmul.bf16 v16, v1;
	v22 =	vadd.f32 v22, v37;
	v37 =	vld [tilespmem:s19+$0xFFFFFBE0]  }
0x39b: {  	v30 =	vadd.f32 v30, v41;
	v50 =	vand.u32 $0xFFFF0000, v13;
	v13 =	vshll.u32 v13, $0x10;
	v41 =	vld [tilespmem:s19+$0xFFFFFDD0];
	(xrf2) =	vadd.scan.msk.f32 $0xffff, v21  }
0x39c: {  	v18 =	vadd.bf16 v18, v11;
	v21 =	vand.u32 $0xFFFF0000, v25;
	v25 =	vshll.u32 v25, $0x10;
	v51 =	vld [tilespmem:s19+$0xFFFFFDE0];
	v52, _, _ =	vpop (xrf2)  }
0x39d: {  	v19 =	vadd.bf16 v19, v24;
	v39 =	vmul.bf16 v39, v0;
	v50 =	vadd.f32 v13, v50;
	v11 =	vld [tilespmem:s19+$0xFFFFFBF0]  }
0x39e: {  	v24 =	vmul.bf16 v34, v1;
	v17 =	vadd.bf16 v17, v14;
	v21 =	vadd.f32 v25, v21;
	v13 =	vld [tilespmem:s19+$0xFFFFFC00];
	(xrf2) =	vadd.scan.msk.f32 $0xffff, v23  }
0x39f: {  	v20 =	vmul.bf16 v20, v0;
	v25 =	vmul.bf16 v44, v1;
	v23 =	vadd.bf16 v16, v36;
	v14 =	vld [tilespmem:s19+$0xFFFFFDF0];
	v34, _, _ =	vpop (xrf2)  }
0x3a0: {  	v44 =	vand.u32 $0xFFFF0000, v19;
	v36 =	vand.u32 $0xFFFF0000, v18;
	v18 =	vshll.u32 v18, $0x10;
	v16 =	vld [tilespmem:s19+$0xFFFFFE00]  }
0x3a1: {  	v26 =	vmul.bf16 v26, v0;
	v35 =	vmul.bf16 v35, v1;
	v19 =	vshll.u32 v19, $0x10;
	(xrf2) =	vadd.scan.msk.f32 $0xffff, v29  }
0x3a2: {  	v18 =	vadd.f32 v18, v36;
	v36 =	vmul.bf16 v43, v1;
	v29 =	vmul.bf16 v38, v0;
	v38, _, _ =	vpop (xrf2)  }
0x3a3: {  	v19 =	vadd.f32 v19, v44;
	v43 =	vand.u32 $0xFFFF0000, v17;
	v17 =	vshll.u32 v17, $0x10  }
0x3a4: {  	v24 =	vadd.bf16 v24, v39;
	v39 =	vand.u32 $0xFFFF0000, v23;
	v23 =	vshll.u32 v23, $0x10;
	(xrf2) =	vadd.scan.msk.f32 $0xffff, v22  }
0x3a5: {  	v10 =	vadd.f32 $0.0e+00, v10;
	v20 =	vadd.bf16 v25, v20;
	v22 =	vmul.bf16 v45, v0;
	v25, _, _ =	vpop (xrf2)  }
0x3a6: {  	v12 =	vadd.f32 $0.0e+00, v12;
	v27 =	vmul.bf16 v27, v1;
	v17 =	vadd.f32 v17, v43  }
0x3a7: {  	v26 =	vadd.bf16 v35, v26;
	v35 =	vmul.bf16 v40, v0;
	v23 =	vadd.f32 v23, v39;
	(xrf2) =	vadd.scan.msk.f32 $0xffff, v30  }
0x3a8: {  	v15 =	vbroadcast v15, $0xF;
	v29 =	vadd.bf16 v36, v29;
	v30 =	vmul.bf16 v47, v1;
	v36, _, _ =	vpop (xrf2)  }
0x3a9: {  	v40 =	vbroadcast v46, $0xF;
	v44 =	vand.u32 $0xFFFF0000, v24;
	v24 =	vshll.u32 v24, $0x10  }
0x3aa: {  	v42 =	vmul.bf16 v42, v0;
	v43 =	vand.u32 $0xFFFF0000, v20;
	v20 =	vshll.u32 v20, $0x10;
	(xrf2) =	vadd.scan.msk.f32 $0xffff, v50  }
0x3ab: {  	v28 =	vmul.bf16 v28, v1;
	v33 =	vmul.bf16 v33, v0;
	v24 =	vadd.f32 v24, v44;
	v39, _, _ =	vpop (xrf2)  }
0x3ac: {  	v10 =	vbroadcast v10, $0xF;
	v20 =	vadd.f32 v20, v43;
	v43 =	vmul.bf16 v48, v1  }
0x3ad: {  	v12 =	vbroadcast v12, $0xF;
	v44 =	vand.u32 $0xFFFF0000, v26;
	v26 =	vshll.u32 v26, $0x10;
	(xrf2) =	vadd.scan.msk.f32 $0xffff, v21  }
0x3ae: {  	v21 =	vadd.bf16 v27, v22;
	v22 =	vand.u32 $0xFFFF0000, v29;
	v27 =	vshll.u32 v29, $0x10;
	v29, _, _ =	vpop (xrf2)  }
0x3af: {  	v15 =	vadd.f32 $0.0e+00, v15;
	v32 =	vbroadcast v32, $0xF;
	v30 =	vadd.bf16 v30, v35  }
0x3b0: {  	v26 =	vadd.f32 v26, v44;
	v35 =	vadd.f32 $0.0e+00, v40;
	v40 =	vbroadcast v49, $0xF;
	(xrf2) =	vadd.scan.msk.f32 $0xffff, v18  }
0x3b1: {  	v22 =	vadd.f32 v27, v22;
	v18 =	vadd.bf16 v28, v42;
	v28 =	vmul.bf16 v31, v0;
	v27, _, _ =	vpop (xrf2)  }
0x3b2: {  	v33 =	vadd.bf16 v43, v33;
	v31 =	vmul.bf16 v37, v1;
	v37 =	vmul.bf16 v41, v0  }
0x3b3: {  	v10 =	vnsel vm0, $0x0, v10;
	v12 =	vnsel vm0, $0x0, v12;
	v41 =	vmul.bf16 v51, v1;
	(xrf2) =	vadd.scan.msk.f32 $0xffff, v19  }
0x3b4: {  	v34 =	vbroadcast v34, $0xF;
	v42 =	vand.u32 $0xFFFF0000, v21;
	v19 =	vbroadcast v52, $0xF;
	v43, _, _ =	vpop (xrf2)  }
0x3b5: {  	v44 =	vand.u32 $0xFFFF0000, v30;
	v30 =	vshll.u32 v30, $0x10;
	v21 =	vshll.u32 v21, $0x10  }
0x3b6: {  	v15 =	vsel vm1, v10, v15;
	v10 =	vadd.f32 v32, v10;
	v32 =	vsel vm1, v12, v35;
	(xrf2) =	vadd.scan.msk.f32 $0xffff, v17  }
0x3b7: {  	v12 =	vadd.f32 v40, v12;
	v17 =	vadd.f32 v21, v42;
	v21 =	vand.u32 $0xFFFF0000, v18;
	v35, _, _ =	vpop (xrf2)  }
0x3b8: {  	v40 =	vand.u32 $0xFFFF0000, v33;
	v30 =	vadd.f32 v30, v44;
	v18 =	vshll.u32 v18, $0x10  }
0x3b9: {  	v28 =	vadd.bf16 v31, v28;
	v31 =	vshll.u32 v33, $0x10;
	v33 =	vadd.bf16 v41, v37;
	(xrf2) =	vadd.scan.msk.f32 $0xffff, v23  }
0x3ba: {  	v34 =	vadd.f32 v34, v32;
	v19 =	vadd.f32 v19, v15;
	v23 =	vbroadcast v38, $0xF;
	v37, _, _ =	vpop (xrf2)  }
0x3bb: {  	v18 =	vadd.f32 v18, v21;
	v21 =	vbroadcast v25, $0xF;
	v25 =	vadd.f32 v31, v40  }
0x3bc: {  	v10 =	vsel vm2, v15, v10;
	v11 =	vmul.bf16 v11, v0;
	v31 =	vmul.bf16 v13, v1;
	(xrf2) =	vadd.scan.msk.f32 $0xffff, v24  }
0x3bd: {  	v14 =	vmul.bf16 v14, v0;
	v16 =	vmul.bf16 v16, v1;
	v12 =	vsel vm2, v32, v12;
	v24, _, _ =	vpop (xrf2)  }
0x3be: {  	v36 =	vbroadcast v36, $0xF;
	v13 =	vand.u32 $0xFFFF0000, v28;
	v38 =	vbroadcast v39, $0xF  }
0x3bf: {  	v28 =	vshll.u32 v28, $0x10;
	v39 =	vand.u32 $0xFFFF0000, v33;
	v33 =	vshll.u32 v33, $0x10;
	(xrf2) =	vadd.scan.msk.f32 $0xffff, v20  }
0x3c0: {  	v10 =	vsel vm3, v10, v19;
	v19 =	vsel vm3, v12, v34;
	v15 =	vadd.f32 v23, v15;
	v20, _, _ =	vpop (xrf2)  }
0x3c1: {  	v13 =	vadd.f32 v28, v13;
	v21 =	vadd.f32 v21, v32;
	v23 =	vbroadcast v29, $0xF  }
0x3c2: {  	v27 =	vbroadcast v27, $0xF;
	v11 =	vadd.bf16 v31, v11;
	v12 =	vadd.f32 v33, v39;
	(xrf2) =	vadd.scan.msk.f32 $0xffff, v26  }
0x3c3: {  	v14 =	vadd.bf16 v16, v14;
	v15 =	vsel vm4, v10, v15;
	v10 =	vadd.f32 v36, v10;
	v16, _, _ =	vpop (xrf2)  }
0x3c4: {  	v21 =	vsel vm4, v19, v21;
	v19 =	vadd.f32 v38, v19;
	v26 =	vbroadcast v43, $0xF  }
0x3c5: {  	v28 =	vand.u32 $0xFFFF0000, v11;
	v11 =	vshll.u32 v11, $0x10;
	v29 =	vbroadcast v35, $0xF;
	(xrf2) =	vadd.scan.msk.f32 $0xffff, v22  }
0x3c6: {  	v10 =	vsel vm5, v15, v10;
	v22 =	vand.u32 $0xFFFF0000, v14;
	v14 =	vshll.u32 v14, $0x10;
	v31, _, _ =	vpop (xrf2)  }
0x3c7: {  	v19 =	vsel vm5, v21, v19;
	v21 =	vadd.f32 v27, v21;
	v23 =	vadd.f32 v23, v15  }
0x3c8: {  	v27 =	vbroadcast v37, $0xF;
	v15 =	vadd.f32 v11, v28;
	v14 =	vadd.f32 v14, v22;
	(xrf2) =	vadd.scan.msk.f32 $0xffff, v17  }
0x3c9: {  	v11 =	vadd.f32 v26, v10;
	v26 =	vbroadcast v24, $0xF;
	v17 =	vadd.f32 v29, v19;
	v24, _, _ =	vpop (xrf2)  }
0x3ca: {  	v21 =	vsel vm6, v19, v21;
	v23 =	vsel vm6, v10, v23;
	v20 =	vbroadcast v20, $0xF  }
0x3cb: {  	v16 =	vbroadcast v16, $0xF;
	v11 =	vsel vm7, v23, v11;
	v17 =	vsel vm7, v21, v17;
	(xrf2) =	vadd.scan.msk.f32 $0xffff, v30  }
0x3cc: {  	v10 =	vadd.f32 v27, v10;
	v19 =	vadd.f32 v26, v19;
	v21 =	vbroadcast v31, $0xF;
	v22, _, _ =	vpop (xrf2)  }
0x3cd: {  	v20 =	vadd.f32 v20, v11;
	v23 =	vbroadcast v24, $0xF;
	v16 =	vadd.f32 v16, v17  }
.Ltmp1:
0x3ce: {  	v10 =	vsel vm8, v11, v10;
	v19 =	vsel vm8, v17, v19;
	v11 =	vbroadcast v22, $0xF;
	(xrf2) =	vadd.scan.msk.f32 $0xffff, v18;
	(pc) =	sbr.rel @p0 .LBB2_5-.Ltmp1, $4  }
0x3cf: {  	v17 =	vsel vm9, v10, v20;
	v22 =	vadd.f32 v21, v10;
	v16 =	vsel vm9, v19, v16;
	v18, _, _ =	vpop (xrf2)  }
0x3d0: {  	v19 =	vadd.f32 v23, v19;
	v11 =	vadd.f32 v11, v17;
	v20 =	vbroadcast v18, $0xF  }
0x3d1: {  	v21 =	vsel vm10, v17, v22;
	v18 =	vadd.f32 v8, v6;
	v6 =	vadd.f32 v9, v7;
	(xrf2) =	vadd.scan.msk.f32 $0xffff, v25  }
0x3d2: {  	s19 =	sadd.s32 $0x600, s19;
	v7 =	vsel vm10, v16, v19;
	v8 =	vsel vm11, v21, v11;
	v9 =	vadd.f32 v20, v16;
	v10, _, _ =	vpop (xrf2)  }
0x3d3: {  	(xrf2) =	vadd.scan.msk.f32 $0xffff, v13  }
0x3d4: {  	(xrf2) =	vadd.scan.msk.f32 $0xffff, v12;
	_ =	sdelay $0x1  }
0x3d5: {  	(xrf2) =	vadd.scan.msk.f32 $0xffff, v15  }
0x3d6: {  	(xrf2) =	vadd.scan.msk.f32 $0xffff, v14;
	_ =	sdelay $0x2  }
0x3d7: {  	v1 =	vbroadcast v10, $0xF;
	v3 =	vadd.f32 v2, v3;
	v0, _, _ =	vpop (xrf2)  }
0x3d8: {  	v4 =	vadd.f32 v5, v4;
	v53 =	vsel vm14, v2, v18;
	v55 =	vsel vm14, v5, v6;
	v52, _, _ =	vpop (xrf2)  }
0x3d9: {  	v7 =	vsel vm11, v7, v9;
	v0 =	vbroadcast v0, $0xF;
	v56 =	vbroadcast v52, $0xF;
	v54, _, _ =	vpop (xrf2)  }
0x3da: {  	v1 =	vadd.f32 v1, v17;
	v2 =	vsel vm15, v53, v3;
	v57 =	vbroadcast v54, $0xF;
	v58, _, _ =	vpop (xrf2)  }
0x3db: {  	v0 =	vadd.f32 v0, v16;
	v6 =	vadd.f32 v56, v8;
	v9 =	vbroadcast v58, $0xF;
	v59, _, _ =	vpop (xrf2)  }
0x3dc: {  	p0 =	sne.s32 s17, $0x1F;
	v1 =	vsel vm12, v8, v1;
	v3 =	vadd.f32 v57, v7;
	v60 =	vbroadcast v59, $0xF  }
0x3dd: {  	s0 =	sadd.s32 @!p0 s3, s0;
	v0 =	vsel vm12, v7, v0;
	v6 =	vsel vm13, v1, v6;
	v61, _, _ =	vpop (xrf2);
	v1 =	vadd.f32 v9, v1  }
0x3de: {  	s0 =	smul.u32 @!p0 $0x1B0, s0;
	v62, _, _ =	vpop (xrf2);
	v3 =	vsel vm13, v0, v3;
	v7 =	vadd.f32 v6, v61;
	v0 =	vadd.f32 v60, v0  }
0x3df: {  	v4 =	vsel vm15, v55, v4;
	[tilespmem:s13+$0xFFFFFFE0] =	vst v2;
	v63 =	vadd.f32 v3, v62;
	v1 =	vsel vm14, v6, v1  }
0x3e0: {  	s1 =	sadd.s32 $0x1, s1;
	[tilespmem:s13+$0xFFFFFFF0] =	vst v4;
	s0 =	sadd.s32 @!p0 $0xFFFFCBB0, s0;
	v0 =	vsel vm14, v3, v0;
	v1 =	vsel vm15, v1, v7  }
0x3e1: {  	p1 =	sne.s32 s1, $0x40;
	s0 =	sshrl.u32 @!p0 s0, $0x3;
	v0 =	vsel vm15, v0, v63;
	[tilespmem:s14+$0xFFFFFFE0] =	vst v1  }
0x3e2: {  	s13 =	simm.s32 @!p0 $0x0;
	s0 =	sadd.s32 @!p0 s6, s0;
	[tilespmem:s14+$0xFFFFFFF0] =	vst v0;
	s14 =	simm.s32 @!p0 $0x15C80  }
0x3e3: {  	[hbm4b:s0+s13] =	stream.linear.scatter @!p0 [tilespmem:s14], [sflag:$0x2], $0x3600, $0x38;
	[tilespmem:$0x19280] =	vst v63  }
.Ltmp2:
0x3e4: {  	_ = 	snop;
	(pc) =	sbr.rel @p1 .LBB2_2-.Ltmp2, $4  }
0x3e5: {  	s0 =	simm.s32 @!p0 $0x2  }
0x3e6: {  	_ =	swait.ge @!p0 [sflag:s0], $0x3600  }
0x3e7: {  	[sflag:s0] =	ssyncset.done @!p0 $0x0  }
0x3e8: {  	s31 =	sadd.s32 $0x1, s31;
	s30 =	sadd.s32 $0x2, s30;
	[sflag:s0] =	ssyncadd.s32 @!p0 $0xFFFFCA00  }
0x3e9: {  	s29 =	sadd.s32 $0x1, s29  }
0x3ea: {  	p0 =	sne.s32 s29, s9  }
.Ltmp3:
0x3eb: {  	_ = 	snop;
	(pc) =	sbr.rel @p0 .LBB2_1-.Ltmp3, $1  }
0x3ec: {  	_ =	sdelay $0x3  }
0x3ed: {  	_ =	sfence.sel $0x180000  }
0x3ee: {  	[bflag:$0x0] =	sbarrier.arrive $0xFFFF  }
0x3ef: {  	_ =	strace $0x90000047  }
0x3f0: {  	s0 =	stileid.u32;
	[bflag:$0x2] =	sbarrier.arrive $0xFFFF  }
0x3f1: {  	p0 =	sne.s32 s0, $0x0;
	s0 =	rddreg [dreg:$0x2]  }
0x3f2: {  	s0 =	sadd.s32 @!p0 $0x100000, s0  }
0x3f3: {  	[sflag:s0] =	ssyncadd.tile.s32 @!p0 $0x1;
	_ =	shalt  }
.Lfunc_end2:
_tile_overlayer_lowered:
.L_overlay_start_2:
0x3f4: {  	(tag) =	ssettag $0x2  }
0x3f5: {  	s0 =	rddreg [dreg:$0x0];
	s2 =	stileid.u32  }
0x3f6: {  	s1 =	rddreg [dreg:$0x1];
	p0 =	sne.s32 s2, $0x0  }
0x3f7: {  	s3 =	rddreg [dreg:$0x2];
	[bflag:$0x3] =	sbarrier.arrive $0xFFFF;
	s2 =	simm.s32 @!p0 $0x1C02  }
0x3f8: {  	[timem:s3], [sflag:s2] =	dma.local @!p0 [hbm:s0], s1  }
0x3f9: {  	s0 =	simm.s32 @!p0 $0x2  }
0x3fa: {  	_ =	swait.ge @!p0 [sflag:s0], s1  }
0x3fb: {  	s1 =	ssub.s32 @!p0 $0x0, s1;
	[sflag:s0] =	ssyncset.done @!p0 $0x0  }
0x3fc: {  	[sflag:s0] =	ssyncadd.s32 @!p0 s1  }
0x3fd: {  	[bflag:$0x3] =	sbarrier.arrive $0xFFFF  }
0x3fe: {  	_ =	shalt  }

</sc_bundles>
